<compile_context>
chip_gen: v7x
topology: tpu7x:2x2x1
jax: 0.10.2.dev20260603
libtpu: 0.0.44.dev20260713+nightly
codegen_flags: <defaults>
</compile_context>

<pallas_src>
import functools

import jax
import jax.numpy as jnp
from jax import lax
from jax.experimental import pallas as pl
from jax.experimental.pallas import tpu as pltpu
from jax.experimental.pallas import tpu_sc as plsc

B = 16384
FACT = 64
IMGF = 512
NU = 1000000
NI = 100000

_info = plsc.get_sparse_core_info()
NC = _info.num_cores
NS = _info.num_subcores
NW = NC * NS
BPW = B // NW
CH = 64
NCH = BPW // CH

_MESH = plsc.VectorSubcoreMesh(core_axis_name="c", subcore_axis_name="s")


BBC = 2048
HPU = 245 * BBC
HPI = 25 * BBC


def _tc_pair_transpose(Tt, nb):
    N = Tt.shape[1]
    nvb = (N + BBC - 1) // BBC - 1

    def body(a, b, o):
        eye = jnp.eye(FACT, dtype=jnp.float32)
        dn = (((0,), (0,)), ((), ()))
        o[:, 0:FACT] = lax.dot_general(
            a[...], eye, dn, preferred_element_type=jnp.float32)
        o[:, FACT:2 * FACT] = lax.dot_general(
            b[...], eye, dn, preferred_element_type=jnp.float32)

    return pl.pallas_call(
        body,
        grid=(nb,),
        in_specs=[
            pl.BlockSpec((FACT, BBC), lambda i: (0, i)),
            pl.BlockSpec((FACT, BBC), lambda i: (0, jnp.minimum(i + nb, nvb))),
        ],
        out_specs=pl.BlockSpec((BBC, 2 * FACT), lambda i: (i, 0)),
        out_shape=jax.ShapeDtypeStruct((nb * BBC, 2 * FACT), jnp.float32),
    )(Tt, Tt)


def _sc_gather_f(item2, F):

    @functools.partial(
        pl.kernel, mesh=_MESH,
        out_type=jax.ShapeDtypeStruct((B, IMGF), jnp.float32),
        scratch_types=[
            pltpu.VMEM((NCH, CH), jnp.int32),
            pltpu.VMEM((2, CH, IMGF), jnp.float32),
            pltpu.SemaphoreType.DMA,
            pltpu.SemaphoreType.DMA,
        ],
    )
    def k(item_h, f_h, fi_o, iidx, fb, gsem, wsem):
        wid = lax.axis_index("s") * NC + lax.axis_index("c")
        base = wid * BPW
        pltpu.sync_copy(item_h.at[wid], iidx)
        h_g = [None, None]
        h_w = [None, None]
        for c in range(NCH):
            s = c % 2
            if h_w[s] is not None:
                h_w[s].wait()
            h_g[s] = pltpu.async_copy(f_h.at[iidx.at[c]], fb.at[s], gsem)
            if c > 0:
                p = 1 - s
                h_g[p].wait()
                h_w[p] = pltpu.async_copy(
                    fb.at[p], fi_o.at[pl.ds(base + (c - 1) * CH, CH)], wsem)
        last = (NCH - 1) % 2
        h_g[last].wait()
        h_w[last] = pltpu.async_copy(
            fb.at[last], fi_o.at[pl.ds(base + (NCH - 1) * CH, CH)], wsem)
        h_w[1 - last].wait()
        h_w[last].wait()

    return k(item2, F)


def _sc_gather_pairs(user2, item2, GuP, GiP, LP):

    @functools.partial(
        pl.kernel, mesh=_MESH,
        out_type=[
            jax.ShapeDtypeStruct((B, 2 * FACT), jnp.float32),
            jax.ShapeDtypeStruct((B, 2 * FACT), jnp.float32),
            jax.ShapeDtypeStruct((B, 2 * FACT), jnp.float32),
        ],
        scratch_types=[
            pltpu.VMEM((NCH, CH), jnp.int32),
            pltpu.VMEM((NCH, CH), jnp.int32),
            pltpu.VMEM((2, CH, 2 * FACT), jnp.float32),
            pltpu.VMEM((2, CH, 2 * FACT), jnp.float32),
            pltpu.VMEM((2, CH, 2 * FACT), jnp.float32),
            pltpu.SemaphoreType.DMA,
            pltpu.SemaphoreType.DMA,
        ],
    )
    def k(user_h, item_h, gu_h, gi_h, l_h,
          gu_o, gi_o, li_o, uidx, iidx, gub, gib, lb, gsem, wsem):
        wid = lax.axis_index("s") * NC + lax.axis_index("c")
        base = wid * BPW
        pltpu.sync_copy(user_h.at[wid], uidx)
        pltpu.sync_copy(item_h.at[wid], iidx)
        bufs = (gub, gib, lb)
        h_g = [None, None]
        h_w = [None, None]
        for c in range(NCH):
            s = c % 2
            if h_w[s] is not None:
                for h in h_w[s]:
                    h.wait()
            h_g[s] = (
                pltpu.async_copy(gu_h.at[uidx.at[c]], gub.at[s], gsem),
                pltpu.async_copy(gi_h.at[iidx.at[c]], gib.at[s], gsem),
                pltpu.async_copy(l_h.at[iidx.at[c]], lb.at[s], gsem),
            )
            if c > 0:
                p = 1 - s
                off = base + (c - 1) * CH
                for h in h_g[p]:
                    h.wait()
                h_w[p] = tuple(
                    pltpu.async_copy(bf.at[p], o.at[pl.ds(off, CH)], wsem)
                    for bf, o in zip(bufs, (gu_o, gi_o, li_o)))
        last = (NCH - 1) % 2
        off = base + (NCH - 1) * CH
        for h in h_g[last]:
            h.wait()
        h_w[last] = tuple(
            pltpu.async_copy(bf.at[last], o.at[pl.ds(off, CH)], wsem)
            for bf, o in zip(bufs, (gu_o, gi_o, li_o)))
        for h in h_w[1 - last]:
            h.wait()
        for h in h_w[last]:
            h.wait()

    return k(user2, item2, GuP, GiP, LP)


def _tc_combine(feature_i, gup, gip, lp, E, mu, mi):
    BB = 2048

    def body(fe, gup_r, gip_r, lp_r, e, mu_r, mi_r, xout, guo, gio, lio):
        mum = mu_r[...] != 0
        mim = mi_r[...] != 0
        gu = jnp.where(mum, gup_r[:, FACT:2 * FACT], gup_r[:, 0:FACT])
        gi = jnp.where(mim, gip_r[:, FACT:2 * FACT], gip_r[:, 0:FACT])
        li = jnp.where(mim, lp_r[:, FACT:2 * FACT], lp_r[:, 0:FACT])
        t = jnp.dot(fe[...], e[...], preferred_element_type=jnp.float32)
        xout[...] = jnp.sum(gu * (t - li + gi), axis=1, keepdims=True)
        guo[...] = gu
        gio[...] = gi
        lio[...] = li

    spec128 = pl.BlockSpec((BB, 2 * FACT), lambda i: (i, 0))
    spec64 = pl.BlockSpec((BB, FACT), lambda i: (i, 0))
    spec1 = pl.BlockSpec((BB, 1), lambda i: (i, 0))
    return pl.pallas_call(
        body,
        grid=(B // BB,),
        in_specs=[
            pl.BlockSpec((BB, IMGF), lambda i: (i, 0)),
            spec128, spec128, spec128,
            pl.BlockSpec((IMGF, FACT), lambda i: (0, 0)),
            spec1, spec1,
        ],
        out_specs=[spec1, spec64, spec64, spec64],
        out_shape=[
            jax.ShapeDtypeStruct((B, 1), jnp.float32),
            jax.ShapeDtypeStruct((B, FACT), jnp.float32),
            jax.ShapeDtypeStruct((B, FACT), jnp.float32),
            jax.ShapeDtypeStruct((B, FACT), jnp.float32),
        ],
    )(feature_i, gup, gip, lp, E, mu, mi)


def kernel(user, item, Gu, Gi, L, E, F):
    item2 = item.reshape(NW, NCH, CH)
    userP = (user % HPU).reshape(NW, NCH, CH)
    itemP = (item % HPI).reshape(NW, NCH, CH)
    mu = (user >= HPU).astype(jnp.int32).reshape(B, 1)
    mi = (item >= HPI).astype(jnp.int32).reshape(B, 1)
    feature_i = _sc_gather_f(item2, F)
    GuP = _tc_pair_transpose(jnp.swapaxes(Gu, 0, 1), HPU // BBC)
    GiP = _tc_pair_transpose(jnp.swapaxes(Gi, 0, 1), HPI // BBC)
    LP = _tc_pair_transpose(jnp.swapaxes(L, 0, 1), HPI // BBC)
    gup, gip, lp = _sc_gather_pairs(userP, itemP, GuP, GiP, LP)
    xui, gamma_u, gamma_i, l_i = _tc_combine(feature_i, gup, gip, lp, E, mu, mi)
    return (xui.reshape(B), gamma_u, gamma_i, feature_i, l_i)

# --- scband reference (transcript-rebuilt; emitter-appended) ---
"""Pipeline reference for scband-deep-style-model-81535659147859 (READ-ONLY COPY).

The authoritative reference and input builder live on the scoring server;
editing this copy changes nothing except your own understanding.
"""

import jax, jax.numpy as jnp
import numpy as np

NUM_USERS = 1000000
NUM_ITEMS = 100000
FACTORS = 64
IMG_FEAT = 512
BATCH = 16384


def _glorot(key, shape):
    limit = np.sqrt(6.0 / (shape[0] + shape[1]))
    return jax.random.uniform(key, shape, minval=-limit, maxval=limit, dtype=jnp.float32)


def setup_inputs(seed: int = 0) -> dict:
    key = jax.random.key(seed)
    ks = jax.random.split(key, 7)
    user = jax.random.randint(ks[0], (BATCH,), 0, NUM_USERS, dtype=jnp.int64 if jax.config.jax_enable_x64 else jnp.int32).astype(jnp.int32)
    item = jax.random.randint(ks[1], (BATCH,), 0, NUM_ITEMS).astype(jnp.int32)
    Gu = _glorot(ks[2], (NUM_USERS, FACTORS))
    Gi = _glorot(ks[3], (NUM_ITEMS, FACTORS))
    L = _glorot(ks[4], (NUM_ITEMS, FACTORS))
    E = _glorot(ks[5], (IMG_FEAT, FACTORS))
    # F: fixed (non-trainable) precomputed visual item features (emb_image)
    F = jax.random.normal(ks[6], (NUM_ITEMS, IMG_FEAT), dtype=jnp.float32)
    return {"user": user, "item": item, "Gu": Gu, "Gi": Gi, "L": L, "E": E, "F": F}


def reference(user, item, Gu, Gi, L, E, F):
    # tf.nn.embedding_lookup -> jnp.take (gather rows)
    gamma_u = jnp.take(Gu, user, axis=0)      # [B, factors]
    gamma_i = jnp.take(Gi, item, axis=0)      # [B, factors]
    feature_i = jnp.take(F, item, axis=0)     # [B, img_feat]
    l_i = jnp.take(L, item, axis=0)           # [B, factors]
    # xui = sum_f gamma_u * (feature_i @ E - l_i + gamma_i)
    xui = jnp.sum(gamma_u * (jnp.matmul(feature_i, E) - l_i + gamma_i), axis=1)
    return (xui, gamma_u, gamma_i, feature_i, l_i)

if __name__ == "__main__":
    import jax
    _d = setup_inputs()
    print(jax.jit(kernel)(*tuple(_d.values())))

</pallas_src>

<mosaic_0001>
#map = affine_map<(d0, d1) -> (0, 0, 0)>
#map1 = affine_map<(d0, d1) -> (0, 0)>
module attributes {stable_mosaic.version = 14 : i64} {
  func.func @k(%arg0: i32, %arg1: i32, %arg2: memref<32x8x64xi32, #tpu.memory_space<hbm>>, %arg3: memref<32x8x64xi32, #tpu.memory_space<hbm>>, %arg4: memref<501760x128xf32, #tpu.memory_space<hbm>>, %arg5: memref<51200x128xf32, #tpu.memory_space<hbm>>, %arg6: memref<51200x128xf32, #tpu.memory_space<hbm>>, %arg7: memref<16384x128xf32, #tpu.memory_space<hbm>>, %arg8: memref<16384x128xf32, #tpu.memory_space<hbm>>, %arg9: memref<16384x128xf32, #tpu.memory_space<hbm>>, %arg10: memref<8x64xi32, #tpu.memory_space<vmem>>, %arg11: memref<8x64xi32, #tpu.memory_space<vmem>>, %arg12: memref<2x64x128xf32, #tpu.memory_space<vmem>>, %arg13: memref<2x64x128xf32, #tpu.memory_space<vmem>>, %arg14: memref<2x64x128xf32, #tpu.memory_space<vmem>>, %arg15: memref<!tpu.dma_semaphore, #tpu.memory_space<semaphore_mem>>, %arg16: memref<!tpu.dma_semaphore, #tpu.memory_space<semaphore_mem>>) attributes {dimension_semantics = [#tpu.dimension_semantics<core_parallel>, #tpu.dimension_semantics<subcore_parallel>], iteration_bounds = array<i64: 2, 16>, scalar_prefetch = 0 : i64, scratch_operands = 7 : i64, tpu.core_type = #tpu.core_type<sc_vector_subcore>, window_params = [{transform_indices = #map}, {transform_indices = #map}, {transform_indices = #map1}, {transform_indices = #map1}, {transform_indices = #map1}, {transform_indices = #map1}, {transform_indices = #map1}, {transform_indices = #map1}]} {
    %mul3A = arith.constant 2 : i32
    %mul3A_0 = arith.muli %arg1, %mul3A : i32
    %add3A = arith.addi %mul3A_0, %arg0 : i32
    %mul3A_1 = arith.constant 512 : i32
    %mul3A_2 = arith.muli %add3A, %mul3A_1 : i32
    "tpu.region"() ({
      %run_scoped3A = tpu.sem_alloc : memref<!tpu.dma_semaphore, #tpu.memory_space<semaphore_mem>>
      %dma_start3A_1217 = arith.constant 0 : i32
      %dma_start3A_1218 = arith.constant 0 : i32
      %dma_start3A_1219 = tpu.memref_slice %arg2[%add3A, %dma_start3A_1217, %dma_start3A_1218] : memref<32x8x64xi32, #tpu.memory_space<hbm>> -> memref<1x8x64xi32, #tpu.memory_space<hbm>>
      %dma_start3A_1220 = tpu.memref_squeeze %dma_start3A_1219 : memref<1x8x64xi32, #tpu.memory_space<hbm>> -> memref<8x64xi32, #tpu.memory_space<hbm>>
      %dma_start3A_1221 = arith.constant 0 : i32
      %dma_start3A_1222 = arith.constant 0 : i32
      %dma_start3A_1223 = tpu.memref_slice %arg2[%add3A, %dma_start3A_1221, %dma_start3A_1222] : memref<32x8x64xi32, #tpu.memory_space<hbm>> -> memref<1x8x64xi32, #tpu.memory_space<hbm>>
      %dma_start3A_1224 = tpu.memref_squeeze %dma_start3A_1223 : memref<1x8x64xi32, #tpu.memory_space<hbm>> -> memref<8x64xi32, #tpu.memory_space<hbm>>
      tpu.enqueue_dma source(%dma_start3A_1224 : memref<8x64xi32, #tpu.memory_space<hbm>>) target(%arg10 : memref<8x64xi32, #tpu.memory_space<vmem>>) target_semaphore(%run_scoped3A : memref<!tpu.dma_semaphore, #tpu.memory_space<semaphore_mem>>)
      %dma_wait3A_1225 = arith.constant 0 : i32
      %dma_wait3A_1226 = arith.constant 0 : i32
      %dma_wait3A_1227 = tpu.memref_slice %arg2[%add3A, %dma_wait3A_1225, %dma_wait3A_1226] : memref<32x8x64xi32, #tpu.memory_space<hbm>> -> memref<1x8x64xi32, #tpu.memory_space<hbm>>
      %dma_wait3A_1228 = tpu.memref_squeeze %dma_wait3A_1227 : memref<1x8x64xi32, #tpu.memory_space<hbm>> -> memref<8x64xi32, #tpu.memory_space<hbm>>
      %dma_wait3A_1229 = arith.constant 0 : i32
      %dma_wait3A_1230 = arith.constant 0 : i32
      %dma_wait3A_1231 = tpu.memref_slice %arg2[%add3A, %dma_wait3A_1229, %dma_wait3A_1230] : memref<32x8x64xi32, #tpu.memory_space<hbm>> -> memref<1x8x64xi32, #tpu.memory_space<hbm>>
      %dma_wait3A_1232 = tpu.memref_squeeze %dma_wait3A_1231 : memref<1x8x64xi32, #tpu.memory_space<hbm>> -> memref<8x64xi32, #tpu.memory_space<hbm>>
      tpu.wait_dma2 semaphore(%run_scoped3A : memref<!tpu.dma_semaphore, #tpu.memory_space<semaphore_mem>>) src(%dma_wait3A_1232 : memref<8x64xi32, #tpu.memory_space<hbm>>) dst(%arg10 : memref<8x64xi32, #tpu.memory_space<vmem>>)
      tpu.yield
    }) : () -> ()
    "tpu.region"() ({
      %run_scoped3A = tpu.sem_alloc : memref<!tpu.dma_semaphore, #tpu.memory_space<semaphore_mem>>
      %dma_start3A_1217 = arith.constant 0 : i32
      %dma_start3A_1218 = arith.constant 0 : i32
      %dma_start3A_1219 = tpu.memref_slice %arg3[%add3A, %dma_start3A_1217, %dma_start3A_1218] : memref<32x8x64xi32, #tpu.memory_space<hbm>> -> memref<1x8x64xi32, #tpu.memory_space<hbm>>
      %dma_start3A_1220 = tpu.memref_squeeze %dma_start3A_1219 : memref<1x8x64xi32, #tpu.memory_space<hbm>> -> memref<8x64xi32, #tpu.memory_space<hbm>>
      %dma_start3A_1221 = arith.constant 0 : i32
      %dma_start3A_1222 = arith.constant 0 : i32
      %dma_start3A_1223 = tpu.memref_slice %arg3[%add3A, %dma_start3A_1221, %dma_start3A_1222] : memref<32x8x64xi32, #tpu.memory_space<hbm>> -> memref<1x8x64xi32, #tpu.memory_space<hbm>>
      %dma_start3A_1224 = tpu.memref_squeeze %dma_start3A_1223 : memref<1x8x64xi32, #tpu.memory_space<hbm>> -> memref<8x64xi32, #tpu.memory_space<hbm>>
      tpu.enqueue_dma source(%dma_start3A_1224 : memref<8x64xi32, #tpu.memory_space<hbm>>) target(%arg11 : memref<8x64xi32, #tpu.memory_space<vmem>>) target_semaphore(%run_scoped3A : memref<!tpu.dma_semaphore, #tpu.memory_space<semaphore_mem>>)
      %dma_wait3A_1225 = arith.constant 0 : i32
      %dma_wait3A_1226 = arith.constant 0 : i32
      %dma_wait3A_1227 = tpu.memref_slice %arg3[%add3A, %dma_wait3A_1225, %dma_wait3A_1226] : memref<32x8x64xi32, #tpu.memory_space<hbm>> -> memref<1x8x64xi32, #tpu.memory_space<hbm>>
      %dma_wait3A_1228 = tpu.memref_squeeze %dma_wait3A_1227 : memref<1x8x64xi32, #tpu.memory_space<hbm>> -> memref<8x64xi32, #tpu.memory_space<hbm>>
      %dma_wait3A_1229 = arith.constant 0 : i32
      %dma_wait3A_1230 = arith.constant 0 : i32
      %dma_wait3A_1231 = tpu.memref_slice %arg3[%add3A, %dma_wait3A_1229, %dma_wait3A_1230] : memref<32x8x64xi32, #tpu.memory_space<hbm>> -> memref<1x8x64xi32, #tpu.memory_space<hbm>>
      %dma_wait3A_1232 = tpu.memref_squeeze %dma_wait3A_1231 : memref<1x8x64xi32, #tpu.memory_space<hbm>> -> memref<8x64xi32, #tpu.memory_space<hbm>>
      tpu.wait_dma2 semaphore(%run_scoped3A : memref<!tpu.dma_semaphore, #tpu.memory_space<semaphore_mem>>) src(%dma_wait3A_1232 : memref<8x64xi32, #tpu.memory_space<hbm>>) dst(%arg11 : memref<8x64xi32, #tpu.memory_space<vmem>>)
      tpu.yield
    }) : () -> ()
    %dma_start3A = arith.constant 0 : i32
    %dma_start3A_3 = arith.constant 0 : i32
    %dma_start3A_4 = arith.constant 0 : i32
    %dma_start3A_5 = arith.constant 0 : i32
    %dma_start3A_6 = tpu.memref_slice %arg12[%dma_start3A_3, %dma_start3A_4, %dma_start3A_5] : memref<2x64x128xf32, #tpu.memory_space<vmem>> -> memref<1x64x128xf32, #tpu.memory_space<vmem>>
    %dma_start3A_7 = tpu.memref_squeeze %dma_start3A_6 : memref<1x64x128xf32, #tpu.memory_space<vmem>> -> memref<64x128xf32, #tpu.memory_space<vmem>>
    %dma_start3A_8 = arith.constant 0 : i32
    %dma_start3A_9 = tpu.memref_slice %arg10[%dma_start3A, %dma_start3A_8] : memref<8x64xi32, #tpu.memory_space<vmem>> -> memref<1x64xi32, #tpu.memory_space<vmem>>
    %dma_start3A_10 = tpu.memref_squeeze %dma_start3A_9 : memref<1x64xi32, #tpu.memory_space<vmem>> -> memref<64xi32, #tpu.memory_space<vmem>>
    %dma_start3A_11 = arith.constant 0 : i32
    %dma_start3A_12 = arith.constant 0 : i32
    %dma_start3A_13 = tpu.memref_slice %arg4[%dma_start3A_11, %dma_start3A_12] : memref<501760x128xf32, #tpu.memory_space<hbm>> -> memref<501760x128xf32, #tpu.memory_space<hbm>>
    tpu.enqueue_indirect_dma source(%dma_start3A_13 : memref<501760x128xf32, #tpu.memory_space<hbm>>) target(%dma_start3A_7 : memref<64x128xf32, #tpu.memory_space<vmem>>) offsets(%dma_start3A_10 : memref<64xi32, #tpu.memory_space<vmem>>) semaphore(%arg15 : memref<!tpu.dma_semaphore, #tpu.memory_space<semaphore_mem>>)
    %dma_start3A_14 = arith.constant 0 : i32
    %dma_start3A_15 = arith.constant 0 : i32
    %dma_start3A_16 = arith.constant 0 : i32
    %dma_start3A_17 = arith.constant 0 : i32
    %dma_start3A_18 = tpu.memref_slice %arg13[%dma_start3A_15, %dma_start3A_16, %dma_start3A_17] : memref<2x64x128xf32, #tpu.memory_space<vmem>> -> memref<1x64x128xf32, #tpu.memory_space<vmem>>
    %dma_start3A_19 = tpu.memref_squeeze %dma_start3A_18 : memref<1x64x128xf32, #tpu.memory_space<vmem>> -> memref<64x128xf32, #tpu.memory_space<vmem>>
    %dma_start3A_20 = arith.constant 0 : i32
    %dma_start3A_21 = tpu.memref_slice %arg11[%dma_start3A_14, %dma_start3A_20] : memref<8x64xi32, #tpu.memory_space<vmem>> -> memref<1x64xi32, #tpu.memory_space<vmem>>
    %dma_start3A_22 = tpu.memref_squeeze %dma_start3A_21 : memref<1x64xi32, #tpu.memory_space<vmem>> -> memref<64xi32, #tpu.memory_space<vmem>>
    %dma_start3A_23 = arith.constant 0 : i32
    %dma_start3A_24 = arith.constant 0 : i32
    %dma_start3A_25 = tpu.memref_slice %arg5[%dma_start3A_23, %dma_start3A_24] : memref<51200x128xf32, #tpu.memory_space<hbm>> -> memref<51200x128xf32, #tpu.memory_space<hbm>>
    tpu.enqueue_indirect_dma source(%dma_start3A_25 : memref<51200x128xf32, #tpu.memory_space<hbm>>) target(%dma_start3A_19 : memref<64x128xf32, #tpu.memory_space<vmem>>) offsets(%dma_start3A_22 : memref<64xi32, #tpu.memory_space<vmem>>) semaphore(%arg15 : memref<!tpu.dma_semaphore, #tpu.memory_space<semaphore_mem>>)
    %dma_start3A_26 = arith.constant 0 : i32
    %dma_start3A_27 = arith.constant 0 : i32
    %dma_start3A_28 = arith.constant 0 : i32
    %dma_start3A_29 = arith.constant 0 : i32
    %dma_start3A_30 = tpu.memref_slice %arg14[%dma_start3A_27, %dma_start3A_28, %dma_start3A_29] : memref<2x64x128xf32, #tpu.memory_space<vmem>> -> memref<1x64x128xf32, #tpu.memory_space<vmem>>
    %dma_start3A_31 = tpu.memref_squeeze %dma_start3A_30 : memref<1x64x128xf32, #tpu.memory_space<vmem>> -> memref<64x128xf32, #tpu.memory_space<vmem>>
    %dma_start3A_32 = arith.constant 0 : i32
    %dma_start3A_33 = tpu.memref_slice %arg11[%dma_start3A_26, %dma_start3A_32] : memref<8x64xi32, #tpu.memory_space<vmem>> -> memref<1x64xi32, #tpu.memory_space<vmem>>
    %dma_start3A_34 = tpu.memref_squeeze %dma_start3A_33 : memref<1x64xi32, #tpu.memory_space<vmem>> -> memref<64xi32, #tpu.memory_space<vmem>>
    %dma_start3A_35 = arith.constant 0 : i32
    %dma_start3A_36 = arith.constant 0 : i32
    %dma_start3A_37 = tpu.memref_slice %arg6[%dma_start3A_35, %dma_start3A_36] : memref<51200x128xf32, #tpu.memory_space<hbm>> -> memref<51200x128xf32, #tpu.memory_space<hbm>>
    tpu.enqueue_indirect_dma source(%dma_start3A_37 : memref<51200x128xf32, #tpu.memory_space<hbm>>) target(%dma_start3A_31 : memref<64x128xf32, #tpu.memory_space<vmem>>) offsets(%dma_start3A_34 : memref<64xi32, #tpu.memory_space<vmem>>) semaphore(%arg15 : memref<!tpu.dma_semaphore, #tpu.memory_space<semaphore_mem>>)
    %dma_start3A_38 = arith.constant 1 : i32
    %dma_start3A_39 = arith.constant 1 : i32
    %dma_start3A_40 = arith.constant 0 : i32
    %dma_start3A_41 = arith.constant 0 : i32
    %dma_start3A_42 = tpu.memref_slice %arg12[%dma_start3A_39, %dma_start3A_40, %dma_start3A_41] : memref<2x64x128xf32, #tpu.memory_space<vmem>> -> memref<1x64x128xf32, #tpu.memory_space<vmem>>
    %dma_start3A_43 = tpu.memref_squeeze %dma_start3A_42 : memref<1x64x128xf32, #tpu.memory_space<vmem>> -> memref<64x128xf32, #tpu.memory_space<vmem>>
    %dma_start3A_44 = arith.constant 0 : i32
    %dma_start3A_45 = tpu.memref_slice %arg10[%dma_start3A_38, %dma_start3A_44] : memref<8x64xi32, #tpu.memory_space<vmem>> -> memref<1x64xi32, #tpu.memory_space<vmem>>
    %dma_start3A_46 = tpu.memref_squeeze %dma_start3A_45 : memref<1x64xi32, #tpu.memory_space<vmem>> -> memref<64xi32, #tpu.memory_space<vmem>>
    %dma_start3A_47 = arith.constant 0 : i32
    %dma_start3A_48 = arith.constant 0 : i32
    %dma_start3A_49 = tpu.memref_slice %arg4[%dma_start3A_47, %dma_start3A_48] : memref<501760x128xf32, #tpu.memory_space<hbm>> -> memref<501760x128xf32, #tpu.memory_space<hbm>>
    tpu.enqueue_indirect_dma source(%dma_start3A_49 : memref<501760x128xf32, #tpu.memory_space<hbm>>) target(%dma_start3A_43 : memref<64x128xf32, #tpu.memory_space<vmem>>) offsets(%dma_start3A_46 : memref<64xi32, #tpu.memory_space<vmem>>) semaphore(%arg15 : memref<!tpu.dma_semaphore, #tpu.memory_space<semaphore_mem>>)
    %dma_start3A_50 = arith.constant 1 : i32
    %dma_start3A_51 = arith.constant 1 : i32
    %dma_start3A_52 = arith.constant 0 : i32
    %dma_start3A_53 = arith.constant 0 : i32
    %dma_start3A_54 = tpu.memref_slice %arg13[%dma_start3A_51, %dma_start3A_52, %dma_start3A_53] : memref<2x64x128xf32, #tpu.memory_space<vmem>> -> memref<1x64x128xf32, #tpu.memory_space<vmem>>
    %dma_start3A_55 = tpu.memref_squeeze %dma_start3A_54 : memref<1x64x128xf32, #tpu.memory_space<vmem>> -> memref<64x128xf32, #tpu.memory_space<vmem>>
    %dma_start3A_56 = arith.constant 0 : i32
    %dma_start3A_57 = tpu.memref_slice %arg11[%dma_start3A_50, %dma_start3A_56] : memref<8x64xi32, #tpu.memory_space<vmem>> -> memref<1x64xi32, #tpu.memory_space<vmem>>
    %dma_start3A_58 = tpu.memref_squeeze %dma_start3A_57 : memref<1x64xi32, #tpu.memory_space<vmem>> -> memref<64xi32, #tpu.memory_space<vmem>>
    %dma_start3A_59 = arith.constant 0 : i32
    %dma_start3A_60 = arith.constant 0 : i32
    %dma_start3A_61 = tpu.memref_slice %arg5[%dma_start3A_59, %dma_start3A_60] : memref<51200x128xf32, #tpu.memory_space<hbm>> -> memref<51200x128xf32, #tpu.memory_space<hbm>>
    tpu.enqueue_indirect_dma source(%dma_start3A_61 : memref<51200x128xf32, #tpu.memory_space<hbm>>) target(%dma_start3A_55 : memref<64x128xf32, #tpu.memory_space<vmem>>) offsets(%dma_start3A_58 : memref<64xi32, #tpu.memory_space<vmem>>) semaphore(%arg15 : memref<!tpu.dma_semaphore, #tpu.memory_space<semaphore_mem>>)
    %dma_start3A_62 = arith.constant 1 : i32
    %dma_start3A_63 = arith.constant 1 : i32
    %dma_start3A_64 = arith.constant 0 : i32
    %dma_start3A_65 = arith.constant 0 : i32
    %dma_start3A_66 = tpu.memref_slice %arg14[%dma_start3A_63, %dma_start3A_64, %dma_start3A_65] : memref<2x64x128xf32, #tpu.memory_space<vmem>> -> memref<1x64x128xf32, #tpu.memory_space<vmem>>
    %dma_start3A_67 = tpu.memref_squeeze %dma_start3A_66 : memref<1x64x128xf32, #tpu.memory_space<vmem>> -> memref<64x128xf32, #tpu.memory_space<vmem>>
    %dma_start3A_68 = arith.constant 0 : i32
    %dma_start3A_69 = tpu.memref_slice %arg11[%dma_start3A_62, %dma_start3A_68] : memref<8x64xi32, #tpu.memory_space<vmem>> -> memref<1x64xi32, #tpu.memory_space<vmem>>
    %dma_start3A_70 = tpu.memref_squeeze %dma_start3A_69 : memref<1x64xi32, #tpu.memory_space<vmem>> -> memref<64xi32, #tpu.memory_space<vmem>>
    %dma_start3A_71 = arith.constant 0 : i32
    %dma_start3A_72 = arith.constant 0 : i32
    %dma_start3A_73 = tpu.memref_slice %arg6[%dma_start3A_71, %dma_start3A_72] : memref<51200x128xf32, #tpu.memory_space<hbm>> -> memref<51200x128xf32, #tpu.memory_space<hbm>>
    tpu.enqueue_indirect_dma source(%dma_start3A_73 : memref<51200x128xf32, #tpu.memory_space<hbm>>) target(%dma_start3A_67 : memref<64x128xf32, #tpu.memory_space<vmem>>) offsets(%dma_start3A_70 : memref<64xi32, #tpu.memory_space<vmem>>) semaphore(%arg15 : memref<!tpu.dma_semaphore, #tpu.memory_space<semaphore_mem>>)
    %add3A_74 = arith.constant 0 : i32
    %add3A_75 = arith.addi %mul3A_2, %add3A_74 : i32
    %dma_wait3A = arith.constant 0 : i32
    %dma_wait3A_76 = arith.constant 0 : i32
    %dma_wait3A_77 = arith.constant 0 : i32
    %dma_wait3A_78 = arith.constant 0 : i32
    %dma_wait3A_79 = tpu.memref_slice %arg12[%dma_wait3A_76, %dma_wait3A_77, %dma_wait3A_78] : memref<2x64x128xf32, #tpu.memory_space<vmem>> -> memref<1x64x128xf32, #tpu.memory_space<vmem>>
    %dma_wait3A_80 = tpu.memref_squeeze %dma_wait3A_79 : memref<1x64x128xf32, #tpu.memory_space<vmem>> -> memref<64x128xf32, #tpu.memory_space<vmem>>
    %dma_wait3A_81 = arith.constant 0 : i32
    %dma_wait3A_82 = tpu.memref_slice %arg10[%dma_wait3A, %dma_wait3A_81] : memref<8x64xi32, #tpu.memory_space<vmem>> -> memref<1x64xi32, #tpu.memory_space<vmem>>
    %dma_wait3A_83 = tpu.memref_squeeze %dma_wait3A_82 : memref<1x64xi32, #tpu.memory_space<vmem>> -> memref<64xi32, #tpu.memory_space<vmem>>
    %dma_wait3A_84 = arith.constant 0 : i32
    %dma_wait3A_85 = arith.constant 0 : i32
    %dma_wait3A_86 = tpu.memref_slice %arg4[%dma_wait3A_84, %dma_wait3A_85] : memref<501760x128xf32, #tpu.memory_space<hbm>> -> memref<501760x128xf32, #tpu.memory_space<hbm>>
    tpu.wait_indirect_dma semaphore(%arg15 : memref<!tpu.dma_semaphore, #tpu.memory_space<semaphore_mem>>) src(%dma_wait3A_86 : memref<501760x128xf32, #tpu.memory_space<hbm>>) dst(%dma_wait3A_80 : memref<64x128xf32, #tpu.memory_space<vmem>>)
    %dma_wait3A_87 = arith.constant 0 : i32
    %dma_wait3A_88 = arith.constant 0 : i32
    %dma_wait3A_89 = arith.constant 0 : i32
    %dma_wait3A_90 = arith.constant 0 : i32
    %dma_wait3A_91 = tpu.memref_slice %arg13[%dma_wait3A_88, %dma_wait3A_89, %dma_wait3A_90] : memref<2x64x128xf32, #tpu.memory_space<vmem>> -> memref<1x64x128xf32, #tpu.memory_space<vmem>>
    %dma_wait3A_92 = tpu.memref_squeeze %dma_wait3A_91 : memref<1x64x128xf32, #tpu.memory_space<vmem>> -> memref<64x128xf32, #tpu.memory_space<vmem>>
    %dma_wait3A_93 = arith.constant 0 : i32
    %dma_wait3A_94 = tpu.memref_slice %arg11[%dma_wait3A_87, %dma_wait3A_93] : memref<8x64xi32, #tpu.memory_space<vmem>> -> memref<1x64xi32, #tpu.memory_space<vmem>>
    %dma_wait3A_95 = tpu.memref_squeeze %dma_wait3A_94 : memref<1x64xi32, #tpu.memory_space<vmem>> -> memref<64xi32, #tpu.memory_space<vmem>>
    %dma_wait3A_96 = arith.constant 0 : i32
    %dma_wait3A_97 = arith.constant 0 : i32
    %dma_wait3A_98 = tpu.memref_slice %arg5[%dma_wait3A_96, %dma_wait3A_97] : memref<51200x128xf32, #tpu.memory_space<hbm>> -> memref<51200x128xf32, #tpu.memory_space<hbm>>
    tpu.wait_indirect_dma semaphore(%arg15 : memref<!tpu.dma_semaphore, #tpu.memory_space<semaphore_mem>>) src(%dma_wait3A_98 : memref<51200x128xf32, #tpu.memory_space<hbm>>) dst(%dma_wait3A_92 : memref<64x128xf32, #tpu.memory_space<vmem>>)
    %dma_wait3A_99 = arith.constant 0 : i32
    %dma_wait3A_100 = arith.constant 0 : i32
    %dma_wait3A_101 = arith.constant 0 : i32
    %dma_wait3A_102 = arith.constant 0 : i32
    %dma_wait3A_103 = tpu.memref_slice %arg14[%dma_wait3A_100, %dma_wait3A_101, %dma_wait3A_102] : memref<2x64x128xf32, #tpu.memory_space<vmem>> -> memref<1x64x128xf32, #tpu.memory_space<vmem>>
    %dma_wait3A_104 = tpu.memref_squeeze %dma_wait3A_103 : memref<1x64x128xf32, #tpu.memory_space<vmem>> -> memref<64x128xf32, #tpu.memory_space<vmem>>
    %dma_wait3A_105 = arith.constant 0 : i32
    %dma_wait3A_106 = tpu.memref_slice %arg11[%dma_wait3A_99, %dma_wait3A_105] : memref<8x64xi32, #tpu.memory_space<vmem>> -> memref<1x64xi32, #tpu.memory_space<vmem>>
    %dma_wait3A_107 = tpu.memref_squeeze %dma_wait3A_106 : memref<1x64xi32, #tpu.memory_space<vmem>> -> memref<64xi32, #tpu.memory_space<vmem>>
    %dma_wait3A_108 = arith.constant 0 : i32
    %dma_wait3A_109 = arith.constant 0 : i32
    %dma_wait3A_110 = tpu.memref_slice %arg6[%dma_wait3A_108, %dma_wait3A_109] : memref<51200x128xf32, #tpu.memory_space<hbm>> -> memref<51200x128xf32, #tpu.memory_space<hbm>>
    tpu.wait_indirect_dma semaphore(%arg15 : memref<!tpu.dma_semaphore, #tpu.memory_space<semaphore_mem>>) src(%dma_wait3A_110 : memref<51200x128xf32, #tpu.memory_space<hbm>>) dst(%dma_wait3A_104 : memref<64x128xf32, #tpu.memory_space<vmem>>)
    %dma_start3A_111 = arith.constant 0 : i32
    %dma_start3A_112 = arith.constant 0 : i32
    %dma_start3A_113 = arith.constant 0 : i32
    %dma_start3A_114 = tpu.memref_slice %arg12[%dma_start3A_111, %dma_start3A_112, %dma_start3A_113] : memref<2x64x128xf32, #tpu.memory_space<vmem>> -> memref<1x64x128xf32, #tpu.memory_space<vmem>>
    %dma_start3A_115 = tpu.memref_squeeze %dma_start3A_114 : memref<1x64x128xf32, #tpu.memory_space<vmem>> -> memref<64x128xf32, #tpu.memory_space<vmem>>
    %dma_start3A_116 = arith.constant 0 : i32
    %dma_start3A_117 = tpu.memref_slice %arg7[%add3A_75, %dma_start3A_116] : memref<16384x128xf32, #tpu.memory_space<hbm>> -> memref<64x128xf32, #tpu.memory_space<hbm>>
    %dma_start3A_118 = arith.constant 0 : i32
    %dma_start3A_119 = tpu.memref_slice %arg7[%add3A_75, %dma_start3A_118] : memref<16384x128xf32, #tpu.memory_space<hbm>> -> memref<64x128xf32, #tpu.memory_space<hbm>>
    %dma_start3A_120 = arith.constant 0 : i32
    %dma_start3A_121 = arith.constant 0 : i32
    %dma_start3A_122 = tpu.memref_slice %arg12[%dma_start3A_111, %dma_start3A_120, %dma_start3A_121] : memref<2x64x128xf32, #tpu.memory_space<vmem>> -> memref<1x64x128xf32, #tpu.memory_space<vmem>>
    %dma_start3A_123 = tpu.memref_squeeze %dma_start3A_122 : memref<1x64x128xf32, #tpu.memory_space<vmem>> -> memref<64x128xf32, #tpu.memory_space<vmem>>
    tpu.enqueue_dma source(%dma_start3A_123 : memref<64x128xf32, #tpu.memory_space<vmem>>) target(%dma_start3A_119 : memref<64x128xf32, #tpu.memory_space<hbm>>) target_semaphore(%arg16 : memref<!tpu.dma_semaphore, #tpu.memory_space<semaphore_mem>>)
    %dma_start3A_124 = arith.constant 0 : i32
    %dma_start3A_125 = arith.constant 0 : i32
    %dma_start3A_126 = arith.constant 0 : i32
    %dma_start3A_127 = tpu.memref_slice %arg13[%dma_start3A_124, %dma_start3A_125, %dma_start3A_126] : memref<2x64x128xf32, #tpu.memory_space<vmem>> -> memref<1x64x128xf32, #tpu.memory_space<vmem>>
    %dma_start3A_128 = tpu.memref_squeeze %dma_start3A_127 : memref<1x64x128xf32, #tpu.memory_space<vmem>> -> memref<64x128xf32, #tpu.memory_space<vmem>>
    %dma_start3A_129 = arith.constant 0 : i32
    %dma_start3A_130 = tpu.memref_slice %arg8[%add3A_75, %dma_start3A_129] : memref<16384x128xf32, #tpu.memory_space<hbm>> -> memref<64x128xf32, #tpu.memory_space<hbm>>
    %dma_start3A_131 = arith.constant 0 : i32
    %dma_start3A_132 = tpu.memref_slice %arg8[%add3A_75, %dma_start3A_131] : memref<16384x128xf32, #tpu.memory_space<hbm>> -> memref<64x128xf32, #tpu.memory_space<hbm>>
    %dma_start3A_133 = arith.constant 0 : i32
    %dma_start3A_134 = arith.constant 0 : i32
    %dma_start3A_135 = tpu.memref_slice %arg13[%dma_start3A_124, %dma_start3A_133, %dma_start3A_134] : memref<2x64x128xf32, #tpu.memory_space<vmem>> -> memref<1x64x128xf32, #tpu.memory_space<vmem>>
    %dma_start3A_136 = tpu.memref_squeeze %dma_start3A_135 : memref<1x64x128xf32, #tpu.memory_space<vmem>> -> memref<64x128xf32, #tpu.memory_space<vmem>>
    tpu.enqueue_dma source(%dma_start3A_136 : memref<64x128xf32, #tpu.memory_space<vmem>>) target(%dma_start3A_132 : memref<64x128xf32, #tpu.memory_space<hbm>>) target_semaphore(%arg16 : memref<!tpu.dma_semaphore, #tpu.memory_space<semaphore_mem>>)
    %dma_start3A_137 = arith.constant 0 : i32
    %dma_start3A_138 = arith.constant 0 : i32
    %dma_start3A_139 = arith.constant 0 : i32
    %dma_start3A_140 = tpu.memref_slice %arg14[%dma_start3A_137, %dma_start3A_138, %dma_start3A_139] : memref<2x64x128xf32, #tpu.memory_space<vmem>> -> memref<1x64x128xf32, #tpu.memory_space<vmem>>
    %dma_start3A_141 = tpu.memref_squeeze %dma_start3A_140 : memref<1x64x128xf32, #tpu.memory_space<vmem>> -> memref<64x128xf32, #tpu.memory_space<vmem>>
    %dma_start3A_142 = arith.constant 0 : i32
    %dma_start3A_143 = tpu.memref_slice %arg9[%add3A_75, %dma_start3A_142] : memref<16384x128xf32, #tpu.memory_space<hbm>> -> memref<64x128xf32, #tpu.memory_space<hbm>>
    %dma_start3A_144 = arith.constant 0 : i32
    %dma_start3A_145 = tpu.memref_slice %arg9[%add3A_75, %dma_start3A_144] : memref<16384x128xf32, #tpu.memory_space<hbm>> -> memref<64x128xf32, #tpu.memory_space<hbm>>
    %dma_start3A_146 = arith.constant 0 : i32
    %dma_start3A_147 = arith.constant 0 : i32
    %dma_start3A_148 = tpu.memref_slice %arg14[%dma_start3A_137, %dma_start3A_146, %dma_start3A_147] : memref<2x64x128xf32, #tpu.memory_space<vmem>> -> memref<1x64x128xf32, #tpu.memory_space<vmem>>
    %dma_start3A_149 = tpu.memref_squeeze %dma_start3A_148 : memref<1x64x128xf32, #tpu.memory_space<vmem>> -> memref<64x128xf32, #tpu.memory_space<vmem>>
    tpu.enqueue_dma source(%dma_start3A_149 : memref<64x128xf32, #tpu.memory_space<vmem>>) target(%dma_start3A_145 : memref<64x128xf32, #tpu.memory_space<hbm>>) target_semaphore(%arg16 : memref<!tpu.dma_semaphore, #tpu.memory_space<semaphore_mem>>)
    %dma_wait3A_150 = arith.constant 0 : i32
    %dma_wait3A_151 = arith.constant 0 : i32
    %dma_wait3A_152 = arith.constant 0 : i32
    %dma_wait3A_153 = tpu.memref_slice %arg12[%dma_wait3A_150, %dma_wait3A_151, %dma_wait3A_152] : memref<2x64x128xf32, #tpu.memory_space<vmem>> -> memref<1x64x128xf32, #tpu.memory_space<vmem>>
    %dma_wait3A_154 = tpu.memref_squeeze %dma_wait3A_153 : memref<1x64x128xf32, #tpu.memory_space<vmem>> -> memref<64x128xf32, #tpu.memory_space<vmem>>
    %dma_wait3A_155 = arith.constant 0 : i32
    %dma_wait3A_156 = tpu.memref_slice %arg7[%add3A_75, %dma_wait3A_155] : memref<16384x128xf32, #tpu.memory_space<hbm>> -> memref<64x128xf32, #tpu.memory_space<hbm>>
    %dma_wait3A_157 = arith.constant 0 : i32
    %dma_wait3A_158 = tpu.memref_slice %arg7[%add3A_75, %dma_wait3A_157] : memref<16384x128xf32, #tpu.memory_space<hbm>> -> memref<64x128xf32, #tpu.memory_space<hbm>>
    %dma_wait3A_159 = arith.constant 0 : i32
    %dma_wait3A_160 = arith.constant 0 : i32
    %dma_wait3A_161 = tpu.memref_slice %arg12[%dma_wait3A_150, %dma_wait3A_159, %dma_wait3A_160] : memref<2x64x128xf32, #tpu.memory_space<vmem>> -> memref<1x64x128xf32, #tpu.memory_space<vmem>>
    %dma_wait3A_162 = tpu.memref_squeeze %dma_wait3A_161 : memref<1x64x128xf32, #tpu.memory_space<vmem>> -> memref<64x128xf32, #tpu.memory_space<vmem>>
    tpu.wait_dma2 semaphore(%arg16 : memref<!tpu.dma_semaphore, #tpu.memory_space<semaphore_mem>>) src(%dma_wait3A_162 : memref<64x128xf32, #tpu.memory_space<vmem>>) dst(%dma_wait3A_158 : memref<64x128xf32, #tpu.memory_space<hbm>>)
    %dma_wait3A_163 = arith.constant 0 : i32
    %dma_wait3A_164 = arith.constant 0 : i32
    %dma_wait3A_165 = arith.constant 0 : i32
    %dma_wait3A_166 = tpu.memref_slice %arg13[%dma_wait3A_163, %dma_wait3A_164, %dma_wait3A_165] : memref<2x64x128xf32, #tpu.memory_space<vmem>> -> memref<1x64x128xf32, #tpu.memory_space<vmem>>
    %dma_wait3A_167 = tpu.memref_squeeze %dma_wait3A_166 : memref<1x64x128xf32, #tpu.memory_space<vmem>> -> memref<64x128xf32, #tpu.memory_space<vmem>>
    %dma_wait3A_168 = arith.constant 0 : i32
    %dma_wait3A_169 = tpu.memref_slice %arg8[%add3A_75, %dma_wait3A_168] : memref<16384x128xf32, #tpu.memory_space<hbm>> -> memref<64x128xf32, #tpu.memory_space<hbm>>
    %dma_wait3A_170 = arith.constant 0 : i32
    %dma_wait3A_171 = tpu.memref_slice %arg8[%add3A_75, %dma_wait3A_170] : memref<16384x128xf32, #tpu.memory_space<hbm>> -> memref<64x128xf32, #tpu.memory_space<hbm>>
    %dma_wait3A_172 = arith.constant 0 : i32
    %dma_wait3A_173 = arith.constant 0 : i32
    %dma_wait3A_174 = tpu.memref_slice %arg13[%dma_wait3A_163, %dma_wait3A_172, %dma_wait3A_173] : memref<2x64x128xf32, #tpu.memory_space<vmem>> -> memref<1x64x128xf32, #tpu.memory_space<vmem>>
    %dma_wait3A_175 = tpu.memref_squeeze %dma_wait3A_174 : memref<1x64x128xf32, #tpu.memory_space<vmem>> -> memref<64x128xf32, #tpu.memory_space<vmem>>
    tpu.wait_dma2 semaphore(%arg16 : memref<!tpu.dma_semaphore, #tpu.memory_space<semaphore_mem>>) src(%dma_wait3A_175 : memref<64x128xf32, #tpu.memory_space<vmem>>) dst(%dma_wait3A_171 : memref<64x128xf32, #tpu.memory_space<hbm>>)
    %dma_wait3A_176 = arith.constant 0 : i32
    %dma_wait3A_177 = arith.constant 0 : i32
    %dma_wait3A_178 = arith.constant 0 : i32
    %dma_wait3A_179 = tpu.memref_slice %arg14[%dma_wait3A_176, %dma_wait3A_177, %dma_wait3A_178] : memref<2x64x128xf32, #tpu.memory_space<vmem>> -> memref<1x64x128xf32, #tpu.memory_space<vmem>>
    %dma_wait3A_180 = tpu.memref_squeeze %dma_wait3A_179 : memref<1x64x128xf32, #tpu.memory_space<vmem>> -> memref<64x128xf32, #tpu.memory_space<vmem>>
    %dma_wait3A_181 = arith.constant 0 : i32
    %dma_wait3A_182 = tpu.memref_slice %arg9[%add3A_75, %dma_wait3A_181] : memref<16384x128xf32, #tpu.memory_space<hbm>> -> memref<64x128xf32, #tpu.memory_space<hbm>>
    %dma_wait3A_183 = arith.constant 0 : i32
    %dma_wait3A_184 = tpu.memref_slice %arg9[%add3A_75, %dma_wait3A_183] : memref<16384x128xf32, #tpu.memory_space<hbm>> -> memref<64x128xf32, #tpu.memory_space<hbm>>
    %dma_wait3A_185 = arith.constant 0 : i32
    %dma_wait3A_186 = arith.constant 0 : i32
    %dma_wait3A_187 = tpu.memref_slice %arg14[%dma_wait3A_176, %dma_wait3A_185, %dma_wait3A_186] : memref<2x64x128xf32, #tpu.memory_space<vmem>> -> memref<1x64x128xf32, #tpu.memory_space<vmem>>
    %dma_wait3A_188 = tpu.memref_squeeze %dma_wait3A_187 : memref<1x64x128xf32, #tpu.memory_space<vmem>> -> memref<64x128xf32, #tpu.memory_space<vmem>>
    tpu.wait_dma2 semaphore(%arg16 : memref<!tpu.dma_semaphore, #tpu.memory_space<semaphore_mem>>) src(%dma_wait3A_188 : memref<64x128xf32, #tpu.memory_space<vmem>>) dst(%dma_wait3A_184 : memref<64x128xf32, #tpu.memory_space<hbm>>)
    %dma_start3A_189 = arith.constant 2 : i32
    %dma_start3A_190 = arith.constant 0 : i32
    %dma_start3A_191 = arith.constant 0 : i32
    %dma_start3A_192 = arith.constant 0 : i32
    %dma_start3A_193 = tpu.memref_slice %arg12[%dma_start3A_190, %dma_start3A_191, %dma_start3A_192] : memref<2x64x128xf32, #tpu.memory_space<vmem>> -> memref<1x64x128xf32, #tpu.memory_space<vmem>>
    %dma_start3A_194 = tpu.memref_squeeze %dma_start3A_193 : memref<1x64x128xf32, #tpu.memory_space<vmem>> -> memref<64x128xf32, #tpu.memory_space<vmem>>
    %dma_start3A_195 = arith.constant 0 : i32
    %dma_start3A_196 = tpu.memref_slice %arg10[%dma_start3A_189, %dma_start3A_195] : memref<8x64xi32, #tpu.memory_space<vmem>> -> memref<1x64xi32, #tpu.memory_space<vmem>>
    %dma_start3A_197 = tpu.memref_squeeze %dma_start3A_196 : memref<1x64xi32, #tpu.memory_space<vmem>> -> memref<64xi32, #tpu.memory_space<vmem>>
    %dma_start3A_198 = arith.constant 0 : i32
    %dma_start3A_199 = arith.constant 0 : i32
    %dma_start3A_200 = tpu.memref_slice %arg4[%dma_start3A_198, %dma_start3A_199] : memref<501760x128xf32, #tpu.memory_space<hbm>> -> memref<501760x128xf32, #tpu.memory_space<hbm>>
    tpu.enqueue_indirect_dma source(%dma_start3A_200 : memref<501760x128xf32, #tpu.memory_space<hbm>>) target(%dma_start3A_194 : memref<64x128xf32, #tpu.memory_space<vmem>>) offsets(%dma_start3A_197 : memref<64xi32, #tpu.memory_space<vmem>>) semaphore(%arg15 : memref<!tpu.dma_semaphore, #tpu.memory_space<semaphore_mem>>)
    %dma_start3A_201 = arith.constant 2 : i32
    %dma_start3A_202 = arith.constant 0 : i32
    %dma_start3A_203 = arith.constant 0 : i32
    %dma_start3A_204 = arith.constant 0 : i32
    %dma_start3A_205 = tpu.memref_slice %arg13[%dma_start3A_202, %dma_start3A_203, %dma_start3A_204] : memref<2x64x128xf32, #tpu.memory_space<vmem>> -> memref<1x64x128xf32, #tpu.memory_space<vmem>>
    %dma_start3A_206 = tpu.memref_squeeze %dma_start3A_205 : memref<1x64x128xf32, #tpu.memory_space<vmem>> -> memref<64x128xf32, #tpu.memory_space<vmem>>
    %dma_start3A_207 = arith.constant 0 : i32
    %dma_start3A_208 = tpu.memref_slice %arg11[%dma_start3A_201, %dma_start3A_207] : memref<8x64xi32, #tpu.memory_space<vmem>> -> memref<1x64xi32, #tpu.memory_space<vmem>>
    %dma_start3A_209 = tpu.memref_squeeze %dma_start3A_208 : memref<1x64xi32, #tpu.memory_space<vmem>> -> memref<64xi32, #tpu.memory_space<vmem>>
    %dma_start3A_210 = arith.constant 0 : i32
    %dma_start3A_211 = arith.constant 0 : i32
    %dma_start3A_212 = tpu.memref_slice %arg5[%dma_start3A_210, %dma_start3A_211] : memref<51200x128xf32, #tpu.memory_space<hbm>> -> memref<51200x128xf32, #tpu.memory_space<hbm>>
    tpu.enqueue_indirect_dma source(%dma_start3A_212 : memref<51200x128xf32, #tpu.memory_space<hbm>>) target(%dma_start3A_206 : memref<64x128xf32, #tpu.memory_space<vmem>>) offsets(%dma_start3A_209 : memref<64xi32, #tpu.memory_space<vmem>>) semaphore(%arg15 : memref<!tpu.dma_semaphore, #tpu.memory_space<semaphore_mem>>)
    %dma_start3A_213 = arith.constant 2 : i32
    %dma_start3A_214 = arith.constant 0 : i32
    %dma_start3A_215 = arith.constant 0 : i32
    %dma_start3A_216 = arith.constant 0 : i32
    %dma_start3A_217 = tpu.memref_slice %arg14[%dma_start3A_214, %dma_start3A_215, %dma_start3A_216] : memref<2x64x128xf32, #tpu.memory_space<vmem>> -> memref<1x64x128xf32, #tpu.memory_space<vmem>>
    %dma_start3A_218 = tpu.memref_squeeze %dma_start3A_217 : memref<1x64x128xf32, #tpu.memory_space<vmem>> -> memref<64x128xf32, #tpu.memory_space<vmem>>
    %dma_start3A_219 = arith.constant 0 : i32
    %dma_start3A_220 = tpu.memref_slice %arg11[%dma_start3A_213, %dma_start3A_219] : memref<8x64xi32, #tpu.memory_space<vmem>> -> memref<1x64xi32, #tpu.memory_space<vmem>>
    %dma_start3A_221 = tpu.memref_squeeze %dma_start3A_220 : memref<1x64xi32, #tpu.memory_space<vmem>> -> memref<64xi32, #tpu.memory_space<vmem>>
    %dma_start3A_222 = arith.constant 0 : i32
    %dma_start3A_223 = arith.constant 0 : i32
    %dma_start3A_224 = tpu.memref_slice %arg6[%dma_start3A_222, %dma_start3A_223] : memref<51200x128xf32, #tpu.memory_space<hbm>> -> memref<51200x128xf32, #tpu.memory_space<hbm>>
    tpu.enqueue_indirect_dma source(%dma_start3A_224 : memref<51200x128xf32, #tpu.memory_space<hbm>>) target(%dma_start3A_218 : memref<64x128xf32, #tpu.memory_space<vmem>>) offsets(%dma_start3A_221 : memref<64xi32, #tpu.memory_space<vmem>>) semaphore(%arg15 : memref<!tpu.dma_semaphore, #tpu.memory_space<semaphore_mem>>)
    %add3A_225 = arith.constant 64 : i32
    %add3A_226 = arith.addi %mul3A_2, %add3A_225 : i32
    %dma_wait3A_227 = arith.constant 1 : i32
    %dma_wait3A_228 = arith.constant 1 : i32
    %dma_wait3A_229 = arith.constant 0 : i32
    %dma_wait3A_230 = arith.constant 0 : i32
    %dma_wait3A_231 = tpu.memref_slice %arg12[%dma_wait3A_228, %dma_wait3A_229, %dma_wait3A_230] : memref<2x64x128xf32, #tpu.memory_space<vmem>> -> memref<1x64x128xf32, #tpu.memory_space<vmem>>
    %dma_wait3A_232 = tpu.memref_squeeze %dma_wait3A_231 : memref<1x64x128xf32, #tpu.memory_space<vmem>> -> memref<64x128xf32, #tpu.memory_space<vmem>>
    %dma_wait3A_233 = arith.constant 0 : i32
    %dma_wait3A_234 = tpu.memref_slice %arg10[%dma_wait3A_227, %dma_wait3A_233] : memref<8x64xi32, #tpu.memory_space<vmem>> -> memref<1x64xi32, #tpu.memory_space<vmem>>
    %dma_wait3A_235 = tpu.memref_squeeze %dma_wait3A_234 : memref<1x64xi32, #tpu.memory_space<vmem>> -> memref<64xi32, #tpu.memory_space<vmem>>
    %dma_wait3A_236 = arith.constant 0 : i32
    %dma_wait3A_237 = arith.constant 0 : i32
    %dma_wait3A_238 = tpu.memref_slice %arg4[%dma_wait3A_236, %dma_wait3A_237] : memref<501760x128xf32, #tpu.memory_space<hbm>> -> memref<501760x128xf32, #tpu.memory_space<hbm>>
    tpu.wait_indirect_dma semaphore(%arg15 : memref<!tpu.dma_semaphore, #tpu.memory_space<semaphore_mem>>) src(%dma_wait3A_238 : memref<501760x128xf32, #tpu.memory_space<hbm>>) dst(%dma_wait3A_232 : memref<64x128xf32, #tpu.memory_space<vmem>>)
    %dma_wait3A_239 = arith.constant 1 : i32
    %dma_wait3A_240 = arith.constant 1 : i32
    %dma_wait3A_241 = arith.constant 0 : i32
    %dma_wait3A_242 = arith.constant 0 : i32
    %dma_wait3A_243 = tpu.memref_slice %arg13[%dma_wait3A_240, %dma_wait3A_241, %dma_wait3A_242] : memref<2x64x128xf32, #tpu.memory_space<vmem>> -> memref<1x64x128xf32, #tpu.memory_space<vmem>>
    %dma_wait3A_244 = tpu.memref_squeeze %dma_wait3A_243 : memref<1x64x128xf32, #tpu.memory_space<vmem>> -> memref<64x128xf32, #tpu.memory_space<vmem>>
    %dma_wait3A_245 = arith.constant 0 : i32
    %dma_wait3A_246 = tpu.memref_slice %arg11[%dma_wait3A_239, %dma_wait3A_245] : memref<8x64xi32, #tpu.memory_space<vmem>> -> memref<1x64xi32, #tpu.memory_space<vmem>>
    %dma_wait3A_247 = tpu.memref_squeeze %dma_wait3A_246 : memref<1x64xi32, #tpu.memory_space<vmem>> -> memref<64xi32, #tpu.memory_space<vmem>>
    %dma_wait3A_248 = arith.constant 0 : i32
    %dma_wait3A_249 = arith.constant 0 : i32
    %dma_wait3A_250 = tpu.memref_slice %arg5[%dma_wait3A_248, %dma_wait3A_249] : memref<51200x128xf32, #tpu.memory_space<hbm>> -> memref<51200x128xf32, #tpu.memory_space<hbm>>
    tpu.wait_indirect_dma semaphore(%arg15 : memref<!tpu.dma_semaphore, #tpu.memory_space<semaphore_mem>>) src(%dma_wait3A_250 : memref<51200x128xf32, #tpu.memory_space<hbm>>) dst(%dma_wait3A_244 : memref<64x128xf32, #tpu.memory_space<vmem>>)
    %dma_wait3A_251 = arith.constant 1 : i32
    %dma_wait3A_252 = arith.constant 1 : i32
    %dma_wait3A_253 = arith.constant 0 : i32
    %dma_wait3A_254 = arith.constant 0 : i32
    %dma_wait3A_255 = tpu.memref_slice %arg14[%dma_wait3A_252, %dma_wait3A_253, %dma_wait3A_254] : memref<2x64x128xf32, #tpu.memory_space<vmem>> -> memref<1x64x128xf32, #tpu.memory_space<vmem>>
    %dma_wait3A_256 = tpu.memref_squeeze %dma_wait3A_255 : memref<1x64x128xf32, #tpu.memory_space<vmem>> -> memref<64x128xf32, #tpu.memory_space<vmem>>
    %dma_wait3A_257 = arith.constant 0 : i32
    %dma_wait3A_258 = tpu.memref_slice %arg11[%dma_wait3A_251, %dma_wait3A_257] : memref<8x64xi32, #tpu.memory_space<vmem>> -> memref<1x64xi32, #tpu.memory_space<vmem>>
    %dma_wait3A_259 = tpu.memref_squeeze %dma_wait3A_258 : memref<1x64xi32, #tpu.memory_space<vmem>> -> memref<64xi32, #tpu.memory_space<vmem>>
    %dma_wait3A_260 = arith.constant 0 : i32
    %dma_wait3A_261 = arith.constant 0 : i32
    %dma_wait3A_262 = tpu.memref_slice %arg6[%dma_wait3A_260, %dma_wait3A_261] : memref<51200x128xf32, #tpu.memory_space<hbm>> -> memref<51200x128xf32, #tpu.memory_space<hbm>>
    tpu.wait_indirect_dma semaphore(%arg15 : memref<!tpu.dma_semaphore, #tpu.memory_space<semaphore_mem>>) src(%dma_wait3A_262 : memref<51200x128xf32, #tpu.memory_space<hbm>>) dst(%dma_wait3A_256 : memref<64x128xf32, #tpu.memory_space<vmem>>)
    %dma_start3A_263 = arith.constant 1 : i32
    %dma_start3A_264 = arith.constant 0 : i32
    %dma_start3A_265 = arith.constant 0 : i32
    %dma_start3A_266 = tpu.memref_slice %arg12[%dma_start3A_263, %dma_start3A_264, %dma_start3A_265] : memref<2x64x128xf32, #tpu.memory_space<vmem>> -> memref<1x64x128xf32, #tpu.memory_space<vmem>>
    %dma_start3A_267 = tpu.memref_squeeze %dma_start3A_266 : memref<1x64x128xf32, #tpu.memory_space<vmem>> -> memref<64x128xf32, #tpu.memory_space<vmem>>
    %dma_start3A_268 = arith.constant 0 : i32
    %dma_start3A_269 = tpu.memref_slice %arg7[%add3A_226, %dma_start3A_268] : memref<16384x128xf32, #tpu.memory_space<hbm>> -> memref<64x128xf32, #tpu.memory_space<hbm>>
    %dma_start3A_270 = arith.constant 0 : i32
    %dma_start3A_271 = tpu.memref_slice %arg7[%add3A_226, %dma_start3A_270] : memref<16384x128xf32, #tpu.memory_space<hbm>> -> memref<64x128xf32, #tpu.memory_space<hbm>>
    %dma_start3A_272 = arith.constant 0 : i32
    %dma_start3A_273 = arith.constant 0 : i32
    %dma_start3A_274 = tpu.memref_slice %arg12[%dma_start3A_263, %dma_start3A_272, %dma_start3A_273] : memref<2x64x128xf32, #tpu.memory_space<vmem>> -> memref<1x64x128xf32, #tpu.memory_space<vmem>>
    %dma_start3A_275 = tpu.memref_squeeze %dma_start3A_274 : memref<1x64x128xf32, #tpu.memory_space<vmem>> -> memref<64x128xf32, #tpu.memory_space<vmem>>
    tpu.enqueue_dma source(%dma_start3A_275 : memref<64x128xf32, #tpu.memory_space<vmem>>) target(%dma_start3A_271 : memref<64x128xf32, #tpu.memory_space<hbm>>) target_semaphore(%arg16 : memref<!tpu.dma_semaphore, #tpu.memory_space<semaphore_mem>>)
    %dma_start3A_276 = arith.constant 1 : i32
    %dma_start3A_277 = arith.constant 0 : i32
    %dma_start3A_278 = arith.constant 0 : i32
    %dma_start3A_279 = tpu.memref_slice %arg13[%dma_start3A_276, %dma_start3A_277, %dma_start3A_278] : memref<2x64x128xf32, #tpu.memory_space<vmem>> -> memref<1x64x128xf32, #tpu.memory_space<vmem>>
    %dma_start3A_280 = tpu.memref_squeeze %dma_start3A_279 : memref<1x64x128xf32, #tpu.memory_space<vmem>> -> memref<64x128xf32, #tpu.memory_space<vmem>>
    %dma_start3A_281 = arith.constant 0 : i32
    %dma_start3A_282 = tpu.memref_slice %arg8[%add3A_226, %dma_start3A_281] : memref<16384x128xf32, #tpu.memory_space<hbm>> -> memref<64x128xf32, #tpu.memory_space<hbm>>
    %dma_start3A_283 = arith.constant 0 : i32
    %dma_start3A_284 = tpu.memref_slice %arg8[%add3A_226, %dma_start3A_283] : memref<16384x128xf32, #tpu.memory_space<hbm>> -> memref<64x128xf32, #tpu.memory_space<hbm>>
    %dma_start3A_285 = arith.constant 0 : i32
    %dma_start3A_286 = arith.constant 0 : i32
    %dma_start3A_287 = tpu.memref_slice %arg13[%dma_start3A_276, %dma_start3A_285, %dma_start3A_286] : memref<2x64x128xf32, #tpu.memory_space<vmem>> -> memref<1x64x128xf32, #tpu.memory_space<vmem>>
    %dma_start3A_288 = tpu.memref_squeeze %dma_start3A_287 : memref<1x64x128xf32, #tpu.memory_space<vmem>> -> memref<64x128xf32, #tpu.memory_space<vmem>>
    tpu.enqueue_dma source(%dma_start3A_288 : memref<64x128xf32, #tpu.memory_space<vmem>>) target(%dma_start3A_284 : memref<64x128xf32, #tpu.memory_space<hbm>>) target_semaphore(%arg16 : memref<!tpu.dma_semaphore, #tpu.memory_space<semaphore_mem>>)
    %dma_start3A_289 = arith.constant 1 : i32
    %dma_start3A_290 = arith.constant 0 : i32
    %dma_start3A_291 = arith.constant 0 : i32
    %dma_start3A_292 = tpu.memref_slice %arg14[%dma_start3A_289, %dma_start3A_290, %dma_start3A_291] : memref<2x64x128xf32, #tpu.memory_space<vmem>> -> memref<1x64x128xf32, #tpu.memory_space<vmem>>
    %dma_start3A_293 = tpu.memref_squeeze %dma_start3A_292 : memref<1x64x128xf32, #tpu.memory_space<vmem>> -> memref<64x128xf32, #tpu.memory_space<vmem>>
    %dma_start3A_294 = arith.constant 0 : i32
    %dma_start3A_295 = tpu.memref_slice %arg9[%add3A_226, %dma_start3A_294] : memref<16384x128xf32, #tpu.memory_space<hbm>> -> memref<64x128xf32, #tpu.memory_space<hbm>>
    %dma_start3A_296 = arith.constant 0 : i32
    %dma_start3A_297 = tpu.memref_slice %arg9[%add3A_226, %dma_start3A_296] : memref<16384x128xf32, #tpu.memory_space<hbm>> -> memref<64x128xf32, #tpu.memory_space<hbm>>
    %dma_start3A_298 = arith.constant 0 : i32
    %dma_start3A_299 = arith.constant 0 : i32
    %dma_start3A_300 = tpu.memref_slice %arg14[%dma_start3A_289, %dma_start3A_298, %dma_start3A_299] : memref<2x64x128xf32, #tpu.memory_space<vmem>> -> memref<1x64x128xf32, #tpu.memory_space<vmem>>
    %dma_start3A_301 = tpu.memref_squeeze %dma_start3A_300 : memref<1x64x128xf32, #tpu.memory_space<vmem>> -> memref<64x128xf32, #tpu.memory_space<vmem>>
    tpu.enqueue_dma source(%dma_start3A_301 : memref<64x128xf32, #tpu.memory_space<vmem>>) target(%dma_start3A_297 : memref<64x128xf32, #tpu.memory_space<hbm>>) target_semaphore(%arg16 : memref<!tpu.dma_semaphore, #tpu.memory_space<semaphore_mem>>)
    %dma_wait3A_302 = arith.constant 1 : i32
    %dma_wait3A_303 = arith.constant 0 : i32
    %dma_wait3A_304 = arith.constant 0 : i32
    %dma_wait3A_305 = tpu.memref_slice %arg12[%dma_wait3A_302, %dma_wait3A_303, %dma_wait3A_304] : memref<2x64x128xf32, #tpu.memory_space<vmem>> -> memref<1x64x128xf32, #tpu.memory_space<vmem>>
    %dma_wait3A_306 = tpu.memref_squeeze %dma_wait3A_305 : memref<1x64x128xf32, #tpu.memory_space<vmem>> -> memref<64x128xf32, #tpu.memory_space<vmem>>
    %dma_wait3A_307 = arith.constant 0 : i32
    %dma_wait3A_308 = tpu.memref_slice %arg7[%add3A_226, %dma_wait3A_307] : memref<16384x128xf32, #tpu.memory_space<hbm>> -> memref<64x128xf32, #tpu.memory_space<hbm>>
    %dma_wait3A_309 = arith.constant 0 : i32
    %dma_wait3A_310 = tpu.memref_slice %arg7[%add3A_226, %dma_wait3A_309] : memref<16384x128xf32, #tpu.memory_space<hbm>> -> memref<64x128xf32, #tpu.memory_space<hbm>>
    %dma_wait3A_311 = arith.constant 0 : i32
    %dma_wait3A_312 = arith.constant 0 : i32
    %dma_wait3A_313 = tpu.memref_slice %arg12[%dma_wait3A_302, %dma_wait3A_311, %dma_wait3A_312] : memref<2x64x128xf32, #tpu.memory_space<vmem>> -> memref<1x64x128xf32, #tpu.memory_space<vmem>>
    %dma_wait3A_314 = tpu.memref_squeeze %dma_wait3A_313 : memref<1x64x128xf32, #tpu.memory_space<vmem>> -> memref<64x128xf32, #tpu.memory_space<vmem>>
    tpu.wait_dma2 semaphore(%arg16 : memref<!tpu.dma_semaphore, #tpu.memory_space<semaphore_mem>>) src(%dma_wait3A_314 : memref<64x128xf32, #tpu.memory_space<vmem>>) dst(%dma_wait3A_310 : memref<64x128xf32, #tpu.memory_space<hbm>>)
    %dma_wait3A_315 = arith.constant 1 : i32
    %dma_wait3A_316 = arith.constant 0 : i32
    %dma_wait3A_317 = arith.constant 0 : i32
    %dma_wait3A_318 = tpu.memref_slice %arg13[%dma_wait3A_315, %dma_wait3A_316, %dma_wait3A_317] : memref<2x64x128xf32, #tpu.memory_space<vmem>> -> memref<1x64x128xf32, #tpu.memory_space<vmem>>
    %dma_wait3A_319 = tpu.memref_squeeze %dma_wait3A_318 : memref<1x64x128xf32, #tpu.memory_space<vmem>> -> memref<64x128xf32, #tpu.memory_space<vmem>>
    %dma_wait3A_320 = arith.constant 0 : i32
    %dma_wait3A_321 = tpu.memref_slice %arg8[%add3A_226, %dma_wait3A_320] : memref<16384x128xf32, #tpu.memory_space<hbm>> -> memref<64x128xf32, #tpu.memory_space<hbm>>
    %dma_wait3A_322 = arith.constant 0 : i32
    %dma_wait3A_323 = tpu.memref_slice %arg8[%add3A_226, %dma_wait3A_322] : memref<16384x128xf32, #tpu.memory_space<hbm>> -> memref<64x128xf32, #tpu.memory_space<hbm>>
    %dma_wait3A_324 = arith.constant 0 : i32
    %dma_wait3A_325 = arith.constant 0 : i32
    %dma_wait3A_326 = tpu.memref_slice %arg13[%dma_wait3A_315, %dma_wait3A_324, %dma_wait3A_325] : memref<2x64x128xf32, #tpu.memory_space<vmem>> -> memref<1x64x128xf32, #tpu.memory_space<vmem>>
    %dma_wait3A_327 = tpu.memref_squeeze %dma_wait3A_326 : memref<1x64x128xf32, #tpu.memory_space<vmem>> -> memref<64x128xf32, #tpu.memory_space<vmem>>
    tpu.wait_dma2 semaphore(%arg16 : memref<!tpu.dma_semaphore, #tpu.memory_space<semaphore_mem>>) src(%dma_wait3A_327 : memref<64x128xf32, #tpu.memory_space<vmem>>) dst(%dma_wait3A_323 : memref<64x128xf32, #tpu.memory_space<hbm>>)
    %dma_wait3A_328 = arith.constant 1 : i32
    %dma_wait3A_329 = arith.constant 0 : i32
    %dma_wait3A_330 = arith.constant 0 : i32
    %dma_wait3A_331 = tpu.memref_slice %arg14[%dma_wait3A_328, %dma_wait3A_329, %dma_wait3A_330] : memref<2x64x128xf32, #tpu.memory_space<vmem>> -> memref<1x64x128xf32, #tpu.memory_space<vmem>>
    %dma_wait3A_332 = tpu.memref_squeeze %dma_wait3A_331 : memref<1x64x128xf32, #tpu.memory_space<vmem>> -> memref<64x128xf32, #tpu.memory_space<vmem>>
    %dma_wait3A_333 = arith.constant 0 : i32
    %dma_wait3A_334 = tpu.memref_slice %arg9[%add3A_226, %dma_wait3A_333] : memref<16384x128xf32, #tpu.memory_space<hbm>> -> memref<64x128xf32, #tpu.memory_space<hbm>>
    %dma_wait3A_335 = arith.constant 0 : i32
    %dma_wait3A_336 = tpu.memref_slice %arg9[%add3A_226, %dma_wait3A_335] : memref<16384x128xf32, #tpu.memory_space<hbm>> -> memref<64x128xf32, #tpu.memory_space<hbm>>
    %dma_wait3A_337 = arith.constant 0 : i32
    %dma_wait3A_338 = arith.constant 0 : i32
    %dma_wait3A_339 = tpu.memref_slice %arg14[%dma_wait3A_328, %dma_wait3A_337, %dma_wait3A_338] : memref<2x64x128xf32, #tpu.memory_space<vmem>> -> memref<1x64x128xf32, #tpu.memory_space<vmem>>
    %dma_wait3A_340 = tpu.memref_squeeze %dma_wait3A_339 : memref<1x64x128xf32, #tpu.memory_space<vmem>> -> memref<64x128xf32, #tpu.memory_space<vmem>>
    tpu.wait_dma2 semaphore(%arg16 : memref<!tpu.dma_semaphore, #tpu.memory_space<semaphore_mem>>) src(%dma_wait3A_340 : memref<64x128xf32, #tpu.memory_space<vmem>>) dst(%dma_wait3A_336 : memref<64x128xf32, #tpu.memory_space<hbm>>)
    %dma_start3A_341 = arith.constant 3 : i32
    %dma_start3A_342 = arith.constant 1 : i32
    %dma_start3A_343 = arith.constant 0 : i32
    %dma_start3A_344 = arith.constant 0 : i32
    %dma_start3A_345 = tpu.memref_slice %arg12[%dma_start3A_342, %dma_start3A_343, %dma_start3A_344] : memref<2x64x128xf32, #tpu.memory_space<vmem>> -> memref<1x64x128xf32, #tpu.memory_space<vmem>>
    %dma_start3A_346 = tpu.memref_squeeze %dma_start3A_345 : memref<1x64x128xf32, #tpu.memory_space<vmem>> -> memref<64x128xf32, #tpu.memory_space<vmem>>
    %dma_start3A_347 = arith.constant 0 : i32
    %dma_start3A_348 = tpu.memref_slice %arg10[%dma_start3A_341, %dma_start3A_347] : memref<8x64xi32, #tpu.memory_space<vmem>> -> memref<1x64xi32, #tpu.memory_space<vmem>>
    %dma_start3A_349 = tpu.memref_squeeze %dma_start3A_348 : memref<1x64xi32, #tpu.memory_space<vmem>> -> memref<64xi32, #tpu.memory_space<vmem>>
    %dma_start3A_350 = arith.constant 0 : i32
    %dma_start3A_351 = arith.constant 0 : i32
    %dma_start3A_352 = tpu.memref_slice %arg4[%dma_start3A_350, %dma_start3A_351] : memref<501760x128xf32, #tpu.memory_space<hbm>> -> memref<501760x128xf32, #tpu.memory_space<hbm>>
    tpu.enqueue_indirect_dma source(%dma_start3A_352 : memref<501760x128xf32, #tpu.memory_space<hbm>>) target(%dma_start3A_346 : memref<64x128xf32, #tpu.memory_space<vmem>>) offsets(%dma_start3A_349 : memref<64xi32, #tpu.memory_space<vmem>>) semaphore(%arg15 : memref<!tpu.dma_semaphore, #tpu.memory_space<semaphore_mem>>)
    %dma_start3A_353 = arith.constant 3 : i32
    %dma_start3A_354 = arith.constant 1 : i32
    %dma_start3A_355 = arith.constant 0 : i32
    %dma_start3A_356 = arith.constant 0 : i32
    %dma_start3A_357 = tpu.memref_slice %arg13[%dma_start3A_354, %dma_start3A_355, %dma_start3A_356] : memref<2x64x128xf32, #tpu.memory_space<vmem>> -> memref<1x64x128xf32, #tpu.memory_space<vmem>>
    %dma_start3A_358 = tpu.memref_squeeze %dma_start3A_357 : memref<1x64x128xf32, #tpu.memory_space<vmem>> -> memref<64x128xf32, #tpu.memory_space<vmem>>
    %dma_start3A_359 = arith.constant 0 : i32
    %dma_start3A_360 = tpu.memref_slice %arg11[%dma_start3A_353, %dma_start3A_359] : memref<8x64xi32, #tpu.memory_space<vmem>> -> memref<1x64xi32, #tpu.memory_space<vmem>>
    %dma_start3A_361 = tpu.memref_squeeze %dma_start3A_360 : memref<1x64xi32, #tpu.memory_space<vmem>> -> memref<64xi32, #tpu.memory_space<vmem>>
    %dma_start3A_362 = arith.constant 0 : i32
    %dma_start3A_363 = arith.constant 0 : i32
    %dma_start3A_364 = tpu.memref_slice %arg5[%dma_start3A_362, %dma_start3A_363] : memref<51200x128xf32, #tpu.memory_space<hbm>> -> memref<51200x128xf32, #tpu.memory_space<hbm>>
    tpu.enqueue_indirect_dma source(%dma_start3A_364 : memref<51200x128xf32, #tpu.memory_space<hbm>>) target(%dma_start3A_358 : memref<64x128xf32, #tpu.memory_space<vmem>>) offsets(%dma_start3A_361 : memref<64xi32, #tpu.memory_space<vmem>>) semaphore(%arg15 : memref<!tpu.dma_semaphore, #tpu.memory_space<semaphore_mem>>)
    %dma_start3A_365 = arith.constant 3 : i32
    %dma_start3A_366 = arith.constant 1 : i32
    %dma_start3A_367 = arith.constant 0 : i32
    %dma_start3A_368 = arith.constant 0 : i32
    %dma_start3A_369 = tpu.memref_slice %arg14[%dma_start3A_366, %dma_start3A_367, %dma_start3A_368] : memref<2x64x128xf32, #tpu.memory_space<vmem>> -> memref<1x64x128xf32, #tpu.memory_space<vmem>>
    %dma_start3A_370 = tpu.memref_squeeze %dma_start3A_369 : memref<1x64x128xf32, #tpu.memory_space<vmem>> -> memref<64x128xf32, #tpu.memory_space<vmem>>
    %dma_start3A_371 = arith.constant 0 : i32
    %dma_start3A_372 = tpu.memref_slice %arg11[%dma_start3A_365, %dma_start3A_371] : memref<8x64xi32, #tpu.memory_space<vmem>> -> memref<1x64xi32, #tpu.memory_space<vmem>>
    %dma_start3A_373 = tpu.memref_squeeze %dma_start3A_372 : memref<1x64xi32, #tpu.memory_space<vmem>> -> memref<64xi32, #tpu.memory_space<vmem>>
    %dma_start3A_374 = arith.constant 0 : i32
    %dma_start3A_375 = arith.constant 0 : i32
    %dma_start3A_376 = tpu.memref_slice %arg6[%dma_start3A_374, %dma_start3A_375] : memref<51200x128xf32, #tpu.memory_space<hbm>> -> memref<51200x128xf32, #tpu.memory_space<hbm>>
    tpu.enqueue_indirect_dma source(%dma_start3A_376 : memref<51200x128xf32, #tpu.memory_space<hbm>>) target(%dma_start3A_370 : memref<64x128xf32, #tpu.memory_space<vmem>>) offsets(%dma_start3A_373 : memref<64xi32, #tpu.memory_space<vmem>>) semaphore(%arg15 : memref<!tpu.dma_semaphore, #tpu.memory_space<semaphore_mem>>)
    %add3A_377 = arith.constant 128 : i32
    %add3A_378 = arith.addi %mul3A_2, %add3A_377 : i32
    %dma_wait3A_379 = arith.constant 2 : i32
    %dma_wait3A_380 = arith.constant 0 : i32
    %dma_wait3A_381 = arith.constant 0 : i32
    %dma_wait3A_382 = arith.constant 0 : i32
    %dma_wait3A_383 = tpu.memref_slice %arg12[%dma_wait3A_380, %dma_wait3A_381, %dma_wait3A_382] : memref<2x64x128xf32, #tpu.memory_space<vmem>> -> memref<1x64x128xf32, #tpu.memory_space<vmem>>
    %dma_wait3A_384 = tpu.memref_squeeze %dma_wait3A_383 : memref<1x64x128xf32, #tpu.memory_space<vmem>> -> memref<64x128xf32, #tpu.memory_space<vmem>>
    %dma_wait3A_385 = arith.constant 0 : i32
    %dma_wait3A_386 = tpu.memref_slice %arg10[%dma_wait3A_379, %dma_wait3A_385] : memref<8x64xi32, #tpu.memory_space<vmem>> -> memref<1x64xi32, #tpu.memory_space<vmem>>
    %dma_wait3A_387 = tpu.memref_squeeze %dma_wait3A_386 : memref<1x64xi32, #tpu.memory_space<vmem>> -> memref<64xi32, #tpu.memory_space<vmem>>
    %dma_wait3A_388 = arith.constant 0 : i32
    %dma_wait3A_389 = arith.constant 0 : i32
    %dma_wait3A_390 = tpu.memref_slice %arg4[%dma_wait3A_388, %dma_wait3A_389] : memref<501760x128xf32, #tpu.memory_space<hbm>> -> memref<501760x128xf32, #tpu.memory_space<hbm>>
    tpu.wait_indirect_dma semaphore(%arg15 : memref<!tpu.dma_semaphore, #tpu.memory_space<semaphore_mem>>) src(%dma_wait3A_390 : memref<501760x128xf32, #tpu.memory_space<hbm>>) dst(%dma_wait3A_384 : memref<64x128xf32, #tpu.memory_space<vmem>>)
    %dma_wait3A_391 = arith.constant 2 : i32
    %dma_wait3A_392 = arith.constant 0 : i32
    %dma_wait3A_393 = arith.constant 0 : i32
    %dma_wait3A_394 = arith.constant 0 : i32
    %dma_wait3A_395 = tpu.memref_slice %arg13[%dma_wait3A_392, %dma_wait3A_393, %dma_wait3A_394] : memref<2x64x128xf32, #tpu.memory_space<vmem>> -> memref<1x64x128xf32, #tpu.memory_space<vmem>>
    %dma_wait3A_396 = tpu.memref_squeeze %dma_wait3A_395 : memref<1x64x128xf32, #tpu.memory_space<vmem>> -> memref<64x128xf32, #tpu.memory_space<vmem>>
    %dma_wait3A_397 = arith.constant 0 : i32
    %dma_wait3A_398 = tpu.memref_slice %arg11[%dma_wait3A_391, %dma_wait3A_397] : memref<8x64xi32, #tpu.memory_space<vmem>> -> memref<1x64xi32, #tpu.memory_space<vmem>>
    %dma_wait3A_399 = tpu.memref_squeeze %dma_wait3A_398 : memref<1x64xi32, #tpu.memory_space<vmem>> -> memref<64xi32, #tpu.memory_space<vmem>>
    %dma_wait3A_400 = arith.constant 0 : i32
    %dma_wait3A_401 = arith.constant 0 : i32
    %dma_wait3A_402 = tpu.memref_slice %arg5[%dma_wait3A_400, %dma_wait3A_401] : memref<51200x128xf32, #tpu.memory_space<hbm>> -> memref<51200x128xf32, #tpu.memory_space<hbm>>
    tpu.wait_indirect_dma semaphore(%arg15 : memref<!tpu.dma_semaphore, #tpu.memory_space<semaphore_mem>>) src(%dma_wait3A_402 : memref<51200x128xf32, #tpu.memory_space<hbm>>) dst(%dma_wait3A_396 : memref<64x128xf32, #tpu.memory_space<vmem>>)
    %dma_wait3A_403 = arith.constant 2 : i32
    %dma_wait3A_404 = arith.constant 0 : i32
    %dma_wait3A_405 = arith.constant 0 : i32
    %dma_wait3A_406 = arith.constant 0 : i32
    %dma_wait3A_407 = tpu.memref_slice %arg14[%dma_wait3A_404, %dma_wait3A_405, %dma_wait3A_406] : memref<2x64x128xf32, #tpu.memory_space<vmem>> -> memref<1x64x128xf32, #tpu.memory_space<vmem>>
    %dma_wait3A_408 = tpu.memref_squeeze %dma_wait3A_407 : memref<1x64x128xf32, #tpu.memory_space<vmem>> -> memref<64x128xf32, #tpu.memory_space<vmem>>
    %dma_wait3A_409 = arith.constant 0 : i32
    %dma_wait3A_410 = tpu.memref_slice %arg11[%dma_wait3A_403, %dma_wait3A_409] : memref<8x64xi32, #tpu.memory_space<vmem>> -> memref<1x64xi32, #tpu.memory_space<vmem>>
    %dma_wait3A_411 = tpu.memref_squeeze %dma_wait3A_410 : memref<1x64xi32, #tpu.memory_space<vmem>> -> memref<64xi32, #tpu.memory_space<vmem>>
    %dma_wait3A_412 = arith.constant 0 : i32
    %dma_wait3A_413 = arith.constant 0 : i32
    %dma_wait3A_414 = tpu.memref_slice %arg6[%dma_wait3A_412, %dma_wait3A_413] : memref<51200x128xf32, #tpu.memory_space<hbm>> -> memref<51200x128xf32, #tpu.memory_space<hbm>>
    tpu.wait_indirect_dma semaphore(%arg15 : memref<!tpu.dma_semaphore, #tpu.memory_space<semaphore_mem>>) src(%dma_wait3A_414 : memref<51200x128xf32, #tpu.memory_space<hbm>>) dst(%dma_wait3A_408 : memref<64x128xf32, #tpu.memory_space<vmem>>)
    %dma_start3A_415 = arith.constant 0 : i32
    %dma_start3A_416 = arith.constant 0 : i32
    %dma_start3A_417 = arith.constant 0 : i32
    %dma_start3A_418 = tpu.memref_slice %arg12[%dma_start3A_415, %dma_start3A_416, %dma_start3A_417] : memref<2x64x128xf32, #tpu.memory_space<vmem>> -> memref<1x64x128xf32, #tpu.memory_space<vmem>>
    %dma_start3A_419 = tpu.memref_squeeze %dma_start3A_418 : memref<1x64x128xf32, #tpu.memory_space<vmem>> -> memref<64x128xf32, #tpu.memory_space<vmem>>
    %dma_start3A_420 = arith.constant 0 : i32
    %dma_start3A_421 = tpu.memref_slice %arg7[%add3A_378, %dma_start3A_420] : memref<16384x128xf32, #tpu.memory_space<hbm>> -> memref<64x128xf32, #tpu.memory_space<hbm>>
    %dma_start3A_422 = arith.constant 0 : i32
    %dma_start3A_423 = tpu.memref_slice %arg7[%add3A_378, %dma_start3A_422] : memref<16384x128xf32, #tpu.memory_space<hbm>> -> memref<64x128xf32, #tpu.memory_space<hbm>>
    %dma_start3A_424 = arith.constant 0 : i32
    %dma_start3A_425 = arith.constant 0 : i32
    %dma_start3A_426 = tpu.memref_slice %arg12[%dma_start3A_415, %dma_start3A_424, %dma_start3A_425] : memref<2x64x128xf32, #tpu.memory_space<vmem>> -> memref<1x64x128xf32, #tpu.memory_space<vmem>>
    %dma_start3A_427 = tpu.memref_squeeze %dma_start3A_426 : memref<1x64x128xf32, #tpu.memory_space<vmem>> -> memref<64x128xf32, #tpu.memory_space<vmem>>
    tpu.enqueue_dma source(%dma_start3A_427 : memref<64x128xf32, #tpu.memory_space<vmem>>) target(%dma_start3A_423 : memref<64x128xf32, #tpu.memory_space<hbm>>) target_semaphore(%arg16 : memref<!tpu.dma_semaphore, #tpu.memory_space<semaphore_mem>>)
    %dma_start3A_428 = arith.constant 0 : i32
    %dma_start3A_429 = arith.constant 0 : i32
    %dma_start3A_430 = arith.constant 0 : i32
    %dma_start3A_431 = tpu.memref_slice %arg13[%dma_start3A_428, %dma_start3A_429, %dma_start3A_430] : memref<2x64x128xf32, #tpu.memory_space<vmem>> -> memref<1x64x128xf32, #tpu.memory_space<vmem>>
    %dma_start3A_432 = tpu.memref_squeeze %dma_start3A_431 : memref<1x64x128xf32, #tpu.memory_space<vmem>> -> memref<64x128xf32, #tpu.memory_space<vmem>>
    %dma_start3A_433 = arith.constant 0 : i32
    %dma_start3A_434 = tpu.memref_slice %arg8[%add3A_378, %dma_start3A_433] : memref<16384x128xf32, #tpu.memory_space<hbm>> -> memref<64x128xf32, #tpu.memory_space<hbm>>
    %dma_start3A_435 = arith.constant 0 : i32
    %dma_start3A_436 = tpu.memref_slice %arg8[%add3A_378, %dma_start3A_435] : memref<16384x128xf32, #tpu.memory_space<hbm>> -> memref<64x128xf32, #tpu.memory_space<hbm>>
    %dma_start3A_437 = arith.constant 0 : i32
    %dma_start3A_438 = arith.constant 0 : i32
    %dma_start3A_439 = tpu.memref_slice %arg13[%dma_start3A_428, %dma_start3A_437, %dma_start3A_438] : memref<2x64x128xf32, #tpu.memory_space<vmem>> -> memref<1x64x128xf32, #tpu.memory_space<vmem>>
    %dma_start3A_440 = tpu.memref_squeeze %dma_start3A_439 : memref<1x64x128xf32, #tpu.memory_space<vmem>> -> memref<64x128xf32, #tpu.memory_space<vmem>>
    tpu.enqueue_dma source(%dma_start3A_440 : memref<64x128xf32, #tpu.memory_space<vmem>>) target(%dma_start3A_436 : memref<64x128xf32, #tpu.memory_space<hbm>>) target_semaphore(%arg16 : memref<!tpu.dma_semaphore, #tpu.memory_space<semaphore_mem>>)
    %dma_start3A_441 = arith.constant 0 : i32
    %dma_start3A_442 = arith.constant 0 : i32
    %dma_start3A_443 = arith.constant 0 : i32
    %dma_start3A_444 = tpu.memref_slice %arg14[%dma_start3A_441, %dma_start3A_442, %dma_start3A_443] : memref<2x64x128xf32, #tpu.memory_space<vmem>> -> memref<1x64x128xf32, #tpu.memory_space<vmem>>
    %dma_start3A_445 = tpu.memref_squeeze %dma_start3A_444 : memref<1x64x128xf32, #tpu.memory_space<vmem>> -> memref<64x128xf32, #tpu.memory_space<vmem>>
    %dma_start3A_446 = arith.constant 0 : i32
    %dma_start3A_447 = tpu.memref_slice %arg9[%add3A_378, %dma_start3A_446] : memref<16384x128xf32, #tpu.memory_space<hbm>> -> memref<64x128xf32, #tpu.memory_space<hbm>>
    %dma_start3A_448 = arith.constant 0 : i32
    %dma_start3A_449 = tpu.memref_slice %arg9[%add3A_378, %dma_start3A_448] : memref<16384x128xf32, #tpu.memory_space<hbm>> -> memref<64x128xf32, #tpu.memory_space<hbm>>
    %dma_start3A_450 = arith.constant 0 : i32
    %dma_start3A_451 = arith.constant 0 : i32
    %dma_start3A_452 = tpu.memref_slice %arg14[%dma_start3A_441, %dma_start3A_450, %dma_start3A_451] : memref<2x64x128xf32, #tpu.memory_space<vmem>> -> memref<1x64x128xf32, #tpu.memory_space<vmem>>
    %dma_start3A_453 = tpu.memref_squeeze %dma_start3A_452 : memref<1x64x128xf32, #tpu.memory_space<vmem>> -> memref<64x128xf32, #tpu.memory_space<vmem>>
    tpu.enqueue_dma source(%dma_start3A_453 : memref<64x128xf32, #tpu.memory_space<vmem>>) target(%dma_start3A_449 : memref<64x128xf32, #tpu.memory_space<hbm>>) target_semaphore(%arg16 : memref<!tpu.dma_semaphore, #tpu.memory_space<semaphore_mem>>)
    %dma_wait3A_454 = arith.constant 0 : i32
    %dma_wait3A_455 = arith.constant 0 : i32
    %dma_wait3A_456 = arith.constant 0 : i32
    %dma_wait3A_457 = tpu.memref_slice %arg12[%dma_wait3A_454, %dma_wait3A_455, %dma_wait3A_456] : memref<2x64x128xf32, #tpu.memory_space<vmem>> -> memref<1x64x128xf32, #tpu.memory_space<vmem>>
    %dma_wait3A_458 = tpu.memref_squeeze %dma_wait3A_457 : memref<1x64x128xf32, #tpu.memory_space<vmem>> -> memref<64x128xf32, #tpu.memory_space<vmem>>
    %dma_wait3A_459 = arith.constant 0 : i32
    %dma_wait3A_460 = tpu.memref_slice %arg7[%add3A_378, %dma_wait3A_459] : memref<16384x128xf32, #tpu.memory_space<hbm>> -> memref<64x128xf32, #tpu.memory_space<hbm>>
    %dma_wait3A_461 = arith.constant 0 : i32
    %dma_wait3A_462 = tpu.memref_slice %arg7[%add3A_378, %dma_wait3A_461] : memref<16384x128xf32, #tpu.memory_space<hbm>> -> memref<64x128xf32, #tpu.memory_space<hbm>>
    %dma_wait3A_463 = arith.constant 0 : i32
    %dma_wait3A_464 = arith.constant 0 : i32
    %dma_wait3A_465 = tpu.memref_slice %arg12[%dma_wait3A_454, %dma_wait3A_463, %dma_wait3A_464] : memref<2x64x128xf32, #tpu.memory_space<vmem>> -> memref<1x64x128xf32, #tpu.memory_space<vmem>>
    %dma_wait3A_466 = tpu.memref_squeeze %dma_wait3A_465 : memref<1x64x128xf32, #tpu.memory_space<vmem>> -> memref<64x128xf32, #tpu.memory_space<vmem>>
    tpu.wait_dma2 semaphore(%arg16 : memref<!tpu.dma_semaphore, #tpu.memory_space<semaphore_mem>>) src(%dma_wait3A_466 : memref<64x128xf32, #tpu.memory_space<vmem>>) dst(%dma_wait3A_462 : memref<64x128xf32, #tpu.memory_space<hbm>>)
    %dma_wait3A_467 = arith.constant 0 : i32
    %dma_wait3A_468 = arith.constant 0 : i32
    %dma_wait3A_469 = arith.constant 0 : i32
    %dma_wait3A_470 = tpu.memref_slice %arg13[%dma_wait3A_467, %dma_wait3A_468, %dma_wait3A_469] : memref<2x64x128xf32, #tpu.memory_space<vmem>> -> memref<1x64x128xf32, #tpu.memory_space<vmem>>
    %dma_wait3A_471 = tpu.memref_squeeze %dma_wait3A_470 : memref<1x64x128xf32, #tpu.memory_space<vmem>> -> memref<64x128xf32, #tpu.memory_space<vmem>>
    %dma_wait3A_472 = arith.constant 0 : i32
    %dma_wait3A_473 = tpu.memref_slice %arg8[%add3A_378, %dma_wait3A_472] : memref<16384x128xf32, #tpu.memory_space<hbm>> -> memref<64x128xf32, #tpu.memory_space<hbm>>
    %dma_wait3A_474 = arith.constant 0 : i32
    %dma_wait3A_475 = tpu.memref_slice %arg8[%add3A_378, %dma_wait3A_474] : memref<16384x128xf32, #tpu.memory_space<hbm>> -> memref<64x128xf32, #tpu.memory_space<hbm>>
    %dma_wait3A_476 = arith.constant 0 : i32
    %dma_wait3A_477 = arith.constant 0 : i32
    %dma_wait3A_478 = tpu.memref_slice %arg13[%dma_wait3A_467, %dma_wait3A_476, %dma_wait3A_477] : memref<2x64x128xf32, #tpu.memory_space<vmem>> -> memref<1x64x128xf32, #tpu.memory_space<vmem>>
    %dma_wait3A_479 = tpu.memref_squeeze %dma_wait3A_478 : memref<1x64x128xf32, #tpu.memory_space<vmem>> -> memref<64x128xf32, #tpu.memory_space<vmem>>
    tpu.wait_dma2 semaphore(%arg16 : memref<!tpu.dma_semaphore, #tpu.memory_space<semaphore_mem>>) src(%dma_wait3A_479 : memref<64x128xf32, #tpu.memory_space<vmem>>) dst(%dma_wait3A_475 : memref<64x128xf32, #tpu.memory_space<hbm>>)
    %dma_wait3A_480 = arith.constant 0 : i32
    %dma_wait3A_481 = arith.constant 0 : i32
    %dma_wait3A_482 = arith.constant 0 : i32
    %dma_wait3A_483 = tpu.memref_slice %arg14[%dma_wait3A_480, %dma_wait3A_481, %dma_wait3A_482] : memref<2x64x128xf32, #tpu.memory_space<vmem>> -> memref<1x64x128xf32, #tpu.memory_space<vmem>>
    %dma_wait3A_484 = tpu.memref_squeeze %dma_wait3A_483 : memref<1x64x128xf32, #tpu.memory_space<vmem>> -> memref<64x128xf32, #tpu.memory_space<vmem>>
    %dma_wait3A_485 = arith.constant 0 : i32
    %dma_wait3A_486 = tpu.memref_slice %arg9[%add3A_378, %dma_wait3A_485] : memref<16384x128xf32, #tpu.memory_space<hbm>> -> memref<64x128xf32, #tpu.memory_space<hbm>>
    %dma_wait3A_487 = arith.constant 0 : i32
    %dma_wait3A_488 = tpu.memref_slice %arg9[%add3A_378, %dma_wait3A_487] : memref<16384x128xf32, #tpu.memory_space<hbm>> -> memref<64x128xf32, #tpu.memory_space<hbm>>
    %dma_wait3A_489 = arith.constant 0 : i32
    %dma_wait3A_490 = arith.constant 0 : i32
    %dma_wait3A_491 = tpu.memref_slice %arg14[%dma_wait3A_480, %dma_wait3A_489, %dma_wait3A_490] : memref<2x64x128xf32, #tpu.memory_space<vmem>> -> memref<1x64x128xf32, #tpu.memory_space<vmem>>
    %dma_wait3A_492 = tpu.memref_squeeze %dma_wait3A_491 : memref<1x64x128xf32, #tpu.memory_space<vmem>> -> memref<64x128xf32, #tpu.memory_space<vmem>>
    tpu.wait_dma2 semaphore(%arg16 : memref<!tpu.dma_semaphore, #tpu.memory_space<semaphore_mem>>) src(%dma_wait3A_492 : memref<64x128xf32, #tpu.memory_space<vmem>>) dst(%dma_wait3A_488 : memref<64x128xf32, #tpu.memory_space<hbm>>)
    %dma_start3A_493 = arith.constant 4 : i32
    %dma_start3A_494 = arith.constant 0 : i32
    %dma_start3A_495 = arith.constant 0 : i32
    %dma_start3A_496 = arith.constant 0 : i32
    %dma_start3A_497 = tpu.memref_slice %arg12[%dma_start3A_494, %dma_start3A_495, %dma_start3A_496] : memref<2x64x128xf32, #tpu.memory_space<vmem>> -> memref<1x64x128xf32, #tpu.memory_space<vmem>>
    %dma_start3A_498 = tpu.memref_squeeze %dma_start3A_497 : memref<1x64x128xf32, #tpu.memory_space<vmem>> -> memref<64x128xf32, #tpu.memory_space<vmem>>
    %dma_start3A_499 = arith.constant 0 : i32
    %dma_start3A_500 = tpu.memref_slice %arg10[%dma_start3A_493, %dma_start3A_499] : memref<8x64xi32, #tpu.memory_space<vmem>> -> memref<1x64xi32, #tpu.memory_space<vmem>>
    %dma_start3A_501 = tpu.memref_squeeze %dma_start3A_500 : memref<1x64xi32, #tpu.memory_space<vmem>> -> memref<64xi32, #tpu.memory_space<vmem>>
    %dma_start3A_502 = arith.constant 0 : i32
    %dma_start3A_503 = arith.constant 0 : i32
    %dma_start3A_504 = tpu.memref_slice %arg4[%dma_start3A_502, %dma_start3A_503] : memref<501760x128xf32, #tpu.memory_space<hbm>> -> memref<501760x128xf32, #tpu.memory_space<hbm>>
    tpu.enqueue_indirect_dma source(%dma_start3A_504 : memref<501760x128xf32, #tpu.memory_space<hbm>>) target(%dma_start3A_498 : memref<64x128xf32, #tpu.memory_space<vmem>>) offsets(%dma_start3A_501 : memref<64xi32, #tpu.memory_space<vmem>>) semaphore(%arg15 : memref<!tpu.dma_semaphore, #tpu.memory_space<semaphore_mem>>)
    %dma_start3A_505 = arith.constant 4 : i32
    %dma_start3A_506 = arith.constant 0 : i32
    %dma_start3A_507 = arith.constant 0 : i32
    %dma_start3A_508 = arith.constant 0 : i32
    %dma_start3A_509 = tpu.memref_slice %arg13[%dma_start3A_506, %dma_start3A_507, %dma_start3A_508] : memref<2x64x128xf32, #tpu.memory_space<vmem>> -> memref<1x64x128xf32, #tpu.memory_space<vmem>>
    %dma_start3A_510 = tpu.memref_squeeze %dma_start3A_509 : memref<1x64x128xf32, #tpu.memory_space<vmem>> -> memref<64x128xf32, #tpu.memory_space<vmem>>
    %dma_start3A_511 = arith.constant 0 : i32
    %dma_start3A_512 = tpu.memref_slice %arg11[%dma_start3A_505, %dma_start3A_511] : memref<8x64xi32, #tpu.memory_space<vmem>> -> memref<1x64xi32, #tpu.memory_space<vmem>>
    %dma_start3A_513 = tpu.memref_squeeze %dma_start3A_512 : memref<1x64xi32, #tpu.memory_space<vmem>> -> memref<64xi32, #tpu.memory_space<vmem>>
    %dma_start3A_514 = arith.constant 0 : i32
    %dma_start3A_515 = arith.constant 0 : i32
    %dma_start3A_516 = tpu.memref_slice %arg5[%dma_start3A_514, %dma_start3A_515] : memref<51200x128xf32, #tpu.memory_space<hbm>> -> memref<51200x128xf32, #tpu.memory_space<hbm>>
    tpu.enqueue_indirect_dma source(%dma_start3A_516 : memref<51200x128xf32, #tpu.memory_space<hbm>>) target(%dma_start3A_510 : memref<64x128xf32, #tpu.memory_space<vmem>>) offsets(%dma_start3A_513 : memref<64xi32, #tpu.memory_space<vmem>>) semaphore(%arg15 : memref<!tpu.dma_semaphore, #tpu.memory_space<semaphore_mem>>)
    %dma_start3A_517 = arith.constant 4 : i32
    %dma_start3A_518 = arith.constant 0 : i32
    %dma_start3A_519 = arith.constant 0 : i32
    %dma_start3A_520 = arith.constant 0 : i32
    %dma_start3A_521 = tpu.memref_slice %arg14[%dma_start3A_518, %dma_start3A_519, %dma_start3A_520] : memref<2x64x128xf32, #tpu.memory_space<vmem>> -> memref<1x64x128xf32, #tpu.memory_space<vmem>>
    %dma_start3A_522 = tpu.memref_squeeze %dma_start3A_521 : memref<1x64x128xf32, #tpu.memory_space<vmem>> -> memref<64x128xf32, #tpu.memory_space<vmem>>
    %dma_start3A_523 = arith.constant 0 : i32
    %dma_start3A_524 = tpu.memref_slice %arg11[%dma_start3A_517, %dma_start3A_523] : memref<8x64xi32, #tpu.memory_space<vmem>> -> memref<1x64xi32, #tpu.memory_space<vmem>>
    %dma_start3A_525 = tpu.memref_squeeze %dma_start3A_524 : memref<1x64xi32, #tpu.memory_space<vmem>> -> memref<64xi32, #tpu.memory_space<vmem>>
    %dma_start3A_526 = arith.constant 0 : i32
    %dma_start3A_527 = arith.constant 0 : i32
    %dma_start3A_528 = tpu.memref_slice %arg6[%dma_start3A_526, %dma_start3A_527] : memref<51200x128xf32, #tpu.memory_space<hbm>> -> memref<51200x128xf32, #tpu.memory_space<hbm>>
    tpu.enqueue_indirect_dma source(%dma_start3A_528 : memref<51200x128xf32, #tpu.memory_space<hbm>>) target(%dma_start3A_522 : memref<64x128xf32, #tpu.memory_space<vmem>>) offsets(%dma_start3A_525 : memref<64xi32, #tpu.memory_space<vmem>>) semaphore(%arg15 : memref<!tpu.dma_semaphore, #tpu.memory_space<semaphore_mem>>)
    %add3A_529 = arith.constant 192 : i32
    %add3A_530 = arith.addi %mul3A_2, %add3A_529 : i32
    %dma_wait3A_531 = arith.constant 3 : i32
    %dma_wait3A_532 = arith.constant 1 : i32
    %dma_wait3A_533 = arith.constant 0 : i32
    %dma_wait3A_534 = arith.constant 0 : i32
    %dma_wait3A_535 = tpu.memref_slice %arg12[%dma_wait3A_532, %dma_wait3A_533, %dma_wait3A_534] : memref<2x64x128xf32, #tpu.memory_space<vmem>> -> memref<1x64x128xf32, #tpu.memory_space<vmem>>
    %dma_wait3A_536 = tpu.memref_squeeze %dma_wait3A_535 : memref<1x64x128xf32, #tpu.memory_space<vmem>> -> memref<64x128xf32, #tpu.memory_space<vmem>>
    %dma_wait3A_537 = arith.constant 0 : i32
    %dma_wait3A_538 = tpu.memref_slice %arg10[%dma_wait3A_531, %dma_wait3A_537] : memref<8x64xi32, #tpu.memory_space<vmem>> -> memref<1x64xi32, #tpu.memory_space<vmem>>
    %dma_wait3A_539 = tpu.memref_squeeze %dma_wait3A_538 : memref<1x64xi32, #tpu.memory_space<vmem>> -> memref<64xi32, #tpu.memory_space<vmem>>
    %dma_wait3A_540 = arith.constant 0 : i32
    %dma_wait3A_541 = arith.constant 0 : i32
    %dma_wait3A_542 = tpu.memref_slice %arg4[%dma_wait3A_540, %dma_wait3A_541] : memref<501760x128xf32, #tpu.memory_space<hbm>> -> memref<501760x128xf32, #tpu.memory_space<hbm>>
    tpu.wait_indirect_dma semaphore(%arg15 : memref<!tpu.dma_semaphore, #tpu.memory_space<semaphore_mem>>) src(%dma_wait3A_542 : memref<501760x128xf32, #tpu.memory_space<hbm>>) dst(%dma_wait3A_536 : memref<64x128xf32, #tpu.memory_space<vmem>>)
    %dma_wait3A_543 = arith.constant 3 : i32
    %dma_wait3A_544 = arith.constant 1 : i32
    %dma_wait3A_545 = arith.constant 0 : i32
    %dma_wait3A_546 = arith.constant 0 : i32
    %dma_wait3A_547 = tpu.memref_slice %arg13[%dma_wait3A_544, %dma_wait3A_545, %dma_wait3A_546] : memref<2x64x128xf32, #tpu.memory_space<vmem>> -> memref<1x64x128xf32, #tpu.memory_space<vmem>>
    %dma_wait3A_548 = tpu.memref_squeeze %dma_wait3A_547 : memref<1x64x128xf32, #tpu.memory_space<vmem>> -> memref<64x128xf32, #tpu.memory_space<vmem>>
    %dma_wait3A_549 = arith.constant 0 : i32
    %dma_wait3A_550 = tpu.memref_slice %arg11[%dma_wait3A_543, %dma_wait3A_549] : memref<8x64xi32, #tpu.memory_space<vmem>> -> memref<1x64xi32, #tpu.memory_space<vmem>>
    %dma_wait3A_551 = tpu.memref_squeeze %dma_wait3A_550 : memref<1x64xi32, #tpu.memory_space<vmem>> -> memref<64xi32, #tpu.memory_space<vmem>>
    %dma_wait3A_552 = arith.constant 0 : i32
    %dma_wait3A_553 = arith.constant 0 : i32
    %dma_wait3A_554 = tpu.memref_slice %arg5[%dma_wait3A_552, %dma_wait3A_553] : memref<51200x128xf32, #tpu.memory_space<hbm>> -> memref<51200x128xf32, #tpu.memory_space<hbm>>
    tpu.wait_indirect_dma semaphore(%arg15 : memref<!tpu.dma_semaphore, #tpu.memory_space<semaphore_mem>>) src(%dma_wait3A_554 : memref<51200x128xf32, #tpu.memory_space<hbm>>) dst(%dma_wait3A_548 : memref<64x128xf32, #tpu.memory_space<vmem>>)
    %dma_wait3A_555 = arith.constant 3 : i32
    %dma_wait3A_556 = arith.constant 1 : i32
    %dma_wait3A_557 = arith.constant 0 : i32
    %dma_wait3A_558 = arith.constant 0 : i32
    %dma_wait3A_559 = tpu.memref_slice %arg14[%dma_wait3A_556, %dma_wait3A_557, %dma_wait3A_558] : memref<2x64x128xf32, #tpu.memory_space<vmem>> -> memref<1x64x128xf32, #tpu.memory_space<vmem>>
    %dma_wait3A_560 = tpu.memref_squeeze %dma_wait3A_559 : memref<1x64x128xf32, #tpu.memory_space<vmem>> -> memref<64x128xf32, #tpu.memory_space<vmem>>
    %dma_wait3A_561 = arith.constant 0 : i32
    %dma_wait3A_562 = tpu.memref_slice %arg11[%dma_wait3A_555, %dma_wait3A_561] : memref<8x64xi32, #tpu.memory_space<vmem>> -> memref<1x64xi32, #tpu.memory_space<vmem>>
    %dma_wait3A_563 = tpu.memref_squeeze %dma_wait3A_562 : memref<1x64xi32, #tpu.memory_space<vmem>> -> memref<64xi32, #tpu.memory_space<vmem>>
    %dma_wait3A_564 = arith.constant 0 : i32
    %dma_wait3A_565 = arith.constant 0 : i32
    %dma_wait3A_566 = tpu.memref_slice %arg6[%dma_wait3A_564, %dma_wait3A_565] : memref<51200x128xf32, #tpu.memory_space<hbm>> -> memref<51200x128xf32, #tpu.memory_space<hbm>>
    tpu.wait_indirect_dma semaphore(%arg15 : memref<!tpu.dma_semaphore, #tpu.memory_space<semaphore_mem>>) src(%dma_wait3A_566 : memref<51200x128xf32, #tpu.memory_space<hbm>>) dst(%dma_wait3A_560 : memref<64x128xf32, #tpu.memory_space<vmem>>)
    %dma_start3A_567 = arith.constant 1 : i32
    %dma_start3A_568 = arith.constant 0 : i32
    %dma_start3A_569 = arith.constant 0 : i32
    %dma_start3A_570 = tpu.memref_slice %arg12[%dma_start3A_567, %dma_start3A_568, %dma_start3A_569] : memref<2x64x128xf32, #tpu.memory_space<vmem>> -> memref<1x64x128xf32, #tpu.memory_space<vmem>>
    %dma_start3A_571 = tpu.memref_squeeze %dma_start3A_570 : memref<1x64x128xf32, #tpu.memory_space<vmem>> -> memref<64x128xf32, #tpu.memory_space<vmem>>
    %dma_start3A_572 = arith.constant 0 : i32
    %dma_start3A_573 = tpu.memref_slice %arg7[%add3A_530, %dma_start3A_572] : memref<16384x128xf32, #tpu.memory_space<hbm>> -> memref<64x128xf32, #tpu.memory_space<hbm>>
    %dma_start3A_574 = arith.constant 0 : i32
    %dma_start3A_575 = tpu.memref_slice %arg7[%add3A_530, %dma_start3A_574] : memref<16384x128xf32, #tpu.memory_space<hbm>> -> memref<64x128xf32, #tpu.memory_space<hbm>>
    %dma_start3A_576 = arith.constant 0 : i32
    %dma_start3A_577 = arith.constant 0 : i32
    %dma_start3A_578 = tpu.memref_slice %arg12[%dma_start3A_567, %dma_start3A_576, %dma_start3A_577] : memref<2x64x128xf32, #tpu.memory_space<vmem>> -> memref<1x64x128xf32, #tpu.memory_space<vmem>>
    %dma_start3A_579 = tpu.memref_squeeze %dma_start3A_578 : memref<1x64x128xf32, #tpu.memory_space<vmem>> -> memref<64x128xf32, #tpu.memory_space<vmem>>
    tpu.enqueue_dma source(%dma_start3A_579 : memref<64x128xf32, #tpu.memory_space<vmem>>) target(%dma_start3A_575 : memref<64x128xf32, #tpu.memory_space<hbm>>) target_semaphore(%arg16 : memref<!tpu.dma_semaphore, #tpu.memory_space<semaphore_mem>>)
    %dma_start3A_580 = arith.constant 1 : i32
    %dma_start3A_581 = arith.constant 0 : i32
    %dma_start3A_582 = arith.constant 0 : i32
    %dma_start3A_583 = tpu.memref_slice %arg13[%dma_start3A_580, %dma_start3A_581, %dma_start3A_582] : memref<2x64x128xf32, #tpu.memory_space<vmem>> -> memref<1x64x128xf32, #tpu.memory_space<vmem>>
    %dma_start3A_584 = tpu.memref_squeeze %dma_start3A_583 : memref<1x64x128xf32, #tpu.memory_space<vmem>> -> memref<64x128xf32, #tpu.memory_space<vmem>>
    %dma_start3A_585 = arith.constant 0 : i32
    %dma_start3A_586 = tpu.memref_slice %arg8[%add3A_530, %dma_start3A_585] : memref<16384x128xf32, #tpu.memory_space<hbm>> -> memref<64x128xf32, #tpu.memory_space<hbm>>
    %dma_start3A_587 = arith.constant 0 : i32
    %dma_start3A_588 = tpu.memref_slice %arg8[%add3A_530, %dma_start3A_587] : memref<16384x128xf32, #tpu.memory_space<hbm>> -> memref<64x128xf32, #tpu.memory_space<hbm>>
    %dma_start3A_589 = arith.constant 0 : i32
    %dma_start3A_590 = arith.constant 0 : i32
    %dma_start3A_591 = tpu.memref_slice %arg13[%dma_start3A_580, %dma_start3A_589, %dma_start3A_590] : memref<2x64x128xf32, #tpu.memory_space<vmem>> -> memref<1x64x128xf32, #tpu.memory_space<vmem>>
    %dma_start3A_592 = tpu.memref_squeeze %dma_start3A_591 : memref<1x64x128xf32, #tpu.memory_space<vmem>> -> memref<64x128xf32, #tpu.memory_space<vmem>>
    tpu.enqueue_dma source(%dma_start3A_592 : memref<64x128xf32, #tpu.memory_space<vmem>>) target(%dma_start3A_588 : memref<64x128xf32, #tpu.memory_space<hbm>>) target_semaphore(%arg16 : memref<!tpu.dma_semaphore, #tpu.memory_space<semaphore_mem>>)
    %dma_start3A_593 = arith.constant 1 : i32
    %dma_start3A_594 = arith.constant 0 : i32
    %dma_start3A_595 = arith.constant 0 : i32
    %dma_start3A_596 = tpu.memref_slice %arg14[%dma_start3A_593, %dma_start3A_594, %dma_start3A_595] : memref<2x64x128xf32, #tpu.memory_space<vmem>> -> memref<1x64x128xf32, #tpu.memory_space<vmem>>
    %dma_start3A_597 = tpu.memref_squeeze %dma_start3A_596 : memref<1x64x128xf32, #tpu.memory_space<vmem>> -> memref<64x128xf32, #tpu.memory_space<vmem>>
    %dma_start3A_598 = arith.constant 0 : i32
    %dma_start3A_599 = tpu.memref_slice %arg9[%add3A_530, %dma_start3A_598] : memref<16384x128xf32, #tpu.memory_space<hbm>> -> memref<64x128xf32, #tpu.memory_space<hbm>>
    %dma_start3A_600 = arith.constant 0 : i32
    %dma_start3A_601 = tpu.memref_slice %arg9[%add3A_530, %dma_start3A_600] : memref<16384x128xf32, #tpu.memory_space<hbm>> -> memref<64x128xf32, #tpu.memory_space<hbm>>
    %dma_start3A_602 = arith.constant 0 : i32
    %dma_start3A_603 = arith.constant 0 : i32
    %dma_start3A_604 = tpu.memref_slice %arg14[%dma_start3A_593, %dma_start3A_602, %dma_start3A_603] : memref<2x64x128xf32, #tpu.memory_space<vmem>> -> memref<1x64x128xf32, #tpu.memory_space<vmem>>
    %dma_start3A_605 = tpu.memref_squeeze %dma_start3A_604 : memref<1x64x128xf32, #tpu.memory_space<vmem>> -> memref<64x128xf32, #tpu.memory_space<vmem>>
    tpu.enqueue_dma source(%dma_start3A_605 : memref<64x128xf32, #tpu.memory_space<vmem>>) target(%dma_start3A_601 : memref<64x128xf32, #tpu.memory_space<hbm>>) target_semaphore(%arg16 : memref<!tpu.dma_semaphore, #tpu.memory_space<semaphore_mem>>)
    %dma_wait3A_606 = arith.constant 1 : i32
    %dma_wait3A_607 = arith.constant 0 : i32
    %dma_wait3A_608 = arith.constant 0 : i32
    %dma_wait3A_609 = tpu.memref_slice %arg12[%dma_wait3A_606, %dma_wait3A_607, %dma_wait3A_608] : memref<2x64x128xf32, #tpu.memory_space<vmem>> -> memref<1x64x128xf32, #tpu.memory_space<vmem>>
    %dma_wait3A_610 = tpu.memref_squeeze %dma_wait3A_609 : memref<1x64x128xf32, #tpu.memory_space<vmem>> -> memref<64x128xf32, #tpu.memory_space<vmem>>
    %dma_wait3A_611 = arith.constant 0 : i32
    %dma_wait3A_612 = tpu.memref_slice %arg7[%add3A_530, %dma_wait3A_611] : memref<16384x128xf32, #tpu.memory_space<hbm>> -> memref<64x128xf32, #tpu.memory_space<hbm>>
    %dma_wait3A_613 = arith.constant 0 : i32
    %dma_wait3A_614 = tpu.memref_slice %arg7[%add3A_530, %dma_wait3A_613] : memref<16384x128xf32, #tpu.memory_space<hbm>> -> memref<64x128xf32, #tpu.memory_space<hbm>>
    %dma_wait3A_615 = arith.constant 0 : i32
    %dma_wait3A_616 = arith.constant 0 : i32
    %dma_wait3A_617 = tpu.memref_slice %arg12[%dma_wait3A_606, %dma_wait3A_615, %dma_wait3A_616] : memref<2x64x128xf32, #tpu.memory_space<vmem>> -> memref<1x64x128xf32, #tpu.memory_space<vmem>>
    %dma_wait3A_618 = tpu.memref_squeeze %dma_wait3A_617 : memref<1x64x128xf32, #tpu.memory_space<vmem>> -> memref<64x128xf32, #tpu.memory_space<vmem>>
    tpu.wait_dma2 semaphore(%arg16 : memref<!tpu.dma_semaphore, #tpu.memory_space<semaphore_mem>>) src(%dma_wait3A_618 : memref<64x128xf32, #tpu.memory_space<vmem>>) dst(%dma_wait3A_614 : memref<64x128xf32, #tpu.memory_space<hbm>>)
    %dma_wait3A_619 = arith.constant 1 : i32
    %dma_wait3A_620 = arith.constant 0 : i32
    %dma_wait3A_621 = arith.constant 0 : i32
    %dma_wait3A_622 = tpu.memref_slice %arg13[%dma_wait3A_619, %dma_wait3A_620, %dma_wait3A_621] : memref<2x64x128xf32, #tpu.memory_space<vmem>> -> memref<1x64x128xf32, #tpu.memory_space<vmem>>
    %dma_wait3A_623 = tpu.memref_squeeze %dma_wait3A_622 : memref<1x64x128xf32, #tpu.memory_space<vmem>> -> memref<64x128xf32, #tpu.memory_space<vmem>>
    %dma_wait3A_624 = arith.constant 0 : i32
    %dma_wait3A_625 = tpu.memref_slice %arg8[%add3A_530, %dma_wait3A_624] : memref<16384x128xf32, #tpu.memory_space<hbm>> -> memref<64x128xf32, #tpu.memory_space<hbm>>
    %dma_wait3A_626 = arith.constant 0 : i32
    %dma_wait3A_627 = tpu.memref_slice %arg8[%add3A_530, %dma_wait3A_626] : memref<16384x128xf32, #tpu.memory_space<hbm>> -> memref<64x128xf32, #tpu.memory_space<hbm>>
    %dma_wait3A_628 = arith.constant 0 : i32
    %dma_wait3A_629 = arith.constant 0 : i32
    %dma_wait3A_630 = tpu.memref_slice %arg13[%dma_wait3A_619, %dma_wait3A_628, %dma_wait3A_629] : memref<2x64x128xf32, #tpu.memory_space<vmem>> -> memref<1x64x128xf32, #tpu.memory_space<vmem>>
    %dma_wait3A_631 = tpu.memref_squeeze %dma_wait3A_630 : memref<1x64x128xf32, #tpu.memory_space<vmem>> -> memref<64x128xf32, #tpu.memory_space<vmem>>
    tpu.wait_dma2 semaphore(%arg16 : memref<!tpu.dma_semaphore, #tpu.memory_space<semaphore_mem>>) src(%dma_wait3A_631 : memref<64x128xf32, #tpu.memory_space<vmem>>) dst(%dma_wait3A_627 : memref<64x128xf32, #tpu.memory_space<hbm>>)
    %dma_wait3A_632 = arith.constant 1 : i32
    %dma_wait3A_633 = arith.constant 0 : i32
    %dma_wait3A_634 = arith.constant 0 : i32
    %dma_wait3A_635 = tpu.memref_slice %arg14[%dma_wait3A_632, %dma_wait3A_633, %dma_wait3A_634] : memref<2x64x128xf32, #tpu.memory_space<vmem>> -> memref<1x64x128xf32, #tpu.memory_space<vmem>>
    %dma_wait3A_636 = tpu.memref_squeeze %dma_wait3A_635 : memref<1x64x128xf32, #tpu.memory_space<vmem>> -> memref<64x128xf32, #tpu.memory_space<vmem>>
    %dma_wait3A_637 = arith.constant 0 : i32
    %dma_wait3A_638 = tpu.memref_slice %arg9[%add3A_530, %dma_wait3A_637] : memref<16384x128xf32, #tpu.memory_space<hbm>> -> memref<64x128xf32, #tpu.memory_space<hbm>>
    %dma_wait3A_639 = arith.constant 0 : i32
    %dma_wait3A_640 = tpu.memref_slice %arg9[%add3A_530, %dma_wait3A_639] : memref<16384x128xf32, #tpu.memory_space<hbm>> -> memref<64x128xf32, #tpu.memory_space<hbm>>
    %dma_wait3A_641 = arith.constant 0 : i32
    %dma_wait3A_642 = arith.constant 0 : i32
    %dma_wait3A_643 = tpu.memref_slice %arg14[%dma_wait3A_632, %dma_wait3A_641, %dma_wait3A_642] : memref<2x64x128xf32, #tpu.memory_space<vmem>> -> memref<1x64x128xf32, #tpu.memory_space<vmem>>
    %dma_wait3A_644 = tpu.memref_squeeze %dma_wait3A_643 : memref<1x64x128xf32, #tpu.memory_space<vmem>> -> memref<64x128xf32, #tpu.memory_space<vmem>>
    tpu.wait_dma2 semaphore(%arg16 : memref<!tpu.dma_semaphore, #tpu.memory_space<semaphore_mem>>) src(%dma_wait3A_644 : memref<64x128xf32, #tpu.memory_space<vmem>>) dst(%dma_wait3A_640 : memref<64x128xf32, #tpu.memory_space<hbm>>)
    %dma_start3A_645 = arith.constant 5 : i32
    %dma_start3A_646 = arith.constant 1 : i32
    %dma_start3A_647 = arith.constant 0 : i32
    %dma_start3A_648 = arith.constant 0 : i32
    %dma_start3A_649 = tpu.memref_slice %arg12[%dma_start3A_646, %dma_start3A_647, %dma_start3A_648] : memref<2x64x128xf32, #tpu.memory_space<vmem>> -> memref<1x64x128xf32, #tpu.memory_space<vmem>>
    %dma_start3A_650 = tpu.memref_squeeze %dma_start3A_649 : memref<1x64x128xf32, #tpu.memory_space<vmem>> -> memref<64x128xf32, #tpu.memory_space<vmem>>
    %dma_start3A_651 = arith.constant 0 : i32
    %dma_start3A_652 = tpu.memref_slice %arg10[%dma_start3A_645, %dma_start3A_651] : memref<8x64xi32, #tpu.memory_space<vmem>> -> memref<1x64xi32, #tpu.memory_space<vmem>>
    %dma_start3A_653 = tpu.memref_squeeze %dma_start3A_652 : memref<1x64xi32, #tpu.memory_space<vmem>> -> memref<64xi32, #tpu.memory_space<vmem>>
    %dma_start3A_654 = arith.constant 0 : i32
    %dma_start3A_655 = arith.constant 0 : i32
    %dma_start3A_656 = tpu.memref_slice %arg4[%dma_start3A_654, %dma_start3A_655] : memref<501760x128xf32, #tpu.memory_space<hbm>> -> memref<501760x128xf32, #tpu.memory_space<hbm>>
    tpu.enqueue_indirect_dma source(%dma_start3A_656 : memref<501760x128xf32, #tpu.memory_space<hbm>>) target(%dma_start3A_650 : memref<64x128xf32, #tpu.memory_space<vmem>>) offsets(%dma_start3A_653 : memref<64xi32, #tpu.memory_space<vmem>>) semaphore(%arg15 : memref<!tpu.dma_semaphore, #tpu.memory_space<semaphore_mem>>)
    %dma_start3A_657 = arith.constant 5 : i32
    %dma_start3A_658 = arith.constant 1 : i32
    %dma_start3A_659 = arith.constant 0 : i32
    %dma_start3A_660 = arith.constant 0 : i32
    %dma_start3A_661 = tpu.memref_slice %arg13[%dma_start3A_658, %dma_start3A_659, %dma_start3A_660] : memref<2x64x128xf32, #tpu.memory_space<vmem>> -> memref<1x64x128xf32, #tpu.memory_space<vmem>>
    %dma_start3A_662 = tpu.memref_squeeze %dma_start3A_661 : memref<1x64x128xf32, #tpu.memory_space<vmem>> -> memref<64x128xf32, #tpu.memory_space<vmem>>
    %dma_start3A_663 = arith.constant 0 : i32
    %dma_start3A_664 = tpu.memref_slice %arg11[%dma_start3A_657, %dma_start3A_663] : memref<8x64xi32, #tpu.memory_space<vmem>> -> memref<1x64xi32, #tpu.memory_space<vmem>>
    %dma_start3A_665 = tpu.memref_squeeze %dma_start3A_664 : memref<1x64xi32, #tpu.memory_space<vmem>> -> memref<64xi32, #tpu.memory_space<vmem>>
    %dma_start3A_666 = arith.constant 0 : i32
    %dma_start3A_667 = arith.constant 0 : i32
    %dma_start3A_668 = tpu.memref_slice %arg5[%dma_start3A_666, %dma_start3A_667] : memref<51200x128xf32, #tpu.memory_space<hbm>> -> memref<51200x128xf32, #tpu.memory_space<hbm>>
    tpu.enqueue_indirect_dma source(%dma_start3A_668 : memref<51200x128xf32, #tpu.memory_space<hbm>>) target(%dma_start3A_662 : memref<64x128xf32, #tpu.memory_space<vmem>>) offsets(%dma_start3A_665 : memref<64xi32, #tpu.memory_space<vmem>>) semaphore(%arg15 : memref<!tpu.dma_semaphore, #tpu.memory_space<semaphore_mem>>)
    %dma_start3A_669 = arith.constant 5 : i32
    %dma_start3A_670 = arith.constant 1 : i32
    %dma_start3A_671 = arith.constant 0 : i32
    %dma_start3A_672 = arith.constant 0 : i32
    %dma_start3A_673 = tpu.memref_slice %arg14[%dma_start3A_670, %dma_start3A_671, %dma_start3A_672] : memref<2x64x128xf32, #tpu.memory_space<vmem>> -> memref<1x64x128xf32, #tpu.memory_space<vmem>>
    %dma_start3A_674 = tpu.memref_squeeze %dma_start3A_673 : memref<1x64x128xf32, #tpu.memory_space<vmem>> -> memref<64x128xf32, #tpu.memory_space<vmem>>
    %dma_start3A_675 = arith.constant 0 : i32
    %dma_start3A_676 = tpu.memref_slice %arg11[%dma_start3A_669, %dma_start3A_675] : memref<8x64xi32, #tpu.memory_space<vmem>> -> memref<1x64xi32, #tpu.memory_space<vmem>>
    %dma_start3A_677 = tpu.memref_squeeze %dma_start3A_676 : memref<1x64xi32, #tpu.memory_space<vmem>> -> memref<64xi32, #tpu.memory_space<vmem>>
    %dma_start3A_678 = arith.constant 0 : i32
    %dma_start3A_679 = arith.constant 0 : i32
    %dma_start3A_680 = tpu.memref_slice %arg6[%dma_start3A_678, %dma_start3A_679] : memref<51200x128xf32, #tpu.memory_space<hbm>> -> memref<51200x128xf32, #tpu.memory_space<hbm>>
    tpu.enqueue_indirect_dma source(%dma_start3A_680 : memref<51200x128xf32, #tpu.memory_space<hbm>>) target(%dma_start3A_674 : memref<64x128xf32, #tpu.memory_space<vmem>>) offsets(%dma_start3A_677 : memref<64xi32, #tpu.memory_space<vmem>>) semaphore(%arg15 : memref<!tpu.dma_semaphore, #tpu.memory_space<semaphore_mem>>)
    %add3A_681 = arith.constant 256 : i32
    %add3A_682 = arith.addi %mul3A_2, %add3A_681 : i32
    %dma_wait3A_683 = arith.constant 4 : i32
    %dma_wait3A_684 = arith.constant 0 : i32
    %dma_wait3A_685 = arith.constant 0 : i32
    %dma_wait3A_686 = arith.constant 0 : i32
    %dma_wait3A_687 = tpu.memref_slice %arg12[%dma_wait3A_684, %dma_wait3A_685, %dma_wait3A_686] : memref<2x64x128xf32, #tpu.memory_space<vmem>> -> memref<1x64x128xf32, #tpu.memory_space<vmem>>
    %dma_wait3A_688 = tpu.memref_squeeze %dma_wait3A_687 : memref<1x64x128xf32, #tpu.memory_space<vmem>> -> memref<64x128xf32, #tpu.memory_space<vmem>>
    %dma_wait3A_689 = arith.constant 0 : i32
    %dma_wait3A_690 = tpu.memref_slice %arg10[%dma_wait3A_683, %dma_wait3A_689] : memref<8x64xi32, #tpu.memory_space<vmem>> -> memref<1x64xi32, #tpu.memory_space<vmem>>
    %dma_wait3A_691 = tpu.memref_squeeze %dma_wait3A_690 : memref<1x64xi32, #tpu.memory_space<vmem>> -> memref<64xi32, #tpu.memory_space<vmem>>
    %dma_wait3A_692 = arith.constant 0 : i32
    %dma_wait3A_693 = arith.constant 0 : i32
    %dma_wait3A_694 = tpu.memref_slice %arg4[%dma_wait3A_692, %dma_wait3A_693] : memref<501760x128xf32, #tpu.memory_space<hbm>> -> memref<501760x128xf32, #tpu.memory_space<hbm>>
    tpu.wait_indirect_dma semaphore(%arg15 : memref<!tpu.dma_semaphore, #tpu.memory_space<semaphore_mem>>) src(%dma_wait3A_694 : memref<501760x128xf32, #tpu.memory_space<hbm>>) dst(%dma_wait3A_688 : memref<64x128xf32, #tpu.memory_space<vmem>>)
    %dma_wait3A_695 = arith.constant 4 : i32
    %dma_wait3A_696 = arith.constant 0 : i32
    %dma_wait3A_697 = arith.constant 0 : i32
    %dma_wait3A_698 = arith.constant 0 : i32
    %dma_wait3A_699 = tpu.memref_slice %arg13[%dma_wait3A_696, %dma_wait3A_697, %dma_wait3A_698] : memref<2x64x128xf32, #tpu.memory_space<vmem>> -> memref<1x64x128xf32, #tpu.memory_space<vmem>>
    %dma_wait3A_700 = tpu.memref_squeeze %dma_wait3A_699 : memref<1x64x128xf32, #tpu.memory_space<vmem>> -> memref<64x128xf32, #tpu.memory_space<vmem>>
    %dma_wait3A_701 = arith.constant 0 : i32
    %dma_wait3A_702 = tpu.memref_slice %arg11[%dma_wait3A_695, %dma_wait3A_701] : memref<8x64xi32, #tpu.memory_space<vmem>> -> memref<1x64xi32, #tpu.memory_space<vmem>>
    %dma_wait3A_703 = tpu.memref_squeeze %dma_wait3A_702 : memref<1x64xi32, #tpu.memory_space<vmem>> -> memref<64xi32, #tpu.memory_space<vmem>>
    %dma_wait3A_704 = arith.constant 0 : i32
    %dma_wait3A_705 = arith.constant 0 : i32
    %dma_wait3A_706 = tpu.memref_slice %arg5[%dma_wait3A_704, %dma_wait3A_705] : memref<51200x128xf32, #tpu.memory_space<hbm>> -> memref<51200x128xf32, #tpu.memory_space<hbm>>
    tpu.wait_indirect_dma semaphore(%arg15 : memref<!tpu.dma_semaphore, #tpu.memory_space<semaphore_mem>>) src(%dma_wait3A_706 : memref<51200x128xf32, #tpu.memory_space<hbm>>) dst(%dma_wait3A_700 : memref<64x128xf32, #tpu.memory_space<vmem>>)
    %dma_wait3A_707 = arith.constant 4 : i32
    %dma_wait3A_708 = arith.constant 0 : i32
    %dma_wait3A_709 = arith.constant 0 : i32
    %dma_wait3A_710 = arith.constant 0 : i32
    %dma_wait3A_711 = tpu.memref_slice %arg14[%dma_wait3A_708, %dma_wait3A_709, %dma_wait3A_710] : memref<2x64x128xf32, #tpu.memory_space<vmem>> -> memref<1x64x128xf32, #tpu.memory_space<vmem>>
    %dma_wait3A_712 = tpu.memref_squeeze %dma_wait3A_711 : memref<1x64x128xf32, #tpu.memory_space<vmem>> -> memref<64x128xf32, #tpu.memory_space<vmem>>
    %dma_wait3A_713 = arith.constant 0 : i32
    %dma_wait3A_714 = tpu.memref_slice %arg11[%dma_wait3A_707, %dma_wait3A_713] : memref<8x64xi32, #tpu.memory_space<vmem>> -> memref<1x64xi32, #tpu.memory_space<vmem>>
    %dma_wait3A_715 = tpu.memref_squeeze %dma_wait3A_714 : memref<1x64xi32, #tpu.memory_space<vmem>> -> memref<64xi32, #tpu.memory_space<vmem>>
    %dma_wait3A_716 = arith.constant 0 : i32
    %dma_wait3A_717 = arith.constant 0 : i32
    %dma_wait3A_718 = tpu.memref_slice %arg6[%dma_wait3A_716, %dma_wait3A_717] : memref<51200x128xf32, #tpu.memory_space<hbm>> -> memref<51200x128xf32, #tpu.memory_space<hbm>>
    tpu.wait_indirect_dma semaphore(%arg15 : memref<!tpu.dma_semaphore, #tpu.memory_space<semaphore_mem>>) src(%dma_wait3A_718 : memref<51200x128xf32, #tpu.memory_space<hbm>>) dst(%dma_wait3A_712 : memref<64x128xf32, #tpu.memory_space<vmem>>)
    %dma_start3A_719 = arith.constant 0 : i32
    %dma_start3A_720 = arith.constant 0 : i32
    %dma_start3A_721 = arith.constant 0 : i32
    %dma_start3A_722 = tpu.memref_slice %arg12[%dma_start3A_719, %dma_start3A_720, %dma_start3A_721] : memref<2x64x128xf32, #tpu.memory_space<vmem>> -> memref<1x64x128xf32, #tpu.memory_space<vmem>>
    %dma_start3A_723 = tpu.memref_squeeze %dma_start3A_722 : memref<1x64x128xf32, #tpu.memory_space<vmem>> -> memref<64x128xf32, #tpu.memory_space<vmem>>
    %dma_start3A_724 = arith.constant 0 : i32
    %dma_start3A_725 = tpu.memref_slice %arg7[%add3A_682, %dma_start3A_724] : memref<16384x128xf32, #tpu.memory_space<hbm>> -> memref<64x128xf32, #tpu.memory_space<hbm>>
    %dma_start3A_726 = arith.constant 0 : i32
    %dma_start3A_727 = tpu.memref_slice %arg7[%add3A_682, %dma_start3A_726] : memref<16384x128xf32, #tpu.memory_space<hbm>> -> memref<64x128xf32, #tpu.memory_space<hbm>>
    %dma_start3A_728 = arith.constant 0 : i32
    %dma_start3A_729 = arith.constant 0 : i32
    %dma_start3A_730 = tpu.memref_slice %arg12[%dma_start3A_719, %dma_start3A_728, %dma_start3A_729] : memref<2x64x128xf32, #tpu.memory_space<vmem>> -> memref<1x64x128xf32, #tpu.memory_space<vmem>>
    %dma_start3A_731 = tpu.memref_squeeze %dma_start3A_730 : memref<1x64x128xf32, #tpu.memory_space<vmem>> -> memref<64x128xf32, #tpu.memory_space<vmem>>
    tpu.enqueue_dma source(%dma_start3A_731 : memref<64x128xf32, #tpu.memory_space<vmem>>) target(%dma_start3A_727 : memref<64x128xf32, #tpu.memory_space<hbm>>) target_semaphore(%arg16 : memref<!tpu.dma_semaphore, #tpu.memory_space<semaphore_mem>>)
    %dma_start3A_732 = arith.constant 0 : i32
    %dma_start3A_733 = arith.constant 0 : i32
    %dma_start3A_734 = arith.constant 0 : i32
    %dma_start3A_735 = tpu.memref_slice %arg13[%dma_start3A_732, %dma_start3A_733, %dma_start3A_734] : memref<2x64x128xf32, #tpu.memory_space<vmem>> -> memref<1x64x128xf32, #tpu.memory_space<vmem>>
    %dma_start3A_736 = tpu.memref_squeeze %dma_start3A_735 : memref<1x64x128xf32, #tpu.memory_space<vmem>> -> memref<64x128xf32, #tpu.memory_space<vmem>>
    %dma_start3A_737 = arith.constant 0 : i32
    %dma_start3A_738 = tpu.memref_slice %arg8[%add3A_682, %dma_start3A_737] : memref<16384x128xf32, #tpu.memory_space<hbm>> -> memref<64x128xf32, #tpu.memory_space<hbm>>
    %dma_start3A_739 = arith.constant 0 : i32
    %dma_start3A_740 = tpu.memref_slice %arg8[%add3A_682, %dma_start3A_739] : memref<16384x128xf32, #tpu.memory_space<hbm>> -> memref<64x128xf32, #tpu.memory_space<hbm>>
    %dma_start3A_741 = arith.constant 0 : i32
    %dma_start3A_742 = arith.constant 0 : i32
    %dma_start3A_743 = tpu.memref_slice %arg13[%dma_start3A_732, %dma_start3A_741, %dma_start3A_742] : memref<2x64x128xf32, #tpu.memory_space<vmem>> -> memref<1x64x128xf32, #tpu.memory_space<vmem>>
    %dma_start3A_744 = tpu.memref_squeeze %dma_start3A_743 : memref<1x64x128xf32, #tpu.memory_space<vmem>> -> memref<64x128xf32, #tpu.memory_space<vmem>>
    tpu.enqueue_dma source(%dma_start3A_744 : memref<64x128xf32, #tpu.memory_space<vmem>>) target(%dma_start3A_740 : memref<64x128xf32, #tpu.memory_space<hbm>>) target_semaphore(%arg16 : memref<!tpu.dma_semaphore, #tpu.memory_space<semaphore_mem>>)
    %dma_start3A_745 = arith.constant 0 : i32
    %dma_start3A_746 = arith.constant 0 : i32
    %dma_start3A_747 = arith.constant 0 : i32
    %dma_start3A_748 = tpu.memref_slice %arg14[%dma_start3A_745, %dma_start3A_746, %dma_start3A_747] : memref<2x64x128xf32, #tpu.memory_space<vmem>> -> memref<1x64x128xf32, #tpu.memory_space<vmem>>
    %dma_start3A_749 = tpu.memref_squeeze %dma_start3A_748 : memref<1x64x128xf32, #tpu.memory_space<vmem>> -> memref<64x128xf32, #tpu.memory_space<vmem>>
    %dma_start3A_750 = arith.constant 0 : i32
    %dma_start3A_751 = tpu.memref_slice %arg9[%add3A_682, %dma_start3A_750] : memref<16384x128xf32, #tpu.memory_space<hbm>> -> memref<64x128xf32, #tpu.memory_space<hbm>>
    %dma_start3A_752 = arith.constant 0 : i32
    %dma_start3A_753 = tpu.memref_slice %arg9[%add3A_682, %dma_start3A_752] : memref<16384x128xf32, #tpu.memory_space<hbm>> -> memref<64x128xf32, #tpu.memory_space<hbm>>
    %dma_start3A_754 = arith.constant 0 : i32
    %dma_start3A_755 = arith.constant 0 : i32
    %dma_start3A_756 = tpu.memref_slice %arg14[%dma_start3A_745, %dma_start3A_754, %dma_start3A_755] : memref<2x64x128xf32, #tpu.memory_space<vmem>> -> memref<1x64x128xf32, #tpu.memory_space<vmem>>
    %dma_start3A_757 = tpu.memref_squeeze %dma_start3A_756 : memref<1x64x128xf32, #tpu.memory_space<vmem>> -> memref<64x128xf32, #tpu.memory_space<vmem>>
    tpu.enqueue_dma source(%dma_start3A_757 : memref<64x128xf32, #tpu.memory_space<vmem>>) target(%dma_start3A_753 : memref<64x128xf32, #tpu.memory_space<hbm>>) target_semaphore(%arg16 : memref<!tpu.dma_semaphore, #tpu.memory_space<semaphore_mem>>)
    %dma_wait3A_758 = arith.constant 0 : i32
    %dma_wait3A_759 = arith.constant 0 : i32
    %dma_wait3A_760 = arith.constant 0 : i32
    %dma_wait3A_761 = tpu.memref_slice %arg12[%dma_wait3A_758, %dma_wait3A_759, %dma_wait3A_760] : memref<2x64x128xf32, #tpu.memory_space<vmem>> -> memref<1x64x128xf32, #tpu.memory_space<vmem>>
    %dma_wait3A_762 = tpu.memref_squeeze %dma_wait3A_761 : memref<1x64x128xf32, #tpu.memory_space<vmem>> -> memref<64x128xf32, #tpu.memory_space<vmem>>
    %dma_wait3A_763 = arith.constant 0 : i32
    %dma_wait3A_764 = tpu.memref_slice %arg7[%add3A_682, %dma_wait3A_763] : memref<16384x128xf32, #tpu.memory_space<hbm>> -> memref<64x128xf32, #tpu.memory_space<hbm>>
    %dma_wait3A_765 = arith.constant 0 : i32
    %dma_wait3A_766 = tpu.memref_slice %arg7[%add3A_682, %dma_wait3A_765] : memref<16384x128xf32, #tpu.memory_space<hbm>> -> memref<64x128xf32, #tpu.memory_space<hbm>>
    %dma_wait3A_767 = arith.constant 0 : i32
    %dma_wait3A_768 = arith.constant 0 : i32
    %dma_wait3A_769 = tpu.memref_slice %arg12[%dma_wait3A_758, %dma_wait3A_767, %dma_wait3A_768] : memref<2x64x128xf32, #tpu.memory_space<vmem>> -> memref<1x64x128xf32, #tpu.memory_space<vmem>>
    %dma_wait3A_770 = tpu.memref_squeeze %dma_wait3A_769 : memref<1x64x128xf32, #tpu.memory_space<vmem>> -> memref<64x128xf32, #tpu.memory_space<vmem>>
    tpu.wait_dma2 semaphore(%arg16 : memref<!tpu.dma_semaphore, #tpu.memory_space<semaphore_mem>>) src(%dma_wait3A_770 : memref<64x128xf32, #tpu.memory_space<vmem>>) dst(%dma_wait3A_766 : memref<64x128xf32, #tpu.memory_space<hbm>>)
    %dma_wait3A_771 = arith.constant 0 : i32
    %dma_wait3A_772 = arith.constant 0 : i32
    %dma_wait3A_773 = arith.constant 0 : i32
    %dma_wait3A_774 = tpu.memref_slice %arg13[%dma_wait3A_771, %dma_wait3A_772, %dma_wait3A_773] : memref<2x64x128xf32, #tpu.memory_space<vmem>> -> memref<1x64x128xf32, #tpu.memory_space<vmem>>
    %dma_wait3A_775 = tpu.memref_squeeze %dma_wait3A_774 : memref<1x64x128xf32, #tpu.memory_space<vmem>> -> memref<64x128xf32, #tpu.memory_space<vmem>>
    %dma_wait3A_776 = arith.constant 0 : i32
    %dma_wait3A_777 = tpu.memref_slice %arg8[%add3A_682, %dma_wait3A_776] : memref<16384x128xf32, #tpu.memory_space<hbm>> -> memref<64x128xf32, #tpu.memory_space<hbm>>
    %dma_wait3A_778 = arith.constant 0 : i32
    %dma_wait3A_779 = tpu.memref_slice %arg8[%add3A_682, %dma_wait3A_778] : memref<16384x128xf32, #tpu.memory_space<hbm>> -> memref<64x128xf32, #tpu.memory_space<hbm>>
    %dma_wait3A_780 = arith.constant 0 : i32
    %dma_wait3A_781 = arith.constant 0 : i32
    %dma_wait3A_782 = tpu.memref_slice %arg13[%dma_wait3A_771, %dma_wait3A_780, %dma_wait3A_781] : memref<2x64x128xf32, #tpu.memory_space<vmem>> -> memref<1x64x128xf32, #tpu.memory_space<vmem>>
    %dma_wait3A_783 = tpu.memref_squeeze %dma_wait3A_782 : memref<1x64x128xf32, #tpu.memory_space<vmem>> -> memref<64x128xf32, #tpu.memory_space<vmem>>
    tpu.wait_dma2 semaphore(%arg16 : memref<!tpu.dma_semaphore, #tpu.memory_space<semaphore_mem>>) src(%dma_wait3A_783 : memref<64x128xf32, #tpu.memory_space<vmem>>) dst(%dma_wait3A_779 : memref<64x128xf32, #tpu.memory_space<hbm>>)
    %dma_wait3A_784 = arith.constant 0 : i32
    %dma_wait3A_785 = arith.constant 0 : i32
    %dma_wait3A_786 = arith.constant 0 : i32
    %dma_wait3A_787 = tpu.memref_slice %arg14[%dma_wait3A_784, %dma_wait3A_785, %dma_wait3A_786] : memref<2x64x128xf32, #tpu.memory_space<vmem>> -> memref<1x64x128xf32, #tpu.memory_space<vmem>>
    %dma_wait3A_788 = tpu.memref_squeeze %dma_wait3A_787 : memref<1x64x128xf32, #tpu.memory_space<vmem>> -> memref<64x128xf32, #tpu.memory_space<vmem>>
    %dma_wait3A_789 = arith.constant 0 : i32
    %dma_wait3A_790 = tpu.memref_slice %arg9[%add3A_682, %dma_wait3A_789] : memref<16384x128xf32, #tpu.memory_space<hbm>> -> memref<64x128xf32, #tpu.memory_space<hbm>>
    %dma_wait3A_791 = arith.constant 0 : i32
    %dma_wait3A_792 = tpu.memref_slice %arg9[%add3A_682, %dma_wait3A_791] : memref<16384x128xf32, #tpu.memory_space<hbm>> -> memref<64x128xf32, #tpu.memory_space<hbm>>
    %dma_wait3A_793 = arith.constant 0 : i32
    %dma_wait3A_794 = arith.constant 0 : i32
    %dma_wait3A_795 = tpu.memref_slice %arg14[%dma_wait3A_784, %dma_wait3A_793, %dma_wait3A_794] : memref<2x64x128xf32, #tpu.memory_space<vmem>> -> memref<1x64x128xf32, #tpu.memory_space<vmem>>
    %dma_wait3A_796 = tpu.memref_squeeze %dma_wait3A_795 : memref<1x64x128xf32, #tpu.memory_space<vmem>> -> memref<64x128xf32, #tpu.memory_space<vmem>>
    tpu.wait_dma2 semaphore(%arg16 : memref<!tpu.dma_semaphore, #tpu.memory_space<semaphore_mem>>) src(%dma_wait3A_796 : memref<64x128xf32, #tpu.memory_space<vmem>>) dst(%dma_wait3A_792 : memref<64x128xf32, #tpu.memory_space<hbm>>)
    %dma_start3A_797 = arith.constant 6 : i32
    %dma_start3A_798 = arith.constant 0 : i32
    %dma_start3A_799 = arith.constant 0 : i32
    %dma_start3A_800 = arith.constant 0 : i32
    %dma_start3A_801 = tpu.memref_slice %arg12[%dma_start3A_798, %dma_start3A_799, %dma_start3A_800] : memref<2x64x128xf32, #tpu.memory_space<vmem>> -> memref<1x64x128xf32, #tpu.memory_space<vmem>>
    %dma_start3A_802 = tpu.memref_squeeze %dma_start3A_801 : memref<1x64x128xf32, #tpu.memory_space<vmem>> -> memref<64x128xf32, #tpu.memory_space<vmem>>
    %dma_start3A_803 = arith.constant 0 : i32
    %dma_start3A_804 = tpu.memref_slice %arg10[%dma_start3A_797, %dma_start3A_803] : memref<8x64xi32, #tpu.memory_space<vmem>> -> memref<1x64xi32, #tpu.memory_space<vmem>>
    %dma_start3A_805 = tpu.memref_squeeze %dma_start3A_804 : memref<1x64xi32, #tpu.memory_space<vmem>> -> memref<64xi32, #tpu.memory_space<vmem>>
    %dma_start3A_806 = arith.constant 0 : i32
    %dma_start3A_807 = arith.constant 0 : i32
    %dma_start3A_808 = tpu.memref_slice %arg4[%dma_start3A_806, %dma_start3A_807] : memref<501760x128xf32, #tpu.memory_space<hbm>> -> memref<501760x128xf32, #tpu.memory_space<hbm>>
    tpu.enqueue_indirect_dma source(%dma_start3A_808 : memref<501760x128xf32, #tpu.memory_space<hbm>>) target(%dma_start3A_802 : memref<64x128xf32, #tpu.memory_space<vmem>>) offsets(%dma_start3A_805 : memref<64xi32, #tpu.memory_space<vmem>>) semaphore(%arg15 : memref<!tpu.dma_semaphore, #tpu.memory_space<semaphore_mem>>)
    %dma_start3A_809 = arith.constant 6 : i32
    %dma_start3A_810 = arith.constant 0 : i32
    %dma_start3A_811 = arith.constant 0 : i32
    %dma_start3A_812 = arith.constant 0 : i32
    %dma_start3A_813 = tpu.memref_slice %arg13[%dma_start3A_810, %dma_start3A_811, %dma_start3A_812] : memref<2x64x128xf32, #tpu.memory_space<vmem>> -> memref<1x64x128xf32, #tpu.memory_space<vmem>>
    %dma_start3A_814 = tpu.memref_squeeze %dma_start3A_813 : memref<1x64x128xf32, #tpu.memory_space<vmem>> -> memref<64x128xf32, #tpu.memory_space<vmem>>
    %dma_start3A_815 = arith.constant 0 : i32
    %dma_start3A_816 = tpu.memref_slice %arg11[%dma_start3A_809, %dma_start3A_815] : memref<8x64xi32, #tpu.memory_space<vmem>> -> memref<1x64xi32, #tpu.memory_space<vmem>>
    %dma_start3A_817 = tpu.memref_squeeze %dma_start3A_816 : memref<1x64xi32, #tpu.memory_space<vmem>> -> memref<64xi32, #tpu.memory_space<vmem>>
    %dma_start3A_818 = arith.constant 0 : i32
    %dma_start3A_819 = arith.constant 0 : i32
    %dma_start3A_820 = tpu.memref_slice %arg5[%dma_start3A_818, %dma_start3A_819] : memref<51200x128xf32, #tpu.memory_space<hbm>> -> memref<51200x128xf32, #tpu.memory_space<hbm>>
    tpu.enqueue_indirect_dma source(%dma_start3A_820 : memref<51200x128xf32, #tpu.memory_space<hbm>>) target(%dma_start3A_814 : memref<64x128xf32, #tpu.memory_space<vmem>>) offsets(%dma_start3A_817 : memref<64xi32, #tpu.memory_space<vmem>>) semaphore(%arg15 : memref<!tpu.dma_semaphore, #tpu.memory_space<semaphore_mem>>)
    %dma_start3A_821 = arith.constant 6 : i32
    %dma_start3A_822 = arith.constant 0 : i32
    %dma_start3A_823 = arith.constant 0 : i32
    %dma_start3A_824 = arith.constant 0 : i32
    %dma_start3A_825 = tpu.memref_slice %arg14[%dma_start3A_822, %dma_start3A_823, %dma_start3A_824] : memref<2x64x128xf32, #tpu.memory_space<vmem>> -> memref<1x64x128xf32, #tpu.memory_space<vmem>>
    %dma_start3A_826 = tpu.memref_squeeze %dma_start3A_825 : memref<1x64x128xf32, #tpu.memory_space<vmem>> -> memref<64x128xf32, #tpu.memory_space<vmem>>
    %dma_start3A_827 = arith.constant 0 : i32
    %dma_start3A_828 = tpu.memref_slice %arg11[%dma_start3A_821, %dma_start3A_827] : memref<8x64xi32, #tpu.memory_space<vmem>> -> memref<1x64xi32, #tpu.memory_space<vmem>>
    %dma_start3A_829 = tpu.memref_squeeze %dma_start3A_828 : memref<1x64xi32, #tpu.memory_space<vmem>> -> memref<64xi32, #tpu.memory_space<vmem>>
    %dma_start3A_830 = arith.constant 0 : i32
    %dma_start3A_831 = arith.constant 0 : i32
    %dma_start3A_832 = tpu.memref_slice %arg6[%dma_start3A_830, %dma_start3A_831] : memref<51200x128xf32, #tpu.memory_space<hbm>> -> memref<51200x128xf32, #tpu.memory_space<hbm>>
    tpu.enqueue_indirect_dma source(%dma_start3A_832 : memref<51200x128xf32, #tpu.memory_space<hbm>>) target(%dma_start3A_826 : memref<64x128xf32, #tpu.memory_space<vmem>>) offsets(%dma_start3A_829 : memref<64xi32, #tpu.memory_space<vmem>>) semaphore(%arg15 : memref<!tpu.dma_semaphore, #tpu.memory_space<semaphore_mem>>)
    %add3A_833 = arith.constant 320 : i32
    %add3A_834 = arith.addi %mul3A_2, %add3A_833 : i32
    %dma_wait3A_835 = arith.constant 5 : i32
    %dma_wait3A_836 = arith.constant 1 : i32
    %dma_wait3A_837 = arith.constant 0 : i32
    %dma_wait3A_838 = arith.constant 0 : i32
    %dma_wait3A_839 = tpu.memref_slice %arg12[%dma_wait3A_836, %dma_wait3A_837, %dma_wait3A_838] : memref<2x64x128xf32, #tpu.memory_space<vmem>> -> memref<1x64x128xf32, #tpu.memory_space<vmem>>
    %dma_wait3A_840 = tpu.memref_squeeze %dma_wait3A_839 : memref<1x64x128xf32, #tpu.memory_space<vmem>> -> memref<64x128xf32, #tpu.memory_space<vmem>>
    %dma_wait3A_841 = arith.constant 0 : i32
    %dma_wait3A_842 = tpu.memref_slice %arg10[%dma_wait3A_835, %dma_wait3A_841] : memref<8x64xi32, #tpu.memory_space<vmem>> -> memref<1x64xi32, #tpu.memory_space<vmem>>
    %dma_wait3A_843 = tpu.memref_squeeze %dma_wait3A_842 : memref<1x64xi32, #tpu.memory_space<vmem>> -> memref<64xi32, #tpu.memory_space<vmem>>
    %dma_wait3A_844 = arith.constant 0 : i32
    %dma_wait3A_845 = arith.constant 0 : i32
    %dma_wait3A_846 = tpu.memref_slice %arg4[%dma_wait3A_844, %dma_wait3A_845] : memref<501760x128xf32, #tpu.memory_space<hbm>> -> memref<501760x128xf32, #tpu.memory_space<hbm>>
    tpu.wait_indirect_dma semaphore(%arg15 : memref<!tpu.dma_semaphore, #tpu.memory_space<semaphore_mem>>) src(%dma_wait3A_846 : memref<501760x128xf32, #tpu.memory_space<hbm>>) dst(%dma_wait3A_840 : memref<64x128xf32, #tpu.memory_space<vmem>>)
    %dma_wait3A_847 = arith.constant 5 : i32
    %dma_wait3A_848 = arith.constant 1 : i32
    %dma_wait3A_849 = arith.constant 0 : i32
    %dma_wait3A_850 = arith.constant 0 : i32
    %dma_wait3A_851 = tpu.memref_slice %arg13[%dma_wait3A_848, %dma_wait3A_849, %dma_wait3A_850] : memref<2x64x128xf32, #tpu.memory_space<vmem>> -> memref<1x64x128xf32, #tpu.memory_space<vmem>>
    %dma_wait3A_852 = tpu.memref_squeeze %dma_wait3A_851 : memref<1x64x128xf32, #tpu.memory_space<vmem>> -> memref<64x128xf32, #tpu.memory_space<vmem>>
    %dma_wait3A_853 = arith.constant 0 : i32
    %dma_wait3A_854 = tpu.memref_slice %arg11[%dma_wait3A_847, %dma_wait3A_853] : memref<8x64xi32, #tpu.memory_space<vmem>> -> memref<1x64xi32, #tpu.memory_space<vmem>>
    %dma_wait3A_855 = tpu.memref_squeeze %dma_wait3A_854 : memref<1x64xi32, #tpu.memory_space<vmem>> -> memref<64xi32, #tpu.memory_space<vmem>>
    %dma_wait3A_856 = arith.constant 0 : i32
    %dma_wait3A_857 = arith.constant 0 : i32
    %dma_wait3A_858 = tpu.memref_slice %arg5[%dma_wait3A_856, %dma_wait3A_857] : memref<51200x128xf32, #tpu.memory_space<hbm>> -> memref<51200x128xf32, #tpu.memory_space<hbm>>
    tpu.wait_indirect_dma semaphore(%arg15 : memref<!tpu.dma_semaphore, #tpu.memory_space<semaphore_mem>>) src(%dma_wait3A_858 : memref<51200x128xf32, #tpu.memory_space<hbm>>) dst(%dma_wait3A_852 : memref<64x128xf32, #tpu.memory_space<vmem>>)
    %dma_wait3A_859 = arith.constant 5 : i32
    %dma_wait3A_860 = arith.constant 1 : i32
    %dma_wait3A_861 = arith.constant 0 : i32
    %dma_wait3A_862 = arith.constant 0 : i32
    %dma_wait3A_863 = tpu.memref_slice %arg14[%dma_wait3A_860, %dma_wait3A_861, %dma_wait3A_862] : memref<2x64x128xf32, #tpu.memory_space<vmem>> -> memref<1x64x128xf32, #tpu.memory_space<vmem>>
    %dma_wait3A_864 = tpu.memref_squeeze %dma_wait3A_863 : memref<1x64x128xf32, #tpu.memory_space<vmem>> -> memref<64x128xf32, #tpu.memory_space<vmem>>
    %dma_wait3A_865 = arith.constant 0 : i32
    %dma_wait3A_866 = tpu.memref_slice %arg11[%dma_wait3A_859, %dma_wait3A_865] : memref<8x64xi32, #tpu.memory_space<vmem>> -> memref<1x64xi32, #tpu.memory_space<vmem>>
    %dma_wait3A_867 = tpu.memref_squeeze %dma_wait3A_866 : memref<1x64xi32, #tpu.memory_space<vmem>> -> memref<64xi32, #tpu.memory_space<vmem>>
    %dma_wait3A_868 = arith.constant 0 : i32
    %dma_wait3A_869 = arith.constant 0 : i32
    %dma_wait3A_870 = tpu.memref_slice %arg6[%dma_wait3A_868, %dma_wait3A_869] : memref<51200x128xf32, #tpu.memory_space<hbm>> -> memref<51200x128xf32, #tpu.memory_space<hbm>>
    tpu.wait_indirect_dma semaphore(%arg15 : memref<!tpu.dma_semaphore, #tpu.memory_space<semaphore_mem>>) src(%dma_wait3A_870 : memref<51200x128xf32, #tpu.memory_space<hbm>>) dst(%dma_wait3A_864 : memref<64x128xf32, #tpu.memory_space<vmem>>)
    %dma_start3A_871 = arith.constant 1 : i32
    %dma_start3A_872 = arith.constant 0 : i32
    %dma_start3A_873 = arith.constant 0 : i32
    %dma_start3A_874 = tpu.memref_slice %arg12[%dma_start3A_871, %dma_start3A_872, %dma_start3A_873] : memref<2x64x128xf32, #tpu.memory_space<vmem>> -> memref<1x64x128xf32, #tpu.memory_space<vmem>>
    %dma_start3A_875 = tpu.memref_squeeze %dma_start3A_874 : memref<1x64x128xf32, #tpu.memory_space<vmem>> -> memref<64x128xf32, #tpu.memory_space<vmem>>
    %dma_start3A_876 = arith.constant 0 : i32
    %dma_start3A_877 = tpu.memref_slice %arg7[%add3A_834, %dma_start3A_876] : memref<16384x128xf32, #tpu.memory_space<hbm>> -> memref<64x128xf32, #tpu.memory_space<hbm>>
    %dma_start3A_878 = arith.constant 0 : i32
    %dma_start3A_879 = tpu.memref_slice %arg7[%add3A_834, %dma_start3A_878] : memref<16384x128xf32, #tpu.memory_space<hbm>> -> memref<64x128xf32, #tpu.memory_space<hbm>>
    %dma_start3A_880 = arith.constant 0 : i32
    %dma_start3A_881 = arith.constant 0 : i32
    %dma_start3A_882 = tpu.memref_slice %arg12[%dma_start3A_871, %dma_start3A_880, %dma_start3A_881] : memref<2x64x128xf32, #tpu.memory_space<vmem>> -> memref<1x64x128xf32, #tpu.memory_space<vmem>>
    %dma_start3A_883 = tpu.memref_squeeze %dma_start3A_882 : memref<1x64x128xf32, #tpu.memory_space<vmem>> -> memref<64x128xf32, #tpu.memory_space<vmem>>
    tpu.enqueue_dma source(%dma_start3A_883 : memref<64x128xf32, #tpu.memory_space<vmem>>) target(%dma_start3A_879 : memref<64x128xf32, #tpu.memory_space<hbm>>) target_semaphore(%arg16 : memref<!tpu.dma_semaphore, #tpu.memory_space<semaphore_mem>>)
    %dma_start3A_884 = arith.constant 1 : i32
    %dma_start3A_885 = arith.constant 0 : i32
    %dma_start3A_886 = arith.constant 0 : i32
    %dma_start3A_887 = tpu.memref_slice %arg13[%dma_start3A_884, %dma_start3A_885, %dma_start3A_886] : memref<2x64x128xf32, #tpu.memory_space<vmem>> -> memref<1x64x128xf32, #tpu.memory_space<vmem>>
    %dma_start3A_888 = tpu.memref_squeeze %dma_start3A_887 : memref<1x64x128xf32, #tpu.memory_space<vmem>> -> memref<64x128xf32, #tpu.memory_space<vmem>>
    %dma_start3A_889 = arith.constant 0 : i32
    %dma_start3A_890 = tpu.memref_slice %arg8[%add3A_834, %dma_start3A_889] : memref<16384x128xf32, #tpu.memory_space<hbm>> -> memref<64x128xf32, #tpu.memory_space<hbm>>
    %dma_start3A_891 = arith.constant 0 : i32
    %dma_start3A_892 = tpu.memref_slice %arg8[%add3A_834, %dma_start3A_891] : memref<16384x128xf32, #tpu.memory_space<hbm>> -> memref<64x128xf32, #tpu.memory_space<hbm>>
    %dma_start3A_893 = arith.constant 0 : i32
    %dma_start3A_894 = arith.constant 0 : i32
    %dma_start3A_895 = tpu.memref_slice %arg13[%dma_start3A_884, %dma_start3A_893, %dma_start3A_894] : memref<2x64x128xf32, #tpu.memory_space<vmem>> -> memref<1x64x128xf32, #tpu.memory_space<vmem>>
    %dma_start3A_896 = tpu.memref_squeeze %dma_start3A_895 : memref<1x64x128xf32, #tpu.memory_space<vmem>> -> memref<64x128xf32, #tpu.memory_space<vmem>>
    tpu.enqueue_dma source(%dma_start3A_896 : memref<64x128xf32, #tpu.memory_space<vmem>>) target(%dma_start3A_892 : memref<64x128xf32, #tpu.memory_space<hbm>>) target_semaphore(%arg16 : memref<!tpu.dma_semaphore, #tpu.memory_space<semaphore_mem>>)
    %dma_start3A_897 = arith.constant 1 : i32
    %dma_start3A_898 = arith.constant 0 : i32
    %dma_start3A_899 = arith.constant 0 : i32
    %dma_start3A_900 = tpu.memref_slice %arg14[%dma_start3A_897, %dma_start3A_898, %dma_start3A_899] : memref<2x64x128xf32, #tpu.memory_space<vmem>> -> memref<1x64x128xf32, #tpu.memory_space<vmem>>
    %dma_start3A_901 = tpu.memref_squeeze %dma_start3A_900 : memref<1x64x128xf32, #tpu.memory_space<vmem>> -> memref<64x128xf32, #tpu.memory_space<vmem>>
    %dma_start3A_902 = arith.constant 0 : i32
    %dma_start3A_903 = tpu.memref_slice %arg9[%add3A_834, %dma_start3A_902] : memref<16384x128xf32, #tpu.memory_space<hbm>> -> memref<64x128xf32, #tpu.memory_space<hbm>>
    %dma_start3A_904 = arith.constant 0 : i32
    %dma_start3A_905 = tpu.memref_slice %arg9[%add3A_834, %dma_start3A_904] : memref<16384x128xf32, #tpu.memory_space<hbm>> -> memref<64x128xf32, #tpu.memory_space<hbm>>
    %dma_start3A_906 = arith.constant 0 : i32
    %dma_start3A_907 = arith.constant 0 : i32
    %dma_start3A_908 = tpu.memref_slice %arg14[%dma_start3A_897, %dma_start3A_906, %dma_start3A_907] : memref<2x64x128xf32, #tpu.memory_space<vmem>> -> memref<1x64x128xf32, #tpu.memory_space<vmem>>
    %dma_start3A_909 = tpu.memref_squeeze %dma_start3A_908 : memref<1x64x128xf32, #tpu.memory_space<vmem>> -> memref<64x128xf32, #tpu.memory_space<vmem>>
    tpu.enqueue_dma source(%dma_start3A_909 : memref<64x128xf32, #tpu.memory_space<vmem>>) target(%dma_start3A_905 : memref<64x128xf32, #tpu.memory_space<hbm>>) target_semaphore(%arg16 : memref<!tpu.dma_semaphore, #tpu.memory_space<semaphore_mem>>)
    %dma_wait3A_910 = arith.constant 1 : i32
    %dma_wait3A_911 = arith.constant 0 : i32
    %dma_wait3A_912 = arith.constant 0 : i32
    %dma_wait3A_913 = tpu.memref_slice %arg12[%dma_wait3A_910, %dma_wait3A_911, %dma_wait3A_912] : memref<2x64x128xf32, #tpu.memory_space<vmem>> -> memref<1x64x128xf32, #tpu.memory_space<vmem>>
    %dma_wait3A_914 = tpu.memref_squeeze %dma_wait3A_913 : memref<1x64x128xf32, #tpu.memory_space<vmem>> -> memref<64x128xf32, #tpu.memory_space<vmem>>
    %dma_wait3A_915 = arith.constant 0 : i32
    %dma_wait3A_916 = tpu.memref_slice %arg7[%add3A_834, %dma_wait3A_915] : memref<16384x128xf32, #tpu.memory_space<hbm>> -> memref<64x128xf32, #tpu.memory_space<hbm>>
    %dma_wait3A_917 = arith.constant 0 : i32
    %dma_wait3A_918 = tpu.memref_slice %arg7[%add3A_834, %dma_wait3A_917] : memref<16384x128xf32, #tpu.memory_space<hbm>> -> memref<64x128xf32, #tpu.memory_space<hbm>>
    %dma_wait3A_919 = arith.constant 0 : i32
    %dma_wait3A_920 = arith.constant 0 : i32
    %dma_wait3A_921 = tpu.memref_slice %arg12[%dma_wait3A_910, %dma_wait3A_919, %dma_wait3A_920] : memref<2x64x128xf32, #tpu.memory_space<vmem>> -> memref<1x64x128xf32, #tpu.memory_space<vmem>>
    %dma_wait3A_922 = tpu.memref_squeeze %dma_wait3A_921 : memref<1x64x128xf32, #tpu.memory_space<vmem>> -> memref<64x128xf32, #tpu.memory_space<vmem>>
    tpu.wait_dma2 semaphore(%arg16 : memref<!tpu.dma_semaphore, #tpu.memory_space<semaphore_mem>>) src(%dma_wait3A_922 : memref<64x128xf32, #tpu.memory_space<vmem>>) dst(%dma_wait3A_918 : memref<64x128xf32, #tpu.memory_space<hbm>>)
    %dma_wait3A_923 = arith.constant 1 : i32
    %dma_wait3A_924 = arith.constant 0 : i32
    %dma_wait3A_925 = arith.constant 0 : i32
    %dma_wait3A_926 = tpu.memref_slice %arg13[%dma_wait3A_923, %dma_wait3A_924, %dma_wait3A_925] : memref<2x64x128xf32, #tpu.memory_space<vmem>> -> memref<1x64x128xf32, #tpu.memory_space<vmem>>
    %dma_wait3A_927 = tpu.memref_squeeze %dma_wait3A_926 : memref<1x64x128xf32, #tpu.memory_space<vmem>> -> memref<64x128xf32, #tpu.memory_space<vmem>>
    %dma_wait3A_928 = arith.constant 0 : i32
    %dma_wait3A_929 = tpu.memref_slice %arg8[%add3A_834, %dma_wait3A_928] : memref<16384x128xf32, #tpu.memory_space<hbm>> -> memref<64x128xf32, #tpu.memory_space<hbm>>
    %dma_wait3A_930 = arith.constant 0 : i32
    %dma_wait3A_931 = tpu.memref_slice %arg8[%add3A_834, %dma_wait3A_930] : memref<16384x128xf32, #tpu.memory_space<hbm>> -> memref<64x128xf32, #tpu.memory_space<hbm>>
    %dma_wait3A_932 = arith.constant 0 : i32
    %dma_wait3A_933 = arith.constant 0 : i32
    %dma_wait3A_934 = tpu.memref_slice %arg13[%dma_wait3A_923, %dma_wait3A_932, %dma_wait3A_933] : memref<2x64x128xf32, #tpu.memory_space<vmem>> -> memref<1x64x128xf32, #tpu.memory_space<vmem>>
    %dma_wait3A_935 = tpu.memref_squeeze %dma_wait3A_934 : memref<1x64x128xf32, #tpu.memory_space<vmem>> -> memref<64x128xf32, #tpu.memory_space<vmem>>
    tpu.wait_dma2 semaphore(%arg16 : memref<!tpu.dma_semaphore, #tpu.memory_space<semaphore_mem>>) src(%dma_wait3A_935 : memref<64x128xf32, #tpu.memory_space<vmem>>) dst(%dma_wait3A_931 : memref<64x128xf32, #tpu.memory_space<hbm>>)
    %dma_wait3A_936 = arith.constant 1 : i32
    %dma_wait3A_937 = arith.constant 0 : i32
    %dma_wait3A_938 = arith.constant 0 : i32
    %dma_wait3A_939 = tpu.memref_slice %arg14[%dma_wait3A_936, %dma_wait3A_937, %dma_wait3A_938] : memref<2x64x128xf32, #tpu.memory_space<vmem>> -> memref<1x64x128xf32, #tpu.memory_space<vmem>>
    %dma_wait3A_940 = tpu.memref_squeeze %dma_wait3A_939 : memref<1x64x128xf32, #tpu.memory_space<vmem>> -> memref<64x128xf32, #tpu.memory_space<vmem>>
    %dma_wait3A_941 = arith.constant 0 : i32
    %dma_wait3A_942 = tpu.memref_slice %arg9[%add3A_834, %dma_wait3A_941] : memref<16384x128xf32, #tpu.memory_space<hbm>> -> memref<64x128xf32, #tpu.memory_space<hbm>>
    %dma_wait3A_943 = arith.constant 0 : i32
    %dma_wait3A_944 = tpu.memref_slice %arg9[%add3A_834, %dma_wait3A_943] : memref<16384x128xf32, #tpu.memory_space<hbm>> -> memref<64x128xf32, #tpu.memory_space<hbm>>
    %dma_wait3A_945 = arith.constant 0 : i32
    %dma_wait3A_946 = arith.constant 0 : i32
    %dma_wait3A_947 = tpu.memref_slice %arg14[%dma_wait3A_936, %dma_wait3A_945, %dma_wait3A_946] : memref<2x64x128xf32, #tpu.memory_space<vmem>> -> memref<1x64x128xf32, #tpu.memory_space<vmem>>
    %dma_wait3A_948 = tpu.memref_squeeze %dma_wait3A_947 : memref<1x64x128xf32, #tpu.memory_space<vmem>> -> memref<64x128xf32, #tpu.memory_space<vmem>>
    tpu.wait_dma2 semaphore(%arg16 : memref<!tpu.dma_semaphore, #tpu.memory_space<semaphore_mem>>) src(%dma_wait3A_948 : memref<64x128xf32, #tpu.memory_space<vmem>>) dst(%dma_wait3A_944 : memref<64x128xf32, #tpu.memory_space<hbm>>)
    %dma_start3A_949 = arith.constant 7 : i32
    %dma_start3A_950 = arith.constant 1 : i32
    %dma_start3A_951 = arith.constant 0 : i32
    %dma_start3A_952 = arith.constant 0 : i32
    %dma_start3A_953 = tpu.memref_slice %arg12[%dma_start3A_950, %dma_start3A_951, %dma_start3A_952] : memref<2x64x128xf32, #tpu.memory_space<vmem>> -> memref<1x64x128xf32, #tpu.memory_space<vmem>>
    %dma_start3A_954 = tpu.memref_squeeze %dma_start3A_953 : memref<1x64x128xf32, #tpu.memory_space<vmem>> -> memref<64x128xf32, #tpu.memory_space<vmem>>
    %dma_start3A_955 = arith.constant 0 : i32
    %dma_start3A_956 = tpu.memref_slice %arg10[%dma_start3A_949, %dma_start3A_955] : memref<8x64xi32, #tpu.memory_space<vmem>> -> memref<1x64xi32, #tpu.memory_space<vmem>>
    %dma_start3A_957 = tpu.memref_squeeze %dma_start3A_956 : memref<1x64xi32, #tpu.memory_space<vmem>> -> memref<64xi32, #tpu.memory_space<vmem>>
    %dma_start3A_958 = arith.constant 0 : i32
    %dma_start3A_959 = arith.constant 0 : i32
    %dma_start3A_960 = tpu.memref_slice %arg4[%dma_start3A_958, %dma_start3A_959] : memref<501760x128xf32, #tpu.memory_space<hbm>> -> memref<501760x128xf32, #tpu.memory_space<hbm>>
    tpu.enqueue_indirect_dma source(%dma_start3A_960 : memref<501760x128xf32, #tpu.memory_space<hbm>>) target(%dma_start3A_954 : memref<64x128xf32, #tpu.memory_space<vmem>>) offsets(%dma_start3A_957 : memref<64xi32, #tpu.memory_space<vmem>>) semaphore(%arg15 : memref<!tpu.dma_semaphore, #tpu.memory_space<semaphore_mem>>)
    %dma_start3A_961 = arith.constant 7 : i32
    %dma_start3A_962 = arith.constant 1 : i32
    %dma_start3A_963 = arith.constant 0 : i32
    %dma_start3A_964 = arith.constant 0 : i32
    %dma_start3A_965 = tpu.memref_slice %arg13[%dma_start3A_962, %dma_start3A_963, %dma_start3A_964] : memref<2x64x128xf32, #tpu.memory_space<vmem>> -> memref<1x64x128xf32, #tpu.memory_space<vmem>>
    %dma_start3A_966 = tpu.memref_squeeze %dma_start3A_965 : memref<1x64x128xf32, #tpu.memory_space<vmem>> -> memref<64x128xf32, #tpu.memory_space<vmem>>
    %dma_start3A_967 = arith.constant 0 : i32
    %dma_start3A_968 = tpu.memref_slice %arg11[%dma_start3A_961, %dma_start3A_967] : memref<8x64xi32, #tpu.memory_space<vmem>> -> memref<1x64xi32, #tpu.memory_space<vmem>>
    %dma_start3A_969 = tpu.memref_squeeze %dma_start3A_968 : memref<1x64xi32, #tpu.memory_space<vmem>> -> memref<64xi32, #tpu.memory_space<vmem>>
    %dma_start3A_970 = arith.constant 0 : i32
    %dma_start3A_971 = arith.constant 0 : i32
    %dma_start3A_972 = tpu.memref_slice %arg5[%dma_start3A_970, %dma_start3A_971] : memref<51200x128xf32, #tpu.memory_space<hbm>> -> memref<51200x128xf32, #tpu.memory_space<hbm>>
    tpu.enqueue_indirect_dma source(%dma_start3A_972 : memref<51200x128xf32, #tpu.memory_space<hbm>>) target(%dma_start3A_966 : memref<64x128xf32, #tpu.memory_space<vmem>>) offsets(%dma_start3A_969 : memref<64xi32, #tpu.memory_space<vmem>>) semaphore(%arg15 : memref<!tpu.dma_semaphore, #tpu.memory_space<semaphore_mem>>)
    %dma_start3A_973 = arith.constant 7 : i32
    %dma_start3A_974 = arith.constant 1 : i32
    %dma_start3A_975 = arith.constant 0 : i32
    %dma_start3A_976 = arith.constant 0 : i32
    %dma_start3A_977 = tpu.memref_slice %arg14[%dma_start3A_974, %dma_start3A_975, %dma_start3A_976] : memref<2x64x128xf32, #tpu.memory_space<vmem>> -> memref<1x64x128xf32, #tpu.memory_space<vmem>>
    %dma_start3A_978 = tpu.memref_squeeze %dma_start3A_977 : memref<1x64x128xf32, #tpu.memory_space<vmem>> -> memref<64x128xf32, #tpu.memory_space<vmem>>
    %dma_start3A_979 = arith.constant 0 : i32
    %dma_start3A_980 = tpu.memref_slice %arg11[%dma_start3A_973, %dma_start3A_979] : memref<8x64xi32, #tpu.memory_space<vmem>> -> memref<1x64xi32, #tpu.memory_space<vmem>>
    %dma_start3A_981 = tpu.memref_squeeze %dma_start3A_980 : memref<1x64xi32, #tpu.memory_space<vmem>> -> memref<64xi32, #tpu.memory_space<vmem>>
    %dma_start3A_982 = arith.constant 0 : i32
    %dma_start3A_983 = arith.constant 0 : i32
    %dma_start3A_984 = tpu.memref_slice %arg6[%dma_start3A_982, %dma_start3A_983] : memref<51200x128xf32, #tpu.memory_space<hbm>> -> memref<51200x128xf32, #tpu.memory_space<hbm>>
    tpu.enqueue_indirect_dma source(%dma_start3A_984 : memref<51200x128xf32, #tpu.memory_space<hbm>>) target(%dma_start3A_978 : memref<64x128xf32, #tpu.memory_space<vmem>>) offsets(%dma_start3A_981 : memref<64xi32, #tpu.memory_space<vmem>>) semaphore(%arg15 : memref<!tpu.dma_semaphore, #tpu.memory_space<semaphore_mem>>)
    %add3A_985 = arith.constant 384 : i32
    %add3A_986 = arith.addi %mul3A_2, %add3A_985 : i32
    %dma_wait3A_987 = arith.constant 6 : i32
    %dma_wait3A_988 = arith.constant 0 : i32
    %dma_wait3A_989 = arith.constant 0 : i32
    %dma_wait3A_990 = arith.constant 0 : i32
    %dma_wait3A_991 = tpu.memref_slice %arg12[%dma_wait3A_988, %dma_wait3A_989, %dma_wait3A_990] : memref<2x64x128xf32, #tpu.memory_space<vmem>> -> memref<1x64x128xf32, #tpu.memory_space<vmem>>
    %dma_wait3A_992 = tpu.memref_squeeze %dma_wait3A_991 : memref<1x64x128xf32, #tpu.memory_space<vmem>> -> memref<64x128xf32, #tpu.memory_space<vmem>>
    %dma_wait3A_993 = arith.constant 0 : i32
    %dma_wait3A_994 = tpu.memref_slice %arg10[%dma_wait3A_987, %dma_wait3A_993] : memref<8x64xi32, #tpu.memory_space<vmem>> -> memref<1x64xi32, #tpu.memory_space<vmem>>
    %dma_wait3A_995 = tpu.memref_squeeze %dma_wait3A_994 : memref<1x64xi32, #tpu.memory_space<vmem>> -> memref<64xi32, #tpu.memory_space<vmem>>
    %dma_wait3A_996 = arith.constant 0 : i32
    %dma_wait3A_997 = arith.constant 0 : i32
    %dma_wait3A_998 = tpu.memref_slice %arg4[%dma_wait3A_996, %dma_wait3A_997] : memref<501760x128xf32, #tpu.memory_space<hbm>> -> memref<501760x128xf32, #tpu.memory_space<hbm>>
    tpu.wait_indirect_dma semaphore(%arg15 : memref<!tpu.dma_semaphore, #tpu.memory_space<semaphore_mem>>) src(%dma_wait3A_998 : memref<501760x128xf32, #tpu.memory_space<hbm>>) dst(%dma_wait3A_992 : memref<64x128xf32, #tpu.memory_space<vmem>>)
    %dma_wait3A_999 = arith.constant 6 : i32
    %dma_wait3A_1000 = arith.constant 0 : i32
    %dma_wait3A_1001 = arith.constant 0 : i32
    %dma_wait3A_1002 = arith.constant 0 : i32
    %dma_wait3A_1003 = tpu.memref_slice %arg13[%dma_wait3A_1000, %dma_wait3A_1001, %dma_wait3A_1002] : memref<2x64x128xf32, #tpu.memory_space<vmem>> -> memref<1x64x128xf32, #tpu.memory_space<vmem>>
    %dma_wait3A_1004 = tpu.memref_squeeze %dma_wait3A_1003 : memref<1x64x128xf32, #tpu.memory_space<vmem>> -> memref<64x128xf32, #tpu.memory_space<vmem>>
    %dma_wait3A_1005 = arith.constant 0 : i32
    %dma_wait3A_1006 = tpu.memref_slice %arg11[%dma_wait3A_999, %dma_wait3A_1005] : memref<8x64xi32, #tpu.memory_space<vmem>> -> memref<1x64xi32, #tpu.memory_space<vmem>>
    %dma_wait3A_1007 = tpu.memref_squeeze %dma_wait3A_1006 : memref<1x64xi32, #tpu.memory_space<vmem>> -> memref<64xi32, #tpu.memory_space<vmem>>
    %dma_wait3A_1008 = arith.constant 0 : i32
    %dma_wait3A_1009 = arith.constant 0 : i32
    %dma_wait3A_1010 = tpu.memref_slice %arg5[%dma_wait3A_1008, %dma_wait3A_1009] : memref<51200x128xf32, #tpu.memory_space<hbm>> -> memref<51200x128xf32, #tpu.memory_space<hbm>>
    tpu.wait_indirect_dma semaphore(%arg15 : memref<!tpu.dma_semaphore, #tpu.memory_space<semaphore_mem>>) src(%dma_wait3A_1010 : memref<51200x128xf32, #tpu.memory_space<hbm>>) dst(%dma_wait3A_1004 : memref<64x128xf32, #tpu.memory_space<vmem>>)
    %dma_wait3A_1011 = arith.constant 6 : i32
    %dma_wait3A_1012 = arith.constant 0 : i32
    %dma_wait3A_1013 = arith.constant 0 : i32
    %dma_wait3A_1014 = arith.constant 0 : i32
    %dma_wait3A_1015 = tpu.memref_slice %arg14[%dma_wait3A_1012, %dma_wait3A_1013, %dma_wait3A_1014] : memref<2x64x128xf32, #tpu.memory_space<vmem>> -> memref<1x64x128xf32, #tpu.memory_space<vmem>>
    %dma_wait3A_1016 = tpu.memref_squeeze %dma_wait3A_1015 : memref<1x64x128xf32, #tpu.memory_space<vmem>> -> memref<64x128xf32, #tpu.memory_space<vmem>>
    %dma_wait3A_1017 = arith.constant 0 : i32
    %dma_wait3A_1018 = tpu.memref_slice %arg11[%dma_wait3A_1011, %dma_wait3A_1017] : memref<8x64xi32, #tpu.memory_space<vmem>> -> memref<1x64xi32, #tpu.memory_space<vmem>>
    %dma_wait3A_1019 = tpu.memref_squeeze %dma_wait3A_1018 : memref<1x64xi32, #tpu.memory_space<vmem>> -> memref<64xi32, #tpu.memory_space<vmem>>
    %dma_wait3A_1020 = arith.constant 0 : i32
    %dma_wait3A_1021 = arith.constant 0 : i32
    %dma_wait3A_1022 = tpu.memref_slice %arg6[%dma_wait3A_1020, %dma_wait3A_1021] : memref<51200x128xf32, #tpu.memory_space<hbm>> -> memref<51200x128xf32, #tpu.memory_space<hbm>>
    tpu.wait_indirect_dma semaphore(%arg15 : memref<!tpu.dma_semaphore, #tpu.memory_space<semaphore_mem>>) src(%dma_wait3A_1022 : memref<51200x128xf32, #tpu.memory_space<hbm>>) dst(%dma_wait3A_1016 : memref<64x128xf32, #tpu.memory_space<vmem>>)
    %dma_start3A_1023 = arith.constant 0 : i32
    %dma_start3A_1024 = arith.constant 0 : i32
    %dma_start3A_1025 = arith.constant 0 : i32
    %dma_start3A_1026 = tpu.memref_slice %arg12[%dma_start3A_1023, %dma_start3A_1024, %dma_start3A_1025] : memref<2x64x128xf32, #tpu.memory_space<vmem>> -> memref<1x64x128xf32, #tpu.memory_space<vmem>>
    %dma_start3A_1027 = tpu.memref_squeeze %dma_start3A_1026 : memref<1x64x128xf32, #tpu.memory_space<vmem>> -> memref<64x128xf32, #tpu.memory_space<vmem>>
    %dma_start3A_1028 = arith.constant 0 : i32
    %dma_start3A_1029 = tpu.memref_slice %arg7[%add3A_986, %dma_start3A_1028] : memref<16384x128xf32, #tpu.memory_space<hbm>> -> memref<64x128xf32, #tpu.memory_space<hbm>>
    %dma_start3A_1030 = arith.constant 0 : i32
    %dma_start3A_1031 = tpu.memref_slice %arg7[%add3A_986, %dma_start3A_1030] : memref<16384x128xf32, #tpu.memory_space<hbm>> -> memref<64x128xf32, #tpu.memory_space<hbm>>
    %dma_start3A_1032 = arith.constant 0 : i32
    %dma_start3A_1033 = arith.constant 0 : i32
    %dma_start3A_1034 = tpu.memref_slice %arg12[%dma_start3A_1023, %dma_start3A_1032, %dma_start3A_1033] : memref<2x64x128xf32, #tpu.memory_space<vmem>> -> memref<1x64x128xf32, #tpu.memory_space<vmem>>
    %dma_start3A_1035 = tpu.memref_squeeze %dma_start3A_1034 : memref<1x64x128xf32, #tpu.memory_space<vmem>> -> memref<64x128xf32, #tpu.memory_space<vmem>>
    tpu.enqueue_dma source(%dma_start3A_1035 : memref<64x128xf32, #tpu.memory_space<vmem>>) target(%dma_start3A_1031 : memref<64x128xf32, #tpu.memory_space<hbm>>) target_semaphore(%arg16 : memref<!tpu.dma_semaphore, #tpu.memory_space<semaphore_mem>>)
    %dma_start3A_1036 = arith.constant 0 : i32
    %dma_start3A_1037 = arith.constant 0 : i32
    %dma_start3A_1038 = arith.constant 0 : i32
    %dma_start3A_1039 = tpu.memref_slice %arg13[%dma_start3A_1036, %dma_start3A_1037, %dma_start3A_1038] : memref<2x64x128xf32, #tpu.memory_space<vmem>> -> memref<1x64x128xf32, #tpu.memory_space<vmem>>
    %dma_start3A_1040 = tpu.memref_squeeze %dma_start3A_1039 : memref<1x64x128xf32, #tpu.memory_space<vmem>> -> memref<64x128xf32, #tpu.memory_space<vmem>>
    %dma_start3A_1041 = arith.constant 0 : i32
    %dma_start3A_1042 = tpu.memref_slice %arg8[%add3A_986, %dma_start3A_1041] : memref<16384x128xf32, #tpu.memory_space<hbm>> -> memref<64x128xf32, #tpu.memory_space<hbm>>
    %dma_start3A_1043 = arith.constant 0 : i32
    %dma_start3A_1044 = tpu.memref_slice %arg8[%add3A_986, %dma_start3A_1043] : memref<16384x128xf32, #tpu.memory_space<hbm>> -> memref<64x128xf32, #tpu.memory_space<hbm>>
    %dma_start3A_1045 = arith.constant 0 : i32
    %dma_start3A_1046 = arith.constant 0 : i32
    %dma_start3A_1047 = tpu.memref_slice %arg13[%dma_start3A_1036, %dma_start3A_1045, %dma_start3A_1046] : memref<2x64x128xf32, #tpu.memory_space<vmem>> -> memref<1x64x128xf32, #tpu.memory_space<vmem>>
    %dma_start3A_1048 = tpu.memref_squeeze %dma_start3A_1047 : memref<1x64x128xf32, #tpu.memory_space<vmem>> -> memref<64x128xf32, #tpu.memory_space<vmem>>
    tpu.enqueue_dma source(%dma_start3A_1048 : memref<64x128xf32, #tpu.memory_space<vmem>>) target(%dma_start3A_1044 : memref<64x128xf32, #tpu.memory_space<hbm>>) target_semaphore(%arg16 : memref<!tpu.dma_semaphore, #tpu.memory_space<semaphore_mem>>)
    %dma_start3A_1049 = arith.constant 0 : i32
    %dma_start3A_1050 = arith.constant 0 : i32
    %dma_start3A_1051 = arith.constant 0 : i32
    %dma_start3A_1052 = tpu.memref_slice %arg14[%dma_start3A_1049, %dma_start3A_1050, %dma_start3A_1051] : memref<2x64x128xf32, #tpu.memory_space<vmem>> -> memref<1x64x128xf32, #tpu.memory_space<vmem>>
    %dma_start3A_1053 = tpu.memref_squeeze %dma_start3A_1052 : memref<1x64x128xf32, #tpu.memory_space<vmem>> -> memref<64x128xf32, #tpu.memory_space<vmem>>
    %dma_start3A_1054 = arith.constant 0 : i32
    %dma_start3A_1055 = tpu.memref_slice %arg9[%add3A_986, %dma_start3A_1054] : memref<16384x128xf32, #tpu.memory_space<hbm>> -> memref<64x128xf32, #tpu.memory_space<hbm>>
    %dma_start3A_1056 = arith.constant 0 : i32
    %dma_start3A_1057 = tpu.memref_slice %arg9[%add3A_986, %dma_start3A_1056] : memref<16384x128xf32, #tpu.memory_space<hbm>> -> memref<64x128xf32, #tpu.memory_space<hbm>>
    %dma_start3A_1058 = arith.constant 0 : i32
    %dma_start3A_1059 = arith.constant 0 : i32
    %dma_start3A_1060 = tpu.memref_slice %arg14[%dma_start3A_1049, %dma_start3A_1058, %dma_start3A_1059] : memref<2x64x128xf32, #tpu.memory_space<vmem>> -> memref<1x64x128xf32, #tpu.memory_space<vmem>>
    %dma_start3A_1061 = tpu.memref_squeeze %dma_start3A_1060 : memref<1x64x128xf32, #tpu.memory_space<vmem>> -> memref<64x128xf32, #tpu.memory_space<vmem>>
    tpu.enqueue_dma source(%dma_start3A_1061 : memref<64x128xf32, #tpu.memory_space<vmem>>) target(%dma_start3A_1057 : memref<64x128xf32, #tpu.memory_space<hbm>>) target_semaphore(%arg16 : memref<!tpu.dma_semaphore, #tpu.memory_space<semaphore_mem>>)
    %add3A_1062 = arith.constant 448 : i32
    %add3A_1063 = arith.addi %mul3A_2, %add3A_1062 : i32
    %dma_wait3A_1064 = arith.constant 7 : i32
    %dma_wait3A_1065 = arith.constant 1 : i32
    %dma_wait3A_1066 = arith.constant 0 : i32
    %dma_wait3A_1067 = arith.constant 0 : i32
    %dma_wait3A_1068 = tpu.memref_slice %arg12[%dma_wait3A_1065, %dma_wait3A_1066, %dma_wait3A_1067] : memref<2x64x128xf32, #tpu.memory_space<vmem>> -> memref<1x64x128xf32, #tpu.memory_space<vmem>>
    %dma_wait3A_1069 = tpu.memref_squeeze %dma_wait3A_1068 : memref<1x64x128xf32, #tpu.memory_space<vmem>> -> memref<64x128xf32, #tpu.memory_space<vmem>>
    %dma_wait3A_1070 = arith.constant 0 : i32
    %dma_wait3A_1071 = tpu.memref_slice %arg10[%dma_wait3A_1064, %dma_wait3A_1070] : memref<8x64xi32, #tpu.memory_space<vmem>> -> memref<1x64xi32, #tpu.memory_space<vmem>>
    %dma_wait3A_1072 = tpu.memref_squeeze %dma_wait3A_1071 : memref<1x64xi32, #tpu.memory_space<vmem>> -> memref<64xi32, #tpu.memory_space<vmem>>
    %dma_wait3A_1073 = arith.constant 0 : i32
    %dma_wait3A_1074 = arith.constant 0 : i32
    %dma_wait3A_1075 = tpu.memref_slice %arg4[%dma_wait3A_1073, %dma_wait3A_1074] : memref<501760x128xf32, #tpu.memory_space<hbm>> -> memref<501760x128xf32, #tpu.memory_space<hbm>>
    tpu.wait_indirect_dma semaphore(%arg15 : memref<!tpu.dma_semaphore, #tpu.memory_space<semaphore_mem>>) src(%dma_wait3A_1075 : memref<501760x128xf32, #tpu.memory_space<hbm>>) dst(%dma_wait3A_1069 : memref<64x128xf32, #tpu.memory_space<vmem>>)
    %dma_wait3A_1076 = arith.constant 7 : i32
    %dma_wait3A_1077 = arith.constant 1 : i32
    %dma_wait3A_1078 = arith.constant 0 : i32
    %dma_wait3A_1079 = arith.constant 0 : i32
    %dma_wait3A_1080 = tpu.memref_slice %arg13[%dma_wait3A_1077, %dma_wait3A_1078, %dma_wait3A_1079] : memref<2x64x128xf32, #tpu.memory_space<vmem>> -> memref<1x64x128xf32, #tpu.memory_space<vmem>>
    %dma_wait3A_1081 = tpu.memref_squeeze %dma_wait3A_1080 : memref<1x64x128xf32, #tpu.memory_space<vmem>> -> memref<64x128xf32, #tpu.memory_space<vmem>>
    %dma_wait3A_1082 = arith.constant 0 : i32
    %dma_wait3A_1083 = tpu.memref_slice %arg11[%dma_wait3A_1076, %dma_wait3A_1082] : memref<8x64xi32, #tpu.memory_space<vmem>> -> memref<1x64xi32, #tpu.memory_space<vmem>>
    %dma_wait3A_1084 = tpu.memref_squeeze %dma_wait3A_1083 : memref<1x64xi32, #tpu.memory_space<vmem>> -> memref<64xi32, #tpu.memory_space<vmem>>
    %dma_wait3A_1085 = arith.constant 0 : i32
    %dma_wait3A_1086 = arith.constant 0 : i32
    %dma_wait3A_1087 = tpu.memref_slice %arg5[%dma_wait3A_1085, %dma_wait3A_1086] : memref<51200x128xf32, #tpu.memory_space<hbm>> -> memref<51200x128xf32, #tpu.memory_space<hbm>>
    tpu.wait_indirect_dma semaphore(%arg15 : memref<!tpu.dma_semaphore, #tpu.memory_space<semaphore_mem>>) src(%dma_wait3A_1087 : memref<51200x128xf32, #tpu.memory_space<hbm>>) dst(%dma_wait3A_1081 : memref<64x128xf32, #tpu.memory_space<vmem>>)
    %dma_wait3A_1088 = arith.constant 7 : i32
    %dma_wait3A_1089 = arith.constant 1 : i32
    %dma_wait3A_1090 = arith.constant 0 : i32
    %dma_wait3A_1091 = arith.constant 0 : i32
    %dma_wait3A_1092 = tpu.memref_slice %arg14[%dma_wait3A_1089, %dma_wait3A_1090, %dma_wait3A_1091] : memref<2x64x128xf32, #tpu.memory_space<vmem>> -> memref<1x64x128xf32, #tpu.memory_space<vmem>>
    %dma_wait3A_1093 = tpu.memref_squeeze %dma_wait3A_1092 : memref<1x64x128xf32, #tpu.memory_space<vmem>> -> memref<64x128xf32, #tpu.memory_space<vmem>>
    %dma_wait3A_1094 = arith.constant 0 : i32
    %dma_wait3A_1095 = tpu.memref_slice %arg11[%dma_wait3A_1088, %dma_wait3A_1094] : memref<8x64xi32, #tpu.memory_space<vmem>> -> memref<1x64xi32, #tpu.memory_space<vmem>>
    %dma_wait3A_1096 = tpu.memref_squeeze %dma_wait3A_1095 : memref<1x64xi32, #tpu.memory_space<vmem>> -> memref<64xi32, #tpu.memory_space<vmem>>
    %dma_wait3A_1097 = arith.constant 0 : i32
    %dma_wait3A_1098 = arith.constant 0 : i32
    %dma_wait3A_1099 = tpu.memref_slice %arg6[%dma_wait3A_1097, %dma_wait3A_1098] : memref<51200x128xf32, #tpu.memory_space<hbm>> -> memref<51200x128xf32, #tpu.memory_space<hbm>>
    tpu.wait_indirect_dma semaphore(%arg15 : memref<!tpu.dma_semaphore, #tpu.memory_space<semaphore_mem>>) src(%dma_wait3A_1099 : memref<51200x128xf32, #tpu.memory_space<hbm>>) dst(%dma_wait3A_1093 : memref<64x128xf32, #tpu.memory_space<vmem>>)
    %dma_start3A_1100 = arith.constant 1 : i32
    %dma_start3A_1101 = arith.constant 0 : i32
    %dma_start3A_1102 = arith.constant 0 : i32
    %dma_start3A_1103 = tpu.memref_slice %arg12[%dma_start3A_1100, %dma_start3A_1101, %dma_start3A_1102] : memref<2x64x128xf32, #tpu.memory_space<vmem>> -> memref<1x64x128xf32, #tpu.memory_space<vmem>>
    %dma_start3A_1104 = tpu.memref_squeeze %dma_start3A_1103 : memref<1x64x128xf32, #tpu.memory_space<vmem>> -> memref<64x128xf32, #tpu.memory_space<vmem>>
    %dma_start3A_1105 = arith.constant 0 : i32
    %dma_start3A_1106 = tpu.memref_slice %arg7[%add3A_1063, %dma_start3A_1105] : memref<16384x128xf32, #tpu.memory_space<hbm>> -> memref<64x128xf32, #tpu.memory_space<hbm>>
    %dma_start3A_1107 = arith.constant 0 : i32
    %dma_start3A_1108 = tpu.memref_slice %arg7[%add3A_1063, %dma_start3A_1107] : memref<16384x128xf32, #tpu.memory_space<hbm>> -> memref<64x128xf32, #tpu.memory_space<hbm>>
    %dma_start3A_1109 = arith.constant 0 : i32
    %dma_start3A_1110 = arith.constant 0 : i32
    %dma_start3A_1111 = tpu.memref_slice %arg12[%dma_start3A_1100, %dma_start3A_1109, %dma_start3A_1110] : memref<2x64x128xf32, #tpu.memory_space<vmem>> -> memref<1x64x128xf32, #tpu.memory_space<vmem>>
    %dma_start3A_1112 = tpu.memref_squeeze %dma_start3A_1111 : memref<1x64x128xf32, #tpu.memory_space<vmem>> -> memref<64x128xf32, #tpu.memory_space<vmem>>
    tpu.enqueue_dma source(%dma_start3A_1112 : memref<64x128xf32, #tpu.memory_space<vmem>>) target(%dma_start3A_1108 : memref<64x128xf32, #tpu.memory_space<hbm>>) target_semaphore(%arg16 : memref<!tpu.dma_semaphore, #tpu.memory_space<semaphore_mem>>)
    %dma_start3A_1113 = arith.constant 1 : i32
    %dma_start3A_1114 = arith.constant 0 : i32
    %dma_start3A_1115 = arith.constant 0 : i32
    %dma_start3A_1116 = tpu.memref_slice %arg13[%dma_start3A_1113, %dma_start3A_1114, %dma_start3A_1115] : memref<2x64x128xf32, #tpu.memory_space<vmem>> -> memref<1x64x128xf32, #tpu.memory_space<vmem>>
    %dma_start3A_1117 = tpu.memref_squeeze %dma_start3A_1116 : memref<1x64x128xf32, #tpu.memory_space<vmem>> -> memref<64x128xf32, #tpu.memory_space<vmem>>
    %dma_start3A_1118 = arith.constant 0 : i32
    %dma_start3A_1119 = tpu.memref_slice %arg8[%add3A_1063, %dma_start3A_1118] : memref<16384x128xf32, #tpu.memory_space<hbm>> -> memref<64x128xf32, #tpu.memory_space<hbm>>
    %dma_start3A_1120 = arith.constant 0 : i32
    %dma_start3A_1121 = tpu.memref_slice %arg8[%add3A_1063, %dma_start3A_1120] : memref<16384x128xf32, #tpu.memory_space<hbm>> -> memref<64x128xf32, #tpu.memory_space<hbm>>
    %dma_start3A_1122 = arith.constant 0 : i32
    %dma_start3A_1123 = arith.constant 0 : i32
    %dma_start3A_1124 = tpu.memref_slice %arg13[%dma_start3A_1113, %dma_start3A_1122, %dma_start3A_1123] : memref<2x64x128xf32, #tpu.memory_space<vmem>> -> memref<1x64x128xf32, #tpu.memory_space<vmem>>
    %dma_start3A_1125 = tpu.memref_squeeze %dma_start3A_1124 : memref<1x64x128xf32, #tpu.memory_space<vmem>> -> memref<64x128xf32, #tpu.memory_space<vmem>>
    tpu.enqueue_dma source(%dma_start3A_1125 : memref<64x128xf32, #tpu.memory_space<vmem>>) target(%dma_start3A_1121 : memref<64x128xf32, #tpu.memory_space<hbm>>) target_semaphore(%arg16 : memref<!tpu.dma_semaphore, #tpu.memory_space<semaphore_mem>>)
    %dma_start3A_1126 = arith.constant 1 : i32
    %dma_start3A_1127 = arith.constant 0 : i32
    %dma_start3A_1128 = arith.constant 0 : i32
    %dma_start3A_1129 = tpu.memref_slice %arg14[%dma_start3A_1126, %dma_start3A_1127, %dma_start3A_1128] : memref<2x64x128xf32, #tpu.memory_space<vmem>> -> memref<1x64x128xf32, #tpu.memory_space<vmem>>
    %dma_start3A_1130 = tpu.memref_squeeze %dma_start3A_1129 : memref<1x64x128xf32, #tpu.memory_space<vmem>> -> memref<64x128xf32, #tpu.memory_space<vmem>>
    %dma_start3A_1131 = arith.constant 0 : i32
    %dma_start3A_1132 = tpu.memref_slice %arg9[%add3A_1063, %dma_start3A_1131] : memref<16384x128xf32, #tpu.memory_space<hbm>> -> memref<64x128xf32, #tpu.memory_space<hbm>>
    %dma_start3A_1133 = arith.constant 0 : i32
    %dma_start3A_1134 = tpu.memref_slice %arg9[%add3A_1063, %dma_start3A_1133] : memref<16384x128xf32, #tpu.memory_space<hbm>> -> memref<64x128xf32, #tpu.memory_space<hbm>>
    %dma_start3A_1135 = arith.constant 0 : i32
    %dma_start3A_1136 = arith.constant 0 : i32
    %dma_start3A_1137 = tpu.memref_slice %arg14[%dma_start3A_1126, %dma_start3A_1135, %dma_start3A_1136] : memref<2x64x128xf32, #tpu.memory_space<vmem>> -> memref<1x64x128xf32, #tpu.memory_space<vmem>>
    %dma_start3A_1138 = tpu.memref_squeeze %dma_start3A_1137 : memref<1x64x128xf32, #tpu.memory_space<vmem>> -> memref<64x128xf32, #tpu.memory_space<vmem>>
    tpu.enqueue_dma source(%dma_start3A_1138 : memref<64x128xf32, #tpu.memory_space<vmem>>) target(%dma_start3A_1134 : memref<64x128xf32, #tpu.memory_space<hbm>>) target_semaphore(%arg16 : memref<!tpu.dma_semaphore, #tpu.memory_space<semaphore_mem>>)
    %dma_wait3A_1139 = arith.constant 0 : i32
    %dma_wait3A_1140 = arith.constant 0 : i32
    %dma_wait3A_1141 = arith.constant 0 : i32
    %dma_wait3A_1142 = tpu.memref_slice %arg12[%dma_wait3A_1139, %dma_wait3A_1140, %dma_wait3A_1141] : memref<2x64x128xf32, #tpu.memory_space<vmem>> -> memref<1x64x128xf32, #tpu.memory_space<vmem>>
    %dma_wait3A_1143 = tpu.memref_squeeze %dma_wait3A_1142 : memref<1x64x128xf32, #tpu.memory_space<vmem>> -> memref<64x128xf32, #tpu.memory_space<vmem>>
    %dma_wait3A_1144 = arith.constant 0 : i32
    %dma_wait3A_1145 = tpu.memref_slice %arg7[%add3A_986, %dma_wait3A_1144] : memref<16384x128xf32, #tpu.memory_space<hbm>> -> memref<64x128xf32, #tpu.memory_space<hbm>>
    %dma_wait3A_1146 = arith.constant 0 : i32
    %dma_wait3A_1147 = tpu.memref_slice %arg7[%add3A_986, %dma_wait3A_1146] : memref<16384x128xf32, #tpu.memory_space<hbm>> -> memref<64x128xf32, #tpu.memory_space<hbm>>
    %dma_wait3A_1148 = arith.constant 0 : i32
    %dma_wait3A_1149 = arith.constant 0 : i32
    %dma_wait3A_1150 = tpu.memref_slice %arg12[%dma_wait3A_1139, %dma_wait3A_1148, %dma_wait3A_1149] : memref<2x64x128xf32, #tpu.memory_space<vmem>> -> memref<1x64x128xf32, #tpu.memory_space<vmem>>
    %dma_wait3A_1151 = tpu.memref_squeeze %dma_wait3A_1150 : memref<1x64x128xf32, #tpu.memory_space<vmem>> -> memref<64x128xf32, #tpu.memory_space<vmem>>
    tpu.wait_dma2 semaphore(%arg16 : memref<!tpu.dma_semaphore, #tpu.memory_space<semaphore_mem>>) src(%dma_wait3A_1151 : memref<64x128xf32, #tpu.memory_space<vmem>>) dst(%dma_wait3A_1147 : memref<64x128xf32, #tpu.memory_space<hbm>>)
    %dma_wait3A_1152 = arith.constant 0 : i32
    %dma_wait3A_1153 = arith.constant 0 : i32
    %dma_wait3A_1154 = arith.constant 0 : i32
    %dma_wait3A_1155 = tpu.memref_slice %arg13[%dma_wait3A_1152, %dma_wait3A_1153, %dma_wait3A_1154] : memref<2x64x128xf32, #tpu.memory_space<vmem>> -> memref<1x64x128xf32, #tpu.memory_space<vmem>>
    %dma_wait3A_1156 = tpu.memref_squeeze %dma_wait3A_1155 : memref<1x64x128xf32, #tpu.memory_space<vmem>> -> memref<64x128xf32, #tpu.memory_space<vmem>>
    %dma_wait3A_1157 = arith.constant 0 : i32
    %dma_wait3A_1158 = tpu.memref_slice %arg8[%add3A_986, %dma_wait3A_1157] : memref<16384x128xf32, #tpu.memory_space<hbm>> -> memref<64x128xf32, #tpu.memory_space<hbm>>
    %dma_wait3A_1159 = arith.constant 0 : i32
    %dma_wait3A_1160 = tpu.memref_slice %arg8[%add3A_986, %dma_wait3A_1159] : memref<16384x128xf32, #tpu.memory_space<hbm>> -> memref<64x128xf32, #tpu.memory_space<hbm>>
    %dma_wait3A_1161 = arith.constant 0 : i32
    %dma_wait3A_1162 = arith.constant 0 : i32
    %dma_wait3A_1163 = tpu.memref_slice %arg13[%dma_wait3A_1152, %dma_wait3A_1161, %dma_wait3A_1162] : memref<2x64x128xf32, #tpu.memory_space<vmem>> -> memref<1x64x128xf32, #tpu.memory_space<vmem>>
    %dma_wait3A_1164 = tpu.memref_squeeze %dma_wait3A_1163 : memref<1x64x128xf32, #tpu.memory_space<vmem>> -> memref<64x128xf32, #tpu.memory_space<vmem>>
    tpu.wait_dma2 semaphore(%arg16 : memref<!tpu.dma_semaphore, #tpu.memory_space<semaphore_mem>>) src(%dma_wait3A_1164 : memref<64x128xf32, #tpu.memory_space<vmem>>) dst(%dma_wait3A_1160 : memref<64x128xf32, #tpu.memory_space<hbm>>)
    %dma_wait3A_1165 = arith.constant 0 : i32
    %dma_wait3A_1166 = arith.constant 0 : i32
    %dma_wait3A_1167 = arith.constant 0 : i32
    %dma_wait3A_1168 = tpu.memref_slice %arg14[%dma_wait3A_1165, %dma_wait3A_1166, %dma_wait3A_1167] : memref<2x64x128xf32, #tpu.memory_space<vmem>> -> memref<1x64x128xf32, #tpu.memory_space<vmem>>
    %dma_wait3A_1169 = tpu.memref_squeeze %dma_wait3A_1168 : memref<1x64x128xf32, #tpu.memory_space<vmem>> -> memref<64x128xf32, #tpu.memory_space<vmem>>
    %dma_wait3A_1170 = arith.constant 0 : i32
    %dma_wait3A_1171 = tpu.memref_slice %arg9[%add3A_986, %dma_wait3A_1170] : memref<16384x128xf32, #tpu.memory_space<hbm>> -> memref<64x128xf32, #tpu.memory_space<hbm>>
    %dma_wait3A_1172 = arith.constant 0 : i32
    %dma_wait3A_1173 = tpu.memref_slice %arg9[%add3A_986, %dma_wait3A_1172] : memref<16384x128xf32, #tpu.memory_space<hbm>> -> memref<64x128xf32, #tpu.memory_space<hbm>>
    %dma_wait3A_1174 = arith.constant 0 : i32
    %dma_wait3A_1175 = arith.constant 0 : i32
    %dma_wait3A_1176 = tpu.memref_slice %arg14[%dma_wait3A_1165, %dma_wait3A_1174, %dma_wait3A_1175] : memref<2x64x128xf32, #tpu.memory_space<vmem>> -> memref<1x64x128xf32, #tpu.memory_space<vmem>>
    %dma_wait3A_1177 = tpu.memref_squeeze %dma_wait3A_1176 : memref<1x64x128xf32, #tpu.memory_space<vmem>> -> memref<64x128xf32, #tpu.memory_space<vmem>>
    tpu.wait_dma2 semaphore(%arg16 : memref<!tpu.dma_semaphore, #tpu.memory_space<semaphore_mem>>) src(%dma_wait3A_1177 : memref<64x128xf32, #tpu.memory_space<vmem>>) dst(%dma_wait3A_1173 : memref<64x128xf32, #tpu.memory_space<hbm>>)
    %dma_wait3A_1178 = arith.constant 1 : i32
    %dma_wait3A_1179 = arith.constant 0 : i32
    %dma_wait3A_1180 = arith.constant 0 : i32
    %dma_wait3A_1181 = tpu.memref_slice %arg12[%dma_wait3A_1178, %dma_wait3A_1179, %dma_wait3A_1180] : memref<2x64x128xf32, #tpu.memory_space<vmem>> -> memref<1x64x128xf32, #tpu.memory_space<vmem>>
    %dma_wait3A_1182 = tpu.memref_squeeze %dma_wait3A_1181 : memref<1x64x128xf32, #tpu.memory_space<vmem>> -> memref<64x128xf32, #tpu.memory_space<vmem>>
    %dma_wait3A_1183 = arith.constant 0 : i32
    %dma_wait3A_1184 = tpu.memref_slice %arg7[%add3A_1063, %dma_wait3A_1183] : memref<16384x128xf32, #tpu.memory_space<hbm>> -> memref<64x128xf32, #tpu.memory_space<hbm>>
    %dma_wait3A_1185 = arith.constant 0 : i32
    %dma_wait3A_1186 = tpu.memref_slice %arg7[%add3A_1063, %dma_wait3A_1185] : memref<16384x128xf32, #tpu.memory_space<hbm>> -> memref<64x128xf32, #tpu.memory_space<hbm>>
    %dma_wait3A_1187 = arith.constant 0 : i32
    %dma_wait3A_1188 = arith.constant 0 : i32
    %dma_wait3A_1189 = tpu.memref_slice %arg12[%dma_wait3A_1178, %dma_wait3A_1187, %dma_wait3A_1188] : memref<2x64x128xf32, #tpu.memory_space<vmem>> -> memref<1x64x128xf32, #tpu.memory_space<vmem>>
    %dma_wait3A_1190 = tpu.memref_squeeze %dma_wait3A_1189 : memref<1x64x128xf32, #tpu.memory_space<vmem>> -> memref<64x128xf32, #tpu.memory_space<vmem>>
    tpu.wait_dma2 semaphore(%arg16 : memref<!tpu.dma_semaphore, #tpu.memory_space<semaphore_mem>>) src(%dma_wait3A_1190 : memref<64x128xf32, #tpu.memory_space<vmem>>) dst(%dma_wait3A_1186 : memref<64x128xf32, #tpu.memory_space<hbm>>)
    %dma_wait3A_1191 = arith.constant 1 : i32
    %dma_wait3A_1192 = arith.constant 0 : i32
    %dma_wait3A_1193 = arith.constant 0 : i32
    %dma_wait3A_1194 = tpu.memref_slice %arg13[%dma_wait3A_1191, %dma_wait3A_1192, %dma_wait3A_1193] : memref<2x64x128xf32, #tpu.memory_space<vmem>> -> memref<1x64x128xf32, #tpu.memory_space<vmem>>
    %dma_wait3A_1195 = tpu.memref_squeeze %dma_wait3A_1194 : memref<1x64x128xf32, #tpu.memory_space<vmem>> -> memref<64x128xf32, #tpu.memory_space<vmem>>
    %dma_wait3A_1196 = arith.constant 0 : i32
    %dma_wait3A_1197 = tpu.memref_slice %arg8[%add3A_1063, %dma_wait3A_1196] : memref<16384x128xf32, #tpu.memory_space<hbm>> -> memref<64x128xf32, #tpu.memory_space<hbm>>
    %dma_wait3A_1198 = arith.constant 0 : i32
    %dma_wait3A_1199 = tpu.memref_slice %arg8[%add3A_1063, %dma_wait3A_1198] : memref<16384x128xf32, #tpu.memory_space<hbm>> -> memref<64x128xf32, #tpu.memory_space<hbm>>
    %dma_wait3A_1200 = arith.constant 0 : i32
    %dma_wait3A_1201 = arith.constant 0 : i32
    %dma_wait3A_1202 = tpu.memref_slice %arg13[%dma_wait3A_1191, %dma_wait3A_1200, %dma_wait3A_1201] : memref<2x64x128xf32, #tpu.memory_space<vmem>> -> memref<1x64x128xf32, #tpu.memory_space<vmem>>
    %dma_wait3A_1203 = tpu.memref_squeeze %dma_wait3A_1202 : memref<1x64x128xf32, #tpu.memory_space<vmem>> -> memref<64x128xf32, #tpu.memory_space<vmem>>
    tpu.wait_dma2 semaphore(%arg16 : memref<!tpu.dma_semaphore, #tpu.memory_space<semaphore_mem>>) src(%dma_wait3A_1203 : memref<64x128xf32, #tpu.memory_space<vmem>>) dst(%dma_wait3A_1199 : memref<64x128xf32, #tpu.memory_space<hbm>>)
    %dma_wait3A_1204 = arith.constant 1 : i32
    %dma_wait3A_1205 = arith.constant 0 : i32
    %dma_wait3A_1206 = arith.constant 0 : i32
    %dma_wait3A_1207 = tpu.memref_slice %arg14[%dma_wait3A_1204, %dma_wait3A_1205, %dma_wait3A_1206] : memref<2x64x128xf32, #tpu.memory_space<vmem>> -> memref<1x64x128xf32, #tpu.memory_space<vmem>>
    %dma_wait3A_1208 = tpu.memref_squeeze %dma_wait3A_1207 : memref<1x64x128xf32, #tpu.memory_space<vmem>> -> memref<64x128xf32, #tpu.memory_space<vmem>>
    %dma_wait3A_1209 = arith.constant 0 : i32
    %dma_wait3A_1210 = tpu.memref_slice %arg9[%add3A_1063, %dma_wait3A_1209] : memref<16384x128xf32, #tpu.memory_space<hbm>> -> memref<64x128xf32, #tpu.memory_space<hbm>>
    %dma_wait3A_1211 = arith.constant 0 : i32
    %dma_wait3A_1212 = tpu.memref_slice %arg9[%add3A_1063, %dma_wait3A_1211] : memref<16384x128xf32, #tpu.memory_space<hbm>> -> memref<64x128xf32, #tpu.memory_space<hbm>>
    %dma_wait3A_1213 = arith.constant 0 : i32
    %dma_wait3A_1214 = arith.constant 0 : i32
    %dma_wait3A_1215 = tpu.memref_slice %arg14[%dma_wait3A_1204, %dma_wait3A_1213, %dma_wait3A_1214] : memref<2x64x128xf32, #tpu.memory_space<vmem>> -> memref<1x64x128xf32, #tpu.memory_space<vmem>>
    %dma_wait3A_1216 = tpu.memref_squeeze %dma_wait3A_1215 : memref<1x64x128xf32, #tpu.memory_space<vmem>> -> memref<64x128xf32, #tpu.memory_space<vmem>>
    tpu.wait_dma2 semaphore(%arg16 : memref<!tpu.dma_semaphore, #tpu.memory_space<semaphore_mem>>) src(%dma_wait3A_1216 : memref<64x128xf32, #tpu.memory_space<vmem>>) dst(%dma_wait3A_1212 : memref<64x128xf32, #tpu.memory_space<hbm>>)
    return
  }
}

#map = affine_map<(d0, d1) -> (0, 0, 0)>
#map1 = affine_map<(d0, d1) -> (0, 0)>
module attributes {stable_mosaic.version = 14 : i64} {
  func.func @k(%arg0: i32, %arg1: i32, %arg2: memref<32x8x64xi32, #tpu.memory_space<hbm>>, %arg3: memref<100000x512xf32, #tpu.memory_space<hbm>>, %arg4: memref<16384x512xf32, #tpu.memory_space<hbm>>, %arg5: memref<8x64xi32, #tpu.memory_space<vmem>>, %arg6: memref<2x64x512xf32, #tpu.memory_space<vmem>>, %arg7: memref<!tpu.dma_semaphore, #tpu.memory_space<semaphore_mem>>, %arg8: memref<!tpu.dma_semaphore, #tpu.memory_space<semaphore_mem>>) attributes {dimension_semantics = [#tpu.dimension_semantics<core_parallel>, #tpu.dimension_semantics<subcore_parallel>], iteration_bounds = array<i64: 2, 16>, scalar_prefetch = 0 : i64, scratch_operands = 4 : i64, tpu.core_type = #tpu.core_type<sc_vector_subcore>, window_params = [{transform_indices = #map}, {transform_indices = #map1}, {transform_indices = #map1}]} {
    %mul3A = arith.constant 2 : i32
    %mul3A_0 = arith.muli %arg1, %mul3A : i32
    %add3A = arith.addi %mul3A_0, %arg0 : i32
    %mul3A_1 = arith.constant 512 : i32
    %mul3A_2 = arith.muli %add3A, %mul3A_1 : i32
    "tpu.region"() ({
      %run_scoped3A = tpu.sem_alloc : memref<!tpu.dma_semaphore, #tpu.memory_space<semaphore_mem>>
      %dma_start3A_417 = arith.constant 0 : i32
      %dma_start3A_418 = arith.constant 0 : i32
      %dma_start3A_419 = tpu.memref_slice %arg2[%add3A, %dma_start3A_417, %dma_start3A_418] : memref<32x8x64xi32, #tpu.memory_space<hbm>> -> memref<1x8x64xi32, #tpu.memory_space<hbm>>
      %dma_start3A_420 = tpu.memref_squeeze %dma_start3A_419 : memref<1x8x64xi32, #tpu.memory_space<hbm>> -> memref<8x64xi32, #tpu.memory_space<hbm>>
      %dma_start3A_421 = arith.constant 0 : i32
      %dma_start3A_422 = arith.constant 0 : i32
      %dma_start3A_423 = tpu.memref_slice %arg2[%add3A, %dma_start3A_421, %dma_start3A_422] : memref<32x8x64xi32, #tpu.memory_space<hbm>> -> memref<1x8x64xi32, #tpu.memory_space<hbm>>
      %dma_start3A_424 = tpu.memref_squeeze %dma_start3A_423 : memref<1x8x64xi32, #tpu.memory_space<hbm>> -> memref<8x64xi32, #tpu.memory_space<hbm>>
      tpu.enqueue_dma source(%dma_start3A_424 : memref<8x64xi32, #tpu.memory_space<hbm>>) target(%arg5 : memref<8x64xi32, #tpu.memory_space<vmem>>) target_semaphore(%run_scoped3A : memref<!tpu.dma_semaphore, #tpu.memory_space<semaphore_mem>>)
      %dma_wait3A_425 = arith.constant 0 : i32
      %dma_wait3A_426 = arith.constant 0 : i32
      %dma_wait3A_427 = tpu.memref_slice %arg2[%add3A, %dma_wait3A_425, %dma_wait3A_426] : memref<32x8x64xi32, #tpu.memory_space<hbm>> -> memref<1x8x64xi32, #tpu.memory_space<hbm>>
      %dma_wait3A_428 = tpu.memref_squeeze %dma_wait3A_427 : memref<1x8x64xi32, #tpu.memory_space<hbm>> -> memref<8x64xi32, #tpu.memory_space<hbm>>
      %dma_wait3A_429 = arith.constant 0 : i32
      %dma_wait3A_430 = arith.constant 0 : i32
      %dma_wait3A_431 = tpu.memref_slice %arg2[%add3A, %dma_wait3A_429, %dma_wait3A_430] : memref<32x8x64xi32, #tpu.memory_space<hbm>> -> memref<1x8x64xi32, #tpu.memory_space<hbm>>
      %dma_wait3A_432 = tpu.memref_squeeze %dma_wait3A_431 : memref<1x8x64xi32, #tpu.memory_space<hbm>> -> memref<8x64xi32, #tpu.memory_space<hbm>>
      tpu.wait_dma2 semaphore(%run_scoped3A : memref<!tpu.dma_semaphore, #tpu.memory_space<semaphore_mem>>) src(%dma_wait3A_432 : memref<8x64xi32, #tpu.memory_space<hbm>>) dst(%arg5 : memref<8x64xi32, #tpu.memory_space<vmem>>)
      tpu.yield
    }) : () -> ()
    %dma_start3A = arith.constant 0 : i32
    %dma_start3A_3 = arith.constant 0 : i32
    %dma_start3A_4 = arith.constant 0 : i32
    %dma_start3A_5 = arith.constant 0 : i32
    %dma_start3A_6 = tpu.memref_slice %arg6[%dma_start3A_3, %dma_start3A_4, %dma_start3A_5] : memref<2x64x512xf32, #tpu.memory_space<vmem>> -> memref<1x64x512xf32, #tpu.memory_space<vmem>>
    %dma_start3A_7 = tpu.memref_squeeze %dma_start3A_6 : memref<1x64x512xf32, #tpu.memory_space<vmem>> -> memref<64x512xf32, #tpu.memory_space<vmem>>
    %dma_start3A_8 = arith.constant 0 : i32
    %dma_start3A_9 = tpu.memref_slice %arg5[%dma_start3A, %dma_start3A_8] : memref<8x64xi32, #tpu.memory_space<vmem>> -> memref<1x64xi32, #tpu.memory_space<vmem>>
    %dma_start3A_10 = tpu.memref_squeeze %dma_start3A_9 : memref<1x64xi32, #tpu.memory_space<vmem>> -> memref<64xi32, #tpu.memory_space<vmem>>
    %dma_start3A_11 = arith.constant 0 : i32
    %dma_start3A_12 = arith.constant 0 : i32
    %dma_start3A_13 = tpu.memref_slice %arg3[%dma_start3A_11, %dma_start3A_12] : memref<100000x512xf32, #tpu.memory_space<hbm>> -> memref<100000x512xf32, #tpu.memory_space<hbm>>
    tpu.enqueue_indirect_dma source(%dma_start3A_13 : memref<100000x512xf32, #tpu.memory_space<hbm>>) target(%dma_start3A_7 : memref<64x512xf32, #tpu.memory_space<vmem>>) offsets(%dma_start3A_10 : memref<64xi32, #tpu.memory_space<vmem>>) semaphore(%arg7 : memref<!tpu.dma_semaphore, #tpu.memory_space<semaphore_mem>>)
    %dma_start3A_14 = arith.constant 1 : i32
    %dma_start3A_15 = arith.constant 1 : i32
    %dma_start3A_16 = arith.constant 0 : i32
    %dma_start3A_17 = arith.constant 0 : i32
    %dma_start3A_18 = tpu.memref_slice %arg6[%dma_start3A_15, %dma_start3A_16, %dma_start3A_17] : memref<2x64x512xf32, #tpu.memory_space<vmem>> -> memref<1x64x512xf32, #tpu.memory_space<vmem>>
    %dma_start3A_19 = tpu.memref_squeeze %dma_start3A_18 : memref<1x64x512xf32, #tpu.memory_space<vmem>> -> memref<64x512xf32, #tpu.memory_space<vmem>>
    %dma_start3A_20 = arith.constant 0 : i32
    %dma_start3A_21 = tpu.memref_slice %arg5[%dma_start3A_14, %dma_start3A_20] : memref<8x64xi32, #tpu.memory_space<vmem>> -> memref<1x64xi32, #tpu.memory_space<vmem>>
    %dma_start3A_22 = tpu.memref_squeeze %dma_start3A_21 : memref<1x64xi32, #tpu.memory_space<vmem>> -> memref<64xi32, #tpu.memory_space<vmem>>
    %dma_start3A_23 = arith.constant 0 : i32
    %dma_start3A_24 = arith.constant 0 : i32
    %dma_start3A_25 = tpu.memref_slice %arg3[%dma_start3A_23, %dma_start3A_24] : memref<100000x512xf32, #tpu.memory_space<hbm>> -> memref<100000x512xf32, #tpu.memory_space<hbm>>
    tpu.enqueue_indirect_dma source(%dma_start3A_25 : memref<100000x512xf32, #tpu.memory_space<hbm>>) target(%dma_start3A_19 : memref<64x512xf32, #tpu.memory_space<vmem>>) offsets(%dma_start3A_22 : memref<64xi32, #tpu.memory_space<vmem>>) semaphore(%arg7 : memref<!tpu.dma_semaphore, #tpu.memory_space<semaphore_mem>>)
    %dma_wait3A = arith.constant 0 : i32
    %dma_wait3A_26 = arith.constant 0 : i32
    %dma_wait3A_27 = arith.constant 0 : i32
    %dma_wait3A_28 = arith.constant 0 : i32
    %dma_wait3A_29 = tpu.memref_slice %arg6[%dma_wait3A_26, %dma_wait3A_27, %dma_wait3A_28] : memref<2x64x512xf32, #tpu.memory_space<vmem>> -> memref<1x64x512xf32, #tpu.memory_space<vmem>>
    %dma_wait3A_30 = tpu.memref_squeeze %dma_wait3A_29 : memref<1x64x512xf32, #tpu.memory_space<vmem>> -> memref<64x512xf32, #tpu.memory_space<vmem>>
    %dma_wait3A_31 = arith.constant 0 : i32
    %dma_wait3A_32 = tpu.memref_slice %arg5[%dma_wait3A, %dma_wait3A_31] : memref<8x64xi32, #tpu.memory_space<vmem>> -> memref<1x64xi32, #tpu.memory_space<vmem>>
    %dma_wait3A_33 = tpu.memref_squeeze %dma_wait3A_32 : memref<1x64xi32, #tpu.memory_space<vmem>> -> memref<64xi32, #tpu.memory_space<vmem>>
    %dma_wait3A_34 = arith.constant 0 : i32
    %dma_wait3A_35 = arith.constant 0 : i32
    %dma_wait3A_36 = tpu.memref_slice %arg3[%dma_wait3A_34, %dma_wait3A_35] : memref<100000x512xf32, #tpu.memory_space<hbm>> -> memref<100000x512xf32, #tpu.memory_space<hbm>>
    tpu.wait_indirect_dma semaphore(%arg7 : memref<!tpu.dma_semaphore, #tpu.memory_space<semaphore_mem>>) src(%dma_wait3A_36 : memref<100000x512xf32, #tpu.memory_space<hbm>>) dst(%dma_wait3A_30 : memref<64x512xf32, #tpu.memory_space<vmem>>)
    %add3A_37 = arith.constant 0 : i32
    %add3A_38 = arith.addi %mul3A_2, %add3A_37 : i32
    %dma_start3A_39 = arith.constant 0 : i32
    %dma_start3A_40 = arith.constant 0 : i32
    %dma_start3A_41 = arith.constant 0 : i32
    %dma_start3A_42 = tpu.memref_slice %arg6[%dma_start3A_39, %dma_start3A_40, %dma_start3A_41] : memref<2x64x512xf32, #tpu.memory_space<vmem>> -> memref<1x64x512xf32, #tpu.memory_space<vmem>>
    %dma_start3A_43 = tpu.memref_squeeze %dma_start3A_42 : memref<1x64x512xf32, #tpu.memory_space<vmem>> -> memref<64x512xf32, #tpu.memory_space<vmem>>
    %dma_start3A_44 = arith.constant 0 : i32
    %dma_start3A_45 = tpu.memref_slice %arg4[%add3A_38, %dma_start3A_44] : memref<16384x512xf32, #tpu.memory_space<hbm>> -> memref<64x512xf32, #tpu.memory_space<hbm>>
    %dma_start3A_46 = arith.constant 0 : i32
    %dma_start3A_47 = tpu.memref_slice %arg4[%add3A_38, %dma_start3A_46] : memref<16384x512xf32, #tpu.memory_space<hbm>> -> memref<64x512xf32, #tpu.memory_space<hbm>>
    %dma_start3A_48 = arith.constant 0 : i32
    %dma_start3A_49 = arith.constant 0 : i32
    %dma_start3A_50 = tpu.memref_slice %arg6[%dma_start3A_39, %dma_start3A_48, %dma_start3A_49] : memref<2x64x512xf32, #tpu.memory_space<vmem>> -> memref<1x64x512xf32, #tpu.memory_space<vmem>>
    %dma_start3A_51 = tpu.memref_squeeze %dma_start3A_50 : memref<1x64x512xf32, #tpu.memory_space<vmem>> -> memref<64x512xf32, #tpu.memory_space<vmem>>
    tpu.enqueue_dma source(%dma_start3A_51 : memref<64x512xf32, #tpu.memory_space<vmem>>) target(%dma_start3A_47 : memref<64x512xf32, #tpu.memory_space<hbm>>) target_semaphore(%arg8 : memref<!tpu.dma_semaphore, #tpu.memory_space<semaphore_mem>>)
    %dma_wait3A_52 = arith.constant 0 : i32
    %dma_wait3A_53 = arith.constant 0 : i32
    %dma_wait3A_54 = arith.constant 0 : i32
    %dma_wait3A_55 = tpu.memref_slice %arg6[%dma_wait3A_52, %dma_wait3A_53, %dma_wait3A_54] : memref<2x64x512xf32, #tpu.memory_space<vmem>> -> memref<1x64x512xf32, #tpu.memory_space<vmem>>
    %dma_wait3A_56 = tpu.memref_squeeze %dma_wait3A_55 : memref<1x64x512xf32, #tpu.memory_space<vmem>> -> memref<64x512xf32, #tpu.memory_space<vmem>>
    %dma_wait3A_57 = arith.constant 0 : i32
    %dma_wait3A_58 = tpu.memref_slice %arg4[%add3A_38, %dma_wait3A_57] : memref<16384x512xf32, #tpu.memory_space<hbm>> -> memref<64x512xf32, #tpu.memory_space<hbm>>
    %dma_wait3A_59 = arith.constant 0 : i32
    %dma_wait3A_60 = tpu.memref_slice %arg4[%add3A_38, %dma_wait3A_59] : memref<16384x512xf32, #tpu.memory_space<hbm>> -> memref<64x512xf32, #tpu.memory_space<hbm>>
    %dma_wait3A_61 = arith.constant 0 : i32
    %dma_wait3A_62 = arith.constant 0 : i32
    %dma_wait3A_63 = tpu.memref_slice %arg6[%dma_wait3A_52, %dma_wait3A_61, %dma_wait3A_62] : memref<2x64x512xf32, #tpu.memory_space<vmem>> -> memref<1x64x512xf32, #tpu.memory_space<vmem>>
    %dma_wait3A_64 = tpu.memref_squeeze %dma_wait3A_63 : memref<1x64x512xf32, #tpu.memory_space<vmem>> -> memref<64x512xf32, #tpu.memory_space<vmem>>
    tpu.wait_dma2 semaphore(%arg8 : memref<!tpu.dma_semaphore, #tpu.memory_space<semaphore_mem>>) src(%dma_wait3A_64 : memref<64x512xf32, #tpu.memory_space<vmem>>) dst(%dma_wait3A_60 : memref<64x512xf32, #tpu.memory_space<hbm>>)
    %dma_start3A_65 = arith.constant 2 : i32
    %dma_start3A_66 = arith.constant 0 : i32
    %dma_start3A_67 = arith.constant 0 : i32
    %dma_start3A_68 = arith.constant 0 : i32
    %dma_start3A_69 = tpu.memref_slice %arg6[%dma_start3A_66, %dma_start3A_67, %dma_start3A_68] : memref<2x64x512xf32, #tpu.memory_space<vmem>> -> memref<1x64x512xf32, #tpu.memory_space<vmem>>
    %dma_start3A_70 = tpu.memref_squeeze %dma_start3A_69 : memref<1x64x512xf32, #tpu.memory_space<vmem>> -> memref<64x512xf32, #tpu.memory_space<vmem>>
    %dma_start3A_71 = arith.constant 0 : i32
    %dma_start3A_72 = tpu.memref_slice %arg5[%dma_start3A_65, %dma_start3A_71] : memref<8x64xi32, #tpu.memory_space<vmem>> -> memref<1x64xi32, #tpu.memory_space<vmem>>
    %dma_start3A_73 = tpu.memref_squeeze %dma_start3A_72 : memref<1x64xi32, #tpu.memory_space<vmem>> -> memref<64xi32, #tpu.memory_space<vmem>>
    %dma_start3A_74 = arith.constant 0 : i32
    %dma_start3A_75 = arith.constant 0 : i32
    %dma_start3A_76 = tpu.memref_slice %arg3[%dma_start3A_74, %dma_start3A_75] : memref<100000x512xf32, #tpu.memory_space<hbm>> -> memref<100000x512xf32, #tpu.memory_space<hbm>>
    tpu.enqueue_indirect_dma source(%dma_start3A_76 : memref<100000x512xf32, #tpu.memory_space<hbm>>) target(%dma_start3A_70 : memref<64x512xf32, #tpu.memory_space<vmem>>) offsets(%dma_start3A_73 : memref<64xi32, #tpu.memory_space<vmem>>) semaphore(%arg7 : memref<!tpu.dma_semaphore, #tpu.memory_space<semaphore_mem>>)
    %dma_wait3A_77 = arith.constant 1 : i32
    %dma_wait3A_78 = arith.constant 1 : i32
    %dma_wait3A_79 = arith.constant 0 : i32
    %dma_wait3A_80 = arith.constant 0 : i32
    %dma_wait3A_81 = tpu.memref_slice %arg6[%dma_wait3A_78, %dma_wait3A_79, %dma_wait3A_80] : memref<2x64x512xf32, #tpu.memory_space<vmem>> -> memref<1x64x512xf32, #tpu.memory_space<vmem>>
    %dma_wait3A_82 = tpu.memref_squeeze %dma_wait3A_81 : memref<1x64x512xf32, #tpu.memory_space<vmem>> -> memref<64x512xf32, #tpu.memory_space<vmem>>
    %dma_wait3A_83 = arith.constant 0 : i32
    %dma_wait3A_84 = tpu.memref_slice %arg5[%dma_wait3A_77, %dma_wait3A_83] : memref<8x64xi32, #tpu.memory_space<vmem>> -> memref<1x64xi32, #tpu.memory_space<vmem>>
    %dma_wait3A_85 = tpu.memref_squeeze %dma_wait3A_84 : memref<1x64xi32, #tpu.memory_space<vmem>> -> memref<64xi32, #tpu.memory_space<vmem>>
    %dma_wait3A_86 = arith.constant 0 : i32
    %dma_wait3A_87 = arith.constant 0 : i32
    %dma_wait3A_88 = tpu.memref_slice %arg3[%dma_wait3A_86, %dma_wait3A_87] : memref<100000x512xf32, #tpu.memory_space<hbm>> -> memref<100000x512xf32, #tpu.memory_space<hbm>>
    tpu.wait_indirect_dma semaphore(%arg7 : memref<!tpu.dma_semaphore, #tpu.memory_space<semaphore_mem>>) src(%dma_wait3A_88 : memref<100000x512xf32, #tpu.memory_space<hbm>>) dst(%dma_wait3A_82 : memref<64x512xf32, #tpu.memory_space<vmem>>)
    %add3A_89 = arith.constant 64 : i32
    %add3A_90 = arith.addi %mul3A_2, %add3A_89 : i32
    %dma_start3A_91 = arith.constant 1 : i32
    %dma_start3A_92 = arith.constant 0 : i32
    %dma_start3A_93 = arith.constant 0 : i32
    %dma_start3A_94 = tpu.memref_slice %arg6[%dma_start3A_91, %dma_start3A_92, %dma_start3A_93] : memref<2x64x512xf32, #tpu.memory_space<vmem>> -> memref<1x64x512xf32, #tpu.memory_space<vmem>>
    %dma_start3A_95 = tpu.memref_squeeze %dma_start3A_94 : memref<1x64x512xf32, #tpu.memory_space<vmem>> -> memref<64x512xf32, #tpu.memory_space<vmem>>
    %dma_start3A_96 = arith.constant 0 : i32
    %dma_start3A_97 = tpu.memref_slice %arg4[%add3A_90, %dma_start3A_96] : memref<16384x512xf32, #tpu.memory_space<hbm>> -> memref<64x512xf32, #tpu.memory_space<hbm>>
    %dma_start3A_98 = arith.constant 0 : i32
    %dma_start3A_99 = tpu.memref_slice %arg4[%add3A_90, %dma_start3A_98] : memref<16384x512xf32, #tpu.memory_space<hbm>> -> memref<64x512xf32, #tpu.memory_space<hbm>>
    %dma_start3A_100 = arith.constant 0 : i32
    %dma_start3A_101 = arith.constant 0 : i32
    %dma_start3A_102 = tpu.memref_slice %arg6[%dma_start3A_91, %dma_start3A_100, %dma_start3A_101] : memref<2x64x512xf32, #tpu.memory_space<vmem>> -> memref<1x64x512xf32, #tpu.memory_space<vmem>>
    %dma_start3A_103 = tpu.memref_squeeze %dma_start3A_102 : memref<1x64x512xf32, #tpu.memory_space<vmem>> -> memref<64x512xf32, #tpu.memory_space<vmem>>
    tpu.enqueue_dma source(%dma_start3A_103 : memref<64x512xf32, #tpu.memory_space<vmem>>) target(%dma_start3A_99 : memref<64x512xf32, #tpu.memory_space<hbm>>) target_semaphore(%arg8 : memref<!tpu.dma_semaphore, #tpu.memory_space<semaphore_mem>>)
    %dma_wait3A_104 = arith.constant 1 : i32
    %dma_wait3A_105 = arith.constant 0 : i32
    %dma_wait3A_106 = arith.constant 0 : i32
    %dma_wait3A_107 = tpu.memref_slice %arg6[%dma_wait3A_104, %dma_wait3A_105, %dma_wait3A_106] : memref<2x64x512xf32, #tpu.memory_space<vmem>> -> memref<1x64x512xf32, #tpu.memory_space<vmem>>
    %dma_wait3A_108 = tpu.memref_squeeze %dma_wait3A_107 : memref<1x64x512xf32, #tpu.memory_space<vmem>> -> memref<64x512xf32, #tpu.memory_space<vmem>>
    %dma_wait3A_109 = arith.constant 0 : i32
    %dma_wait3A_110 = tpu.memref_slice %arg4[%add3A_90, %dma_wait3A_109] : memref<16384x512xf32, #tpu.memory_space<hbm>> -> memref<64x512xf32, #tpu.memory_space<hbm>>
    %dma_wait3A_111 = arith.constant 0 : i32
    %dma_wait3A_112 = tpu.memref_slice %arg4[%add3A_90, %dma_wait3A_111] : memref<16384x512xf32, #tpu.memory_space<hbm>> -> memref<64x512xf32, #tpu.memory_space<hbm>>
    %dma_wait3A_113 = arith.constant 0 : i32
    %dma_wait3A_114 = arith.constant 0 : i32
    %dma_wait3A_115 = tpu.memref_slice %arg6[%dma_wait3A_104, %dma_wait3A_113, %dma_wait3A_114] : memref<2x64x512xf32, #tpu.memory_space<vmem>> -> memref<1x64x512xf32, #tpu.memory_space<vmem>>
    %dma_wait3A_116 = tpu.memref_squeeze %dma_wait3A_115 : memref<1x64x512xf32, #tpu.memory_space<vmem>> -> memref<64x512xf32, #tpu.memory_space<vmem>>
    tpu.wait_dma2 semaphore(%arg8 : memref<!tpu.dma_semaphore, #tpu.memory_space<semaphore_mem>>) src(%dma_wait3A_116 : memref<64x512xf32, #tpu.memory_space<vmem>>) dst(%dma_wait3A_112 : memref<64x512xf32, #tpu.memory_space<hbm>>)
    %dma_start3A_117 = arith.constant 3 : i32
    %dma_start3A_118 = arith.constant 1 : i32
    %dma_start3A_119 = arith.constant 0 : i32
    %dma_start3A_120 = arith.constant 0 : i32
    %dma_start3A_121 = tpu.memref_slice %arg6[%dma_start3A_118, %dma_start3A_119, %dma_start3A_120] : memref<2x64x512xf32, #tpu.memory_space<vmem>> -> memref<1x64x512xf32, #tpu.memory_space<vmem>>
    %dma_start3A_122 = tpu.memref_squeeze %dma_start3A_121 : memref<1x64x512xf32, #tpu.memory_space<vmem>> -> memref<64x512xf32, #tpu.memory_space<vmem>>
    %dma_start3A_123 = arith.constant 0 : i32
    %dma_start3A_124 = tpu.memref_slice %arg5[%dma_start3A_117, %dma_start3A_123] : memref<8x64xi32, #tpu.memory_space<vmem>> -> memref<1x64xi32, #tpu.memory_space<vmem>>
    %dma_start3A_125 = tpu.memref_squeeze %dma_start3A_124 : memref<1x64xi32, #tpu.memory_space<vmem>> -> memref<64xi32, #tpu.memory_space<vmem>>
    %dma_start3A_126 = arith.constant 0 : i32
    %dma_start3A_127 = arith.constant 0 : i32
    %dma_start3A_128 = tpu.memref_slice %arg3[%dma_start3A_126, %dma_start3A_127] : memref<100000x512xf32, #tpu.memory_space<hbm>> -> memref<100000x512xf32, #tpu.memory_space<hbm>>
    tpu.enqueue_indirect_dma source(%dma_start3A_128 : memref<100000x512xf32, #tpu.memory_space<hbm>>) target(%dma_start3A_122 : memref<64x512xf32, #tpu.memory_space<vmem>>) offsets(%dma_start3A_125 : memref<64xi32, #tpu.memory_space<vmem>>) semaphore(%arg7 : memref<!tpu.dma_semaphore, #tpu.memory_space<semaphore_mem>>)
    %dma_wait3A_129 = arith.constant 2 : i32
    %dma_wait3A_130 = arith.constant 0 : i32
    %dma_wait3A_131 = arith.constant 0 : i32
    %dma_wait3A_132 = arith.constant 0 : i32
    %dma_wait3A_133 = tpu.memref_slice %arg6[%dma_wait3A_130, %dma_wait3A_131, %dma_wait3A_132] : memref<2x64x512xf32, #tpu.memory_space<vmem>> -> memref<1x64x512xf32, #tpu.memory_space<vmem>>
    %dma_wait3A_134 = tpu.memref_squeeze %dma_wait3A_133 : memref<1x64x512xf32, #tpu.memory_space<vmem>> -> memref<64x512xf32, #tpu.memory_space<vmem>>
    %dma_wait3A_135 = arith.constant 0 : i32
    %dma_wait3A_136 = tpu.memref_slice %arg5[%dma_wait3A_129, %dma_wait3A_135] : memref<8x64xi32, #tpu.memory_space<vmem>> -> memref<1x64xi32, #tpu.memory_space<vmem>>
    %dma_wait3A_137 = tpu.memref_squeeze %dma_wait3A_136 : memref<1x64xi32, #tpu.memory_space<vmem>> -> memref<64xi32, #tpu.memory_space<vmem>>
    %dma_wait3A_138 = arith.constant 0 : i32
    %dma_wait3A_139 = arith.constant 0 : i32
    %dma_wait3A_140 = tpu.memref_slice %arg3[%dma_wait3A_138, %dma_wait3A_139] : memref<100000x512xf32, #tpu.memory_space<hbm>> -> memref<100000x512xf32, #tpu.memory_space<hbm>>
    tpu.wait_indirect_dma semaphore(%arg7 : memref<!tpu.dma_semaphore, #tpu.memory_space<semaphore_mem>>) src(%dma_wait3A_140 : memref<100000x512xf32, #tpu.memory_space<hbm>>) dst(%dma_wait3A_134 : memref<64x512xf32, #tpu.memory_space<vmem>>)
    %add3A_141 = arith.constant 128 : i32
    %add3A_142 = arith.addi %mul3A_2, %add3A_141 : i32
    %dma_start3A_143 = arith.constant 0 : i32
    %dma_start3A_144 = arith.constant 0 : i32
    %dma_start3A_145 = arith.constant 0 : i32
    %dma_start3A_146 = tpu.memref_slice %arg6[%dma_start3A_143, %dma_start3A_144, %dma_start3A_145] : memref<2x64x512xf32, #tpu.memory_space<vmem>> -> memref<1x64x512xf32, #tpu.memory_space<vmem>>
    %dma_start3A_147 = tpu.memref_squeeze %dma_start3A_146 : memref<1x64x512xf32, #tpu.memory_space<vmem>> -> memref<64x512xf32, #tpu.memory_space<vmem>>
    %dma_start3A_148 = arith.constant 0 : i32
    %dma_start3A_149 = tpu.memref_slice %arg4[%add3A_142, %dma_start3A_148] : memref<16384x512xf32, #tpu.memory_space<hbm>> -> memref<64x512xf32, #tpu.memory_space<hbm>>
    %dma_start3A_150 = arith.constant 0 : i32
    %dma_start3A_151 = tpu.memref_slice %arg4[%add3A_142, %dma_start3A_150] : memref<16384x512xf32, #tpu.memory_space<hbm>> -> memref<64x512xf32, #tpu.memory_space<hbm>>
    %dma_start3A_152 = arith.constant 0 : i32
    %dma_start3A_153 = arith.constant 0 : i32
    %dma_start3A_154 = tpu.memref_slice %arg6[%dma_start3A_143, %dma_start3A_152, %dma_start3A_153] : memref<2x64x512xf32, #tpu.memory_space<vmem>> -> memref<1x64x512xf32, #tpu.memory_space<vmem>>
    %dma_start3A_155 = tpu.memref_squeeze %dma_start3A_154 : memref<1x64x512xf32, #tpu.memory_space<vmem>> -> memref<64x512xf32, #tpu.memory_space<vmem>>
    tpu.enqueue_dma source(%dma_start3A_155 : memref<64x512xf32, #tpu.memory_space<vmem>>) target(%dma_start3A_151 : memref<64x512xf32, #tpu.memory_space<hbm>>) target_semaphore(%arg8 : memref<!tpu.dma_semaphore, #tpu.memory_space<semaphore_mem>>)
    %dma_wait3A_156 = arith.constant 0 : i32
    %dma_wait3A_157 = arith.constant 0 : i32
    %dma_wait3A_158 = arith.constant 0 : i32
    %dma_wait3A_159 = tpu.memref_slice %arg6[%dma_wait3A_156, %dma_wait3A_157, %dma_wait3A_158] : memref<2x64x512xf32, #tpu.memory_space<vmem>> -> memref<1x64x512xf32, #tpu.memory_space<vmem>>
    %dma_wait3A_160 = tpu.memref_squeeze %dma_wait3A_159 : memref<1x64x512xf32, #tpu.memory_space<vmem>> -> memref<64x512xf32, #tpu.memory_space<vmem>>
    %dma_wait3A_161 = arith.constant 0 : i32
    %dma_wait3A_162 = tpu.memref_slice %arg4[%add3A_142, %dma_wait3A_161] : memref<16384x512xf32, #tpu.memory_space<hbm>> -> memref<64x512xf32, #tpu.memory_space<hbm>>
    %dma_wait3A_163 = arith.constant 0 : i32
    %dma_wait3A_164 = tpu.memref_slice %arg4[%add3A_142, %dma_wait3A_163] : memref<16384x512xf32, #tpu.memory_space<hbm>> -> memref<64x512xf32, #tpu.memory_space<hbm>>
    %dma_wait3A_165 = arith.constant 0 : i32
    %dma_wait3A_166 = arith.constant 0 : i32
    %dma_wait3A_167 = tpu.memref_slice %arg6[%dma_wait3A_156, %dma_wait3A_165, %dma_wait3A_166] : memref<2x64x512xf32, #tpu.memory_space<vmem>> -> memref<1x64x512xf32, #tpu.memory_space<vmem>>
    %dma_wait3A_168 = tpu.memref_squeeze %dma_wait3A_167 : memref<1x64x512xf32, #tpu.memory_space<vmem>> -> memref<64x512xf32, #tpu.memory_space<vmem>>
    tpu.wait_dma2 semaphore(%arg8 : memref<!tpu.dma_semaphore, #tpu.memory_space<semaphore_mem>>) src(%dma_wait3A_168 : memref<64x512xf32, #tpu.memory_space<vmem>>) dst(%dma_wait3A_164 : memref<64x512xf32, #tpu.memory_space<hbm>>)
    %dma_start3A_169 = arith.constant 4 : i32
    %dma_start3A_170 = arith.constant 0 : i32
    %dma_start3A_171 = arith.constant 0 : i32
    %dma_start3A_172 = arith.constant 0 : i32
    %dma_start3A_173 = tpu.memref_slice %arg6[%dma_start3A_170, %dma_start3A_171, %dma_start3A_172] : memref<2x64x512xf32, #tpu.memory_space<vmem>> -> memref<1x64x512xf32, #tpu.memory_space<vmem>>
    %dma_start3A_174 = tpu.memref_squeeze %dma_start3A_173 : memref<1x64x512xf32, #tpu.memory_space<vmem>> -> memref<64x512xf32, #tpu.memory_space<vmem>>
    %dma_start3A_175 = arith.constant 0 : i32
    %dma_start3A_176 = tpu.memref_slice %arg5[%dma_start3A_169, %dma_start3A_175] : memref<8x64xi32, #tpu.memory_space<vmem>> -> memref<1x64xi32, #tpu.memory_space<vmem>>
    %dma_start3A_177 = tpu.memref_squeeze %dma_start3A_176 : memref<1x64xi32, #tpu.memory_space<vmem>> -> memref<64xi32, #tpu.memory_space<vmem>>
    %dma_start3A_178 = arith.constant 0 : i32
    %dma_start3A_179 = arith.constant 0 : i32
    %dma_start3A_180 = tpu.memref_slice %arg3[%dma_start3A_178, %dma_start3A_179] : memref<100000x512xf32, #tpu.memory_space<hbm>> -> memref<100000x512xf32, #tpu.memory_space<hbm>>
    tpu.enqueue_indirect_dma source(%dma_start3A_180 : memref<100000x512xf32, #tpu.memory_space<hbm>>) target(%dma_start3A_174 : memref<64x512xf32, #tpu.memory_space<vmem>>) offsets(%dma_start3A_177 : memref<64xi32, #tpu.memory_space<vmem>>) semaphore(%arg7 : memref<!tpu.dma_semaphore, #tpu.memory_space<semaphore_mem>>)
    %dma_wait3A_181 = arith.constant 3 : i32
    %dma_wait3A_182 = arith.constant 1 : i32
    %dma_wait3A_183 = arith.constant 0 : i32
    %dma_wait3A_184 = arith.constant 0 : i32
    %dma_wait3A_185 = tpu.memref_slice %arg6[%dma_wait3A_182, %dma_wait3A_183, %dma_wait3A_184] : memref<2x64x512xf32, #tpu.memory_space<vmem>> -> memref<1x64x512xf32, #tpu.memory_space<vmem>>
    %dma_wait3A_186 = tpu.memref_squeeze %dma_wait3A_185 : memref<1x64x512xf32, #tpu.memory_space<vmem>> -> memref<64x512xf32, #tpu.memory_space<vmem>>
    %dma_wait3A_187 = arith.constant 0 : i32
    %dma_wait3A_188 = tpu.memref_slice %arg5[%dma_wait3A_181, %dma_wait3A_187] : memref<8x64xi32, #tpu.memory_space<vmem>> -> memref<1x64xi32, #tpu.memory_space<vmem>>
    %dma_wait3A_189 = tpu.memref_squeeze %dma_wait3A_188 : memref<1x64xi32, #tpu.memory_space<vmem>> -> memref<64xi32, #tpu.memory_space<vmem>>
    %dma_wait3A_190 = arith.constant 0 : i32
    %dma_wait3A_191 = arith.constant 0 : i32
    %dma_wait3A_192 = tpu.memref_slice %arg3[%dma_wait3A_190, %dma_wait3A_191] : memref<100000x512xf32, #tpu.memory_space<hbm>> -> memref<100000x512xf32, #tpu.memory_space<hbm>>
    tpu.wait_indirect_dma semaphore(%arg7 : memref<!tpu.dma_semaphore, #tpu.memory_space<semaphore_mem>>) src(%dma_wait3A_192 : memref<100000x512xf32, #tpu.memory_space<hbm>>) dst(%dma_wait3A_186 : memref<64x512xf32, #tpu.memory_space<vmem>>)
    %add3A_193 = arith.constant 192 : i32
    %add3A_194 = arith.addi %mul3A_2, %add3A_193 : i32
    %dma_start3A_195 = arith.constant 1 : i32
    %dma_start3A_196 = arith.constant 0 : i32
    %dma_start3A_197 = arith.constant 0 : i32
    %dma_start3A_198 = tpu.memref_slice %arg6[%dma_start3A_195, %dma_start3A_196, %dma_start3A_197] : memref<2x64x512xf32, #tpu.memory_space<vmem>> -> memref<1x64x512xf32, #tpu.memory_space<vmem>>
    %dma_start3A_199 = tpu.memref_squeeze %dma_start3A_198 : memref<1x64x512xf32, #tpu.memory_space<vmem>> -> memref<64x512xf32, #tpu.memory_space<vmem>>
    %dma_start3A_200 = arith.constant 0 : i32
    %dma_start3A_201 = tpu.memref_slice %arg4[%add3A_194, %dma_start3A_200] : memref<16384x512xf32, #tpu.memory_space<hbm>> -> memref<64x512xf32, #tpu.memory_space<hbm>>
    %dma_start3A_202 = arith.constant 0 : i32
    %dma_start3A_203 = tpu.memref_slice %arg4[%add3A_194, %dma_start3A_202] : memref<16384x512xf32, #tpu.memory_space<hbm>> -> memref<64x512xf32, #tpu.memory_space<hbm>>
    %dma_start3A_204 = arith.constant 0 : i32
    %dma_start3A_205 = arith.constant 0 : i32
    %dma_start3A_206 = tpu.memref_slice %arg6[%dma_start3A_195, %dma_start3A_204, %dma_start3A_205] : memref<2x64x512xf32, #tpu.memory_space<vmem>> -> memref<1x64x512xf32, #tpu.memory_space<vmem>>
    %dma_start3A_207 = tpu.memref_squeeze %dma_start3A_206 : memref<1x64x512xf32, #tpu.memory_space<vmem>> -> memref<64x512xf32, #tpu.memory_space<vmem>>
    tpu.enqueue_dma source(%dma_start3A_207 : memref<64x512xf32, #tpu.memory_space<vmem>>) target(%dma_start3A_203 : memref<64x512xf32, #tpu.memory_space<hbm>>) target_semaphore(%arg8 : memref<!tpu.dma_semaphore, #tpu.memory_space<semaphore_mem>>)
    %dma_wait3A_208 = arith.constant 1 : i32
    %dma_wait3A_209 = arith.constant 0 : i32
    %dma_wait3A_210 = arith.constant 0 : i32
    %dma_wait3A_211 = tpu.memref_slice %arg6[%dma_wait3A_208, %dma_wait3A_209, %dma_wait3A_210] : memref<2x64x512xf32, #tpu.memory_space<vmem>> -> memref<1x64x512xf32, #tpu.memory_space<vmem>>
    %dma_wait3A_212 = tpu.memref_squeeze %dma_wait3A_211 : memref<1x64x512xf32, #tpu.memory_space<vmem>> -> memref<64x512xf32, #tpu.memory_space<vmem>>
    %dma_wait3A_213 = arith.constant 0 : i32
    %dma_wait3A_214 = tpu.memref_slice %arg4[%add3A_194, %dma_wait3A_213] : memref<16384x512xf32, #tpu.memory_space<hbm>> -> memref<64x512xf32, #tpu.memory_space<hbm>>
    %dma_wait3A_215 = arith.constant 0 : i32
    %dma_wait3A_216 = tpu.memref_slice %arg4[%add3A_194, %dma_wait3A_215] : memref<16384x512xf32, #tpu.memory_space<hbm>> -> memref<64x512xf32, #tpu.memory_space<hbm>>
    %dma_wait3A_217 = arith.constant 0 : i32
    %dma_wait3A_218 = arith.constant 0 : i32
    %dma_wait3A_219 = tpu.memref_slice %arg6[%dma_wait3A_208, %dma_wait3A_217, %dma_wait3A_218] : memref<2x64x512xf32, #tpu.memory_space<vmem>> -> memref<1x64x512xf32, #tpu.memory_space<vmem>>
    %dma_wait3A_220 = tpu.memref_squeeze %dma_wait3A_219 : memref<1x64x512xf32, #tpu.memory_space<vmem>> -> memref<64x512xf32, #tpu.memory_space<vmem>>
    tpu.wait_dma2 semaphore(%arg8 : memref<!tpu.dma_semaphore, #tpu.memory_space<semaphore_mem>>) src(%dma_wait3A_220 : memref<64x512xf32, #tpu.memory_space<vmem>>) dst(%dma_wait3A_216 : memref<64x512xf32, #tpu.memory_space<hbm>>)
    %dma_start3A_221 = arith.constant 5 : i32
    %dma_start3A_222 = arith.constant 1 : i32
    %dma_start3A_223 = arith.constant 0 : i32
    %dma_start3A_224 = arith.constant 0 : i32
    %dma_start3A_225 = tpu.memref_slice %arg6[%dma_start3A_222, %dma_start3A_223, %dma_start3A_224] : memref<2x64x512xf32, #tpu.memory_space<vmem>> -> memref<1x64x512xf32, #tpu.memory_space<vmem>>
    %dma_start3A_226 = tpu.memref_squeeze %dma_start3A_225 : memref<1x64x512xf32, #tpu.memory_space<vmem>> -> memref<64x512xf32, #tpu.memory_space<vmem>>
    %dma_start3A_227 = arith.constant 0 : i32
    %dma_start3A_228 = tpu.memref_slice %arg5[%dma_start3A_221, %dma_start3A_227] : memref<8x64xi32, #tpu.memory_space<vmem>> -> memref<1x64xi32, #tpu.memory_space<vmem>>
    %dma_start3A_229 = tpu.memref_squeeze %dma_start3A_228 : memref<1x64xi32, #tpu.memory_space<vmem>> -> memref<64xi32, #tpu.memory_space<vmem>>
    %dma_start3A_230 = arith.constant 0 : i32
    %dma_start3A_231 = arith.constant 0 : i32
    %dma_start3A_232 = tpu.memref_slice %arg3[%dma_start3A_230, %dma_start3A_231] : memref<100000x512xf32, #tpu.memory_space<hbm>> -> memref<100000x512xf32, #tpu.memory_space<hbm>>
    tpu.enqueue_indirect_dma source(%dma_start3A_232 : memref<100000x512xf32, #tpu.memory_space<hbm>>) target(%dma_start3A_226 : memref<64x512xf32, #tpu.memory_space<vmem>>) offsets(%dma_start3A_229 : memref<64xi32, #tpu.memory_space<vmem>>) semaphore(%arg7 : memref<!tpu.dma_semaphore, #tpu.memory_space<semaphore_mem>>)
    %dma_wait3A_233 = arith.constant 4 : i32
    %dma_wait3A_234 = arith.constant 0 : i32
    %dma_wait3A_235 = arith.constant 0 : i32
    %dma_wait3A_236 = arith.constant 0 : i32
    %dma_wait3A_237 = tpu.memref_slice %arg6[%dma_wait3A_234, %dma_wait3A_235, %dma_wait3A_236] : memref<2x64x512xf32, #tpu.memory_space<vmem>> -> memref<1x64x512xf32, #tpu.memory_space<vmem>>
    %dma_wait3A_238 = tpu.memref_squeeze %dma_wait3A_237 : memref<1x64x512xf32, #tpu.memory_space<vmem>> -> memref<64x512xf32, #tpu.memory_space<vmem>>
    %dma_wait3A_239 = arith.constant 0 : i32
    %dma_wait3A_240 = tpu.memref_slice %arg5[%dma_wait3A_233, %dma_wait3A_239] : memref<8x64xi32, #tpu.memory_space<vmem>> -> memref<1x64xi32, #tpu.memory_space<vmem>>
    %dma_wait3A_241 = tpu.memref_squeeze %dma_wait3A_240 : memref<1x64xi32, #tpu.memory_space<vmem>> -> memref<64xi32, #tpu.memory_space<vmem>>
    %dma_wait3A_242 = arith.constant 0 : i32
    %dma_wait3A_243 = arith.constant 0 : i32
    %dma_wait3A_244 = tpu.memref_slice %arg3[%dma_wait3A_242, %dma_wait3A_243] : memref<100000x512xf32, #tpu.memory_space<hbm>> -> memref<100000x512xf32, #tpu.memory_space<hbm>>
    tpu.wait_indirect_dma semaphore(%arg7 : memref<!tpu.dma_semaphore, #tpu.memory_space<semaphore_mem>>) src(%dma_wait3A_244 : memref<100000x512xf32, #tpu.memory_space<hbm>>) dst(%dma_wait3A_238 : memref<64x512xf32, #tpu.memory_space<vmem>>)
    %add3A_245 = arith.constant 256 : i32
    %add3A_246 = arith.addi %mul3A_2, %add3A_245 : i32
    %dma_start3A_247 = arith.constant 0 : i32
    %dma_start3A_248 = arith.constant 0 : i32
    %dma_start3A_249 = arith.constant 0 : i32
    %dma_start3A_250 = tpu.memref_slice %arg6[%dma_start3A_247, %dma_start3A_248, %dma_start3A_249] : memref<2x64x512xf32, #tpu.memory_space<vmem>> -> memref<1x64x512xf32, #tpu.memory_space<vmem>>
    %dma_start3A_251 = tpu.memref_squeeze %dma_start3A_250 : memref<1x64x512xf32, #tpu.memory_space<vmem>> -> memref<64x512xf32, #tpu.memory_space<vmem>>
    %dma_start3A_252 = arith.constant 0 : i32
    %dma_start3A_253 = tpu.memref_slice %arg4[%add3A_246, %dma_start3A_252] : memref<16384x512xf32, #tpu.memory_space<hbm>> -> memref<64x512xf32, #tpu.memory_space<hbm>>
    %dma_start3A_254 = arith.constant 0 : i32
    %dma_start3A_255 = tpu.memref_slice %arg4[%add3A_246, %dma_start3A_254] : memref<16384x512xf32, #tpu.memory_space<hbm>> -> memref<64x512xf32, #tpu.memory_space<hbm>>
    %dma_start3A_256 = arith.constant 0 : i32
    %dma_start3A_257 = arith.constant 0 : i32
    %dma_start3A_258 = tpu.memref_slice %arg6[%dma_start3A_247, %dma_start3A_256, %dma_start3A_257] : memref<2x64x512xf32, #tpu.memory_space<vmem>> -> memref<1x64x512xf32, #tpu.memory_space<vmem>>
    %dma_start3A_259 = tpu.memref_squeeze %dma_start3A_258 : memref<1x64x512xf32, #tpu.memory_space<vmem>> -> memref<64x512xf32, #tpu.memory_space<vmem>>
    tpu.enqueue_dma source(%dma_start3A_259 : memref<64x512xf32, #tpu.memory_space<vmem>>) target(%dma_start3A_255 : memref<64x512xf32, #tpu.memory_space<hbm>>) target_semaphore(%arg8 : memref<!tpu.dma_semaphore, #tpu.memory_space<semaphore_mem>>)
    %dma_wait3A_260 = arith.constant 0 : i32
    %dma_wait3A_261 = arith.constant 0 : i32
    %dma_wait3A_262 = arith.constant 0 : i32
    %dma_wait3A_263 = tpu.memref_slice %arg6[%dma_wait3A_260, %dma_wait3A_261, %dma_wait3A_262] : memref<2x64x512xf32, #tpu.memory_space<vmem>> -> memref<1x64x512xf32, #tpu.memory_space<vmem>>
    %dma_wait3A_264 = tpu.memref_squeeze %dma_wait3A_263 : memref<1x64x512xf32, #tpu.memory_space<vmem>> -> memref<64x512xf32, #tpu.memory_space<vmem>>
    %dma_wait3A_265 = arith.constant 0 : i32
    %dma_wait3A_266 = tpu.memref_slice %arg4[%add3A_246, %dma_wait3A_265] : memref<16384x512xf32, #tpu.memory_space<hbm>> -> memref<64x512xf32, #tpu.memory_space<hbm>>
    %dma_wait3A_267 = arith.constant 0 : i32
    %dma_wait3A_268 = tpu.memref_slice %arg4[%add3A_246, %dma_wait3A_267] : memref<16384x512xf32, #tpu.memory_space<hbm>> -> memref<64x512xf32, #tpu.memory_space<hbm>>
    %dma_wait3A_269 = arith.constant 0 : i32
    %dma_wait3A_270 = arith.constant 0 : i32
    %dma_wait3A_271 = tpu.memref_slice %arg6[%dma_wait3A_260, %dma_wait3A_269, %dma_wait3A_270] : memref<2x64x512xf32, #tpu.memory_space<vmem>> -> memref<1x64x512xf32, #tpu.memory_space<vmem>>
    %dma_wait3A_272 = tpu.memref_squeeze %dma_wait3A_271 : memref<1x64x512xf32, #tpu.memory_space<vmem>> -> memref<64x512xf32, #tpu.memory_space<vmem>>
    tpu.wait_dma2 semaphore(%arg8 : memref<!tpu.dma_semaphore, #tpu.memory_space<semaphore_mem>>) src(%dma_wait3A_272 : memref<64x512xf32, #tpu.memory_space<vmem>>) dst(%dma_wait3A_268 : memref<64x512xf32, #tpu.memory_space<hbm>>)
    %dma_start3A_273 = arith.constant 6 : i32
    %dma_start3A_274 = arith.constant 0 : i32
    %dma_start3A_275 = arith.constant 0 : i32
    %dma_start3A_276 = arith.constant 0 : i32
    %dma_start3A_277 = tpu.memref_slice %arg6[%dma_start3A_274, %dma_start3A_275, %dma_start3A_276] : memref<2x64x512xf32, #tpu.memory_space<vmem>> -> memref<1x64x512xf32, #tpu.memory_space<vmem>>
    %dma_start3A_278 = tpu.memref_squeeze %dma_start3A_277 : memref<1x64x512xf32, #tpu.memory_space<vmem>> -> memref<64x512xf32, #tpu.memory_space<vmem>>
    %dma_start3A_279 = arith.constant 0 : i32
    %dma_start3A_280 = tpu.memref_slice %arg5[%dma_start3A_273, %dma_start3A_279] : memref<8x64xi32, #tpu.memory_space<vmem>> -> memref<1x64xi32, #tpu.memory_space<vmem>>
    %dma_start3A_281 = tpu.memref_squeeze %dma_start3A_280 : memref<1x64xi32, #tpu.memory_space<vmem>> -> memref<64xi32, #tpu.memory_space<vmem>>
    %dma_start3A_282 = arith.constant 0 : i32
    %dma_start3A_283 = arith.constant 0 : i32
    %dma_start3A_284 = tpu.memref_slice %arg3[%dma_start3A_282, %dma_start3A_283] : memref<100000x512xf32, #tpu.memory_space<hbm>> -> memref<100000x512xf32, #tpu.memory_space<hbm>>
    tpu.enqueue_indirect_dma source(%dma_start3A_284 : memref<100000x512xf32, #tpu.memory_space<hbm>>) target(%dma_start3A_278 : memref<64x512xf32, #tpu.memory_space<vmem>>) offsets(%dma_start3A_281 : memref<64xi32, #tpu.memory_space<vmem>>) semaphore(%arg7 : memref<!tpu.dma_semaphore, #tpu.memory_space<semaphore_mem>>)
    %dma_wait3A_285 = arith.constant 5 : i32
    %dma_wait3A_286 = arith.constant 1 : i32
    %dma_wait3A_287 = arith.constant 0 : i32
    %dma_wait3A_288 = arith.constant 0 : i32
    %dma_wait3A_289 = tpu.memref_slice %arg6[%dma_wait3A_286, %dma_wait3A_287, %dma_wait3A_288] : memref<2x64x512xf32, #tpu.memory_space<vmem>> -> memref<1x64x512xf32, #tpu.memory_space<vmem>>
    %dma_wait3A_290 = tpu.memref_squeeze %dma_wait3A_289 : memref<1x64x512xf32, #tpu.memory_space<vmem>> -> memref<64x512xf32, #tpu.memory_space<vmem>>
    %dma_wait3A_291 = arith.constant 0 : i32
    %dma_wait3A_292 = tpu.memref_slice %arg5[%dma_wait3A_285, %dma_wait3A_291] : memref<8x64xi32, #tpu.memory_space<vmem>> -> memref<1x64xi32, #tpu.memory_space<vmem>>
    %dma_wait3A_293 = tpu.memref_squeeze %dma_wait3A_292 : memref<1x64xi32, #tpu.memory_space<vmem>> -> memref<64xi32, #tpu.memory_space<vmem>>
    %dma_wait3A_294 = arith.constant 0 : i32
    %dma_wait3A_295 = arith.constant 0 : i32
    %dma_wait3A_296 = tpu.memref_slice %arg3[%dma_wait3A_294, %dma_wait3A_295] : memref<100000x512xf32, #tpu.memory_space<hbm>> -> memref<100000x512xf32, #tpu.memory_space<hbm>>
    tpu.wait_indirect_dma semaphore(%arg7 : memref<!tpu.dma_semaphore, #tpu.memory_space<semaphore_mem>>) src(%dma_wait3A_296 : memref<100000x512xf32, #tpu.memory_space<hbm>>) dst(%dma_wait3A_290 : memref<64x512xf32, #tpu.memory_space<vmem>>)
    %add3A_297 = arith.constant 320 : i32
    %add3A_298 = arith.addi %mul3A_2, %add3A_297 : i32
    %dma_start3A_299 = arith.constant 1 : i32
    %dma_start3A_300 = arith.constant 0 : i32
    %dma_start3A_301 = arith.constant 0 : i32
    %dma_start3A_302 = tpu.memref_slice %arg6[%dma_start3A_299, %dma_start3A_300, %dma_start3A_301] : memref<2x64x512xf32, #tpu.memory_space<vmem>> -> memref<1x64x512xf32, #tpu.memory_space<vmem>>
    %dma_start3A_303 = tpu.memref_squeeze %dma_start3A_302 : memref<1x64x512xf32, #tpu.memory_space<vmem>> -> memref<64x512xf32, #tpu.memory_space<vmem>>
    %dma_start3A_304 = arith.constant 0 : i32
    %dma_start3A_305 = tpu.memref_slice %arg4[%add3A_298, %dma_start3A_304] : memref<16384x512xf32, #tpu.memory_space<hbm>> -> memref<64x512xf32, #tpu.memory_space<hbm>>
    %dma_start3A_306 = arith.constant 0 : i32
    %dma_start3A_307 = tpu.memref_slice %arg4[%add3A_298, %dma_start3A_306] : memref<16384x512xf32, #tpu.memory_space<hbm>> -> memref<64x512xf32, #tpu.memory_space<hbm>>
    %dma_start3A_308 = arith.constant 0 : i32
    %dma_start3A_309 = arith.constant 0 : i32
    %dma_start3A_310 = tpu.memref_slice %arg6[%dma_start3A_299, %dma_start3A_308, %dma_start3A_309] : memref<2x64x512xf32, #tpu.memory_space<vmem>> -> memref<1x64x512xf32, #tpu.memory_space<vmem>>
    %dma_start3A_311 = tpu.memref_squeeze %dma_start3A_310 : memref<1x64x512xf32, #tpu.memory_space<vmem>> -> memref<64x512xf32, #tpu.memory_space<vmem>>
    tpu.enqueue_dma source(%dma_start3A_311 : memref<64x512xf32, #tpu.memory_space<vmem>>) target(%dma_start3A_307 : memref<64x512xf32, #tpu.memory_space<hbm>>) target_semaphore(%arg8 : memref<!tpu.dma_semaphore, #tpu.memory_space<semaphore_mem>>)
    %dma_wait3A_312 = arith.constant 1 : i32
    %dma_wait3A_313 = arith.constant 0 : i32
    %dma_wait3A_314 = arith.constant 0 : i32
    %dma_wait3A_315 = tpu.memref_slice %arg6[%dma_wait3A_312, %dma_wait3A_313, %dma_wait3A_314] : memref<2x64x512xf32, #tpu.memory_space<vmem>> -> memref<1x64x512xf32, #tpu.memory_space<vmem>>
    %dma_wait3A_316 = tpu.memref_squeeze %dma_wait3A_315 : memref<1x64x512xf32, #tpu.memory_space<vmem>> -> memref<64x512xf32, #tpu.memory_space<vmem>>
    %dma_wait3A_317 = arith.constant 0 : i32
    %dma_wait3A_318 = tpu.memref_slice %arg4[%add3A_298, %dma_wait3A_317] : memref<16384x512xf32, #tpu.memory_space<hbm>> -> memref<64x512xf32, #tpu.memory_space<hbm>>
    %dma_wait3A_319 = arith.constant 0 : i32
    %dma_wait3A_320 = tpu.memref_slice %arg4[%add3A_298, %dma_wait3A_319] : memref<16384x512xf32, #tpu.memory_space<hbm>> -> memref<64x512xf32, #tpu.memory_space<hbm>>
    %dma_wait3A_321 = arith.constant 0 : i32
    %dma_wait3A_322 = arith.constant 0 : i32
    %dma_wait3A_323 = tpu.memref_slice %arg6[%dma_wait3A_312, %dma_wait3A_321, %dma_wait3A_322] : memref<2x64x512xf32, #tpu.memory_space<vmem>> -> memref<1x64x512xf32, #tpu.memory_space<vmem>>
    %dma_wait3A_324 = tpu.memref_squeeze %dma_wait3A_323 : memref<1x64x512xf32, #tpu.memory_space<vmem>> -> memref<64x512xf32, #tpu.memory_space<vmem>>
    tpu.wait_dma2 semaphore(%arg8 : memref<!tpu.dma_semaphore, #tpu.memory_space<semaphore_mem>>) src(%dma_wait3A_324 : memref<64x512xf32, #tpu.memory_space<vmem>>) dst(%dma_wait3A_320 : memref<64x512xf32, #tpu.memory_space<hbm>>)
    %dma_start3A_325 = arith.constant 7 : i32
    %dma_start3A_326 = arith.constant 1 : i32
    %dma_start3A_327 = arith.constant 0 : i32
    %dma_start3A_328 = arith.constant 0 : i32
    %dma_start3A_329 = tpu.memref_slice %arg6[%dma_start3A_326, %dma_start3A_327, %dma_start3A_328] : memref<2x64x512xf32, #tpu.memory_space<vmem>> -> memref<1x64x512xf32, #tpu.memory_space<vmem>>
    %dma_start3A_330 = tpu.memref_squeeze %dma_start3A_329 : memref<1x64x512xf32, #tpu.memory_space<vmem>> -> memref<64x512xf32, #tpu.memory_space<vmem>>
    %dma_start3A_331 = arith.constant 0 : i32
    %dma_start3A_332 = tpu.memref_slice %arg5[%dma_start3A_325, %dma_start3A_331] : memref<8x64xi32, #tpu.memory_space<vmem>> -> memref<1x64xi32, #tpu.memory_space<vmem>>
    %dma_start3A_333 = tpu.memref_squeeze %dma_start3A_332 : memref<1x64xi32, #tpu.memory_space<vmem>> -> memref<64xi32, #tpu.memory_space<vmem>>
    %dma_start3A_334 = arith.constant 0 : i32
    %dma_start3A_335 = arith.constant 0 : i32
    %dma_start3A_336 = tpu.memref_slice %arg3[%dma_start3A_334, %dma_start3A_335] : memref<100000x512xf32, #tpu.memory_space<hbm>> -> memref<100000x512xf32, #tpu.memory_space<hbm>>
    tpu.enqueue_indirect_dma source(%dma_start3A_336 : memref<100000x512xf32, #tpu.memory_space<hbm>>) target(%dma_start3A_330 : memref<64x512xf32, #tpu.memory_space<vmem>>) offsets(%dma_start3A_333 : memref<64xi32, #tpu.memory_space<vmem>>) semaphore(%arg7 : memref<!tpu.dma_semaphore, #tpu.memory_space<semaphore_mem>>)
    %dma_wait3A_337 = arith.constant 6 : i32
    %dma_wait3A_338 = arith.constant 0 : i32
    %dma_wait3A_339 = arith.constant 0 : i32
    %dma_wait3A_340 = arith.constant 0 : i32
    %dma_wait3A_341 = tpu.memref_slice %arg6[%dma_wait3A_338, %dma_wait3A_339, %dma_wait3A_340] : memref<2x64x512xf32, #tpu.memory_space<vmem>> -> memref<1x64x512xf32, #tpu.memory_space<vmem>>
    %dma_wait3A_342 = tpu.memref_squeeze %dma_wait3A_341 : memref<1x64x512xf32, #tpu.memory_space<vmem>> -> memref<64x512xf32, #tpu.memory_space<vmem>>
    %dma_wait3A_343 = arith.constant 0 : i32
    %dma_wait3A_344 = tpu.memref_slice %arg5[%dma_wait3A_337, %dma_wait3A_343] : memref<8x64xi32, #tpu.memory_space<vmem>> -> memref<1x64xi32, #tpu.memory_space<vmem>>
    %dma_wait3A_345 = tpu.memref_squeeze %dma_wait3A_344 : memref<1x64xi32, #tpu.memory_space<vmem>> -> memref<64xi32, #tpu.memory_space<vmem>>
    %dma_wait3A_346 = arith.constant 0 : i32
    %dma_wait3A_347 = arith.constant 0 : i32
    %dma_wait3A_348 = tpu.memref_slice %arg3[%dma_wait3A_346, %dma_wait3A_347] : memref<100000x512xf32, #tpu.memory_space<hbm>> -> memref<100000x512xf32, #tpu.memory_space<hbm>>
    tpu.wait_indirect_dma semaphore(%arg7 : memref<!tpu.dma_semaphore, #tpu.memory_space<semaphore_mem>>) src(%dma_wait3A_348 : memref<100000x512xf32, #tpu.memory_space<hbm>>) dst(%dma_wait3A_342 : memref<64x512xf32, #tpu.memory_space<vmem>>)
    %add3A_349 = arith.constant 384 : i32
    %add3A_350 = arith.addi %mul3A_2, %add3A_349 : i32
    %dma_start3A_351 = arith.constant 0 : i32
    %dma_start3A_352 = arith.constant 0 : i32
    %dma_start3A_353 = arith.constant 0 : i32
    %dma_start3A_354 = tpu.memref_slice %arg6[%dma_start3A_351, %dma_start3A_352, %dma_start3A_353] : memref<2x64x512xf32, #tpu.memory_space<vmem>> -> memref<1x64x512xf32, #tpu.memory_space<vmem>>
    %dma_start3A_355 = tpu.memref_squeeze %dma_start3A_354 : memref<1x64x512xf32, #tpu.memory_space<vmem>> -> memref<64x512xf32, #tpu.memory_space<vmem>>
    %dma_start3A_356 = arith.constant 0 : i32
    %dma_start3A_357 = tpu.memref_slice %arg4[%add3A_350, %dma_start3A_356] : memref<16384x512xf32, #tpu.memory_space<hbm>> -> memref<64x512xf32, #tpu.memory_space<hbm>>
    %dma_start3A_358 = arith.constant 0 : i32
    %dma_start3A_359 = tpu.memref_slice %arg4[%add3A_350, %dma_start3A_358] : memref<16384x512xf32, #tpu.memory_space<hbm>> -> memref<64x512xf32, #tpu.memory_space<hbm>>
    %dma_start3A_360 = arith.constant 0 : i32
    %dma_start3A_361 = arith.constant 0 : i32
    %dma_start3A_362 = tpu.memref_slice %arg6[%dma_start3A_351, %dma_start3A_360, %dma_start3A_361] : memref<2x64x512xf32, #tpu.memory_space<vmem>> -> memref<1x64x512xf32, #tpu.memory_space<vmem>>
    %dma_start3A_363 = tpu.memref_squeeze %dma_start3A_362 : memref<1x64x512xf32, #tpu.memory_space<vmem>> -> memref<64x512xf32, #tpu.memory_space<vmem>>
    tpu.enqueue_dma source(%dma_start3A_363 : memref<64x512xf32, #tpu.memory_space<vmem>>) target(%dma_start3A_359 : memref<64x512xf32, #tpu.memory_space<hbm>>) target_semaphore(%arg8 : memref<!tpu.dma_semaphore, #tpu.memory_space<semaphore_mem>>)
    %dma_wait3A_364 = arith.constant 7 : i32
    %dma_wait3A_365 = arith.constant 1 : i32
    %dma_wait3A_366 = arith.constant 0 : i32
    %dma_wait3A_367 = arith.constant 0 : i32
    %dma_wait3A_368 = tpu.memref_slice %arg6[%dma_wait3A_365, %dma_wait3A_366, %dma_wait3A_367] : memref<2x64x512xf32, #tpu.memory_space<vmem>> -> memref<1x64x512xf32, #tpu.memory_space<vmem>>
    %dma_wait3A_369 = tpu.memref_squeeze %dma_wait3A_368 : memref<1x64x512xf32, #tpu.memory_space<vmem>> -> memref<64x512xf32, #tpu.memory_space<vmem>>
    %dma_wait3A_370 = arith.constant 0 : i32
    %dma_wait3A_371 = tpu.memref_slice %arg5[%dma_wait3A_364, %dma_wait3A_370] : memref<8x64xi32, #tpu.memory_space<vmem>> -> memref<1x64xi32, #tpu.memory_space<vmem>>
    %dma_wait3A_372 = tpu.memref_squeeze %dma_wait3A_371 : memref<1x64xi32, #tpu.memory_space<vmem>> -> memref<64xi32, #tpu.memory_space<vmem>>
    %dma_wait3A_373 = arith.constant 0 : i32
    %dma_wait3A_374 = arith.constant 0 : i32
    %dma_wait3A_375 = tpu.memref_slice %arg3[%dma_wait3A_373, %dma_wait3A_374] : memref<100000x512xf32, #tpu.memory_space<hbm>> -> memref<100000x512xf32, #tpu.memory_space<hbm>>
    tpu.wait_indirect_dma semaphore(%arg7 : memref<!tpu.dma_semaphore, #tpu.memory_space<semaphore_mem>>) src(%dma_wait3A_375 : memref<100000x512xf32, #tpu.memory_space<hbm>>) dst(%dma_wait3A_369 : memref<64x512xf32, #tpu.memory_space<vmem>>)
    %add3A_376 = arith.constant 448 : i32
    %add3A_377 = arith.addi %mul3A_2, %add3A_376 : i32
    %dma_start3A_378 = arith.constant 1 : i32
    %dma_start3A_379 = arith.constant 0 : i32
    %dma_start3A_380 = arith.constant 0 : i32
    %dma_start3A_381 = tpu.memref_slice %arg6[%dma_start3A_378, %dma_start3A_379, %dma_start3A_380] : memref<2x64x512xf32, #tpu.memory_space<vmem>> -> memref<1x64x512xf32, #tpu.memory_space<vmem>>
    %dma_start3A_382 = tpu.memref_squeeze %dma_start3A_381 : memref<1x64x512xf32, #tpu.memory_space<vmem>> -> memref<64x512xf32, #tpu.memory_space<vmem>>
    %dma_start3A_383 = arith.constant 0 : i32
    %dma_start3A_384 = tpu.memref_slice %arg4[%add3A_377, %dma_start3A_383] : memref<16384x512xf32, #tpu.memory_space<hbm>> -> memref<64x512xf32, #tpu.memory_space<hbm>>
    %dma_start3A_385 = arith.constant 0 : i32
    %dma_start3A_386 = tpu.memref_slice %arg4[%add3A_377, %dma_start3A_385] : memref<16384x512xf32, #tpu.memory_space<hbm>> -> memref<64x512xf32, #tpu.memory_space<hbm>>
    %dma_start3A_387 = arith.constant 0 : i32
    %dma_start3A_388 = arith.constant 0 : i32
    %dma_start3A_389 = tpu.memref_slice %arg6[%dma_start3A_378, %dma_start3A_387, %dma_start3A_388] : memref<2x64x512xf32, #tpu.memory_space<vmem>> -> memref<1x64x512xf32, #tpu.memory_space<vmem>>
    %dma_start3A_390 = tpu.memref_squeeze %dma_start3A_389 : memref<1x64x512xf32, #tpu.memory_space<vmem>> -> memref<64x512xf32, #tpu.memory_space<vmem>>
    tpu.enqueue_dma source(%dma_start3A_390 : memref<64x512xf32, #tpu.memory_space<vmem>>) target(%dma_start3A_386 : memref<64x512xf32, #tpu.memory_space<hbm>>) target_semaphore(%arg8 : memref<!tpu.dma_semaphore, #tpu.memory_space<semaphore_mem>>)
    %dma_wait3A_391 = arith.constant 0 : i32
    %dma_wait3A_392 = arith.constant 0 : i32
    %dma_wait3A_393 = arith.constant 0 : i32
    %dma_wait3A_394 = tpu.memref_slice %arg6[%dma_wait3A_391, %dma_wait3A_392, %dma_wait3A_393] : memref<2x64x512xf32, #tpu.memory_space<vmem>> -> memref<1x64x512xf32, #tpu.memory_space<vmem>>
    %dma_wait3A_395 = tpu.memref_squeeze %dma_wait3A_394 : memref<1x64x512xf32, #tpu.memory_space<vmem>> -> memref<64x512xf32, #tpu.memory_space<vmem>>
    %dma_wait3A_396 = arith.constant 0 : i32
    %dma_wait3A_397 = tpu.memref_slice %arg4[%add3A_350, %dma_wait3A_396] : memref<16384x512xf32, #tpu.memory_space<hbm>> -> memref<64x512xf32, #tpu.memory_space<hbm>>
    %dma_wait3A_398 = arith.constant 0 : i32
    %dma_wait3A_399 = tpu.memref_slice %arg4[%add3A_350, %dma_wait3A_398] : memref<16384x512xf32, #tpu.memory_space<hbm>> -> memref<64x512xf32, #tpu.memory_space<hbm>>
    %dma_wait3A_400 = arith.constant 0 : i32
    %dma_wait3A_401 = arith.constant 0 : i32
    %dma_wait3A_402 = tpu.memref_slice %arg6[%dma_wait3A_391, %dma_wait3A_400, %dma_wait3A_401] : memref<2x64x512xf32, #tpu.memory_space<vmem>> -> memref<1x64x512xf32, #tpu.memory_space<vmem>>
    %dma_wait3A_403 = tpu.memref_squeeze %dma_wait3A_402 : memref<1x64x512xf32, #tpu.memory_space<vmem>> -> memref<64x512xf32, #tpu.memory_space<vmem>>
    tpu.wait_dma2 semaphore(%arg8 : memref<!tpu.dma_semaphore, #tpu.memory_space<semaphore_mem>>) src(%dma_wait3A_403 : memref<64x512xf32, #tpu.memory_space<vmem>>) dst(%dma_wait3A_399 : memref<64x512xf32, #tpu.memory_space<hbm>>)
    %dma_wait3A_404 = arith.constant 1 : i32
    %dma_wait3A_405 = arith.constant 0 : i32
    %dma_wait3A_406 = arith.constant 0 : i32
    %dma_wait3A_407 = tpu.memref_slice %arg6[%dma_wait3A_404, %dma_wait3A_405, %dma_wait3A_406] : memref<2x64x512xf32, #tpu.memory_space<vmem>> -> memref<1x64x512xf32, #tpu.memory_space<vmem>>
    %dma_wait3A_408 = tpu.memref_squeeze %dma_wait3A_407 : memref<1x64x512xf32, #tpu.memory_space<vmem>> -> memref<64x512xf32, #tpu.memory_space<vmem>>
    %dma_wait3A_409 = arith.constant 0 : i32
    %dma_wait3A_410 = tpu.memref_slice %arg4[%add3A_377, %dma_wait3A_409] : memref<16384x512xf32, #tpu.memory_space<hbm>> -> memref<64x512xf32, #tpu.memory_space<hbm>>
    %dma_wait3A_411 = arith.constant 0 : i32
    %dma_wait3A_412 = tpu.memref_slice %arg4[%add3A_377, %dma_wait3A_411] : memref<16384x512xf32, #tpu.memory_space<hbm>> -> memref<64x512xf32, #tpu.memory_space<hbm>>
    %dma_wait3A_413 = arith.constant 0 : i32
    %dma_wait3A_414 = arith.constant 0 : i32
    %dma_wait3A_415 = tpu.memref_slice %arg6[%dma_wait3A_404, %dma_wait3A_413, %dma_wait3A_414] : memref<2x64x512xf32, #tpu.memory_space<vmem>> -> memref<1x64x512xf32, #tpu.memory_space<vmem>>
    %dma_wait3A_416 = tpu.memref_squeeze %dma_wait3A_415 : memref<1x64x512xf32, #tpu.memory_space<vmem>> -> memref<64x512xf32, #tpu.memory_space<vmem>>
    tpu.wait_dma2 semaphore(%arg8 : memref<!tpu.dma_semaphore, #tpu.memory_space<semaphore_mem>>) src(%dma_wait3A_416 : memref<64x512xf32, #tpu.memory_space<vmem>>) dst(%dma_wait3A_412 : memref<64x512xf32, #tpu.memory_space<hbm>>)
    return
  }
}

module attributes {stable_mosaic.version = 14 : i64} {
  func.func @body(%arg0: i32, %arg1: memref<64x2048xf32, #tpu.memory_space<vmem>>, %arg2: memref<64x2048xf32, #tpu.memory_space<vmem>>, %arg3: memref<2048x128xf32, #tpu.memory_space<vmem>>) attributes {dimension_semantics = [#tpu.dimension_semantics<arbitrary>], iteration_bounds = array<i64: 245>, scalar_prefetch = 0 : i64, scratch_operands = 0 : i64, tpu.core_type = #tpu.core_type<tc>, window_params = [{transform_indices = @transform_0, window_bounds = array<i64: 64, 2048>}, {transform_indices = @transform_1, window_bounds = array<i64: 64, 2048>}, {transform_indices = @transform_2, window_bounds = array<i64: 2048, 128>}]} {
    %iota3A = tpu.iota {dimensions = array<i32: 0>} : vector<64x64xi32>
    %iota3A_0 = tpu.iota {dimensions = array<i32: 1>} : vector<64x64xi32>
    %add3A = arith.constant 0 : i32
    %add3A_1 = vector.broadcast %add3A : i32 to vector<64x64xi32>
    %add3A_2 = arith.addi %iota3A, %add3A_1 : vector<64x64xi32>
    %eq3A = arith.cmpi eq, %add3A_2, %iota3A_0 : vector<64x64xi32>
    %convert_element_type3A = arith.extui %eq3A : vector<64x64xi1> to vector<64x64xi32>
    %convert_element_type3A_3 = arith.sitofp %convert_element_type3A : vector<64x64xi32> to vector<64x64xf32>
    %get3A = arith.constant 0 : index
    %get3A_4 = arith.constant 0 : index
    %get3A_5 = vector.load %arg1[%get3A, %get3A_4] : memref<64x2048xf32, #tpu.memory_space<vmem>>, vector<64x2048xf32>
    %dot_general3A = arith.constant dense<0.000000e+00> : vector<2048x64xf32>
    %dot_general3A_6 = tpu.matmul %get3A_5, %convert_element_type3A_3, %dot_general3A {dimension_numbers = #tpu.dot_dimension_numbers<[0], [0], [1], [1], [0, 1, 1, 1], [], []>, transpose_lhs_hint = false} : vector<64x2048xf32>, vector<64x64xf32>, vector<2048x64xf32> -> vector<2048x64xf32>
    %swap3A = arith.constant 0 : index
    %swap3A_7 = arith.constant 0 : index
    %swap3A_8 = vector.load %arg3[%swap3A, %swap3A_7] : memref<2048x128xf32, #tpu.memory_space<vmem>>, vector<2048x64xf32>
    tpu.vector_store %arg3[%swap3A, %swap3A_7], %dot_general3A_6 {strides = array<i32>} : memref<2048x128xf32, #tpu.memory_space<vmem>>, vector<2048x64xf32>,
    %get3A_9 = arith.constant 0 : index
    %get3A_10 = arith.constant 0 : index
    %get3A_11 = vector.load %arg2[%get3A_9, %get3A_10] : memref<64x2048xf32, #tpu.memory_space<vmem>>, vector<64x2048xf32>
    %dot_general3A_12 = arith.constant dense<0.000000e+00> : vector<2048x64xf32>
    %dot_general3A_13 = tpu.matmul %get3A_11, %convert_element_type3A_3, %dot_general3A_12 {dimension_numbers = #tpu.dot_dimension_numbers<[0], [0], [1], [1], [0, 1, 1, 1], [], []>, transpose_lhs_hint = false} : vector<64x2048xf32>, vector<64x64xf32>, vector<2048x64xf32> -> vector<2048x64xf32>
    %swap3A_14 = arith.constant 0 : index
    %swap3A_15 = arith.constant 64 : index
    %swap3A_16 = vector.load %arg3[%swap3A_14, %swap3A_15] : memref<2048x128xf32, #tpu.memory_space<vmem>>, vector<2048x64xf32>
    tpu.vector_store %arg3[%swap3A_14, %swap3A_15], %dot_general3A_13 {strides = array<i32>} : memref<2048x128xf32, #tpu.memory_space<vmem>>, vector<2048x64xf32>,
    return
  }
  func.func @transform_0(%arg0: i32) -> (i32, i32) {
    %c0_i32 = arith.constant 0 : i32
    %c0_i32_0 = arith.constant 0 : i32
    return %c0_i32, %arg0 : i32, i32
  }
  func.func @transform_1(%arg0: i32) -> (i32, i32) {
    %add3A = arith.constant 245 : i32
    %add3A_0 = arith.addi %arg0, %add3A : i32
    %min3A = arith.constant 488 : i32
    %min3A_1 = arith.minsi %add3A_0, %min3A : i32
    %c0_i32 = arith.constant 0 : i32
    %c0_i32_2 = arith.constant 0 : i32
    return %c0_i32, %min3A_1 : i32, i32
  }
  func.func @transform_2(%arg0: i32) -> (i32, i32) {
    %c0_i32 = arith.constant 0 : i32
    %c0_i32_0 = arith.constant 0 : i32
    return %arg0, %c0_i32 : i32, i32
  }
}

module attributes {stable_mosaic.version = 14 : i64} {
  func.func @body(%arg0: i32, %arg1: memref<64x2048xf32, #tpu.memory_space<vmem>>, %arg2: memref<64x2048xf32, #tpu.memory_space<vmem>>, %arg3: memref<2048x128xf32, #tpu.memory_space<vmem>>) attributes {dimension_semantics = [#tpu.dimension_semantics<arbitrary>], iteration_bounds = array<i64: 25>, scalar_prefetch = 0 : i64, scratch_operands = 0 : i64, tpu.core_type = #tpu.core_type<tc>, window_params = [{transform_indices = @transform_0, window_bounds = array<i64: 64, 2048>}, {transform_indices = @transform_1, window_bounds = array<i64: 64, 2048>}, {transform_indices = @transform_2, window_bounds = array<i64: 2048, 128>}]} {
    %iota3A = tpu.iota {dimensions = array<i32: 0>} : vector<64x64xi32>
    %iota3A_0 = tpu.iota {dimensions = array<i32: 1>} : vector<64x64xi32>
    %add3A = arith.constant 0 : i32
    %add3A_1 = vector.broadcast %add3A : i32 to vector<64x64xi32>
    %add3A_2 = arith.addi %iota3A, %add3A_1 : vector<64x64xi32>
    %eq3A = arith.cmpi eq, %add3A_2, %iota3A_0 : vector<64x64xi32>
    %convert_element_type3A = arith.extui %eq3A : vector<64x64xi1> to vector<64x64xi32>
    %convert_element_type3A_3 = arith.sitofp %convert_element_type3A : vector<64x64xi32> to vector<64x64xf32>
    %get3A = arith.constant 0 : index
    %get3A_4 = arith.constant 0 : index
    %get3A_5 = vector.load %arg1[%get3A, %get3A_4] : memref<64x2048xf32, #tpu.memory_space<vmem>>, vector<64x2048xf32>
    %dot_general3A = arith.constant dense<0.000000e+00> : vector<2048x64xf32>
    %dot_general3A_6 = tpu.matmul %get3A_5, %convert_element_type3A_3, %dot_general3A {dimension_numbers = #tpu.dot_dimension_numbers<[0], [0], [1], [1], [0, 1, 1, 1], [], []>, transpose_lhs_hint = false} : vector<64x2048xf32>, vector<64x64xf32>, vector<2048x64xf32> -> vector<2048x64xf32>
    %swap3A = arith.constant 0 : index
    %swap3A_7 = arith.constant 0 : index
    %swap3A_8 = vector.load %arg3[%swap3A, %swap3A_7] : memref<2048x128xf32, #tpu.memory_space<vmem>>, vector<2048x64xf32>
    tpu.vector_store %arg3[%swap3A, %swap3A_7], %dot_general3A_6 {strides = array<i32>} : memref<2048x128xf32, #tpu.memory_space<vmem>>, vector<2048x64xf32>,
    %get3A_9 = arith.constant 0 : index
    %get3A_10 = arith.constant 0 : index
    %get3A_11 = vector.load %arg2[%get3A_9, %get3A_10] : memref<64x2048xf32, #tpu.memory_space<vmem>>, vector<64x2048xf32>
    %dot_general3A_12 = arith.constant dense<0.000000e+00> : vector<2048x64xf32>
    %dot_general3A_13 = tpu.matmul %get3A_11, %convert_element_type3A_3, %dot_general3A_12 {dimension_numbers = #tpu.dot_dimension_numbers<[0], [0], [1], [1], [0, 1, 1, 1], [], []>, transpose_lhs_hint = false} : vector<64x2048xf32>, vector<64x64xf32>, vector<2048x64xf32> -> vector<2048x64xf32>
    %swap3A_14 = arith.constant 0 : index
    %swap3A_15 = arith.constant 64 : index
    %swap3A_16 = vector.load %arg3[%swap3A_14, %swap3A_15] : memref<2048x128xf32, #tpu.memory_space<vmem>>, vector<2048x64xf32>
    tpu.vector_store %arg3[%swap3A_14, %swap3A_15], %dot_general3A_13 {strides = array<i32>} : memref<2048x128xf32, #tpu.memory_space<vmem>>, vector<2048x64xf32>,
    return
  }
  func.func @transform_0(%arg0: i32) -> (i32, i32) {
    %c0_i32 = arith.constant 0 : i32
    %c0_i32_0 = arith.constant 0 : i32
    return %c0_i32, %arg0 : i32, i32
  }
  func.func @transform_1(%arg0: i32) -> (i32, i32) {
    %add3A = arith.constant 25 : i32
    %add3A_0 = arith.addi %arg0, %add3A : i32
    %min3A = arith.constant 48 : i32
    %min3A_1 = arith.minsi %add3A_0, %min3A : i32
    %c0_i32 = arith.constant 0 : i32
    %c0_i32_2 = arith.constant 0 : i32
    return %c0_i32, %min3A_1 : i32, i32
  }
  func.func @transform_2(%arg0: i32) -> (i32, i32) {
    %c0_i32 = arith.constant 0 : i32
    %c0_i32_0 = arith.constant 0 : i32
    return %arg0, %c0_i32 : i32, i32
  }
}

module attributes {stable_mosaic.version = 14 : i64} {
  func.func @body(%arg0: i32, %arg1: memref<2048x512xf32, #tpu.memory_space<vmem>>, %arg2: memref<2048x128xf32, #tpu.memory_space<vmem>>, %arg3: memref<2048x128xf32, #tpu.memory_space<vmem>>, %arg4: memref<2048x128xf32, #tpu.memory_space<vmem>>, %arg5: memref<512x64xf32, #tpu.memory_space<vmem>>, %arg6: memref<2048x1xi32, #tpu.memory_space<vmem>>, %arg7: memref<2048x1xi32, #tpu.memory_space<vmem>>, %arg8: memref<2048x1xf32, #tpu.memory_space<vmem>>, %arg9: memref<2048x64xf32, #tpu.memory_space<vmem>>, %arg10: memref<2048x64xf32, #tpu.memory_space<vmem>>, %arg11: memref<2048x64xf32, #tpu.memory_space<vmem>>) attributes {dimension_semantics = [#tpu.dimension_semantics<arbitrary>], iteration_bounds = array<i64: 8>, scalar_prefetch = 0 : i64, scratch_operands = 0 : i64, tpu.core_type = #tpu.core_type<tc>, window_params = [{transform_indices = @transform_0, window_bounds = array<i64: 2048, 512>}, {transform_indices = @transform_1, window_bounds = array<i64: 2048, 128>}, {transform_indices = @transform_2, window_bounds = array<i64: 2048, 128>}, {transform_indices = @transform_3, window_bounds = array<i64: 2048, 128>}, {pipeline_mode = #tpu.pipeline_mode<synchronous>, transform_indices = @transform_4, window_bounds = array<i64: 512, 64>}, {transform_indices = @transform_5, window_bounds = array<i64: 2048, 1>}, {transform_indices = @transform_6, window_bounds = array<i64: 2048, 1>}, {transform_indices = @transform_7, window_bounds = array<i64: 2048, 1>}, {transform_indices = @transform_8, window_bounds = array<i64: 2048, 64>}, {transform_indices = @transform_9, window_bounds = array<i64: 2048, 64>}, {transform_indices = @transform_10, window_bounds = array<i64: 2048, 64>}]} {
    %get3A = arith.constant 0 : index
    %get3A_0 = arith.constant 0 : index
    %get3A_1 = vector.load %arg6[%get3A, %get3A_0] : memref<2048x1xi32, #tpu.memory_space<vmem>>, vector<2048x1xi32>
    %ne3A = arith.constant 0 : i32
    %ne3A_2 = vector.broadcast %ne3A : i32 to vector<2048x1xi32>
    %ne3A_3 = arith.cmpi ne, %get3A_1, %ne3A_2 : vector<2048x1xi32>
    %get3A_4 = arith.constant 0 : index
    %get3A_5 = arith.constant 0 : index
    %get3A_6 = vector.load %arg7[%get3A_4, %get3A_5] : memref<2048x1xi32, #tpu.memory_space<vmem>>, vector<2048x1xi32>
    %ne3A_7 = arith.constant 0 : i32
    %ne3A_8 = vector.broadcast %ne3A_7 : i32 to vector<2048x1xi32>
    %ne3A_9 = arith.cmpi ne, %get3A_6, %ne3A_8 : vector<2048x1xi32>
    %get3A_10 = arith.constant 0 : index
    %get3A_11 = arith.constant 64 : index
    %get3A_12 = vector.load %arg2[%get3A_10, %get3A_11] : memref<2048x128xf32, #tpu.memory_space<vmem>>, vector<2048x64xf32>
    %get3A_13 = arith.constant 0 : index
    %get3A_14 = arith.constant 0 : index
    %get3A_15 = vector.load %arg2[%get3A_13, %get3A_14] : memref<2048x128xf32, #tpu.memory_space<vmem>>, vector<2048x64xf32>
    %broadcast_in_dim3A = vector.shape_cast %ne3A_3 : vector<2048x1xi1> to vector<2048x1xi1>
    %broadcast_in_dim3A_16 = vector.broadcast %broadcast_in_dim3A : vector<2048x1xi1> to vector<2048x64xi1>
    %select_n3A = arith.select %broadcast_in_dim3A_16, %get3A_12, %get3A_15 : vector<2048x64xi1>, vector<2048x64xf32>
    %get3A_17 = arith.constant 0 : index
    %get3A_18 = arith.constant 64 : index
    %get3A_19 = vector.load %arg3[%get3A_17, %get3A_18] : memref<2048x128xf32, #tpu.memory_space<vmem>>, vector<2048x64xf32>
    %get3A_20 = arith.constant 0 : index
    %get3A_21 = arith.constant 0 : index
    %get3A_22 = vector.load %arg3[%get3A_20, %get3A_21] : memref<2048x128xf32, #tpu.memory_space<vmem>>, vector<2048x64xf32>
    %broadcast_in_dim3A_23 = vector.shape_cast %ne3A_9 : vector<2048x1xi1> to vector<2048x1xi1>
    %broadcast_in_dim3A_24 = vector.broadcast %broadcast_in_dim3A_23 : vector<2048x1xi1> to vector<2048x64xi1>
    %select_n3A_25 = arith.select %broadcast_in_dim3A_24, %get3A_19, %get3A_22 : vector<2048x64xi1>, vector<2048x64xf32>
    %get3A_26 = arith.constant 0 : index
    %get3A_27 = arith.constant 64 : index
    %get3A_28 = vector.load %arg4[%get3A_26, %get3A_27] : memref<2048x128xf32, #tpu.memory_space<vmem>>, vector<2048x64xf32>
    %get3A_29 = arith.constant 0 : index
    %get3A_30 = arith.constant 0 : index
    %get3A_31 = vector.load %arg4[%get3A_29, %get3A_30] : memref<2048x128xf32, #tpu.memory_space<vmem>>, vector<2048x64xf32>
    %broadcast_in_dim3A_32 = vector.shape_cast %ne3A_9 : vector<2048x1xi1> to vector<2048x1xi1>
    %broadcast_in_dim3A_33 = vector.broadcast %broadcast_in_dim3A_32 : vector<2048x1xi1> to vector<2048x64xi1>
    %select_n3A_34 = arith.select %broadcast_in_dim3A_33, %get3A_28, %get3A_31 : vector<2048x64xi1>, vector<2048x64xf32>
    %get3A_35 = arith.constant 0 : index
    %get3A_36 = arith.constant 0 : index
    %get3A_37 = vector.load %arg1[%get3A_35, %get3A_36] : memref<2048x512xf32, #tpu.memory_space<vmem>>, vector<2048x512xf32>
    %get3A_38 = arith.constant 0 : index
    %get3A_39 = arith.constant 0 : index
    %get3A_40 = vector.load %arg5[%get3A_38, %get3A_39] : memref<512x64xf32, #tpu.memory_space<vmem>>, vector<512x64xf32>
    %dot_general3A = arith.constant dense<0.000000e+00> : vector<2048x64xf32>
    %dot_general3A_41 = tpu.matmul %get3A_37, %get3A_40, %dot_general3A {dimension_numbers = #tpu.dot_dimension_numbers<[1], [0], [0], [1], [0, 0, 1, 1], [], []>, transpose_lhs_hint = false} : vector<2048x512xf32>, vector<512x64xf32>, vector<2048x64xf32> -> vector<2048x64xf32>
    %sub3A = arith.subf %dot_general3A_41, %select_n3A_34 : vector<2048x64xf32>
    %add3A = arith.addf %sub3A, %select_n3A_25 : vector<2048x64xf32>
    %mul3A = arith.mulf %select_n3A, %add3A : vector<2048x64xf32>
    %reduce_sum3A = arith.constant dense<0.000000e+00> : vector<2048xf32>
    %reduce_sum3A_42 = vector.multi_reduction <add>, %mul3A, %reduce_sum3A [1] : vector<2048x64xf32> to vector<2048xf32>
    %broadcast_in_dim3A_43 = vector.shape_cast %reduce_sum3A_42 : vector<2048xf32> to vector<2048x1xf32>
    %swap3A = arith.constant 0 : index
    %swap3A_44 = arith.constant 0 : index
    %swap3A_45 = vector.load %arg8[%swap3A, %swap3A_44] : memref<2048x1xf32, #tpu.memory_space<vmem>>, vector<2048x1xf32>
    tpu.vector_store %arg8[%swap3A, %swap3A_44], %broadcast_in_dim3A_43 {strides = array<i32>} : memref<2048x1xf32, #tpu.memory_space<vmem>>, vector<2048x1xf32>,
    %swap3A_46 = arith.constant 0 : index
    %swap3A_47 = arith.constant 0 : index
    %swap3A_48 = vector.load %arg9[%swap3A_46, %swap3A_47] : memref<2048x64xf32, #tpu.memory_space<vmem>>, vector<2048x64xf32>
    tpu.vector_store %arg9[%swap3A_46, %swap3A_47], %select_n3A {strides = array<i32>} : memref<2048x64xf32, #tpu.memory_space<vmem>>, vector<2048x64xf32>,
    %swap3A_49 = arith.constant 0 : index
    %swap3A_50 = arith.constant 0 : index
    %swap3A_51 = vector.load %arg10[%swap3A_49, %swap3A_50] : memref<2048x64xf32, #tpu.memory_space<vmem>>, vector<2048x64xf32>
    tpu.vector_store %arg10[%swap3A_49, %swap3A_50], %select_n3A_25 {strides = array<i32>} : memref<2048x64xf32, #tpu.memory_space<vmem>>, vector<2048x64xf32>,
    %swap3A_52 = arith.constant 0 : index
    %swap3A_53 = arith.constant 0 : index
    %swap3A_54 = vector.load %arg11[%swap3A_52, %swap3A_53] : memref<2048x64xf32, #tpu.memory_space<vmem>>, vector<2048x64xf32>
    tpu.vector_store %arg11[%swap3A_52, %swap3A_53], %select_n3A_34 {strides = array<i32>} : memref<2048x64xf32, #tpu.memory_space<vmem>>, vector<2048x64xf32>,
    return
  }
  func.func @transform_0(%arg0: i32) -> (i32, i32) {
    %c0_i32 = arith.constant 0 : i32
    %c0_i32_0 = arith.constant 0 : i32
    return %arg0, %c0_i32 : i32, i32
  }
  func.func @transform_1(%arg0: i32) -> (i32, i32) {
    %c0_i32 = arith.constant 0 : i32
    %c0_i32_0 = arith.constant 0 : i32
    return %arg0, %c0_i32 : i32, i32
  }
  func.func @transform_2(%arg0: i32) -> (i32, i32) {
    %c0_i32 = arith.constant 0 : i32
    %c0_i32_0 = arith.constant 0 : i32
    return %arg0, %c0_i32 : i32, i32
  }
  func.func @transform_3(%arg0: i32) -> (i32, i32) {
    %c0_i32 = arith.constant 0 : i32
    %c0_i32_0 = arith.constant 0 : i32
    return %arg0, %c0_i32 : i32, i32
  }
  func.func @transform_4(%arg0: i32) -> (i32, i32) {
    %c0_i32 = arith.constant 0 : i32
    %c0_i32_0 = arith.constant 0 : i32
    %c0_i32_1 = arith.constant 0 : i32
    return %c0_i32, %c0_i32_0 : i32, i32
  }
  func.func @transform_5(%arg0: i32) -> (i32, i32) {
    %c0_i32 = arith.constant 0 : i32
    %c0_i32_0 = arith.constant 0 : i32
    return %arg0, %c0_i32 : i32, i32
  }
  func.func @transform_6(%arg0: i32) -> (i32, i32) {
    %c0_i32 = arith.constant 0 : i32
    %c0_i32_0 = arith.constant 0 : i32
    return %arg0, %c0_i32 : i32, i32
  }
  func.func @transform_7(%arg0: i32) -> (i32, i32) {
    %c0_i32 = arith.constant 0 : i32
    %c0_i32_0 = arith.constant 0 : i32
    return %arg0, %c0_i32 : i32, i32
  }
  func.func @transform_8(%arg0: i32) -> (i32, i32) {
    %c0_i32 = arith.constant 0 : i32
    %c0_i32_0 = arith.constant 0 : i32
    return %arg0, %c0_i32 : i32, i32
  }
  func.func @transform_9(%arg0: i32) -> (i32, i32) {
    %c0_i32 = arith.constant 0 : i32
    %c0_i32_0 = arith.constant 0 : i32
    return %arg0, %c0_i32 : i32, i32
  }
  func.func @transform_10(%arg0: i32) -> (i32, i32) {
    %c0_i32 = arith.constant 0 : i32
    %c0_i32_0 = arith.constant 0 : i32
    return %arg0, %c0_i32 : i32, i32
  }
}

</mosaic_0001>

<sc_bundles>
// kernel: kernel.11.cloned.1.call-start
scs
__scs_entry_jumppad:
0x0: {  	(pc) =	sbr.rel $0x88, $3  }
0x1: {  	(tag) =	ssettag $0x0;
	lr =	simm.s32 $0x1  }
0x2: {  	[smem:$0x3F9A] =	sst lr;
	_ =	strace $0xD0000000  }
0x3: {  	_ = 	snop  }
0x4: {  	_ = 	snop  }
0x5: {  	_ = 	snop  }
0x6: {  	_ = 	snop  }
0x7: {  	_ = 	snop  }
__scs_overlays_trampoline_lowered:
0x8: {  	[smem:$0x3FA9] =	sst s0  }
0x9: {  	[smem:$0x3FAA] =	sst s1  }
0xa: {  	[smem:$0x3FAB] =	sst s2  }
0xb: {  	[smem:$0x3FAC] =	sst s3  }
0xc: {  	[smem:$0x3FAD] =	sst s4  }
0xd: {  	[smem:$0x3FAE] =	sst s5  }
0xe: {  	[smem:$0x3FAF] =	sst s6  }
0xf: {  	[smem:$0x3FB0] =	sst s7  }
0x10: {  	[smem:$0x3FB1] =	sst s8  }
0x11: {  	[smem:$0x3FB2] =	sst s9;
	s0 =	simm.s32 @!p0 $0x0  }
0x12: {  	s1 =	sld [smem:$0x3F98];
	s0 =	simm.s32 @p0 $0x1  }
0x13: {  	[smem:$0x3FB3] =	sst s0;
	s0 =	simm.s32 @!p1 $0x0  }
0x14: {  	s2 =	sld [smem:$0x3F97];
	s0 =	simm.s32 @p1 $0x1  }
0x15: {  	[smem:$0x3FB4] =	sst s0;
	s0 =	simm.s32 @!p2 $0x0  }
0x16: {  	s3 =	sld [smem:$0x3FDB];
	s0 =	simm.s32 @p2 $0x1  }
0x17: {  	s4 =	simm.s32 $0x1BF5;
	[smem:$0x3FB6] =	sst s0  }
0x18: {  	s0 =	sld [smem:$0x3F99];
	_ =	swait.ge [sflag:s4], $0x0  }
0x19: {  	s7 =	sld [smem:$0x3F9A]  }
0x1a: {  	s8 =	sadd.s32 $0xFFFFE003, lr  }
0x1b: {  	s9 =	sadd.s32 $0xFFFFFEF7, lr;
	s5 =	simm.s32 $0xFFFFFFFF;
	p2 =	slt.u32 s8, $0xFFFFF086  }
0x1c: {  	p1 =	slt.u32 s9, $0xF7A;
	s5 =	simm.s32 @!p2 $0x0  }
0x1d: {  	s5 =	simm.s32 @p1 $0x1;
	p0 =	seq.s32 s7, s2  }
0x1e: {  	s7 =	smul.u32 @!p0 $0xF7A, s2;
	p2 =	seq.s32 @!p0 s5, $0x0  }
0x1f: {  	s9 =	smul.u32 $0xF7A, s1;
	s8 =	simm.s32 @!p0 $0x1BF5;
	p2 =	por !p2, p0  }
0x20: {  	[sflag:s8] =	ssyncset.s32 @!p0 $0xFFFFF086;
	s6 =	sadd.s32 @!p0 s3, s7;
	s7 =	simm.s32 @!p0 $0x108  }
0x21: {  	s3 =	sadd.s32 s3, s9;
	s6 =	sadd.s32 @!p0 $0x88, s6;
	s7 =	simm.s32 @p2 $0x1082  }
0x22: {  	[simem:s7], [sflag:s8] =	dma.local @!p0 [hbm:s6], $0xF7A  }
0x23: {  	s9 =	sor.u32 $0xD0000000, s2;
	s6 =	simm.s32 $0x108;
	_ =	swait.ge @!p0 [sflag:s8], $0x0  }
0x24: {  	s3 =	sadd.s32 $0x88, s3;
	s6 =	simm.s32 @!p1 $0x1082;
	[sflag:s4] =	ssyncset.s32 $0xFFFFF086  }
0x25: {  	[simem:s6], [sflag:s4] =	dma.local [hbm:s3], $0xF7A  }
0x26: {  	[smem:$0x3F9A] =	sst s1;
	(tag) =	ssettag s2;
	_ =	strace s9  }
0x27: {  	s1 =	sld [smem:$0x3FAA]  }
0x28: {  	s2 =	sld [smem:$0x3FAB]  }
0x29: {  	s4 =	sld [smem:$0x3FAD]  }
0x2a: {  	p0 =	seq.s32 s5, $0x0;
	s5 =	sld [smem:$0x3FAE]  }
0x2b: {  	s6 =	sld [smem:$0x3FAF]  }
0x2c: {  	s7 =	sld [smem:$0x3FB0]  }
0x2d: {  	s3 =	simm.s32 $0x108;
	s8 =	sld [smem:$0x3FB1]  }
0x2e: {  	s3 =	simm.s32 @!p0 $0x1082;
	s9 =	sld [smem:$0x3FB2]  }
0x2f: {  	lr =	sadd.s32 s0, s3;
	s0 =	sld [smem:$0x3FA9]  }
0x30: {  	s3 =	sld [smem:$0x3FAC]  }
0x31: {  	[smem:$0x3FB5] =	sst s10  }
0x32: {  	s10 =	sld [smem:$0x3FB3];
	_ =	sdelay $0x3  }
0x33: {  	p0 =	seq.s32 s10, $0x1;
	s10 =	sld [smem:$0x3FB5];
	_ =	sdelay $0x3  }
0x34: {  	[smem:$0x3FB5] =	sst s10  }
0x35: {  	s10 =	sld [smem:$0x3FB4];
	_ =	sdelay $0x3  }
0x36: {  	p1 =	seq.s32 s10, $0x1;
	s10 =	sld [smem:$0x3FB5];
	_ =	sdelay $0x3  }
0x37: {  	[smem:$0x3FB5] =	sst s10  }
0x38: {  	s10 =	sld [smem:$0x3FB6]  }
0x39: {  	_ = 	snop;
	(pc) =	sbr.ind lr, $3  }
0x3a: {  	_ = 	snop  }
0x3b: {  	_ = 	snop  }
0x3c: {  	p2 =	seq.s32 s10, $0x1;
	s10 =	sld [smem:$0x3FB5]  }
0x3d: {  	_ =	shalt  }
0x3e: {  	_ =	shalt  }
0x3f: {  	_ =	shalt  }
0x40: {  	_ =	shalt  }
0x41: {  	_ =	shalt  }
0x42: {  	_ =	shalt  }
0x43: {  	_ =	shalt  }
0x44: {  	_ =	shalt  }
0x45: {  	_ =	shalt  }
0x46: {  	_ =	shalt  }
0x47: {  	_ =	shalt  }
0x48: {  	_ =	shalt  }
0x49: {  	_ =	shalt  }
0x4a: {  	_ =	shalt  }
0x4b: {  	_ =	shalt  }
0x4c: {  	_ =	shalt  }
0x4d: {  	_ =	shalt  }
0x4e: {  	_ =	shalt  }
0x4f: {  	_ =	shalt  }
0x50: {  	_ =	shalt  }
0x51: {  	_ =	shalt  }
0x52: {  	_ =	shalt  }
0x53: {  	_ =	shalt  }
0x54: {  	_ =	shalt  }
0x55: {  	_ =	shalt  }
0x56: {  	_ =	shalt  }
0x57: {  	_ =	shalt  }
0x58: {  	_ =	shalt  }
0x59: {  	_ =	shalt  }
0x5a: {  	_ =	shalt  }
0x5b: {  	_ =	shalt  }
0x5c: {  	_ =	shalt  }
0x5d: {  	_ =	shalt  }
0x5e: {  	_ =	shalt  }
0x5f: {  	_ =	shalt  }
0x60: {  	_ =	shalt  }
0x61: {  	_ =	shalt  }
0x62: {  	_ =	shalt  }
0x63: {  	_ =	shalt  }
0x64: {  	_ =	shalt  }
0x65: {  	_ =	shalt  }
0x66: {  	_ =	shalt  }
0x67: {  	_ =	shalt  }
0x68: {  	_ =	shalt  }
0x69: {  	_ =	shalt  }
0x6a: {  	_ =	shalt  }
0x6b: {  	_ =	shalt  }
0x6c: {  	_ =	shalt  }
0x6d: {  	_ =	shalt  }
0x6e: {  	_ =	shalt  }
0x6f: {  	_ =	shalt  }
0x70: {  	_ =	shalt  }
0x71: {  	_ =	shalt  }
0x72: {  	_ =	shalt  }
0x73: {  	_ =	shalt  }
0x74: {  	_ =	shalt  }
0x75: {  	_ =	shalt  }
0x76: {  	_ =	shalt  }
0x77: {  	_ =	shalt  }
0x78: {  	_ =	shalt  }
0x79: {  	_ =	shalt  }
0x7a: {  	_ =	shalt  }
0x7b: {  	_ =	shalt  }
0x7c: {  	_ =	shalt  }
0x7d: {  	_ =	shalt  }
0x7e: {  	_ =	shalt  }
0x7f: {  	_ =	shalt  }
0x80: {  	_ =	shalt  }
0x81: {  	_ =	shalt  }
0x82: {  	_ =	shalt  }
0x83: {  	_ =	shalt  }
0x84: {  	_ =	shalt  }
0x85: {  	_ =	shalt  }
0x86: {  	_ =	shalt  }
0x87: {  	_ =	shalt  }
.Lfunc_end0:
.L_simem_size_0:
called_computation.1_lowered:
.L_overlay_start_0:
0x88: {  	s2 =	sld [smem:$0x3FD9]  }
0x89: {  	s3 =	sld [smem:$0x3FFE];
	_ =	sdelay $0x1  }
0x8a: {  	s1 =	srdreg.scid  }
0x8b: {  	s0 =	sand.u32 $0x1, s1  }
0x8c: {  	s14 =	sshll.u32 s0, $0xA;
	s2 =	sadd.s32 s3, s2  }
0x8d: {  	s2 =	sadd.s32 s2, s14  }
0x8e: {  	[smem:$0x3FC1] =	sst s2  }
0x8f: {  	_ = 	snop  }
0x90: {  	s2 =	sld [smem:$0x3FD0];
	_ =	sdelay $0x2  }
0x91: {  	s15 =	simm.s32 $0xB;
	s4 =	simm.s32 $0x10  }
0x92: {  	[smem:s4], [sflag:s15] =	dma.local [hbm:s2], $0x1  }
0x93: {  	_ =	swait.eq [sflag:s15], $0x1  }
0x94: {  	[sflag:s15] =	ssyncset.done $0x0  }
0x95: {  	s16 =	sld [smem:$0x11];
	[sflag:s15] =	ssyncadd.s32 $0xFFFFFFFF  }
0x96: {  	s17 =	sld [smem:$0x12];
	(tm) =	ssettm $0x1  }
0x97: {  	s18 =	sld [smem:$0x3FFB];
	_ =	sdelay $0x3  }
0x98: {  	_ =	strace s18  }
0x99: {  	s4 =	sld [smem:$0x3FFC];
	_ =	sdelay $0x3  }
0x9a: {  	_ =	strace s4  }
0x9b: {  	s4 =	sld [smem:$0x3FFD];
	_ =	sdelay $0x3  }
0x9c: {  	_ =	strace s4  }
0x9d: {  	_ =	strace $0x8FFFFFFF  }
0x9e: {  	s19 =	sld [smem:$0x3FDB];
	_ =	sdelay $0x1  }
0x9f: {  	s5 =	simm.s32 $_scs_section_size  }
0xa0: {  	s6 =	simm.s32 $_size__tile_overlayer_lowered;
	s7 =	simm.s32 $_tile_overlayer_lowered  }
0xa1: {  	s22 =	simm.s32 $0x1BFF;
	s21 =	sshll.u32 s7, $0x1;
	s4 =	sadd.s32 s5, s19  }
0xa2: {  	s8 =	simm.s32 $0x0;
	s20 =	sshll.u32 s6, $0x1;
	s6 =	sadd.s32 s21, s4  }
0xa3: {  	[timem:s8], [sflag:s22] =	dma.local [hbm:s6], s20  }
0xa4: {  	_ =	swait.ge [sflag:s22], s20  }
0xa5: {  	s5 =	ssub.s32 $0x0, s20;
	[sflag:s22] =	ssyncset.done $0x0  }
0xa6: {  	[sflag:s22] =	ssyncadd.s32 s5;
	_ =	sdelay $0x1  }
0xa7: {  	s23 =	simm.s32 $0x1B8B  }
0xa8: {  	_ =	swait.ge [sflag:s23], $0x1  }
0xa9: {  	[sflag:s23] =	ssyncset.done $0x0  }
0xaa: {  	s25 =	simm.s32 $0x1B8E;
	s24 =	sld [smem:$0x3FFE];
	[sflag:s23] =	ssyncadd.s32 $0xFFFFFFFF  }
0xab: {  	s26 =	simm.s32 $execute0_lowered;
	[smem:$0x3FD2] =	sst s25  }
0xac: {  	s6 =	sshll.u32 s26, $0x1;
	_ =	strace $0x80000046;
	[dreg:$0x1] =	wrdreg $0xFFFFFFFF  }
0xad: {  	s28 =	simm.s32 $_size_execute0_lowered;
	s4 =	sadd.s32 s4, s6;
	[dreg:$0x0] =	wrdreg $0x0  }
0xae: {  	s6 =	sshll.u32 s28, $0x1;
	[dreg:$0x2] =	wrdreg s4  }
0xaf: {  	[dreg:$0x3] =	wrdreg s6  }
0xb0: {  	[dreg:$0x4] =	wrdreg $0xC0  }
0xb1: {  	_ =	task [dreg:s8], $0x5FFFF  }
0xb2: {  	[dreg:$0x1] =	wrdreg $0xFFFFFFFF  }
0xb3: {  	[dreg:$0x0] =	wrdreg $0x60  }
0xb4: {  	[dreg:$0x2] =	wrdreg s17  }
0xb5: {  	[dreg:$0x3] =	wrdreg s16  }
0xb6: {  	[dreg:$0x4] =	wrdreg s24  }
0xb7: {  	[dreg:$0x5] =	wrdreg $0xA  }
0xb8: {  	_ =	task.clear_ibuf [dreg:s8], $0x6FFFF;
	_ =	strace $0x90000046  }
0xb9: {  	s29 =	simm.s32 $0xA;
	_ =	strace $0x80000048  }
0xba: {  	_ =	swait.ge [sflag:s29], $0x1  }
0xbb: {  	[sflag:s29] =	ssyncadd.s32 $0xFFFFFFFF  }
0xbc: {  	_ =	strace $0x90000048  }
0xbd: {  	_ =	sfence  }
0xbe: {  	s30 =	sld [smem:$0x0];
	_ =	sdelay $0x2  }
0xbf: {  	s31 =	sshll.u32 s1, $0xD;
	s1 =	sshrl.u32 s1, $0x2  }
0xc0: {  	s3 =	sand.u32 $0x4000, s31;
	s1 =	sadd.s32 s1, s30  }
0xc1: {  	s0 =	sor.u32 s3, s0;
	s1 =	sshll.u32 s1, $0x11  }
0xc2: {  	s0 =	sor.u32 s1, s0  }
0xc3: {  	s0 =	sadd.s32 $0x8F2B, s0  }
0xc4: {  	[sflag:s0] =	ssyncadd.remote.s32 $0x1  }
0xc5: {  	_ =	sfence.sel $0xFFFF  }
0xc6: {  	[dreg:$0x0] =	wrdreg $0xFFFFFFFF;
	(pc) =	sbr.abs _section_cstart, $3  }
0xc7: {  	[dreg:$0x1] =	wrdreg $0xFFFFFFFF  }
0xc8: {  	_ =	task.clear_ibuf [dreg:s8], $0x2FFFF;
	_ =	strace $0x9FFFFFFF  }
0xc9: {  	(tm) =	ssettm $0x7FFFFFFF  }
tec
execute0_lowered:
.L_overlay_start_1:
0x0: {  	(tag) =	ssettag $0x1  }
0x1: {  	s0 =	rddreg [dreg:$0x0]  }
0x2: {  	s2 =	srdreg.scid;
	s16 =	stileid.u32  }
0x3: {  	s4 =	rddreg [dreg:$0x1];
	s3 =	sand.u32 $0x1, s2;
	s5 =	sshll.u32 s16, $0x1  }
0x4: {  	s1 =	rddreg [dreg:$0x2];
	s2 =	simm.s32 $0x0;
	s5 =	sor.u32 s3, s5  }
0x5: {  	[smem:$0x7FF] =	sst s2;
	s6 =	sshll.u32 s5, $0x7  }
0x6: {  	s8 =	sadd.s32 $0x93A000, s1;
	_ =	strace $0x80000047;
	s0 =	sadd.s32 s0, s6  }
0x7: {  	s7 =	sadd.s32 s4, s6;
	s4 =	sshll.u32 s5, $0xD;
	[dreg:$0x4] =	wrdreg s0  }
0x8: {  	s5 =	sadd.s32 $0x97A000, s1;
	[dreg:$0x5] =	wrdreg s7;
	s9 =	sadd.s32 s8, s4  }
0x9: {  	s6 =	sadd.s32 $0x9BA000, s1;
	s10 =	sadd.s32 s5, s4;
	[dreg:$0x6] =	wrdreg s9  }
0xa: {  	s11 =	sadd.s32 s6, s4;
	[dreg:$0x7] =	wrdreg s10  }
0xb: {  	s7 =	sor.u32 $0x400, s4;
	[dreg:$0x8] =	wrdreg s11  }
0xc: {  	s12 =	sadd.s32 s8, s7;
	s0 =	rddreg [dreg:$0x4]  }
0xd: {  	s13 =	sadd.s32 s5, s7;
	[dreg:$0x9] =	wrdreg s12  }
0xe: {  	s15 =	sor.u32 $0x800, s4;
	s14 =	sadd.s32 s6, s7;
	[dreg:$0xa] =	wrdreg s13  }
0xf: {  	s17 =	sadd.s32 s8, s15;
	[dreg:$0xb] =	wrdreg s14  }
0x10: {  	s29 =	simm.s32 $0x3;
	s18 =	sadd.s32 s5, s15;
	[dreg:$0xc] =	wrdreg s17  }
0x11: {  	s20 =	sor.u32 $0xC00, s4;
	s19 =	sadd.s32 s6, s15;
	[dreg:$0xd] =	wrdreg s18  }
0x12: {  	s28 =	simm.s32 $0x400;
	s21 =	sadd.s32 s8, s20;
	[dreg:$0xe] =	wrdreg s19  }
0x13: {  	s31 =	simm.s32 $0x480;
	s22 =	sadd.s32 s5, s20;
	[dreg:$0xf] =	wrdreg s21  }
0x14: {  	s24 =	sor.u32 $0x1000, s4;
	s23 =	sadd.s32 s6, s20;
	[dreg:$0x10] =	wrdreg s22  }
0x15: {  	p0 =	por $0x0, $0x0;
	s25 =	sadd.s32 s8, s24;
	[dreg:$0x11] =	wrdreg s23  }
0x16: {  	s3 =	ssub.s32 $0x2, s3;
	s26 =	sadd.s32 s5, s24;
	[dreg:$0x12] =	wrdreg s25  }
0x17: {  	s7 =	sadd.s32 s6, s24;
	s9 =	sor.u32 $0x1400, s4;
	[dreg:$0x13] =	wrdreg s26  }
0x18: {  	s24 =	simm.s32 $0x200;
	[dreg:$0x14] =	wrdreg s7;
	s10 =	sadd.s32 s8, s9  }
0x19: {  	s11 =	sadd.s32 s5, s9;
	s12 =	sadd.s32 s6, s9;
	s9 =	sor.u32 $0x1800, s4  }
0x1a: {  	s7 =	sadd.s32 $0x2000, s1;
	s4 =	sor.u32 $0x1C00, s4;
	[dreg:$0x15] =	wrdreg s10  }
0x1b: {  	s19 =	sshrl.u32 s3, $0x1;
	s25 =	simm.s32 $0x500;
	[dreg:$0x16] =	wrdreg s11  }
0x1c: {  	s26 =	simm.s32 $0x180;
	s23 =	simm.s32 $0x580;
	[dreg:$0x17] =	wrdreg s12  }
0x1d: {  	s13 =	sadd.s32 s8, s9;
	s14 =	sadd.s32 s5, s9;
	s15 =	sadd.s32 s6, s9  }
0x1e: {  	s9 =	sadd.s32 $0x7AA000, s1;
	s17 =	sadd.s32 s8, s4;
	s18 =	sadd.s32 s5, s4  }
0x1f: {  	s20 =	sadd.s32 s6, s4;
	s21 =	ssub.s32 s3, s19;
	s12 =	simm.s32 $0x800  }
0x20: {  	s10 =	simm.s32 $0x4800;
	s11 =	simm.s32 $0x8800;
	[dreg:$0x18] =	wrdreg s13  }
0x21: {  	s4 =	simm.s32 $0x2800;
	s5 =	simm.s32 $0x6800;
	[dreg:$0x19] =	wrdreg s14  }
0x22: {  	s6 =	simm.s32 $0xA800;
	[dreg:$0x1a] =	wrdreg s15;
	s22 =	smax.u32 s21, $0x1  }
0x23: {  	s8 =	simm.s32 $0x1;
	[dreg:$0x1b] =	wrdreg s17;
	p1 =	sne.s32 s22, $0x1  }
.Ltmp0:
0x24: {  	s3 =	simm.s32 $0x2;
	[dreg:$0x1c] =	wrdreg s18;
	(pc) =	sbr.rel @!p1 .LBB2_1-.Ltmp0, $4  }
0x25: {  	s19 =	simm.s32 $0x680;
	s13 =	sadd.s32 $0x872000, s1;
	[dreg:$0x1d] =	wrdreg s20  }
0x26: {  	s14 =	simm.s32 $0x40;
	s1 =	simm.s32 $0x80;
	s21 =	simm.s32 $0x600  }
0x27: {  	s20 =	simm.s32 $0x300;
	s17 =	simm.s32 $0x700;
	s18 =	simm.s32 $0x380  }
0x28: {  	s15 =	simm.s32 $0x780;
	s30 =	sadd.s32 $0xFFFFFFFF, s22;
	s22 =	simm.s32 $0x280  }
0x29: {  	[tilespmem:s2], [sflag:$0x3] =	stream.linear.gather [hbm4b:s0+s2], $0x400, $0x38;
	[tilespmem:$0xC800] =	vst v63  }
0x2a: {  	_ =	swait.ge [sflag:s29], $0x400  }
0x2b: {  	[sflag:s29] =	ssyncset.done $0x0  }
0x2c: {  	s16 =	rddreg [dreg:$0x5];
	[sflag:s29] =	ssyncadd.s32 $0xFFFFFC00  }
0x2d: {  	[tilespmem:s28], [sflag:$0x3] =	stream.linear.gather [hbm4b:s16+s2], $0x400, $0x38;
	[tilespmem:$0xC800] =	vst v63  }
0x2e: {  	_ =	swait.ge [sflag:s29], $0x400  }
0x2f: {  	[sflag:s29] =	ssyncset.done $0x0  }
0x30: {  	[sflag:s29] =	ssyncadd.s32 $0xFFFFFC00  }
0x31: {  	[tilespmem:s12], [sflag:$0x1] =	stream.indirect.gather [hbm4b:s7+s14], $0x80, s2, s14, $0xb8;
	[tilespmem:$0xC800] =	vst v63  }
0x32: {  	_ = 	snop  }
0x33: {  	[tilespmem:s10], [sflag:$0x1] =	stream.indirect.gather [hbm4b:s9+s14], $0x80, s28, s14, $0xb8;
	[tilespmem:$0xC800] =	vst v63  }
0x34: {  	_ = 	snop  }
0x35: {  	[tilespmem:s11], [sflag:$0x1] =	stream.indirect.gather [hbm4b:s13+s14], $0x80, s28, s14, $0xb8;
	[tilespmem:$0xC800] =	vst v63  }
0x36: {  	_ = 	snop  }
0x37: {  	[tilespmem:s4], [sflag:$0x1] =	stream.indirect.gather [hbm4b:s7+s14], $0x80, s1, s14, $0xb8;
	[tilespmem:$0xC800] =	vst v63  }
0x38: {  	_ = 	snop  }
0x39: {  	[tilespmem:s5], [sflag:$0x1] =	stream.indirect.gather [hbm4b:s9+s14], $0x80, s31, s14, $0xb8;
	[tilespmem:$0xC800] =	vst v63  }
0x3a: {  	_ = 	snop  }
0x3b: {  	[tilespmem:s6], [sflag:$0x1] =	stream.indirect.gather [hbm4b:s13+s14], $0x80, s31, s14, $0xb8;
	[tilespmem:$0xC800] =	vst v63  }
0x3c: {  	_ =	swait.ge [sflag:s8], $0x2000  }
0x3d: {  	[sflag:s8] =	ssyncset.done $0x0  }
0x3e: {  	[sflag:s8] =	ssyncadd.s32 $0xFFFFE000  }
0x3f: {  	_ =	swait.ge [sflag:s8], $0x2000  }
0x40: {  	[sflag:s8] =	ssyncset.done $0x0  }
0x41: {  	[sflag:s8] =	ssyncadd.s32 $0xFFFFE000  }
0x42: {  	_ =	swait.ge [sflag:s8], $0x2000  }
0x43: {  	[sflag:s8] =	ssyncset.done $0x0  }
0x44: {  	s0 =	rddreg [dreg:$0x6];
	[sflag:s8] =	ssyncadd.s32 $0xFFFFE000  }
0x45: {  	[hbm4b:s0+s2] =	stream.linear.scatter [tilespmem:s12], [sflag:$0x2], $0x2000, $0x38;
	[tilespmem:$0xC800] =	vst v63  }
0x46: {  	s1 =	rddreg [dreg:$0x7]  }
0x47: {  	[hbm4b:s1+s2] =	stream.linear.scatter [tilespmem:s10], [sflag:$0x2], $0x2000, $0x38;
	[tilespmem:$0xC800] =	vst v63  }
0x48: {  	s0 =	rddreg [dreg:$0x8]  }
0x49: {  	[hbm4b:s0+s2] =	stream.linear.scatter [tilespmem:s11], [sflag:$0x2], $0x2000, $0x38;
	[tilespmem:$0xC800] =	vst v63  }
0x4a: {  	_ =	swait.ge [sflag:s3], $0x2000  }
0x4b: {  	[sflag:s3] =	ssyncset.done $0x0  }
0x4c: {  	[sflag:s3] =	ssyncadd.s32 $0xFFFFE000  }
0x4d: {  	_ =	swait.ge [sflag:s3], $0x2000  }
0x4e: {  	[sflag:s3] =	ssyncset.done $0x0  }
0x4f: {  	[sflag:s3] =	ssyncadd.s32 $0xFFFFE000  }
0x50: {  	_ =	swait.ge [sflag:s3], $0x2000  }
0x51: {  	[sflag:s3] =	ssyncset.done $0x0  }
0x52: {  	s1 =	simm.s32 $0x100;
	[sflag:s3] =	ssyncadd.s32 $0xFFFFE000  }
0x53: {  	[tilespmem:s12], [sflag:$0x1] =	stream.indirect.gather [hbm4b:s7+s14], $0x80, s1, s14, $0xb8;
	[tilespmem:$0xC800] =	vst v63  }
0x54: {  	_ = 	snop  }
0x55: {  	[tilespmem:s10], [sflag:$0x1] =	stream.indirect.gather [hbm4b:s9+s14], $0x80, s25, s14, $0xb8;
	[tilespmem:$0xC800] =	vst v63  }
0x56: {  	_ = 	snop  }
0x57: {  	[tilespmem:s11], [sflag:$0x1] =	stream.indirect.gather [hbm4b:s13+s14], $0x80, s25, s14, $0xb8;
	[tilespmem:$0xC800] =	vst v63  }
0x58: {  	_ =	swait.ge [sflag:s8], $0x2000  }
0x59: {  	[sflag:s8] =	ssyncset.done $0x0  }
0x5a: {  	[sflag:s8] =	ssyncadd.s32 $0xFFFFE000  }
0x5b: {  	_ =	swait.ge [sflag:s8], $0x2000  }
0x5c: {  	[sflag:s8] =	ssyncset.done $0x0  }
0x5d: {  	[sflag:s8] =	ssyncadd.s32 $0xFFFFE000  }
0x5e: {  	_ =	swait.ge [sflag:s8], $0x2000  }
0x5f: {  	[sflag:s8] =	ssyncset.done $0x0  }
0x60: {  	s0 =	rddreg [dreg:$0x9];
	[sflag:s8] =	ssyncadd.s32 $0xFFFFE000  }
0x61: {  	[hbm4b:s0+s2] =	stream.linear.scatter [tilespmem:s4], [sflag:$0x2], $0x2000, $0x38;
	[tilespmem:$0xC800] =	vst v63  }
0x62: {  	s1 =	rddreg [dreg:$0xa]  }
0x63: {  	[hbm4b:s1+s2] =	stream.linear.scatter [tilespmem:s5], [sflag:$0x2], $0x2000, $0x38;
	[tilespmem:$0xC800] =	vst v63  }
0x64: {  	s0 =	rddreg [dreg:$0xb]  }
0x65: {  	[hbm4b:s0+s2] =	stream.linear.scatter [tilespmem:s6], [sflag:$0x2], $0x2000, $0x38;
	[tilespmem:$0xC800] =	vst v63  }
0x66: {  	_ =	swait.ge [sflag:s3], $0x2000  }
0x67: {  	[sflag:s3] =	ssyncset.done $0x0  }
0x68: {  	[sflag:s3] =	ssyncadd.s32 $0xFFFFE000  }
0x69: {  	_ =	swait.ge [sflag:s3], $0x2000  }
0x6a: {  	[sflag:s3] =	ssyncset.done $0x0  }
0x6b: {  	[sflag:s3] =	ssyncadd.s32 $0xFFFFE000  }
0x6c: {  	_ =	swait.ge [sflag:s3], $0x2000  }
0x6d: {  	[sflag:s3] =	ssyncset.done $0x0  }
0x6e: {  	[sflag:s3] =	ssyncadd.s32 $0xFFFFE000  }
0x6f: {  	[tilespmem:s4], [sflag:$0x1] =	stream.indirect.gather [hbm4b:s7+s14], $0x80, s26, s14, $0xb8;
	[tilespmem:$0xC800] =	vst v63  }
0x70: {  	_ = 	snop  }
0x71: {  	[tilespmem:s5], [sflag:$0x1] =	stream.indirect.gather [hbm4b:s9+s14], $0x80, s23, s14, $0xb8;
	[tilespmem:$0xC800] =	vst v63  }
0x72: {  	_ = 	snop  }
0x73: {  	[tilespmem:s6], [sflag:$0x1] =	stream.indirect.gather [hbm4b:s13+s14], $0x80, s23, s14, $0xb8;
	[tilespmem:$0xC800] =	vst v63  }
0x74: {  	_ =	swait.ge [sflag:s8], $0x2000  }
0x75: {  	[sflag:s8] =	ssyncset.done $0x0  }
0x76: {  	[sflag:s8] =	ssyncadd.s32 $0xFFFFE000  }
0x77: {  	_ =	swait.ge [sflag:s8], $0x2000  }
0x78: {  	[sflag:s8] =	ssyncset.done $0x0  }
0x79: {  	[sflag:s8] =	ssyncadd.s32 $0xFFFFE000  }
0x7a: {  	_ =	swait.ge [sflag:s8], $0x2000  }
0x7b: {  	[sflag:s8] =	ssyncset.done $0x0  }
0x7c: {  	s0 =	rddreg [dreg:$0xc];
	[sflag:s8] =	ssyncadd.s32 $0xFFFFE000  }
0x7d: {  	[hbm4b:s0+s2] =	stream.linear.scatter [tilespmem:s12], [sflag:$0x2], $0x2000, $0x38;
	[tilespmem:$0xC800] =	vst v63  }
0x7e: {  	s1 =	rddreg [dreg:$0xd]  }
0x7f: {  	[hbm4b:s1+s2] =	stream.linear.scatter [tilespmem:s10], [sflag:$0x2], $0x2000, $0x38;
	[tilespmem:$0xC800] =	vst v63  }
0x80: {  	s0 =	rddreg [dreg:$0xe]  }
0x81: {  	[hbm4b:s0+s2] =	stream.linear.scatter [tilespmem:s11], [sflag:$0x2], $0x2000, $0x38;
	[tilespmem:$0xC800] =	vst v63  }
0x82: {  	_ =	swait.ge [sflag:s3], $0x2000  }
0x83: {  	[sflag:s3] =	ssyncset.done $0x0  }
0x84: {  	[sflag:s3] =	ssyncadd.s32 $0xFFFFE000  }
0x85: {  	_ =	swait.ge [sflag:s3], $0x2000  }
0x86: {  	[sflag:s3] =	ssyncset.done $0x0  }
0x87: {  	[sflag:s3] =	ssyncadd.s32 $0xFFFFE000  }
0x88: {  	_ =	swait.ge [sflag:s3], $0x2000  }
0x89: {  	[sflag:s3] =	ssyncset.done $0x0  }
0x8a: {  	[sflag:s3] =	ssyncadd.s32 $0xFFFFE000  }
0x8b: {  	[tilespmem:s12], [sflag:$0x1] =	stream.indirect.gather [hbm4b:s7+s14], $0x80, s24, s14, $0xb8;
	[tilespmem:$0xC800] =	vst v63  }
0x8c: {  	_ = 	snop  }
0x8d: {  	[tilespmem:s10], [sflag:$0x1] =	stream.indirect.gather [hbm4b:s9+s14], $0x80, s21, s14, $0xb8;
	[tilespmem:$0xC800] =	vst v63  }
0x8e: {  	_ = 	snop  }
0x8f: {  	[tilespmem:s11], [sflag:$0x1] =	stream.indirect.gather [hbm4b:s13+s14], $0x80, s21, s14, $0xb8;
	[tilespmem:$0xC800] =	vst v63  }
0x90: {  	_ =	swait.ge [sflag:s8], $0x2000  }
0x91: {  	[sflag:s8] =	ssyncset.done $0x0  }
0x92: {  	[sflag:s8] =	ssyncadd.s32 $0xFFFFE000  }
0x93: {  	_ =	swait.ge [sflag:s8], $0x2000  }
0x94: {  	[sflag:s8] =	ssyncset.done $0x0  }
0x95: {  	[sflag:s8] =	ssyncadd.s32 $0xFFFFE000  }
0x96: {  	_ =	swait.ge [sflag:s8], $0x2000  }
0x97: {  	[sflag:s8] =	ssyncset.done $0x0  }
0x98: {  	s0 =	rddreg [dreg:$0xf];
	[sflag:s8] =	ssyncadd.s32 $0xFFFFE000  }
0x99: {  	[hbm4b:s0+s2] =	stream.linear.scatter [tilespmem:s4], [sflag:$0x2], $0x2000, $0x38;
	[tilespmem:$0xC800] =	vst v63  }
0x9a: {  	s1 =	rddreg [dreg:$0x10]  }
0x9b: {  	[hbm4b:s1+s2] =	stream.linear.scatter [tilespmem:s5], [sflag:$0x2], $0x2000, $0x38;
	[tilespmem:$0xC800] =	vst v63  }
0x9c: {  	s0 =	rddreg [dreg:$0x11]  }
0x9d: {  	[hbm4b:s0+s2] =	stream.linear.scatter [tilespmem:s6], [sflag:$0x2], $0x2000, $0x38;
	[tilespmem:$0xC800] =	vst v63  }
0x9e: {  	_ =	swait.ge [sflag:s3], $0x2000  }
0x9f: {  	[sflag:s3] =	ssyncset.done $0x0  }
0xa0: {  	[sflag:s3] =	ssyncadd.s32 $0xFFFFE000  }
0xa1: {  	_ =	swait.ge [sflag:s3], $0x2000  }
0xa2: {  	[sflag:s3] =	ssyncset.done $0x0  }
0xa3: {  	[sflag:s3] =	ssyncadd.s32 $0xFFFFE000  }
0xa4: {  	_ =	swait.ge [sflag:s3], $0x2000  }
0xa5: {  	[sflag:s3] =	ssyncset.done $0x0  }
0xa6: {  	[sflag:s3] =	ssyncadd.s32 $0xFFFFE000  }
0xa7: {  	[tilespmem:s4], [sflag:$0x1] =	stream.indirect.gather [hbm4b:s7+s14], $0x80, s22, s14, $0xb8;
	[tilespmem:$0xC800] =	vst v63  }
0xa8: {  	_ = 	snop  }
0xa9: {  	[tilespmem:s5], [sflag:$0x1] =	stream.indirect.gather [hbm4b:s9+s14], $0x80, s19, s14, $0xb8;
	[tilespmem:$0xC800] =	vst v63  }
0xaa: {  	_ = 	snop  }
0xab: {  	[tilespmem:s6], [sflag:$0x1] =	stream.indirect.gather [hbm4b:s13+s14], $0x80, s19, s14, $0xb8;
	[tilespmem:$0xC800] =	vst v63  }
0xac: {  	_ =	swait.ge [sflag:s8], $0x2000  }
0xad: {  	[sflag:s8] =	ssyncset.done $0x0  }
0xae: {  	[sflag:s8] =	ssyncadd.s32 $0xFFFFE000  }
0xaf: {  	_ =	swait.ge [sflag:s8], $0x2000  }
0xb0: {  	[sflag:s8] =	ssyncset.done $0x0  }
0xb1: {  	[sflag:s8] =	ssyncadd.s32 $0xFFFFE000  }
0xb2: {  	_ =	swait.ge [sflag:s8], $0x2000  }
0xb3: {  	[sflag:s8] =	ssyncset.done $0x0  }
0xb4: {  	s0 =	rddreg [dreg:$0x12];
	[sflag:s8] =	ssyncadd.s32 $0xFFFFE000  }
0xb5: {  	[hbm4b:s0+s2] =	stream.linear.scatter [tilespmem:s12], [sflag:$0x2], $0x2000, $0x38;
	[tilespmem:$0xC800] =	vst v63  }
0xb6: {  	s1 =	rddreg [dreg:$0x13]  }
0xb7: {  	[hbm4b:s1+s2] =	stream.linear.scatter [tilespmem:s10], [sflag:$0x2], $0x2000, $0x38;
	[tilespmem:$0xC800] =	vst v63  }
0xb8: {  	s0 =	rddreg [dreg:$0x14]  }
0xb9: {  	[hbm4b:s0+s2] =	stream.linear.scatter [tilespmem:s11], [sflag:$0x2], $0x2000, $0x38;
	[tilespmem:$0xC800] =	vst v63  }
0xba: {  	_ =	swait.ge [sflag:s3], $0x2000  }
0xbb: {  	[sflag:s3] =	ssyncset.done $0x0  }
0xbc: {  	[sflag:s3] =	ssyncadd.s32 $0xFFFFE000  }
0xbd: {  	_ =	swait.ge [sflag:s3], $0x2000  }
0xbe: {  	[sflag:s3] =	ssyncset.done $0x0  }
0xbf: {  	[sflag:s3] =	ssyncadd.s32 $0xFFFFE000  }
0xc0: {  	_ =	swait.ge [sflag:s3], $0x2000  }
0xc1: {  	[sflag:s3] =	ssyncset.done $0x0  }
0xc2: {  	[sflag:s3] =	ssyncadd.s32 $0xFFFFE000  }
0xc3: {  	[tilespmem:s12], [sflag:$0x1] =	stream.indirect.gather [hbm4b:s7+s14], $0x80, s20, s14, $0xb8;
	[tilespmem:$0xC800] =	vst v63  }
0xc4: {  	_ = 	snop  }
0xc5: {  	[tilespmem:s10], [sflag:$0x1] =	stream.indirect.gather [hbm4b:s9+s14], $0x80, s17, s14, $0xb8;
	[tilespmem:$0xC800] =	vst v63  }
0xc6: {  	_ = 	snop  }
0xc7: {  	[tilespmem:s11], [sflag:$0x1] =	stream.indirect.gather [hbm4b:s13+s14], $0x80, s17, s14, $0xb8;
	[tilespmem:$0xC800] =	vst v63  }
0xc8: {  	_ =	swait.ge [sflag:s8], $0x2000  }
0xc9: {  	[sflag:s8] =	ssyncset.done $0x0  }
0xca: {  	[sflag:s8] =	ssyncadd.s32 $0xFFFFE000  }
0xcb: {  	_ =	swait.ge [sflag:s8], $0x2000  }
0xcc: {  	[sflag:s8] =	ssyncset.done $0x0  }
0xcd: {  	[sflag:s8] =	ssyncadd.s32 $0xFFFFE000  }
0xce: {  	_ =	swait.ge [sflag:s8], $0x2000  }
0xcf: {  	[sflag:s8] =	ssyncset.done $0x0  }
0xd0: {  	s0 =	rddreg [dreg:$0x15];
	[sflag:s8] =	ssyncadd.s32 $0xFFFFE000  }
0xd1: {  	[hbm4b:s0+s2] =	stream.linear.scatter [tilespmem:s4], [sflag:$0x2], $0x2000, $0x38;
	[tilespmem:$0xC800] =	vst v63  }
0xd2: {  	s1 =	rddreg [dreg:$0x16]  }
0xd3: {  	[hbm4b:s1+s2] =	stream.linear.scatter [tilespmem:s5], [sflag:$0x2], $0x2000, $0x38;
	[tilespmem:$0xC800] =	vst v63  }
0xd4: {  	s0 =	rddreg [dreg:$0x17]  }
0xd5: {  	[hbm4b:s0+s2] =	stream.linear.scatter [tilespmem:s6], [sflag:$0x2], $0x2000, $0x38;
	[tilespmem:$0xC800] =	vst v63  }
0xd6: {  	_ =	swait.ge [sflag:s3], $0x2000  }
0xd7: {  	[sflag:s3] =	ssyncset.done $0x0  }
0xd8: {  	[sflag:s3] =	ssyncadd.s32 $0xFFFFE000  }
0xd9: {  	_ =	swait.ge [sflag:s3], $0x2000  }
0xda: {  	[sflag:s3] =	ssyncset.done $0x0  }
0xdb: {  	[sflag:s3] =	ssyncadd.s32 $0xFFFFE000  }
0xdc: {  	_ =	swait.ge [sflag:s3], $0x2000  }
0xdd: {  	[sflag:s3] =	ssyncset.done $0x0  }
0xde: {  	[sflag:s3] =	ssyncadd.s32 $0xFFFFE000  }
0xdf: {  	[tilespmem:s4], [sflag:$0x1] =	stream.indirect.gather [hbm4b:s7+s14], $0x80, s18, s14, $0xb8;
	[tilespmem:$0xC800] =	vst v63  }
0xe0: {  	_ = 	snop  }
0xe1: {  	[tilespmem:s5], [sflag:$0x1] =	stream.indirect.gather [hbm4b:s9+s14], $0x80, s15, s14, $0xb8;
	[tilespmem:$0xC800] =	vst v63  }
0xe2: {  	_ = 	snop  }
0xe3: {  	[tilespmem:s6], [sflag:$0x1] =	stream.indirect.gather [hbm4b:s13+s14], $0x80, s15, s14, $0xb8;
	[tilespmem:$0xC800] =	vst v63  }
0xe4: {  	_ =	swait.ge [sflag:s8], $0x2000  }
0xe5: {  	[sflag:s8] =	ssyncset.done $0x0  }
0xe6: {  	[sflag:s8] =	ssyncadd.s32 $0xFFFFE000  }
0xe7: {  	_ =	swait.ge [sflag:s8], $0x2000  }
0xe8: {  	[sflag:s8] =	ssyncset.done $0x0  }
0xe9: {  	[sflag:s8] =	ssyncadd.s32 $0xFFFFE000  }
0xea: {  	_ =	swait.ge [sflag:s8], $0x2000  }
0xeb: {  	[sflag:s8] =	ssyncset.done $0x0  }
0xec: {  	s0 =	rddreg [dreg:$0x18];
	[sflag:s8] =	ssyncadd.s32 $0xFFFFE000  }
0xed: {  	[hbm4b:s0+s2] =	stream.linear.scatter [tilespmem:s12], [sflag:$0x2], $0x2000, $0x38;
	[tilespmem:$0xC800] =	vst v63  }
0xee: {  	s1 =	rddreg [dreg:$0x19]  }
0xef: {  	[hbm4b:s1+s2] =	stream.linear.scatter [tilespmem:s10], [sflag:$0x2], $0x2000, $0x38;
	[tilespmem:$0xC800] =	vst v63  }
0xf0: {  	s0 =	rddreg [dreg:$0x1a]  }
0xf1: {  	[hbm4b:s0+s2] =	stream.linear.scatter [tilespmem:s11], [sflag:$0x2], $0x2000, $0x38;
	[tilespmem:$0xC800] =	vst v63  }
0xf2: {  	_ =	swait.ge [sflag:s8], $0x2000  }
0xf3: {  	[sflag:s8] =	ssyncset.done $0x0  }
0xf4: {  	[sflag:s8] =	ssyncadd.s32 $0xFFFFE000  }
0xf5: {  	_ =	swait.ge [sflag:s8], $0x2000  }
0xf6: {  	[sflag:s8] =	ssyncset.done $0x0  }
0xf7: {  	[sflag:s8] =	ssyncadd.s32 $0xFFFFE000  }
0xf8: {  	_ =	swait.ge [sflag:s8], $0x2000  }
0xf9: {  	[sflag:s8] =	ssyncset.done $0x0  }
0xfa: {  	s0 =	rddreg [dreg:$0x1b];
	[sflag:s8] =	ssyncadd.s32 $0xFFFFE000  }
0xfb: {  	[hbm4b:s0+s2] =	stream.linear.scatter [tilespmem:s4], [sflag:$0x2], $0x2000, $0x38;
	[tilespmem:$0xC800] =	vst v63  }
0xfc: {  	s1 =	rddreg [dreg:$0x1c]  }
0xfd: {  	[hbm4b:s1+s2] =	stream.linear.scatter [tilespmem:s5], [sflag:$0x2], $0x2000, $0x38;
	[tilespmem:$0xC800] =	vst v63  }
0xfe: {  	s0 =	rddreg [dreg:$0x1d]  }
0xff: {  	[hbm4b:s0+s2] =	stream.linear.scatter [tilespmem:s6], [sflag:$0x2], $0x2000, $0x38;
	[tilespmem:$0xC800] =	vst v63  }
0x100: {  	_ =	swait.ge [sflag:s3], $0x2000  }
0x101: {  	[sflag:s3] =	ssyncset.done $0x0  }
0x102: {  	[sflag:s3] =	ssyncadd.s32 $0xFFFFE000  }
0x103: {  	_ =	swait.ge [sflag:s3], $0x2000  }
0x104: {  	[sflag:s3] =	ssyncset.done $0x0  }
0x105: {  	[sflag:s3] =	ssyncadd.s32 $0xFFFFE000  }
0x106: {  	_ =	swait.ge [sflag:s3], $0x2000  }
0x107: {  	[sflag:s3] =	ssyncset.done $0x0  }
0x108: {  	[sflag:s3] =	ssyncadd.s32 $0xFFFFE000  }
0x109: {  	_ =	swait.ge [sflag:s3], $0x2000  }
0x10a: {  	s16 =	smov.u32 s30;
	[sflag:s3] =	ssyncset.done $0x0  }
0x10b: {  	p1 =	sne.s32 s16, $0x1;
	[sflag:s3] =	ssyncadd.s32 $0xFFFFE000  }
.Ltmp1:
0x10c: {  	_ =	swait.ge [sflag:s3], $0x2000;
	(pc) =	sbr.rel @!p1 .LBB2_3-.Ltmp1, $4  }
0x10d: {  	[sflag:s3] =	ssyncset.done $0x0  }
0x10e: {  	[sflag:s3] =	ssyncadd.s32 $0xFFFFE000  }
0x10f: {  	p0 =	por $0x1, $0x1;
	s30 =	simm.s32 $0x80;
	_ =	swait.ge [sflag:s3], $0x2000  }
0x110: {  	s1 =	sadd.s32 $0xFFFFFFFF, s16;
	s0 =	rddreg [dreg:$0x4];
	[sflag:s3] =	ssyncset.done $0x0  }
.LBB2_4:
0x111: {  	[sflag:s3] =	ssyncadd.s32 $0xFFFFE000  }
0x112: {  	[tilespmem:s2], [sflag:$0x3] =	stream.linear.gather [hbm4b:s0+s2], $0x400, $0x38;
	[tilespmem:$0xC800] =	vst v63  }
0x113: {  	_ =	swait.ge [sflag:s29], $0x400  }
0x114: {  	[sflag:s29] =	ssyncset.done $0x0  }
0x115: {  	s16 =	rddreg [dreg:$0x5];
	[sflag:s29] =	ssyncadd.s32 $0xFFFFFC00  }
0x116: {  	[tilespmem:s28], [sflag:$0x3] =	stream.linear.gather [hbm4b:s16+s2], $0x400, $0x38;
	[tilespmem:$0xC800] =	vst v63  }
0x117: {  	_ =	swait.ge [sflag:s29], $0x400  }
0x118: {  	[sflag:s29] =	ssyncset.done $0x0  }
0x119: {  	[sflag:s29] =	ssyncadd.s32 $0xFFFFFC00  }
0x11a: {  	[tilespmem:s12], [sflag:$0x1] =	stream.indirect.gather [hbm4b:s7+s14], $0x80, s2, s14, $0xb8;
	[tilespmem:$0xC800] =	vst v63  }
0x11b: {  	_ = 	snop  }
0x11c: {  	[tilespmem:s10], [sflag:$0x1] =	stream.indirect.gather [hbm4b:s9+s14], $0x80, s28, s14, $0xb8;
	[tilespmem:$0xC800] =	vst v63  }
0x11d: {  	_ = 	snop  }
0x11e: {  	[tilespmem:s11], [sflag:$0x1] =	stream.indirect.gather [hbm4b:s13+s14], $0x80, s28, s14, $0xb8;
	[tilespmem:$0xC800] =	vst v63  }
0x11f: {  	_ = 	snop  }
0x120: {  	[tilespmem:s4], [sflag:$0x1] =	stream.indirect.gather [hbm4b:s7+s14], $0x80, s30, s14, $0xb8;
	[tilespmem:$0xC800] =	vst v63  }
0x121: {  	_ = 	snop  }
0x122: {  	[tilespmem:s5], [sflag:$0x1] =	stream.indirect.gather [hbm4b:s9+s14], $0x80, s31, s14, $0xb8;
	[tilespmem:$0xC800] =	vst v63  }
0x123: {  	_ = 	snop  }
0x124: {  	[tilespmem:s6], [sflag:$0x1] =	stream.indirect.gather [hbm4b:s13+s14], $0x80, s31, s14, $0xb8;
	[tilespmem:$0xC800] =	vst v63  }
0x125: {  	_ =	swait.ge [sflag:s8], $0x2000  }
0x126: {  	[sflag:s8] =	ssyncset.done $0x0  }
0x127: {  	[sflag:s8] =	ssyncadd.s32 $0xFFFFE000  }
0x128: {  	_ =	swait.ge [sflag:s8], $0x2000  }
0x129: {  	[sflag:s8] =	ssyncset.done $0x0  }
0x12a: {  	[sflag:s8] =	ssyncadd.s32 $0xFFFFE000  }
0x12b: {  	_ =	swait.ge [sflag:s8], $0x2000  }
0x12c: {  	[sflag:s8] =	ssyncset.done $0x0  }
0x12d: {  	s0 =	rddreg [dreg:$0x6];
	[sflag:s8] =	ssyncadd.s32 $0xFFFFE000  }
0x12e: {  	[hbm4b:s0+s2] =	stream.linear.scatter [tilespmem:s12], [sflag:$0x2], $0x2000, $0x38;
	[tilespmem:$0xC800] =	vst v63  }
0x12f: {  	s16 =	rddreg [dreg:$0x7]  }
0x130: {  	[hbm4b:s16+s2] =	stream.linear.scatter [tilespmem:s10], [sflag:$0x2], $0x2000, $0x38;
	[tilespmem:$0xC800] =	vst v63  }
0x131: {  	s0 =	rddreg [dreg:$0x8]  }
0x132: {  	[hbm4b:s0+s2] =	stream.linear.scatter [tilespmem:s11], [sflag:$0x2], $0x2000, $0x38;
	[tilespmem:$0xC800] =	vst v63  }
0x133: {  	_ =	swait.ge [sflag:s3], $0x2000  }
0x134: {  	[sflag:s3] =	ssyncset.done $0x0  }
0x135: {  	[sflag:s3] =	ssyncadd.s32 $0xFFFFE000  }
0x136: {  	_ =	swait.ge [sflag:s3], $0x2000  }
0x137: {  	[sflag:s3] =	ssyncset.done $0x0  }
0x138: {  	[sflag:s3] =	ssyncadd.s32 $0xFFFFE000  }
0x139: {  	_ =	swait.ge [sflag:s3], $0x2000  }
0x13a: {  	[sflag:s3] =	ssyncset.done $0x0  }
0x13b: {  	s16 =	simm.s32 $0x100;
	[sflag:s3] =	ssyncadd.s32 $0xFFFFE000  }
0x13c: {  	[tilespmem:s12], [sflag:$0x1] =	stream.indirect.gather [hbm4b:s7+s14], $0x80, s16, s14, $0xb8;
	[tilespmem:$0xC800] =	vst v63  }
0x13d: {  	_ = 	snop  }
0x13e: {  	[tilespmem:s10], [sflag:$0x1] =	stream.indirect.gather [hbm4b:s9+s14], $0x80, s25, s14, $0xb8;
	[tilespmem:$0xC800] =	vst v63  }
0x13f: {  	_ = 	snop  }
0x140: {  	[tilespmem:s11], [sflag:$0x1] =	stream.indirect.gather [hbm4b:s13+s14], $0x80, s25, s14, $0xb8;
	[tilespmem:$0xC800] =	vst v63  }
0x141: {  	_ =	swait.ge [sflag:s8], $0x2000  }
0x142: {  	[sflag:s8] =	ssyncset.done $0x0  }
0x143: {  	[sflag:s8] =	ssyncadd.s32 $0xFFFFE000  }
0x144: {  	_ =	swait.ge [sflag:s8], $0x2000  }
0x145: {  	[sflag:s8] =	ssyncset.done $0x0  }
0x146: {  	[sflag:s8] =	ssyncadd.s32 $0xFFFFE000  }
0x147: {  	_ =	swait.ge [sflag:s8], $0x2000  }
0x148: {  	[sflag:s8] =	ssyncset.done $0x0  }
0x149: {  	s0 =	rddreg [dreg:$0x9];
	[sflag:s8] =	ssyncadd.s32 $0xFFFFE000  }
0x14a: {  	[hbm4b:s0+s2] =	stream.linear.scatter [tilespmem:s4], [sflag:$0x2], $0x2000, $0x38;
	[tilespmem:$0xC800] =	vst v63  }
0x14b: {  	s16 =	rddreg [dreg:$0xa]  }
0x14c: {  	[hbm4b:s16+s2] =	stream.linear.scatter [tilespmem:s5], [sflag:$0x2], $0x2000, $0x38;
	[tilespmem:$0xC800] =	vst v63  }
0x14d: {  	s0 =	rddreg [dreg:$0xb]  }
0x14e: {  	[hbm4b:s0+s2] =	stream.linear.scatter [tilespmem:s6], [sflag:$0x2], $0x2000, $0x38;
	[tilespmem:$0xC800] =	vst v63  }
0x14f: {  	_ =	swait.ge [sflag:s3], $0x2000  }
0x150: {  	[sflag:s3] =	ssyncset.done $0x0  }
0x151: {  	[sflag:s3] =	ssyncadd.s32 $0xFFFFE000  }
0x152: {  	_ =	swait.ge [sflag:s3], $0x2000  }
0x153: {  	[sflag:s3] =	ssyncset.done $0x0  }
0x154: {  	[sflag:s3] =	ssyncadd.s32 $0xFFFFE000  }
0x155: {  	_ =	swait.ge [sflag:s3], $0x2000  }
0x156: {  	[sflag:s3] =	ssyncset.done $0x0  }
0x157: {  	[sflag:s3] =	ssyncadd.s32 $0xFFFFE000  }
0x158: {  	[tilespmem:s4], [sflag:$0x1] =	stream.indirect.gather [hbm4b:s7+s14], $0x80, s26, s14, $0xb8;
	[tilespmem:$0xC800] =	vst v63  }
0x159: {  	_ = 	snop  }
0x15a: {  	[tilespmem:s5], [sflag:$0x1] =	stream.indirect.gather [hbm4b:s9+s14], $0x80, s23, s14, $0xb8;
	[tilespmem:$0xC800] =	vst v63  }
0x15b: {  	_ = 	snop  }
0x15c: {  	[tilespmem:s6], [sflag:$0x1] =	stream.indirect.gather [hbm4b:s13+s14], $0x80, s23, s14, $0xb8;
	[tilespmem:$0xC800] =	vst v63  }
0x15d: {  	_ =	swait.ge [sflag:s8], $0x2000  }
0x15e: {  	[sflag:s8] =	ssyncset.done $0x0  }
0x15f: {  	[sflag:s8] =	ssyncadd.s32 $0xFFFFE000  }
0x160: {  	_ =	swait.ge [sflag:s8], $0x2000  }
0x161: {  	[sflag:s8] =	ssyncset.done $0x0  }
0x162: {  	[sflag:s8] =	ssyncadd.s32 $0xFFFFE000  }
0x163: {  	_ =	swait.ge [sflag:s8], $0x2000  }
0x164: {  	[sflag:s8] =	ssyncset.done $0x0  }
0x165: {  	s0 =	rddreg [dreg:$0xc];
	[sflag:s8] =	ssyncadd.s32 $0xFFFFE000  }
0x166: {  	[hbm4b:s0+s2] =	stream.linear.scatter [tilespmem:s12], [sflag:$0x2], $0x2000, $0x38;
	[tilespmem:$0xC800] =	vst v63  }
0x167: {  	s16 =	rddreg [dreg:$0xd]  }
0x168: {  	[hbm4b:s16+s2] =	stream.linear.scatter [tilespmem:s10], [sflag:$0x2], $0x2000, $0x38;
	[tilespmem:$0xC800] =	vst v63  }
0x169: {  	s0 =	rddreg [dreg:$0xe]  }
0x16a: {  	[hbm4b:s0+s2] =	stream.linear.scatter [tilespmem:s11], [sflag:$0x2], $0x2000, $0x38;
	[tilespmem:$0xC800] =	vst v63  }
0x16b: {  	_ =	swait.ge [sflag:s3], $0x2000  }
0x16c: {  	[sflag:s3] =	ssyncset.done $0x0  }
0x16d: {  	[sflag:s3] =	ssyncadd.s32 $0xFFFFE000  }
0x16e: {  	_ =	swait.ge [sflag:s3], $0x2000  }
0x16f: {  	[sflag:s3] =	ssyncset.done $0x0  }
0x170: {  	[sflag:s3] =	ssyncadd.s32 $0xFFFFE000  }
0x171: {  	_ =	swait.ge [sflag:s3], $0x2000  }
0x172: {  	[sflag:s3] =	ssyncset.done $0x0  }
0x173: {  	[sflag:s3] =	ssyncadd.s32 $0xFFFFE000  }
0x174: {  	[tilespmem:s12], [sflag:$0x1] =	stream.indirect.gather [hbm4b:s7+s14], $0x80, s24, s14, $0xb8;
	[tilespmem:$0xC800] =	vst v63  }
0x175: {  	_ = 	snop  }
0x176: {  	[tilespmem:s10], [sflag:$0x1] =	stream.indirect.gather [hbm4b:s9+s14], $0x80, s21, s14, $0xb8;
	[tilespmem:$0xC800] =	vst v63  }
0x177: {  	_ = 	snop  }
0x178: {  	[tilespmem:s11], [sflag:$0x1] =	stream.indirect.gather [hbm4b:s13+s14], $0x80, s21, s14, $0xb8;
	[tilespmem:$0xC800] =	vst v63  }
0x179: {  	_ =	swait.ge [sflag:s8], $0x2000  }
0x17a: {  	[sflag:s8] =	ssyncset.done $0x0  }
0x17b: {  	[sflag:s8] =	ssyncadd.s32 $0xFFFFE000  }
0x17c: {  	_ =	swait.ge [sflag:s8], $0x2000  }
0x17d: {  	[sflag:s8] =	ssyncset.done $0x0  }
0x17e: {  	[sflag:s8] =	ssyncadd.s32 $0xFFFFE000  }
0x17f: {  	_ =	swait.ge [sflag:s8], $0x2000  }
0x180: {  	[sflag:s8] =	ssyncset.done $0x0  }
0x181: {  	s0 =	rddreg [dreg:$0xf];
	[sflag:s8] =	ssyncadd.s32 $0xFFFFE000  }
0x182: {  	[hbm4b:s0+s2] =	stream.linear.scatter [tilespmem:s4], [sflag:$0x2], $0x2000, $0x38;
	[tilespmem:$0xC800] =	vst v63  }
0x183: {  	s16 =	rddreg [dreg:$0x10]  }
0x184: {  	[hbm4b:s16+s2] =	stream.linear.scatter [tilespmem:s5], [sflag:$0x2], $0x2000, $0x38;
	[tilespmem:$0xC800] =	vst v63  }
0x185: {  	s0 =	rddreg [dreg:$0x11]  }
0x186: {  	[hbm4b:s0+s2] =	stream.linear.scatter [tilespmem:s6], [sflag:$0x2], $0x2000, $0x38;
	[tilespmem:$0xC800] =	vst v63  }
0x187: {  	_ =	swait.ge [sflag:s3], $0x2000  }
0x188: {  	[sflag:s3] =	ssyncset.done $0x0  }
0x189: {  	[sflag:s3] =	ssyncadd.s32 $0xFFFFE000  }
0x18a: {  	_ =	swait.ge [sflag:s3], $0x2000  }
0x18b: {  	[sflag:s3] =	ssyncset.done $0x0  }
0x18c: {  	[sflag:s3] =	ssyncadd.s32 $0xFFFFE000  }
0x18d: {  	_ =	swait.ge [sflag:s3], $0x2000  }
0x18e: {  	[sflag:s3] =	ssyncset.done $0x0  }
0x18f: {  	[sflag:s3] =	ssyncadd.s32 $0xFFFFE000  }
0x190: {  	[tilespmem:s4], [sflag:$0x1] =	stream.indirect.gather [hbm4b:s7+s14], $0x80, s22, s14, $0xb8;
	[tilespmem:$0xC800] =	vst v63  }
0x191: {  	_ = 	snop  }
0x192: {  	[tilespmem:s5], [sflag:$0x1] =	stream.indirect.gather [hbm4b:s9+s14], $0x80, s19, s14, $0xb8;
	[tilespmem:$0xC800] =	vst v63  }
0x193: {  	_ = 	snop  }
0x194: {  	[tilespmem:s6], [sflag:$0x1] =	stream.indirect.gather [hbm4b:s13+s14], $0x80, s19, s14, $0xb8;
	[tilespmem:$0xC800] =	vst v63  }
0x195: {  	_ =	swait.ge [sflag:s8], $0x2000  }
0x196: {  	[sflag:s8] =	ssyncset.done $0x0  }
0x197: {  	[sflag:s8] =	ssyncadd.s32 $0xFFFFE000  }
0x198: {  	_ =	swait.ge [sflag:s8], $0x2000  }
0x199: {  	[sflag:s8] =	ssyncset.done $0x0  }
0x19a: {  	[sflag:s8] =	ssyncadd.s32 $0xFFFFE000  }
0x19b: {  	_ =	swait.ge [sflag:s8], $0x2000  }
0x19c: {  	[sflag:s8] =	ssyncset.done $0x0  }
0x19d: {  	s0 =	rddreg [dreg:$0x12];
	[sflag:s8] =	ssyncadd.s32 $0xFFFFE000  }
0x19e: {  	[hbm4b:s0+s2] =	stream.linear.scatter [tilespmem:s12], [sflag:$0x2], $0x2000, $0x38;
	[tilespmem:$0xC800] =	vst v63  }
0x19f: {  	s16 =	rddreg [dreg:$0x13]  }
0x1a0: {  	[hbm4b:s16+s2] =	stream.linear.scatter [tilespmem:s10], [sflag:$0x2], $0x2000, $0x38;
	[tilespmem:$0xC800] =	vst v63  }
0x1a1: {  	s0 =	rddreg [dreg:$0x14]  }
0x1a2: {  	[hbm4b:s0+s2] =	stream.linear.scatter [tilespmem:s11], [sflag:$0x2], $0x2000, $0x38;
	[tilespmem:$0xC800] =	vst v63  }
0x1a3: {  	_ =	swait.ge [sflag:s3], $0x2000  }
0x1a4: {  	[sflag:s3] =	ssyncset.done $0x0  }
0x1a5: {  	[sflag:s3] =	ssyncadd.s32 $0xFFFFE000  }
0x1a6: {  	_ =	swait.ge [sflag:s3], $0x2000  }
0x1a7: {  	[sflag:s3] =	ssyncset.done $0x0  }
0x1a8: {  	[sflag:s3] =	ssyncadd.s32 $0xFFFFE000  }
0x1a9: {  	_ =	swait.ge [sflag:s3], $0x2000  }
0x1aa: {  	[sflag:s3] =	ssyncset.done $0x0  }
0x1ab: {  	[sflag:s3] =	ssyncadd.s32 $0xFFFFE000  }
0x1ac: {  	[tilespmem:s12], [sflag:$0x1] =	stream.indirect.gather [hbm4b:s7+s14], $0x80, s20, s14, $0xb8;
	[tilespmem:$0xC800] =	vst v63  }
0x1ad: {  	_ = 	snop  }
0x1ae: {  	[tilespmem:s10], [sflag:$0x1] =	stream.indirect.gather [hbm4b:s9+s14], $0x80, s17, s14, $0xb8;
	[tilespmem:$0xC800] =	vst v63  }
0x1af: {  	_ = 	snop  }
0x1b0: {  	[tilespmem:s11], [sflag:$0x1] =	stream.indirect.gather [hbm4b:s13+s14], $0x80, s17, s14, $0xb8;
	[tilespmem:$0xC800] =	vst v63  }
0x1b1: {  	_ =	swait.ge [sflag:s8], $0x2000  }
0x1b2: {  	[sflag:s8] =	ssyncset.done $0x0  }
0x1b3: {  	[sflag:s8] =	ssyncadd.s32 $0xFFFFE000  }
0x1b4: {  	_ =	swait.ge [sflag:s8], $0x2000  }
0x1b5: {  	[sflag:s8] =	ssyncset.done $0x0  }
0x1b6: {  	[sflag:s8] =	ssyncadd.s32 $0xFFFFE000  }
0x1b7: {  	_ =	swait.ge [sflag:s8], $0x2000  }
0x1b8: {  	[sflag:s8] =	ssyncset.done $0x0  }
0x1b9: {  	s0 =	rddreg [dreg:$0x15];
	[sflag:s8] =	ssyncadd.s32 $0xFFFFE000  }
0x1ba: {  	[hbm4b:s0+s2] =	stream.linear.scatter [tilespmem:s4], [sflag:$0x2], $0x2000, $0x38;
	[tilespmem:$0xC800] =	vst v63  }
0x1bb: {  	s16 =	rddreg [dreg:$0x16]  }
0x1bc: {  	[hbm4b:s16+s2] =	stream.linear.scatter [tilespmem:s5], [sflag:$0x2], $0x2000, $0x38;
	[tilespmem:$0xC800] =	vst v63  }
0x1bd: {  	s0 =	rddreg [dreg:$0x17]  }
0x1be: {  	[hbm4b:s0+s2] =	stream.linear.scatter [tilespmem:s6], [sflag:$0x2], $0x2000, $0x38;
	[tilespmem:$0xC800] =	vst v63  }
0x1bf: {  	_ =	swait.ge [sflag:s3], $0x2000  }
0x1c0: {  	[sflag:s3] =	ssyncset.done $0x0  }
0x1c1: {  	[sflag:s3] =	ssyncadd.s32 $0xFFFFE000  }
0x1c2: {  	_ =	swait.ge [sflag:s3], $0x2000  }
0x1c3: {  	[sflag:s3] =	ssyncset.done $0x0  }
0x1c4: {  	[sflag:s3] =	ssyncadd.s32 $0xFFFFE000  }
0x1c5: {  	_ =	swait.ge [sflag:s3], $0x2000  }
0x1c6: {  	[sflag:s3] =	ssyncset.done $0x0  }
0x1c7: {  	[sflag:s3] =	ssyncadd.s32 $0xFFFFE000  }
0x1c8: {  	[tilespmem:s4], [sflag:$0x1] =	stream.indirect.gather [hbm4b:s7+s14], $0x80, s18, s14, $0xb8;
	[tilespmem:$0xC800] =	vst v63  }
0x1c9: {  	_ = 	snop  }
0x1ca: {  	[tilespmem:s5], [sflag:$0x1] =	stream.indirect.gather [hbm4b:s9+s14], $0x80, s15, s14, $0xb8;
	[tilespmem:$0xC800] =	vst v63  }
0x1cb: {  	_ = 	snop  }
0x1cc: {  	[tilespmem:s6], [sflag:$0x1] =	stream.indirect.gather [hbm4b:s13+s14], $0x80, s15, s14, $0xb8;
	[tilespmem:$0xC800] =	vst v63  }
0x1cd: {  	_ =	swait.ge [sflag:s8], $0x2000  }
0x1ce: {  	[sflag:s8] =	ssyncset.done $0x0  }
0x1cf: {  	[sflag:s8] =	ssyncadd.s32 $0xFFFFE000  }
0x1d0: {  	_ =	swait.ge [sflag:s8], $0x2000  }
0x1d1: {  	[sflag:s8] =	ssyncset.done $0x0  }
0x1d2: {  	[sflag:s8] =	ssyncadd.s32 $0xFFFFE000  }
0x1d3: {  	_ =	swait.ge [sflag:s8], $0x2000  }
0x1d4: {  	[sflag:s8] =	ssyncset.done $0x0  }
0x1d5: {  	s0 =	rddreg [dreg:$0x18];
	[sflag:s8] =	ssyncadd.s32 $0xFFFFE000  }
0x1d6: {  	[hbm4b:s0+s2] =	stream.linear.scatter [tilespmem:s12], [sflag:$0x2], $0x2000, $0x38;
	[tilespmem:$0xC800] =	vst v63  }
0x1d7: {  	s16 =	rddreg [dreg:$0x19]  }
0x1d8: {  	[hbm4b:s16+s2] =	stream.linear.scatter [tilespmem:s10], [sflag:$0x2], $0x2000, $0x38;
	[tilespmem:$0xC800] =	vst v63  }
0x1d9: {  	s0 =	rddreg [dreg:$0x1a]  }
0x1da: {  	[hbm4b:s0+s2] =	stream.linear.scatter [tilespmem:s11], [sflag:$0x2], $0x2000, $0x38;
	[tilespmem:$0xC800] =	vst v63  }
0x1db: {  	_ =	swait.ge [sflag:s8], $0x2000  }
0x1dc: {  	[sflag:s8] =	ssyncset.done $0x0  }
0x1dd: {  	[sflag:s8] =	ssyncadd.s32 $0xFFFFE000  }
0x1de: {  	_ =	swait.ge [sflag:s8], $0x2000  }
0x1df: {  	[sflag:s8] =	ssyncset.done $0x0  }
0x1e0: {  	[sflag:s8] =	ssyncadd.s32 $0xFFFFE000  }
0x1e1: {  	_ =	swait.ge [sflag:s8], $0x2000  }
0x1e2: {  	[sflag:s8] =	ssyncset.done $0x0  }
0x1e3: {  	s0 =	rddreg [dreg:$0x1b];
	[sflag:s8] =	ssyncadd.s32 $0xFFFFE000  }
0x1e4: {  	[hbm4b:s0+s2] =	stream.linear.scatter [tilespmem:s4], [sflag:$0x2], $0x2000, $0x38;
	[tilespmem:$0xC800] =	vst v63  }
0x1e5: {  	s16 =	rddreg [dreg:$0x1c]  }
0x1e6: {  	[hbm4b:s16+s2] =	stream.linear.scatter [tilespmem:s5], [sflag:$0x2], $0x2000, $0x38;
	[tilespmem:$0xC800] =	vst v63  }
0x1e7: {  	s0 =	rddreg [dreg:$0x1d]  }
0x1e8: {  	[hbm4b:s0+s2] =	stream.linear.scatter [tilespmem:s6], [sflag:$0x2], $0x2000, $0x38;
	[tilespmem:$0xC800] =	vst v63  }
0x1e9: {  	_ =	swait.ge [sflag:s3], $0x2000  }
0x1ea: {  	[sflag:s3] =	ssyncset.done $0x0  }
0x1eb: {  	[sflag:s3] =	ssyncadd.s32 $0xFFFFE000  }
0x1ec: {  	_ =	swait.ge [sflag:s3], $0x2000  }
0x1ed: {  	[sflag:s3] =	ssyncset.done $0x0  }
0x1ee: {  	[sflag:s3] =	ssyncadd.s32 $0xFFFFE000  }
0x1ef: {  	_ =	swait.ge [sflag:s3], $0x2000  }
0x1f0: {  	[sflag:s3] =	ssyncset.done $0x0  }
0x1f1: {  	[sflag:s3] =	ssyncadd.s32 $0xFFFFE000  }
0x1f2: {  	_ =	swait.ge [sflag:s3], $0x2000  }
0x1f3: {  	[sflag:s3] =	ssyncset.done $0x0  }
0x1f4: {  	p1 =	sne.s32 s1, $0x1;
	[sflag:s3] =	ssyncadd.s32 $0xFFFFE000  }
.Ltmp2:
0x1f5: {  	_ =	swait.ge [sflag:s3], $0x2000;
	(pc) =	sbr.rel @p1 .LBB2_4-.Ltmp2, $4  }
0x1f6: {  	[sflag:s3] =	ssyncset.done $0x0  }
0x1f7: {  	[sflag:s3] =	ssyncadd.s32 $0xFFFFE000  }
0x1f8: {  	_ =	swait.ge [sflag:s3], $0x2000  }
0x1f9: {  	s1 =	sadd.s32 $0xFFFFFFFF, s1;
	s0 =	rddreg [dreg:$0x4];
	[sflag:s3] =	ssyncset.done $0x0  }
0x1fa: {  	s30 =	simm.s32 $0x100;
	s26 =	simm.s32 $0x180  }
0x1fb: {  	s24 =	simm.s32 $0x200;
	s22 =	simm.s32 $0x280;
	s20 =	simm.s32 $0x300  }
0x1fc: {  	s18 =	simm.s32 $0x380;
	s16 =	stileid.u32;
	s1 =	simm.s32 $0x80  }
.LBB2_6:
0x1fd: {  	[sflag:s3] =	ssyncadd.s32 @p0 $0xFFFFE000  }
0x1fe: {  	[tilespmem:s2], [sflag:$0x3] =	stream.linear.gather [hbm4b:s0+s2], $0x400, $0x38;
	[tilespmem:$0xC800] =	vst v63  }
0x1ff: {  	_ =	swait.ge [sflag:s29], $0x400  }
0x200: {  	[sflag:s29] =	ssyncset.done $0x0  }
0x201: {  	s0 =	rddreg [dreg:$0x5];
	[sflag:s29] =	ssyncadd.s32 $0xFFFFFC00  }
0x202: {  	[tilespmem:s28], [sflag:$0x3] =	stream.linear.gather [hbm4b:s0+s2], $0x400, $0x38;
	[tilespmem:$0xC800] =	vst v63  }
0x203: {  	_ =	swait.ge [sflag:s29], $0x400  }
0x204: {  	[sflag:s29] =	ssyncset.done $0x0  }
0x205: {  	[sflag:s29] =	ssyncadd.s32 $0xFFFFFC00  }
0x206: {  	[tilespmem:s12], [sflag:$0x1] =	stream.indirect.gather [hbm4b:s7+s14], $0x80, s2, s14, $0xb8;
	[tilespmem:$0xC800] =	vst v63  }
0x207: {  	_ = 	snop  }
0x208: {  	[tilespmem:s10], [sflag:$0x1] =	stream.indirect.gather [hbm4b:s9+s14], $0x80, s28, s14, $0xb8;
	[tilespmem:$0xC800] =	vst v63  }
0x209: {  	_ = 	snop  }
0x20a: {  	[tilespmem:s11], [sflag:$0x1] =	stream.indirect.gather [hbm4b:s13+s14], $0x80, s28, s14, $0xb8;
	[tilespmem:$0xC800] =	vst v63  }
0x20b: {  	_ = 	snop  }
0x20c: {  	[tilespmem:s4], [sflag:$0x1] =	stream.indirect.gather [hbm4b:s7+s14], $0x80, s1, s14, $0xb8;
	[tilespmem:$0xC800] =	vst v63  }
0x20d: {  	_ = 	snop  }
0x20e: {  	[tilespmem:s5], [sflag:$0x1] =	stream.indirect.gather [hbm4b:s9+s14], $0x80, s31, s14, $0xb8;
	[tilespmem:$0xC800] =	vst v63  }
0x20f: {  	_ = 	snop  }
0x210: {  	[tilespmem:s6], [sflag:$0x1] =	stream.indirect.gather [hbm4b:s13+s14], $0x80, s31, s14, $0xb8;
	[tilespmem:$0xC800] =	vst v63  }
0x211: {  	_ =	swait.ge [sflag:s8], $0x2000  }
0x212: {  	[sflag:s8] =	ssyncset.done $0x0  }
0x213: {  	[sflag:s8] =	ssyncadd.s32 $0xFFFFE000  }
0x214: {  	_ =	swait.ge [sflag:s8], $0x2000  }
0x215: {  	[sflag:s8] =	ssyncset.done $0x0  }
0x216: {  	[sflag:s8] =	ssyncadd.s32 $0xFFFFE000  }
0x217: {  	_ =	swait.ge [sflag:s8], $0x2000  }
0x218: {  	[sflag:s8] =	ssyncset.done $0x0  }
0x219: {  	s29 =	rddreg [dreg:$0x6];
	[sflag:s8] =	ssyncadd.s32 $0xFFFFE000  }
0x21a: {  	[hbm4b:s29+s2] =	stream.linear.scatter [tilespmem:s12], [sflag:$0x2], $0x2000, $0x38;
	[tilespmem:$0xC800] =	vst v63  }
0x21b: {  	s31 =	rddreg [dreg:$0x7]  }
0x21c: {  	[hbm4b:s31+s2] =	stream.linear.scatter [tilespmem:s10], [sflag:$0x2], $0x2000, $0x38;
	[tilespmem:$0xC800] =	vst v63  }
0x21d: {  	s28 =	rddreg [dreg:$0x8]  }
0x21e: {  	[hbm4b:s28+s2] =	stream.linear.scatter [tilespmem:s11], [sflag:$0x2], $0x2000, $0x38;
	[tilespmem:$0xC800] =	vst v63  }
0x21f: {  	_ =	swait.ge [sflag:s3], $0x2000  }
0x220: {  	[sflag:s3] =	ssyncset.done $0x0  }
0x221: {  	[sflag:s3] =	ssyncadd.s32 $0xFFFFE000  }
0x222: {  	_ =	swait.ge [sflag:s3], $0x2000  }
0x223: {  	[sflag:s3] =	ssyncset.done $0x0  }
0x224: {  	[sflag:s3] =	ssyncadd.s32 $0xFFFFE000  }
0x225: {  	_ =	swait.ge [sflag:s3], $0x2000  }
0x226: {  	[sflag:s3] =	ssyncset.done $0x0  }
0x227: {  	[sflag:s3] =	ssyncadd.s32 $0xFFFFE000  }
0x228: {  	[tilespmem:s12], [sflag:$0x1] =	stream.indirect.gather [hbm4b:s7+s14], $0x80, s30, s14, $0xb8;
	[tilespmem:$0xC800] =	vst v63  }
0x229: {  	_ = 	snop  }
0x22a: {  	[tilespmem:s10], [sflag:$0x1] =	stream.indirect.gather [hbm4b:s9+s14], $0x80, s25, s14, $0xb8;
	[tilespmem:$0xC800] =	vst v63  }
0x22b: {  	_ = 	snop  }
0x22c: {  	[tilespmem:s11], [sflag:$0x1] =	stream.indirect.gather [hbm4b:s13+s14], $0x80, s25, s14, $0xb8;
	[tilespmem:$0xC800] =	vst v63  }
0x22d: {  	_ =	swait.ge [sflag:s8], $0x2000  }
0x22e: {  	[sflag:s8] =	ssyncset.done $0x0  }
0x22f: {  	[sflag:s8] =	ssyncadd.s32 $0xFFFFE000  }
0x230: {  	_ =	swait.ge [sflag:s8], $0x2000  }
0x231: {  	[sflag:s8] =	ssyncset.done $0x0  }
0x232: {  	[sflag:s8] =	ssyncadd.s32 $0xFFFFE000  }
0x233: {  	_ =	swait.ge [sflag:s8], $0x2000  }
0x234: {  	[sflag:s8] =	ssyncset.done $0x0  }
0x235: {  	s29 =	rddreg [dreg:$0x9];
	[sflag:s8] =	ssyncadd.s32 $0xFFFFE000  }
0x236: {  	[hbm4b:s29+s2] =	stream.linear.scatter [tilespmem:s4], [sflag:$0x2], $0x2000, $0x38;
	[tilespmem:$0xC800] =	vst v63  }
0x237: {  	s30 =	rddreg [dreg:$0xa]  }
0x238: {  	[hbm4b:s30+s2] =	stream.linear.scatter [tilespmem:s5], [sflag:$0x2], $0x2000, $0x38;
	[tilespmem:$0xC800] =	vst v63  }
0x239: {  	s31 =	rddreg [dreg:$0xb]  }
0x23a: {  	[hbm4b:s31+s2] =	stream.linear.scatter [tilespmem:s6], [sflag:$0x2], $0x2000, $0x38;
	[tilespmem:$0xC800] =	vst v63  }
0x23b: {  	_ =	swait.ge [sflag:s3], $0x2000  }
0x23c: {  	[sflag:s3] =	ssyncset.done $0x0  }
0x23d: {  	[sflag:s3] =	ssyncadd.s32 $0xFFFFE000  }
0x23e: {  	_ =	swait.ge [sflag:s3], $0x2000  }
0x23f: {  	[sflag:s3] =	ssyncset.done $0x0  }
0x240: {  	[sflag:s3] =	ssyncadd.s32 $0xFFFFE000  }
0x241: {  	_ =	swait.ge [sflag:s3], $0x2000  }
0x242: {  	[sflag:s3] =	ssyncset.done $0x0  }
0x243: {  	[sflag:s3] =	ssyncadd.s32 $0xFFFFE000  }
0x244: {  	[tilespmem:s4], [sflag:$0x1] =	stream.indirect.gather [hbm4b:s7+s14], $0x80, s26, s14, $0xb8;
	[tilespmem:$0xC800] =	vst v63  }
0x245: {  	_ = 	snop  }
0x246: {  	[tilespmem:s5], [sflag:$0x1] =	stream.indirect.gather [hbm4b:s9+s14], $0x80, s23, s14, $0xb8;
	[tilespmem:$0xC800] =	vst v63  }
0x247: {  	_ = 	snop  }
0x248: {  	[tilespmem:s6], [sflag:$0x1] =	stream.indirect.gather [hbm4b:s13+s14], $0x80, s23, s14, $0xb8;
	[tilespmem:$0xC800] =	vst v63  }
0x249: {  	_ =	swait.ge [sflag:s8], $0x2000  }
0x24a: {  	[sflag:s8] =	ssyncset.done $0x0  }
0x24b: {  	[sflag:s8] =	ssyncadd.s32 $0xFFFFE000  }
0x24c: {  	_ =	swait.ge [sflag:s8], $0x2000  }
0x24d: {  	[sflag:s8] =	ssyncset.done $0x0  }
0x24e: {  	[sflag:s8] =	ssyncadd.s32 $0xFFFFE000  }
0x24f: {  	_ =	swait.ge [sflag:s8], $0x2000  }
0x250: {  	[sflag:s8] =	ssyncset.done $0x0  }
0x251: {  	s25 =	rddreg [dreg:$0xc];
	[sflag:s8] =	ssyncadd.s32 $0xFFFFE000  }
0x252: {  	[hbm4b:s25+s2] =	stream.linear.scatter [tilespmem:s12], [sflag:$0x2], $0x2000, $0x38;
	[tilespmem:$0xC800] =	vst v63  }
0x253: {  	s26 =	rddreg [dreg:$0xd]  }
0x254: {  	[hbm4b:s26+s2] =	stream.linear.scatter [tilespmem:s10], [sflag:$0x2], $0x2000, $0x38;
	[tilespmem:$0xC800] =	vst v63  }
0x255: {  	s28 =	rddreg [dreg:$0xe]  }
0x256: {  	[hbm4b:s28+s2] =	stream.linear.scatter [tilespmem:s11], [sflag:$0x2], $0x2000, $0x38;
	[tilespmem:$0xC800] =	vst v63  }
0x257: {  	_ =	swait.ge [sflag:s3], $0x2000  }
0x258: {  	[sflag:s3] =	ssyncset.done $0x0  }
0x259: {  	[sflag:s3] =	ssyncadd.s32 $0xFFFFE000  }
0x25a: {  	_ =	swait.ge [sflag:s3], $0x2000  }
0x25b: {  	[sflag:s3] =	ssyncset.done $0x0  }
0x25c: {  	[sflag:s3] =	ssyncadd.s32 $0xFFFFE000  }
0x25d: {  	_ =	swait.ge [sflag:s3], $0x2000  }
0x25e: {  	[sflag:s3] =	ssyncset.done $0x0  }
0x25f: {  	[sflag:s3] =	ssyncadd.s32 $0xFFFFE000  }
0x260: {  	[tilespmem:s12], [sflag:$0x1] =	stream.indirect.gather [hbm4b:s7+s14], $0x80, s24, s14, $0xb8;
	[tilespmem:$0xC800] =	vst v63  }
0x261: {  	_ = 	snop  }
0x262: {  	[tilespmem:s10], [sflag:$0x1] =	stream.indirect.gather [hbm4b:s9+s14], $0x80, s21, s14, $0xb8;
	[tilespmem:$0xC800] =	vst v63  }
0x263: {  	_ = 	snop  }
0x264: {  	[tilespmem:s11], [sflag:$0x1] =	stream.indirect.gather [hbm4b:s13+s14], $0x80, s21, s14, $0xb8;
	[tilespmem:$0xC800] =	vst v63  }
0x265: {  	_ =	swait.ge [sflag:s8], $0x2000  }
0x266: {  	[sflag:s8] =	ssyncset.done $0x0  }
0x267: {  	[sflag:s8] =	ssyncadd.s32 $0xFFFFE000  }
0x268: {  	_ =	swait.ge [sflag:s8], $0x2000  }
0x269: {  	[sflag:s8] =	ssyncset.done $0x0  }
0x26a: {  	[sflag:s8] =	ssyncadd.s32 $0xFFFFE000  }
0x26b: {  	_ =	swait.ge [sflag:s8], $0x2000  }
0x26c: {  	[sflag:s8] =	ssyncset.done $0x0  }
0x26d: {  	s29 =	rddreg [dreg:$0xf];
	[sflag:s8] =	ssyncadd.s32 $0xFFFFE000  }
0x26e: {  	[hbm4b:s29+s2] =	stream.linear.scatter [tilespmem:s4], [sflag:$0x2], $0x2000, $0x38;
	[tilespmem:$0xC800] =	vst v63  }
0x26f: {  	s30 =	rddreg [dreg:$0x10]  }
0x270: {  	[hbm4b:s30+s2] =	stream.linear.scatter [tilespmem:s5], [sflag:$0x2], $0x2000, $0x38;
	[tilespmem:$0xC800] =	vst v63  }
0x271: {  	s31 =	rddreg [dreg:$0x11]  }
0x272: {  	[hbm4b:s31+s2] =	stream.linear.scatter [tilespmem:s6], [sflag:$0x2], $0x2000, $0x38;
	[tilespmem:$0xC800] =	vst v63  }
0x273: {  	_ =	swait.ge [sflag:s3], $0x2000  }
0x274: {  	[sflag:s3] =	ssyncset.done $0x0  }
0x275: {  	[sflag:s3] =	ssyncadd.s32 $0xFFFFE000  }
0x276: {  	_ =	swait.ge [sflag:s3], $0x2000  }
0x277: {  	[sflag:s3] =	ssyncset.done $0x0  }
0x278: {  	[sflag:s3] =	ssyncadd.s32 $0xFFFFE000  }
0x279: {  	_ =	swait.ge [sflag:s3], $0x2000  }
0x27a: {  	[sflag:s3] =	ssyncset.done $0x0  }
0x27b: {  	[sflag:s3] =	ssyncadd.s32 $0xFFFFE000  }
0x27c: {  	[tilespmem:s4], [sflag:$0x1] =	stream.indirect.gather [hbm4b:s7+s14], $0x80, s22, s14, $0xb8;
	[tilespmem:$0xC800] =	vst v63  }
0x27d: {  	_ = 	snop  }
0x27e: {  	[tilespmem:s5], [sflag:$0x1] =	stream.indirect.gather [hbm4b:s9+s14], $0x80, s19, s14, $0xb8;
	[tilespmem:$0xC800] =	vst v63  }
0x27f: {  	_ = 	snop  }
0x280: {  	[tilespmem:s6], [sflag:$0x1] =	stream.indirect.gather [hbm4b:s13+s14], $0x80, s19, s14, $0xb8;
	[tilespmem:$0xC800] =	vst v63  }
0x281: {  	_ =	swait.ge [sflag:s8], $0x2000  }
0x282: {  	[sflag:s8] =	ssyncset.done $0x0  }
0x283: {  	[sflag:s8] =	ssyncadd.s32 $0xFFFFE000  }
0x284: {  	_ =	swait.ge [sflag:s8], $0x2000  }
0x285: {  	[sflag:s8] =	ssyncset.done $0x0  }
0x286: {  	[sflag:s8] =	ssyncadd.s32 $0xFFFFE000  }
0x287: {  	_ =	swait.ge [sflag:s8], $0x2000  }
0x288: {  	[sflag:s8] =	ssyncset.done $0x0  }
0x289: {  	s1 =	rddreg [dreg:$0x12];
	[sflag:s8] =	ssyncadd.s32 $0xFFFFE000  }
0x28a: {  	[hbm4b:s1+s2] =	stream.linear.scatter [tilespmem:s12], [sflag:$0x2], $0x2000, $0x38;
	[tilespmem:$0xC800] =	vst v63  }
0x28b: {  	s19 =	rddreg [dreg:$0x13]  }
0x28c: {  	[hbm4b:s19+s2] =	stream.linear.scatter [tilespmem:s10], [sflag:$0x2], $0x2000, $0x38;
	[tilespmem:$0xC800] =	vst v63  }
0x28d: {  	s21 =	rddreg [dreg:$0x14]  }
0x28e: {  	[hbm4b:s21+s2] =	stream.linear.scatter [tilespmem:s11], [sflag:$0x2], $0x2000, $0x38;
	[tilespmem:$0xC800] =	vst v63  }
0x28f: {  	_ =	swait.ge [sflag:s3], $0x2000  }
0x290: {  	[sflag:s3] =	ssyncset.done $0x0  }
0x291: {  	[sflag:s3] =	ssyncadd.s32 $0xFFFFE000  }
0x292: {  	_ =	swait.ge [sflag:s3], $0x2000  }
0x293: {  	[sflag:s3] =	ssyncset.done $0x0  }
0x294: {  	[sflag:s3] =	ssyncadd.s32 $0xFFFFE000  }
0x295: {  	_ =	swait.ge [sflag:s3], $0x2000  }
0x296: {  	[sflag:s3] =	ssyncset.done $0x0  }
0x297: {  	[sflag:s3] =	ssyncadd.s32 $0xFFFFE000  }
0x298: {  	[tilespmem:s12], [sflag:$0x1] =	stream.indirect.gather [hbm4b:s7+s14], $0x80, s20, s14, $0xb8;
	[tilespmem:$0xC800] =	vst v63  }
0x299: {  	_ = 	snop  }
0x29a: {  	[tilespmem:s10], [sflag:$0x1] =	stream.indirect.gather [hbm4b:s9+s14], $0x80, s17, s14, $0xb8;
	[tilespmem:$0xC800] =	vst v63  }
0x29b: {  	_ = 	snop  }
0x29c: {  	[tilespmem:s11], [sflag:$0x1] =	stream.indirect.gather [hbm4b:s13+s14], $0x80, s17, s14, $0xb8;
	[tilespmem:$0xC800] =	vst v63  }
0x29d: {  	_ =	swait.ge [sflag:s8], $0x2000  }
0x29e: {  	[sflag:s8] =	ssyncset.done $0x0  }
0x29f: {  	[sflag:s8] =	ssyncadd.s32 $0xFFFFE000  }
0x2a0: {  	_ =	swait.ge [sflag:s8], $0x2000  }
0x2a1: {  	[sflag:s8] =	ssyncset.done $0x0  }
0x2a2: {  	[sflag:s8] =	ssyncadd.s32 $0xFFFFE000  }
0x2a3: {  	_ =	swait.ge [sflag:s8], $0x2000  }
0x2a4: {  	[sflag:s8] =	ssyncset.done $0x0  }
0x2a5: {  	s22 =	rddreg [dreg:$0x15];
	[sflag:s8] =	ssyncadd.s32 $0xFFFFE000  }
0x2a6: {  	[hbm4b:s22+s2] =	stream.linear.scatter [tilespmem:s4], [sflag:$0x2], $0x2000, $0x38;
	[tilespmem:$0xC800] =	vst v63  }
0x2a7: {  	s23 =	rddreg [dreg:$0x16]  }
0x2a8: {  	[hbm4b:s23+s2] =	stream.linear.scatter [tilespmem:s5], [sflag:$0x2], $0x2000, $0x38;
	[tilespmem:$0xC800] =	vst v63  }
0x2a9: {  	s24 =	rddreg [dreg:$0x17]  }
0x2aa: {  	[hbm4b:s24+s2] =	stream.linear.scatter [tilespmem:s6], [sflag:$0x2], $0x2000, $0x38;
	[tilespmem:$0xC800] =	vst v63  }
0x2ab: {  	_ =	swait.ge [sflag:s3], $0x2000  }
0x2ac: {  	[sflag:s3] =	ssyncset.done $0x0  }
0x2ad: {  	[sflag:s3] =	ssyncadd.s32 $0xFFFFE000  }
0x2ae: {  	_ =	swait.ge [sflag:s3], $0x2000  }
0x2af: {  	[sflag:s3] =	ssyncset.done $0x0  }
0x2b0: {  	[sflag:s3] =	ssyncadd.s32 $0xFFFFE000  }
0x2b1: {  	_ =	swait.ge [sflag:s3], $0x2000  }
0x2b2: {  	[sflag:s3] =	ssyncset.done $0x0  }
0x2b3: {  	[sflag:s3] =	ssyncadd.s32 $0xFFFFE000  }
0x2b4: {  	[tilespmem:s4], [sflag:$0x1] =	stream.indirect.gather [hbm4b:s7+s14], $0x80, s18, s14, $0xb8;
	[tilespmem:$0xC800] =	vst v63  }
0x2b5: {  	_ = 	snop  }
0x2b6: {  	[tilespmem:s5], [sflag:$0x1] =	stream.indirect.gather [hbm4b:s9+s14], $0x80, s15, s14, $0xb8;
	[tilespmem:$0xC800] =	vst v63  }
0x2b7: {  	_ = 	snop  }
0x2b8: {  	[tilespmem:s6], [sflag:$0x1] =	stream.indirect.gather [hbm4b:s13+s14], $0x80, s15, s14, $0xb8;
	[tilespmem:$0xC800] =	vst v63  }
0x2b9: {  	_ =	swait.ge [sflag:s8], $0x2000  }
0x2ba: {  	[sflag:s8] =	ssyncset.done $0x0  }
0x2bb: {  	[sflag:s8] =	ssyncadd.s32 $0xFFFFE000  }
0x2bc: {  	_ =	swait.ge [sflag:s8], $0x2000  }
0x2bd: {  	[sflag:s8] =	ssyncset.done $0x0  }
0x2be: {  	[sflag:s8] =	ssyncadd.s32 $0xFFFFE000  }
0x2bf: {  	_ =	swait.ge [sflag:s8], $0x2000  }
0x2c0: {  	[sflag:s8] =	ssyncset.done $0x0  }
0x2c1: {  	s25 =	rddreg [dreg:$0x18];
	[sflag:s8] =	ssyncadd.s32 $0xFFFFE000  }
0x2c2: {  	[hbm4b:s25+s2] =	stream.linear.scatter [tilespmem:s12], [sflag:$0x2], $0x2000, $0x38;
	[tilespmem:$0xC800] =	vst v63  }
0x2c3: {  	s26 =	rddreg [dreg:$0x19]  }
0x2c4: {  	[hbm4b:s26+s2] =	stream.linear.scatter [tilespmem:s10], [sflag:$0x2], $0x2000, $0x38;
	[tilespmem:$0xC800] =	vst v63  }
0x2c5: {  	s28 =	rddreg [dreg:$0x1a]  }
0x2c6: {  	[hbm4b:s28+s2] =	stream.linear.scatter [tilespmem:s11], [sflag:$0x2], $0x2000, $0x38;
	[tilespmem:$0xC800] =	vst v63  }
0x2c7: {  	_ =	swait.ge [sflag:s8], $0x2000  }
0x2c8: {  	[sflag:s8] =	ssyncset.done $0x0  }
0x2c9: {  	[sflag:s8] =	ssyncadd.s32 $0xFFFFE000  }
0x2ca: {  	_ =	swait.ge [sflag:s8], $0x2000  }
0x2cb: {  	[sflag:s8] =	ssyncset.done $0x0  }
0x2cc: {  	[sflag:s8] =	ssyncadd.s32 $0xFFFFE000  }
0x2cd: {  	_ =	swait.ge [sflag:s8], $0x2000  }
0x2ce: {  	[sflag:s8] =	ssyncset.done $0x0  }
0x2cf: {  	s29 =	rddreg [dreg:$0x1b];
	[sflag:s8] =	ssyncadd.s32 $0xFFFFE000  }
0x2d0: {  	[hbm4b:s29+s2] =	stream.linear.scatter [tilespmem:s4], [sflag:$0x2], $0x2000, $0x38;
	[tilespmem:$0xC800] =	vst v63  }
0x2d1: {  	s30 =	rddreg [dreg:$0x1c]  }
0x2d2: {  	[hbm4b:s30+s2] =	stream.linear.scatter [tilespmem:s5], [sflag:$0x2], $0x2000, $0x38;
	[tilespmem:$0xC800] =	vst v63  }
0x2d3: {  	s31 =	rddreg [dreg:$0x1d]  }
0x2d4: {  	[hbm4b:s31+s2] =	stream.linear.scatter [tilespmem:s6], [sflag:$0x2], $0x2000, $0x38;
	[tilespmem:$0xC800] =	vst v63  }
0x2d5: {  	_ =	swait.ge [sflag:s3], $0x2000  }
0x2d6: {  	[sflag:s3] =	ssyncset.done $0x0  }
0x2d7: {  	[sflag:s3] =	ssyncadd.s32 $0xFFFFE000  }
0x2d8: {  	_ =	swait.ge [sflag:s3], $0x2000  }
0x2d9: {  	[sflag:s3] =	ssyncset.done $0x0  }
0x2da: {  	[sflag:s3] =	ssyncadd.s32 $0xFFFFE000  }
0x2db: {  	_ =	swait.ge [sflag:s3], $0x2000  }
0x2dc: {  	[sflag:s3] =	ssyncset.done $0x0  }
0x2dd: {  	[sflag:s3] =	ssyncadd.s32 $0xFFFFE000  }
0x2de: {  	_ =	swait.ge [sflag:s3], $0x2000  }
0x2df: {  	[sflag:s3] =	ssyncset.done $0x0  }
0x2e0: {  	[sflag:s3] =	ssyncadd.s32 $0xFFFFE000  }
0x2e1: {  	_ =	swait.ge [sflag:s3], $0x2000  }
0x2e2: {  	[sflag:s3] =	ssyncset.done $0x0  }
0x2e3: {  	[sflag:s3] =	ssyncadd.s32 $0xFFFFE000  }
0x2e4: {  	_ =	swait.ge [sflag:s3], $0x2000  }
0x2e5: {  	[sflag:s3] =	ssyncset.done $0x0  }
0x2e6: {  	[sflag:s3] =	ssyncadd.s32 $0xFFFFE000  }
0x2e7: {  	_ =	sfence.sel $0x180000  }
0x2e8: {  	[bflag:$0x0] =	sbarrier.arrive $0xFFFF  }
0x2e9: {  	_ =	strace $0x90000047  }
0x2ea: {  	[bflag:$0x2] =	sbarrier.arrive $0xFFFF  }
0x2eb: {  	p0 =	sne.s32 s16, $0x0;
	s0 =	rddreg [dreg:$0x3]  }
0x2ec: {  	s0 =	sadd.s32 @!p0 $0x100000, s0  }
0x2ed: {  	[sflag:s0] =	ssyncadd.tile.s32 @!p0 $0x1;
	_ =	shalt  }
.LBB2_1:
.Ltmp3:
0x2ee: {  	(pc) =	sbr.rel .LBB2_6-.Ltmp3, $3  }
0x2ef: {  	_ =	sdelay $0x1  }
0x2f0: {  	s30 =	simm.s32 $0x100;
	s26 =	simm.s32 $0x180;
	s24 =	simm.s32 $0x200  }
0x2f1: {  	s22 =	simm.s32 $0x280;
	s20 =	simm.s32 $0x300;
	s18 =	simm.s32 $0x380  }
.LBB2_3:
.Ltmp4:
0x2f2: {  	(pc) =	sbr.rel .LBB2_6-.Ltmp4, $4  }
0x2f3: {  	_ = 	snop  }
0x2f4: {  	s30 =	simm.s32 $0x100;
	s26 =	simm.s32 $0x180  }
0x2f5: {  	s24 =	simm.s32 $0x200;
	s22 =	simm.s32 $0x280;
	s20 =	simm.s32 $0x300  }
0x2f6: {  	s18 =	simm.s32 $0x380;
	s16 =	stileid.u32;
	s1 =	simm.s32 $0x80  }
.Lfunc_end2:
_tile_overlayer_lowered:
.L_overlay_start_2:
0x2f7: {  	(tag) =	ssettag $0x2  }
0x2f8: {  	s0 =	rddreg [dreg:$0x0];
	s2 =	stileid.u32  }
0x2f9: {  	s1 =	rddreg [dreg:$0x1];
	p0 =	sne.s32 s2, $0x0  }
0x2fa: {  	s3 =	rddreg [dreg:$0x2];
	[bflag:$0x3] =	sbarrier.arrive $0xFFFF;
	s2 =	simm.s32 @!p0 $0x1C03  }
0x2fb: {  	[timem:s3], [sflag:s2] =	dma.local @!p0 [hbm:s0], s1  }
0x2fc: {  	s0 =	simm.s32 @!p0 $0x3  }
0x2fd: {  	_ =	swait.ge @!p0 [sflag:s0], s1  }
0x2fe: {  	s1 =	ssub.s32 @!p0 $0x0, s1;
	[sflag:s0] =	ssyncset.done @!p0 $0x0  }
0x2ff: {  	[sflag:s0] =	ssyncadd.s32 @!p0 s1  }
0x300: {  	[bflag:$0x3] =	sbarrier.arrive $0xFFFF  }
0x301: {  	_ =	shalt  }

// kernel: kernel.8.cloned.1.call-start
scs
__scs_entry_jumppad:
0x0: {  	(pc) =	sbr.rel $0x88, $3  }
0x1: {  	(tag) =	ssettag $0x0;
	lr =	simm.s32 $0x1  }
0x2: {  	[smem:$0x3F9A] =	sst lr;
	_ =	strace $0xD0000000  }
0x3: {  	_ = 	snop  }
0x4: {  	_ = 	snop  }
0x5: {  	_ = 	snop  }
0x6: {  	_ = 	snop  }
0x7: {  	_ = 	snop  }
__scs_overlays_trampoline_lowered:
0x8: {  	[smem:$0x3FA9] =	sst s0  }
0x9: {  	[smem:$0x3FAA] =	sst s1  }
0xa: {  	[smem:$0x3FAB] =	sst s2  }
0xb: {  	[smem:$0x3FAC] =	sst s3  }
0xc: {  	[smem:$0x3FAD] =	sst s4  }
0xd: {  	[smem:$0x3FAE] =	sst s5  }
0xe: {  	[smem:$0x3FAF] =	sst s6  }
0xf: {  	[smem:$0x3FB0] =	sst s7  }
0x10: {  	[smem:$0x3FB1] =	sst s8  }
0x11: {  	[smem:$0x3FB2] =	sst s9;
	s0 =	simm.s32 @!p0 $0x0  }
0x12: {  	s1 =	sld [smem:$0x3F98];
	s0 =	simm.s32 @p0 $0x1  }
0x13: {  	[smem:$0x3FB3] =	sst s0;
	s0 =	simm.s32 @!p1 $0x0  }
0x14: {  	s2 =	sld [smem:$0x3F97];
	s0 =	simm.s32 @p1 $0x1  }
0x15: {  	[smem:$0x3FB4] =	sst s0;
	s0 =	simm.s32 @!p2 $0x0  }
0x16: {  	s3 =	sld [smem:$0x3FDB];
	s0 =	simm.s32 @p2 $0x1  }
0x17: {  	s4 =	simm.s32 $0x1BF5;
	[smem:$0x3FB6] =	sst s0  }
0x18: {  	s0 =	sld [smem:$0x3F99];
	_ =	swait.ge [sflag:s4], $0x0  }
0x19: {  	s7 =	sld [smem:$0x3F9A]  }
0x1a: {  	s8 =	sadd.s32 $0xFFFFE003, lr  }
0x1b: {  	s9 =	sadd.s32 $0xFFFFFEF7, lr;
	s5 =	simm.s32 $0xFFFFFFFF;
	p2 =	slt.u32 s8, $0xFFFFF086  }
0x1c: {  	p1 =	slt.u32 s9, $0xF7A;
	s5 =	simm.s32 @!p2 $0x0  }
0x1d: {  	s5 =	simm.s32 @p1 $0x1;
	p0 =	seq.s32 s7, s2  }
0x1e: {  	s7 =	smul.u32 @!p0 $0xF7A, s2;
	p2 =	seq.s32 @!p0 s5, $0x0  }
0x1f: {  	s9 =	smul.u32 $0xF7A, s1;
	s8 =	simm.s32 @!p0 $0x1BF5;
	p2 =	por !p2, p0  }
0x20: {  	[sflag:s8] =	ssyncset.s32 @!p0 $0xFFFFF086;
	s6 =	sadd.s32 @!p0 s3, s7;
	s7 =	simm.s32 @!p0 $0x108  }
0x21: {  	s3 =	sadd.s32 s3, s9;
	s6 =	sadd.s32 @!p0 $0x88, s6;
	s7 =	simm.s32 @p2 $0x1082  }
0x22: {  	[simem:s7], [sflag:s8] =	dma.local @!p0 [hbm:s6], $0xF7A  }
0x23: {  	s9 =	sor.u32 $0xD0000000, s2;
	s6 =	simm.s32 $0x108;
	_ =	swait.ge @!p0 [sflag:s8], $0x0  }
0x24: {  	s3 =	sadd.s32 $0x88, s3;
	s6 =	simm.s32 @!p1 $0x1082;
	[sflag:s4] =	ssyncset.s32 $0xFFFFF086  }
0x25: {  	[simem:s6], [sflag:s4] =	dma.local [hbm:s3], $0xF7A  }
0x26: {  	[smem:$0x3F9A] =	sst s1;
	(tag) =	ssettag s2;
	_ =	strace s9  }
0x27: {  	s1 =	sld [smem:$0x3FAA]  }
0x28: {  	s2 =	sld [smem:$0x3FAB]  }
0x29: {  	s4 =	sld [smem:$0x3FAD]  }
0x2a: {  	p0 =	seq.s32 s5, $0x0;
	s5 =	sld [smem:$0x3FAE]  }
0x2b: {  	s6 =	sld [smem:$0x3FAF]  }
0x2c: {  	s7 =	sld [smem:$0x3FB0]  }
0x2d: {  	s3 =	simm.s32 $0x108;
	s8 =	sld [smem:$0x3FB1]  }
0x2e: {  	s3 =	simm.s32 @!p0 $0x1082;
	s9 =	sld [smem:$0x3FB2]  }
0x2f: {  	lr =	sadd.s32 s0, s3;
	s0 =	sld [smem:$0x3FA9]  }
0x30: {  	s3 =	sld [smem:$0x3FAC]  }
0x31: {  	[smem:$0x3FB5] =	sst s10  }
0x32: {  	s10 =	sld [smem:$0x3FB3];
	_ =	sdelay $0x3  }
0x33: {  	p0 =	seq.s32 s10, $0x1;
	s10 =	sld [smem:$0x3FB5];
	_ =	sdelay $0x3  }
0x34: {  	[smem:$0x3FB5] =	sst s10  }
0x35: {  	s10 =	sld [smem:$0x3FB4];
	_ =	sdelay $0x3  }
0x36: {  	p1 =	seq.s32 s10, $0x1;
	s10 =	sld [smem:$0x3FB5];
	_ =	sdelay $0x3  }
0x37: {  	[smem:$0x3FB5] =	sst s10  }
0x38: {  	s10 =	sld [smem:$0x3FB6]  }
0x39: {  	_ = 	snop;
	(pc) =	sbr.ind lr, $3  }
0x3a: {  	_ = 	snop  }
0x3b: {  	_ = 	snop  }
0x3c: {  	p2 =	seq.s32 s10, $0x1;
	s10 =	sld [smem:$0x3FB5]  }
0x3d: {  	_ =	shalt  }
0x3e: {  	_ =	shalt  }
0x3f: {  	_ =	shalt  }
0x40: {  	_ =	shalt  }
0x41: {  	_ =	shalt  }
0x42: {  	_ =	shalt  }
0x43: {  	_ =	shalt  }
0x44: {  	_ =	shalt  }
0x45: {  	_ =	shalt  }
0x46: {  	_ =	shalt  }
0x47: {  	_ =	shalt  }
0x48: {  	_ =	shalt  }
0x49: {  	_ =	shalt  }
0x4a: {  	_ =	shalt  }
0x4b: {  	_ =	shalt  }
0x4c: {  	_ =	shalt  }
0x4d: {  	_ =	shalt  }
0x4e: {  	_ =	shalt  }
0x4f: {  	_ =	shalt  }
0x50: {  	_ =	shalt  }
0x51: {  	_ =	shalt  }
0x52: {  	_ =	shalt  }
0x53: {  	_ =	shalt  }
0x54: {  	_ =	shalt  }
0x55: {  	_ =	shalt  }
0x56: {  	_ =	shalt  }
0x57: {  	_ =	shalt  }
0x58: {  	_ =	shalt  }
0x59: {  	_ =	shalt  }
0x5a: {  	_ =	shalt  }
0x5b: {  	_ =	shalt  }
0x5c: {  	_ =	shalt  }
0x5d: {  	_ =	shalt  }
0x5e: {  	_ =	shalt  }
0x5f: {  	_ =	shalt  }
0x60: {  	_ =	shalt  }
0x61: {  	_ =	shalt  }
0x62: {  	_ =	shalt  }
0x63: {  	_ =	shalt  }
0x64: {  	_ =	shalt  }
0x65: {  	_ =	shalt  }
0x66: {  	_ =	shalt  }
0x67: {  	_ =	shalt  }
0x68: {  	_ =	shalt  }
0x69: {  	_ =	shalt  }
0x6a: {  	_ =	shalt  }
0x6b: {  	_ =	shalt  }
0x6c: {  	_ =	shalt  }
0x6d: {  	_ =	shalt  }
0x6e: {  	_ =	shalt  }
0x6f: {  	_ =	shalt  }
0x70: {  	_ =	shalt  }
0x71: {  	_ =	shalt  }
0x72: {  	_ =	shalt  }
0x73: {  	_ =	shalt  }
0x74: {  	_ =	shalt  }
0x75: {  	_ =	shalt  }
0x76: {  	_ =	shalt  }
0x77: {  	_ =	shalt  }
0x78: {  	_ =	shalt  }
0x79: {  	_ =	shalt  }
0x7a: {  	_ =	shalt  }
0x7b: {  	_ =	shalt  }
0x7c: {  	_ =	shalt  }
0x7d: {  	_ =	shalt  }
0x7e: {  	_ =	shalt  }
0x7f: {  	_ =	shalt  }
0x80: {  	_ =	shalt  }
0x81: {  	_ =	shalt  }
0x82: {  	_ =	shalt  }
0x83: {  	_ =	shalt  }
0x84: {  	_ =	shalt  }
0x85: {  	_ =	shalt  }
0x86: {  	_ =	shalt  }
0x87: {  	_ =	shalt  }
.Lfunc_end0:
.L_simem_size_0:
called_computation_lowered:
.L_overlay_start_0:
0x88: {  	s2 =	sld [smem:$0x3FD9]  }
0x89: {  	s3 =	sld [smem:$0x3FFE];
	_ =	sdelay $0x1  }
0x8a: {  	s1 =	srdreg.scid  }
0x8b: {  	s0 =	sand.u32 $0x1, s1  }
0x8c: {  	s16 =	sshll.u32 s0, $0xA;
	s2 =	sadd.s32 s3, s2  }
0x8d: {  	s2 =	sadd.s32 s2, s16  }
0x8e: {  	[smem:$0x3FC1] =	sst s2  }
0x8f: {  	_ = 	snop  }
0x90: {  	s17 =	sld [smem:$0x3FD0];
	_ =	sdelay $0x2  }
0x91: {  	s5 =	simm.s32 $0xB;
	s4 =	simm.s32 $0x10;
	s2 =	sld [smem:$0x3FC3]  }
0x92: {  	[smem:s4], [sflag:s5] =	dma.local [hbm:s17], $0x1  }
0x93: {  	_ =	swait.eq [sflag:s5], $0x1  }
0x94: {  	[sflag:s5] =	ssyncset.done $0x0  }
0x95: {  	s18 =	sld [smem:$0x13];
	[sflag:s5] =	ssyncadd.s32 $0xFFFFFFFF  }
0x96: {  	s19 =	sld [smem:$0x14];
	(tm) =	ssettm $0x1  }
0x97: {  	s20 =	sld [smem:$0x3FFB];
	_ =	sdelay $0x3  }
0x98: {  	_ =	strace s20  }
0x99: {  	s3 =	sld [smem:$0x3FFC];
	_ =	sdelay $0x3  }
0x9a: {  	_ =	strace s3  }
0x9b: {  	s3 =	sld [smem:$0x3FFD];
	_ =	sdelay $0x3  }
0x9c: {  	_ =	strace s3  }
0x9d: {  	_ =	strace $0x8FFFFFFF  }
0x9e: {  	s21 =	sld [smem:$0x3FDB];
	_ =	sdelay $0x1  }
0x9f: {  	s6 =	simm.s32 $_scs_section_size  }
0xa0: {  	s7 =	simm.s32 $_size__tile_overlayer_lowered;
	s8 =	simm.s32 $_tile_overlayer_lowered  }
0xa1: {  	s9 =	simm.s32 $0x1BFF;
	s22 =	sshll.u32 s8, $0x1;
	s6 =	sadd.s32 s6, s21  }
0xa2: {  	s23 =	simm.s32 $0x0;
	s7 =	sshll.u32 s7, $0x1;
	s8 =	sadd.s32 s22, s6  }
0xa3: {  	[timem:s23], [sflag:s9] =	dma.local [hbm:s8], s7  }
0xa4: {  	_ =	swait.ge [sflag:s9], s7  }
0xa5: {  	s7 =	ssub.s32 $0x0, s7;
	[sflag:s9] =	ssyncset.done $0x0  }
0xa6: {  	[sflag:s9] =	ssyncadd.s32 s7;
	_ =	sdelay $0x1  }
0xa7: {  	s24 =	simm.s32 $0x1B8B  }
0xa8: {  	_ =	swait.ge [sflag:s24], $0x1  }
0xa9: {  	[sflag:s24] =	ssyncset.done $0x0  }
0xaa: {  	[sflag:s24] =	ssyncadd.s32 $0xFFFFFFFF  }
0xab: {  	s7 =	sld [smem:$0x0]  }
0xac: {  	s8 =	sand.u32 $0xFFFFFFFE, s1  }
0xad: {  	p0 =	sne.s32 s1, s8  }
0xae: {  	s8 =	sshll.u32 @p0 s8, $0xE  }
0xaf: {  	s8 =	sadd.s32 @p0 $0x11B8D, s8;
	s9 =	sshll.u32 @p0 s7, $0x11  }
0xb0: {  	s8 =	sor.u32 @p0 s9, s8  }
0xb1: {  	[sflag:s8] =	ssyncadd.remote.s32 @p0 $0x1;
	_ =	sdelay $0x1  }
0xb2: {  	s8 =	simm.s32 @p0 $0x1B8D  }
0xb3: {  	_ =	swait.eq @p0 [sflag:s8], $0x1  }
0xb4: {  	[sflag:s8] =	ssyncadd.s32 @p0 $0xFFFFFFFF  }
0xb5: {  	s9 =	sshll.u32 @!p0 s1, $0xE  }
0xb6: {  	s9 =	sor.u32 @!p0 $0x4000, s9;
	s8 =	simm.s32 @!p0 $0x1B8D  }
0xb7: {  	s7 =	sshll.u32 @!p0 s7, $0x11;
	s9 =	sadd.s32 @!p0 $0x11B8D, s9;
	_ =	swait.eq @!p0 [sflag:s8], $0x1  }
0xb8: {  	s7 =	sor.u32 @!p0 s7, s9;
	[sflag:s8] =	ssyncadd.s32 @!p0 $0xFFFFFFFF  }
0xb9: {  	s25 =	simm.s32 $0x1B8E;
	[sflag:s7] =	ssyncadd.remote.s32 @!p0 $0x1  }
0xba: {  	s26 =	simm.s32 $execute0_lowered;
	[smem:$0x3FD2] =	sst s25  }
0xbb: {  	s7 =	sshll.u32 s26, $0x1;
	_ =	strace $0x80000049;
	[dreg:$0x1] =	wrdreg $0xFFFFFFFF  }
0xbc: {  	s28 =	simm.s32 $_size_execute0_lowered;
	s6 =	sadd.s32 s6, s7;
	[dreg:$0x0] =	wrdreg $0x0  }
0xbd: {  	s7 =	sshll.u32 s28, $0x1;
	[dreg:$0x2] =	wrdreg s6  }
0xbe: {  	[dreg:$0x3] =	wrdreg s7  }
0xbf: {  	[dreg:$0x4] =	wrdreg $0xC0  }
0xc0: {  	_ =	task [dreg:s23], $0x5FFFF  }
0xc1: {  	[dreg:$0x1] =	wrdreg $0xFFFFFFFF  }
0xc2: {  	[dreg:$0x0] =	wrdreg $0x60  }
0xc3: {  	[dreg:$0x2] =	wrdreg s19  }
0xc4: {  	[dreg:$0x3] =	wrdreg s2  }
0xc5: {  	[dreg:$0x4] =	wrdreg s18  }
0xc6: {  	[dreg:$0x5] =	wrdreg $0x9  }
0xc7: {  	_ =	task.clear_ibuf [dreg:s23], $0x6FFFF;
	_ =	strace $0x90000049  }
0xc8: {  	s29 =	simm.s32 $0x9;
	_ =	strace $0x8000004B  }
0xc9: {  	_ =	swait.ge [sflag:s29], $0x1  }
0xca: {  	[sflag:s29] =	ssyncadd.s32 $0xFFFFFFFF  }
0xcb: {  	_ =	strace $0x9000004B  }
0xcc: {  	_ =	sfence  }
0xcd: {  	s30 =	sld [smem:$0x0];
	_ =	sdelay $0x2  }
0xce: {  	s31 =	sshll.u32 s1, $0xD;
	s1 =	sshrl.u32 s1, $0x2  }
0xcf: {  	s4 =	sand.u32 $0x4000, s31;
	s1 =	sadd.s32 s1, s30  }
0xd0: {  	s0 =	sor.u32 s4, s0;
	s1 =	sshll.u32 s1, $0x11  }
0xd1: {  	s0 =	sor.u32 s1, s0  }
0xd2: {  	s0 =	sadd.s32 $0x8F2B, s0  }
0xd3: {  	[sflag:s0] =	ssyncadd.remote.s32 $0x1  }
0xd4: {  	_ =	sfence.sel $0xFFFF  }
0xd5: {  	[dreg:$0x0] =	wrdreg $0xFFFFFFFF;
	(pc) =	sbr.abs _section_cstart, $3  }
0xd6: {  	[dreg:$0x1] =	wrdreg $0xFFFFFFFF  }
0xd7: {  	_ =	task.clear_ibuf [dreg:s23], $0x2FFFF;
	_ =	strace $0x9FFFFFFF  }
0xd8: {  	(tm) =	ssettm $0x7FFFFFFF  }
0xd9: {  	_ =	shalt  }
tec
execute0_lowered:
.L_overlay_start_1:
0x0: {  	(tag) =	ssettag $0x1  }
0x1: {  	s1 =	srdreg.scid;
	s3 =	stileid.u32  }
0x2: {  	s0 =	rddreg [dreg:$0x0];
	s1 =	sand.u32 $0x1, s1;
	s5 =	sshll.u32 s3, $0x1  }
0x3: {  	s2 =	rddreg [dreg:$0x1];
	s5 =	sor.u32 s1, s5  }
0x4: {  	s4 =	rddreg [dreg:$0x2];
	s3 =	simm.s32 $0x0;
	s6 =	sshll.u32 s5, $0x7  }
0x5: {  	[smem:$0x7FF] =	sst s3;
	s5 =	sshll.u32 s5, $0xF;
	s0 =	sadd.s32 s0, s6  }
0x6: {  	_ =	strace $0x8000004A;
	s5 =	sadd.s32 s4, s5;
	[dreg:$0x4] =	wrdreg s0  }
0x7: {  	s28 =	simm.s32 $0x400;
	s22 =	sadd.s32 $0x1000, s5;
	[dreg:$0xc] =	wrdreg s5  }
0x8: {  	s14 =	simm.s32 $0x1;
	s23 =	sadd.s32 $0x2000, s5;
	[dreg:$0x5] =	wrdreg s22  }
0x9: {  	s15 =	simm.s32 $0x2;
	s24 =	sadd.s32 $0x3000, s5;
	[dreg:$0x6] =	wrdreg s23  }
0xa: {  	s1 =	ssub.s32 $0x2, s1;
	s25 =	sadd.s32 $0x4000, s5;
	[dreg:$0x7] =	wrdreg s24  }
0xb: {  	s30 =	sshrl.u32 s1, $0x1;
	s26 =	sadd.s32 $0x5000, s5;
	[dreg:$0x8] =	wrdreg s25  }
0xc: {  	v2 =	vlaneseq.u32;
	s1 =	ssub.s32 s1, s30;
	s29 =	sadd.s32 $0x6000, s5;
	[dreg:$0x9] =	wrdreg s26  }
0xd: {  	vm0 =	vmmov $0xffff;
	v1 =	vshrl.u32 v2, $0x3;
	s31 =	sadd.s32 $0x7000, s5;
	s5 =	sadd.s32 $0x100, s2;
	[dreg:$0xa] =	wrdreg s29  }
0xe: {  	v0 =	vand.u32 $0x7, v2;
	v2 =	vor.u32 $0x8, v2;
	v1 =	vmul.u32 $0x8, v1;
	s6 =	smax.u32 s1, $0x1;
	[dreg:$0xb] =	wrdreg s31;
	s24 =	simm.s32 $0x8400  }
.LBB2_1:
0xf: {  	s16 =	rddreg [dreg:$0x4];
	s26 =	simm.s32 $0x3  }
0x10: {  	[tilespmem:s3], [sflag:$0x3] =	stream.linear.gather [hbm4b:s16+s3], $0x400, $0x38;
	[tilespmem:$0x10400] =	vst v63  }
0x11: {  	_ =	swait.ge [sflag:s26], $0x400  }
0x12: {  	[sflag:s26] =	ssyncset.done $0x0  }
0x13: {  	[sflag:s26] =	ssyncadd.s32 $0xFFFFFC00  }
0x14: {  	v3 =	vld [tilespmem:$0x0];
	_ =	sdelay $0x4  }
0x15: {  	v4 =	vshll.u32 v3, $0x2  }
0x16: {  	v3 =	vand.u32 $0x7, v3;
	v4 =	vand.u32 $0xFFFFFFE0, v4  }
0x17: {  	v3 =	vor.u32 v3, v4  }
0x18: {  	v4 =	vperm.xlane v3, v0;
	_ =	sdelay $0x1  }
0x19: {  	v4 =	vadd.s32 v1, v4;
	_ =	sdelay $0x1  }
0x1a: {  	v3 =	vperm.xlane v3, v2;
	_ =	sdelay $0x1  }
0x1b: {  	v3 =	vadd.s32 v1, v3  }
0x1c: {  	[tilespmem:s28], [sflag:$0x1] =	stream.indirect_vreg.gather [hbm4b:s2+s3], $0x80, v4, vm0, $0xb8;
	[tilespmem:$0x10400] =	vst v63  }
0x1d: {  	s0 =	simm.s32 $0xC00  }
0x1e: {  	[tilespmem:s0], [sflag:$0x1] =	stream.indirect_vreg.gather [hbm4b:s5+s3], $0x80, v4, vm0, $0xb8;
	[tilespmem:$0x10400] =	vst v63  }
0x1f: {  	s29 =	simm.s32 $0x1400  }
0x20: {  	[tilespmem:s29], [sflag:$0x1] =	stream.indirect_vreg.gather [hbm4b:s2+s3], $0x80, v3, vm0, $0xb8;
	[tilespmem:$0x10400] =	vst v63  }
0x21: {  	s30 =	simm.s32 $0x1C00  }
0x22: {  	[tilespmem:s30], [sflag:$0x1] =	stream.indirect_vreg.gather [hbm4b:s5+s3], $0x80, v3, vm0, $0xb8;
	[tilespmem:$0x10400] =	vst v63  }
0x23: {  	v3 =	vld [tilespmem:$0x10];
	_ =	sdelay $0x4  }
0x24: {  	v33 =	vshll.u32 v3, $0x2  }
0x25: {  	v3 =	vand.u32 $0x7, v3;
	v4 =	vand.u32 $0xFFFFFFE0, v33  }
0x26: {  	v3 =	vor.u32 v3, v4  }
0x27: {  	v4 =	vperm.xlane v3, v0;
	_ =	sdelay $0x1  }
0x28: {  	v4 =	vadd.s32 v1, v4;
	_ =	sdelay $0x1  }
0x29: {  	v3 =	vperm.xlane v3, v2;
	_ =	sdelay $0x1  }
0x2a: {  	s31 =	simm.s32 $0x2400;
	v3 =	vadd.s32 v1, v3  }
0x2b: {  	[tilespmem:s31], [sflag:$0x1] =	stream.indirect_vreg.gather [hbm4b:s2+s3], $0x80, v4, vm0, $0xb8;
	[tilespmem:$0x10400] =	vst v63  }
0x2c: {  	s4 =	simm.s32 $0x2C00  }
0x2d: {  	[tilespmem:s4], [sflag:$0x1] =	stream.indirect_vreg.gather [hbm4b:s5+s3], $0x80, v4, vm0, $0xb8;
	[tilespmem:$0x10400] =	vst v63  }
0x2e: {  	s9 =	simm.s32 $0x3400  }
0x2f: {  	[tilespmem:s9], [sflag:$0x1] =	stream.indirect_vreg.gather [hbm4b:s2+s3], $0x80, v3, vm0, $0xb8;
	[tilespmem:$0x10400] =	vst v63  }
0x30: {  	s10 =	simm.s32 $0x3C00  }
0x31: {  	[tilespmem:s10], [sflag:$0x1] =	stream.indirect_vreg.gather [hbm4b:s5+s3], $0x80, v3, vm0, $0xb8;
	[tilespmem:$0x10400] =	vst v63  }
0x32: {  	v3 =	vld [tilespmem:$0x20];
	_ =	sdelay $0x4  }
0x33: {  	v34 =	vshll.u32 v3, $0x2  }
0x34: {  	v3 =	vand.u32 $0x7, v3;
	v4 =	vand.u32 $0xFFFFFFE0, v34  }
0x35: {  	v3 =	vor.u32 v3, v4  }
0x36: {  	v4 =	vperm.xlane v3, v0;
	_ =	sdelay $0x1  }
0x37: {  	v4 =	vadd.s32 v1, v4;
	_ =	sdelay $0x1  }
0x38: {  	v3 =	vperm.xlane v3, v2;
	_ =	sdelay $0x1  }
0x39: {  	s11 =	simm.s32 $0x4400;
	v3 =	vadd.s32 v1, v3  }
0x3a: {  	[tilespmem:s11], [sflag:$0x1] =	stream.indirect_vreg.gather [hbm4b:s2+s3], $0x80, v4, vm0, $0xb8;
	[tilespmem:$0x10400] =	vst v63  }
0x3b: {  	s12 =	simm.s32 $0x4C00  }
0x3c: {  	[tilespmem:s12], [sflag:$0x1] =	stream.indirect_vreg.gather [hbm4b:s5+s3], $0x80, v4, vm0, $0xb8;
	[tilespmem:$0x10400] =	vst v63  }
0x3d: {  	s13 =	simm.s32 $0x5400  }
0x3e: {  	[tilespmem:s13], [sflag:$0x1] =	stream.indirect_vreg.gather [hbm4b:s2+s3], $0x80, v3, vm0, $0xb8;
	[tilespmem:$0x10400] =	vst v63  }
0x3f: {  	s16 =	simm.s32 $0x5C00  }
0x40: {  	[tilespmem:s16], [sflag:$0x1] =	stream.indirect_vreg.gather [hbm4b:s5+s3], $0x80, v3, vm0, $0xb8;
	[tilespmem:$0x10400] =	vst v63  }
0x41: {  	v3 =	vld [tilespmem:$0x30];
	_ =	sdelay $0x4  }
0x42: {  	v35 =	vshll.u32 v3, $0x2  }
0x43: {  	v3 =	vand.u32 $0x7, v3;
	v4 =	vand.u32 $0xFFFFFFE0, v35  }
0x44: {  	v3 =	vor.u32 v3, v4  }
0x45: {  	v4 =	vperm.xlane v3, v0;
	_ =	sdelay $0x1  }
0x46: {  	v4 =	vadd.s32 v1, v4;
	_ =	sdelay $0x1  }
0x47: {  	v3 =	vperm.xlane v3, v2;
	_ =	sdelay $0x1  }
0x48: {  	s17 =	simm.s32 $0x6400;
	v3 =	vadd.s32 v1, v3  }
0x49: {  	[tilespmem:s17], [sflag:$0x1] =	stream.indirect_vreg.gather [hbm4b:s2+s3], $0x80, v4, vm0, $0xb8;
	[tilespmem:$0x10400] =	vst v63  }
0x4a: {  	s19 =	simm.s32 $0x6C00  }
0x4b: {  	[tilespmem:s19], [sflag:$0x1] =	stream.indirect_vreg.gather [hbm4b:s5+s3], $0x80, v4, vm0, $0xb8;
	[tilespmem:$0x10400] =	vst v63  }
0x4c: {  	s20 =	simm.s32 $0x7400  }
0x4d: {  	[tilespmem:s20], [sflag:$0x1] =	stream.indirect_vreg.gather [hbm4b:s2+s3], $0x80, v3, vm0, $0xb8;
	[tilespmem:$0x10400] =	vst v63  }
0x4e: {  	s21 =	simm.s32 $0x7C00  }
0x4f: {  	[tilespmem:s21], [sflag:$0x1] =	stream.indirect_vreg.gather [hbm4b:s5+s3], $0x80, v3, vm0, $0xb8;
	[tilespmem:$0x10400] =	vst v63  }
0x50: {  	v3 =	vld [tilespmem:$0x80];
	_ =	sdelay $0x4  }
0x51: {  	v36 =	vshll.u32 v3, $0x2  }
0x52: {  	v3 =	vand.u32 $0x7, v3;
	v4 =	vand.u32 $0xFFFFFFE0, v36  }
0x53: {  	v3 =	vor.u32 v3, v4  }
0x54: {  	v4 =	vperm.xlane v3, v0;
	_ =	sdelay $0x1  }
0x55: {  	v4 =	vadd.s32 v1, v4;
	_ =	sdelay $0x1  }
0x56: {  	v3 =	vperm.xlane v3, v2;
	_ =	sdelay $0x1  }
0x57: {  	v3 =	vadd.s32 v1, v3  }
0x58: {  	[tilespmem:s24], [sflag:$0x1] =	stream.indirect_vreg.gather [hbm4b:s2+s3], $0x80, v4, vm0, $0xb8;
	[tilespmem:$0x10400] =	vst v63  }
0x59: {  	s22 =	simm.s32 $0x8C00  }
0x5a: {  	[tilespmem:s22], [sflag:$0x1] =	stream.indirect_vreg.gather [hbm4b:s5+s3], $0x80, v4, vm0, $0xb8;
	[tilespmem:$0x10400] =	vst v63  }
0x5b: {  	s23 =	simm.s32 $0x9400  }
0x5c: {  	[tilespmem:s23], [sflag:$0x1] =	stream.indirect_vreg.gather [hbm4b:s2+s3], $0x80, v3, vm0, $0xb8;
	[tilespmem:$0x10400] =	vst v63  }
0x5d: {  	s25 =	simm.s32 $0x9C00  }
0x5e: {  	[tilespmem:s25], [sflag:$0x1] =	stream.indirect_vreg.gather [hbm4b:s5+s3], $0x80, v3, vm0, $0xb8;
	[tilespmem:$0x10400] =	vst v63  }
0x5f: {  	v3 =	vld [tilespmem:$0x90];
	_ =	sdelay $0x4  }
0x60: {  	v37 =	vshll.u32 v3, $0x2  }
0x61: {  	v3 =	vand.u32 $0x7, v3;
	v4 =	vand.u32 $0xFFFFFFE0, v37  }
0x62: {  	v3 =	vor.u32 v3, v4  }
0x63: {  	v4 =	vperm.xlane v3, v0;
	_ =	sdelay $0x1  }
0x64: {  	v4 =	vadd.s32 v1, v4;
	_ =	sdelay $0x1  }
0x65: {  	v3 =	vperm.xlane v3, v2;
	_ =	sdelay $0x1  }
0x66: {  	s26 =	simm.s32 $0xA400;
	v3 =	vadd.s32 v1, v3  }
0x67: {  	[tilespmem:s26], [sflag:$0x1] =	stream.indirect_vreg.gather [hbm4b:s2+s3], $0x80, v4, vm0, $0xb8;
	[tilespmem:$0x10400] =	vst v63  }
0x68: {  	s29 =	simm.s32 $0xAC00  }
0x69: {  	[tilespmem:s29], [sflag:$0x1] =	stream.indirect_vreg.gather [hbm4b:s5+s3], $0x80, v4, vm0, $0xb8;
	[tilespmem:$0x10400] =	vst v63  }
0x6a: {  	s30 =	simm.s32 $0xB400  }
0x6b: {  	[tilespmem:s30], [sflag:$0x1] =	stream.indirect_vreg.gather [hbm4b:s2+s3], $0x80, v3, vm0, $0xb8;
	[tilespmem:$0x10400] =	vst v63  }
0x6c: {  	s31 =	simm.s32 $0xBC00  }
0x6d: {  	[tilespmem:s31], [sflag:$0x1] =	stream.indirect_vreg.gather [hbm4b:s5+s3], $0x80, v3, vm0, $0xb8;
	[tilespmem:$0x10400] =	vst v63  }
0x6e: {  	v3 =	vld [tilespmem:$0xA0];
	_ =	sdelay $0x4  }
0x6f: {  	v38 =	vshll.u32 v3, $0x2  }
0x70: {  	v3 =	vand.u32 $0x7, v3;
	v4 =	vand.u32 $0xFFFFFFE0, v38  }
0x71: {  	v3 =	vor.u32 v3, v4  }
0x72: {  	v4 =	vperm.xlane v3, v0;
	_ =	sdelay $0x1  }
0x73: {  	v4 =	vadd.s32 v1, v4;
	_ =	sdelay $0x1  }
0x74: {  	v3 =	vperm.xlane v3, v2;
	_ =	sdelay $0x1  }
0x75: {  	s0 =	simm.s32 $0xC400;
	v3 =	vadd.s32 v1, v3  }
0x76: {  	[tilespmem:s0], [sflag:$0x1] =	stream.indirect_vreg.gather [hbm4b:s2+s3], $0x80, v4, vm0, $0xb8;
	[tilespmem:$0x10400] =	vst v63  }
0x77: {  	s11 =	simm.s32 $0xCC00  }
0x78: {  	[tilespmem:s11], [sflag:$0x1] =	stream.indirect_vreg.gather [hbm4b:s5+s3], $0x80, v4, vm0, $0xb8;
	[tilespmem:$0x10400] =	vst v63  }
0x79: {  	s12 =	simm.s32 $0xD400  }
0x7a: {  	[tilespmem:s12], [sflag:$0x1] =	stream.indirect_vreg.gather [hbm4b:s2+s3], $0x80, v3, vm0, $0xb8;
	[tilespmem:$0x10400] =	vst v63  }
0x7b: {  	s13 =	simm.s32 $0xDC00  }
0x7c: {  	[tilespmem:s13], [sflag:$0x1] =	stream.indirect_vreg.gather [hbm4b:s5+s3], $0x80, v3, vm0, $0xb8;
	[tilespmem:$0x10400] =	vst v63  }
0x7d: {  	v3 =	vld [tilespmem:$0xB0];
	_ =	sdelay $0x4  }
0x7e: {  	v39 =	vshll.u32 v3, $0x2  }
0x7f: {  	v3 =	vand.u32 $0x7, v3;
	v4 =	vand.u32 $0xFFFFFFE0, v39  }
0x80: {  	v3 =	vor.u32 v3, v4  }
0x81: {  	v4 =	vperm.xlane v3, v0;
	_ =	sdelay $0x1  }
0x82: {  	v4 =	vadd.s32 v1, v4;
	_ =	sdelay $0x1  }
0x83: {  	v3 =	vperm.xlane v3, v2;
	_ =	sdelay $0x1  }
0x84: {  	s17 =	simm.s32 $0xE400;
	v3 =	vadd.s32 v1, v3  }
0x85: {  	[tilespmem:s17], [sflag:$0x1] =	stream.indirect_vreg.gather [hbm4b:s2+s3], $0x80, v4, vm0, $0xb8;
	[tilespmem:$0x10400] =	vst v63  }
0x86: {  	s20 =	simm.s32 $0xEC00  }
0x87: {  	[tilespmem:s20], [sflag:$0x1] =	stream.indirect_vreg.gather [hbm4b:s5+s3], $0x80, v4, vm0, $0xb8;
	[tilespmem:$0x10400] =	vst v63  }
0x88: {  	s22 =	simm.s32 $0xF400  }
0x89: {  	[tilespmem:s22], [sflag:$0x1] =	stream.indirect_vreg.gather [hbm4b:s2+s3], $0x80, v3, vm0, $0xb8;
	[tilespmem:$0x10400] =	vst v63  }
0x8a: {  	s26 =	simm.s32 $0xFC00  }
0x8b: {  	[tilespmem:s26], [sflag:$0x1] =	stream.indirect_vreg.gather [hbm4b:s5+s3], $0x80, v3, vm0, $0xb8;
	[tilespmem:$0x10400] =	vst v63  }
0x8c: {  	_ =	swait.ge [sflag:s14], $0x8000  }
0x8d: {  	[sflag:s14] =	ssyncset.done $0x0  }
0x8e: {  	s0 =	rddreg [dreg:$0xc];
	[sflag:s14] =	ssyncadd.s32 $0xFFFF8000  }
0x8f: {  	[hbm4b:s0+s3] =	stream.linear.scatter [tilespmem:s28], [sflag:$0x2], $0x8000, $0x38;
	[tilespmem:$0x10400] =	vst v63  }
0x90: {  	_ =	swait.ge [sflag:s15], $0x8000  }
0x91: {  	[sflag:s15] =	ssyncset.done $0x0  }
0x92: {  	[sflag:s15] =	ssyncadd.s32 $0xFFFF8000  }
0x93: {  	v3 =	vld [tilespmem:$0x100];
	_ =	sdelay $0x4  }
0x94: {  	v40 =	vshll.u32 v3, $0x2  }
0x95: {  	v3 =	vand.u32 $0x7, v3;
	v4 =	vand.u32 $0xFFFFFFE0, v40  }
0x96: {  	v3 =	vor.u32 v3, v4  }
0x97: {  	v4 =	vperm.xlane v3, v0;
	_ =	sdelay $0x1  }
0x98: {  	v4 =	vadd.s32 v1, v4;
	_ =	sdelay $0x1  }
0x99: {  	v3 =	vperm.xlane v3, v2;
	_ =	sdelay $0x1  }
0x9a: {  	v3 =	vadd.s32 v1, v3  }
0x9b: {  	[tilespmem:s28], [sflag:$0x1] =	stream.indirect_vreg.gather [hbm4b:s2+s3], $0x80, v4, vm0, $0xb8;
	[tilespmem:$0x10400] =	vst v63  }
0x9c: {  	s1 =	simm.s32 $0xC00  }
0x9d: {  	[tilespmem:s1], [sflag:$0x1] =	stream.indirect_vreg.gather [hbm4b:s5+s3], $0x80, v4, vm0, $0xb8;
	[tilespmem:$0x10400] =	vst v63  }
0x9e: {  	s7 =	simm.s32 $0x1400  }
0x9f: {  	[tilespmem:s7], [sflag:$0x1] =	stream.indirect_vreg.gather [hbm4b:s2+s3], $0x80, v3, vm0, $0xb8;
	[tilespmem:$0x10400] =	vst v63  }
0xa0: {  	s18 =	simm.s32 $0x1C00  }
0xa1: {  	[tilespmem:s18], [sflag:$0x1] =	stream.indirect_vreg.gather [hbm4b:s5+s3], $0x80, v3, vm0, $0xb8;
	[tilespmem:$0x10400] =	vst v63  }
0xa2: {  	v3 =	vld [tilespmem:$0x110];
	_ =	sdelay $0x4  }
0xa3: {  	v41 =	vshll.u32 v3, $0x2  }
0xa4: {  	v3 =	vand.u32 $0x7, v3;
	v4 =	vand.u32 $0xFFFFFFE0, v41  }
0xa5: {  	v3 =	vor.u32 v3, v4  }
0xa6: {  	v4 =	vperm.xlane v3, v0;
	_ =	sdelay $0x1  }
0xa7: {  	v4 =	vadd.s32 v1, v4;
	_ =	sdelay $0x1  }
0xa8: {  	v3 =	vperm.xlane v3, v2;
	_ =	sdelay $0x1  }
0xa9: {  	s8 =	simm.s32 $0x2400;
	v3 =	vadd.s32 v1, v3  }
0xaa: {  	[tilespmem:s8], [sflag:$0x1] =	stream.indirect_vreg.gather [hbm4b:s2+s3], $0x80, v4, vm0, $0xb8;
	[tilespmem:$0x10400] =	vst v63  }
0xab: {  	s18 =	simm.s32 $0x2C00  }
0xac: {  	[tilespmem:s18], [sflag:$0x1] =	stream.indirect_vreg.gather [hbm4b:s5+s3], $0x80, v4, vm0, $0xb8;
	[tilespmem:$0x10400] =	vst v63  }
0xad: {  	s9 =	simm.s32 $0x3400  }
0xae: {  	[tilespmem:s9], [sflag:$0x1] =	stream.indirect_vreg.gather [hbm4b:s2+s3], $0x80, v3, vm0, $0xb8;
	[tilespmem:$0x10400] =	vst v63  }
0xaf: {  	s22 =	simm.s32 $0x3C00  }
0xb0: {  	[tilespmem:s22], [sflag:$0x1] =	stream.indirect_vreg.gather [hbm4b:s5+s3], $0x80, v3, vm0, $0xb8;
	[tilespmem:$0x10400] =	vst v63  }
0xb1: {  	v3 =	vld [tilespmem:$0x120];
	_ =	sdelay $0x4  }
0xb2: {  	v42 =	vshll.u32 v3, $0x2  }
0xb3: {  	v3 =	vand.u32 $0x7, v3;
	v4 =	vand.u32 $0xFFFFFFE0, v42  }
0xb4: {  	v3 =	vor.u32 v3, v4  }
0xb5: {  	v4 =	vperm.xlane v3, v0;
	_ =	sdelay $0x1  }
0xb6: {  	v4 =	vadd.s32 v1, v4;
	_ =	sdelay $0x1  }
0xb7: {  	v3 =	vperm.xlane v3, v2;
	_ =	sdelay $0x1  }
0xb8: {  	s10 =	simm.s32 $0x4400;
	v3 =	vadd.s32 v1, v3  }
0xb9: {  	[tilespmem:s10], [sflag:$0x1] =	stream.indirect_vreg.gather [hbm4b:s2+s3], $0x80, v4, vm0, $0xb8;
	[tilespmem:$0x10400] =	vst v63  }
0xba: {  	s26 =	simm.s32 $0x4C00  }
0xbb: {  	[tilespmem:s26], [sflag:$0x1] =	stream.indirect_vreg.gather [hbm4b:s5+s3], $0x80, v4, vm0, $0xb8;
	[tilespmem:$0x10400] =	vst v63  }
0xbc: {  	s11 =	simm.s32 $0x5400  }
0xbd: {  	[tilespmem:s11], [sflag:$0x1] =	stream.indirect_vreg.gather [hbm4b:s2+s3], $0x80, v3, vm0, $0xb8;
	[tilespmem:$0x10400] =	vst v63  }
0xbe: {  	s12 =	simm.s32 $0x5C00  }
0xbf: {  	[tilespmem:s12], [sflag:$0x1] =	stream.indirect_vreg.gather [hbm4b:s5+s3], $0x80, v3, vm0, $0xb8;
	[tilespmem:$0x10400] =	vst v63  }
0xc0: {  	v3 =	vld [tilespmem:$0x130];
	_ =	sdelay $0x4  }
0xc1: {  	v43 =	vshll.u32 v3, $0x2  }
0xc2: {  	v3 =	vand.u32 $0x7, v3;
	v4 =	vand.u32 $0xFFFFFFE0, v43  }
0xc3: {  	v3 =	vor.u32 v3, v4  }
0xc4: {  	v4 =	vperm.xlane v3, v0;
	_ =	sdelay $0x1  }
0xc5: {  	v4 =	vadd.s32 v1, v4;
	_ =	sdelay $0x1  }
0xc6: {  	v3 =	vperm.xlane v3, v2;
	_ =	sdelay $0x1  }
0xc7: {  	s13 =	simm.s32 $0x6400;
	v3 =	vadd.s32 v1, v3  }
0xc8: {  	[tilespmem:s13], [sflag:$0x1] =	stream.indirect_vreg.gather [hbm4b:s2+s3], $0x80, v4, vm0, $0xb8;
	[tilespmem:$0x10400] =	vst v63  }
0xc9: {  	s17 =	simm.s32 $0x6C00  }
0xca: {  	[tilespmem:s17], [sflag:$0x1] =	stream.indirect_vreg.gather [hbm4b:s5+s3], $0x80, v4, vm0, $0xb8;
	[tilespmem:$0x10400] =	vst v63  }
0xcb: {  	s9 =	simm.s32 $0x7400  }
0xcc: {  	[tilespmem:s9], [sflag:$0x1] =	stream.indirect_vreg.gather [hbm4b:s2+s3], $0x80, v3, vm0, $0xb8;
	[tilespmem:$0x10400] =	vst v63  }
0xcd: {  	s10 =	simm.s32 $0x7C00  }
0xce: {  	[tilespmem:s10], [sflag:$0x1] =	stream.indirect_vreg.gather [hbm4b:s5+s3], $0x80, v3, vm0, $0xb8;
	[tilespmem:$0x10400] =	vst v63  }
0xcf: {  	_ =	swait.ge [sflag:s14], $0x8000  }
0xd0: {  	[sflag:s14] =	ssyncset.done $0x0  }
0xd1: {  	s8 =	rddreg [dreg:$0x5];
	[sflag:s14] =	ssyncadd.s32 $0xFFFF8000  }
0xd2: {  	[hbm4b:s8+s3] =	stream.linear.scatter [tilespmem:s24], [sflag:$0x2], $0x8000, $0x38;
	[tilespmem:$0x10400] =	vst v63  }
0xd3: {  	_ =	swait.ge [sflag:s15], $0x8000  }
0xd4: {  	[sflag:s15] =	ssyncset.done $0x0  }
0xd5: {  	[sflag:s15] =	ssyncadd.s32 $0xFFFF8000  }
0xd6: {  	v3 =	vld [tilespmem:$0x180];
	_ =	sdelay $0x4  }
0xd7: {  	v44 =	vshll.u32 v3, $0x2  }
0xd8: {  	v3 =	vand.u32 $0x7, v3;
	v4 =	vand.u32 $0xFFFFFFE0, v44  }
0xd9: {  	v3 =	vor.u32 v3, v4  }
0xda: {  	v4 =	vperm.xlane v3, v0;
	_ =	sdelay $0x1  }
0xdb: {  	v4 =	vadd.s32 v1, v4;
	_ =	sdelay $0x1  }
0xdc: {  	v3 =	vperm.xlane v3, v2;
	_ =	sdelay $0x1  }
0xdd: {  	v3 =	vadd.s32 v1, v3  }
0xde: {  	[tilespmem:s24], [sflag:$0x1] =	stream.indirect_vreg.gather [hbm4b:s2+s3], $0x80, v4, vm0, $0xb8;
	[tilespmem:$0x10400] =	vst v63  }
0xdf: {  	s0 =	simm.s32 $0x8C00  }
0xe0: {  	[tilespmem:s0], [sflag:$0x1] =	stream.indirect_vreg.gather [hbm4b:s5+s3], $0x80, v4, vm0, $0xb8;
	[tilespmem:$0x10400] =	vst v63  }
0xe1: {  	s1 =	simm.s32 $0x9400  }
0xe2: {  	[tilespmem:s1], [sflag:$0x1] =	stream.indirect_vreg.gather [hbm4b:s2+s3], $0x80, v3, vm0, $0xb8;
	[tilespmem:$0x10400] =	vst v63  }
0xe3: {  	s4 =	simm.s32 $0x9C00  }
0xe4: {  	[tilespmem:s4], [sflag:$0x1] =	stream.indirect_vreg.gather [hbm4b:s5+s3], $0x80, v3, vm0, $0xb8;
	[tilespmem:$0x10400] =	vst v63  }
0xe5: {  	v3 =	vld [tilespmem:$0x190];
	_ =	sdelay $0x4  }
0xe6: {  	v45 =	vshll.u32 v3, $0x2  }
0xe7: {  	v3 =	vand.u32 $0x7, v3;
	v4 =	vand.u32 $0xFFFFFFE0, v45  }
0xe8: {  	v3 =	vor.u32 v3, v4  }
0xe9: {  	v4 =	vperm.xlane v3, v0;
	_ =	sdelay $0x1  }
0xea: {  	v4 =	vadd.s32 v1, v4;
	_ =	sdelay $0x1  }
0xeb: {  	v3 =	vperm.xlane v3, v2;
	_ =	sdelay $0x1  }
0xec: {  	s4 =	simm.s32 $0xA400;
	v3 =	vadd.s32 v1, v3  }
0xed: {  	[tilespmem:s4], [sflag:$0x1] =	stream.indirect_vreg.gather [hbm4b:s2+s3], $0x80, v4, vm0, $0xb8;
	[tilespmem:$0x10400] =	vst v63  }
0xee: {  	s7 =	simm.s32 $0xAC00  }
0xef: {  	[tilespmem:s7], [sflag:$0x1] =	stream.indirect_vreg.gather [hbm4b:s5+s3], $0x80, v4, vm0, $0xb8;
	[tilespmem:$0x10400] =	vst v63  }
0xf0: {  	s8 =	simm.s32 $0xB400  }
0xf1: {  	[tilespmem:s8], [sflag:$0x1] =	stream.indirect_vreg.gather [hbm4b:s2+s3], $0x80, v3, vm0, $0xb8;
	[tilespmem:$0x10400] =	vst v63  }
0xf2: {  	s21 =	simm.s32 $0xBC00  }
0xf3: {  	[tilespmem:s21], [sflag:$0x1] =	stream.indirect_vreg.gather [hbm4b:s5+s3], $0x80, v3, vm0, $0xb8;
	[tilespmem:$0x10400] =	vst v63  }
0xf4: {  	v3 =	vld [tilespmem:$0x1A0];
	_ =	sdelay $0x4  }
0xf5: {  	v46 =	vshll.u32 v3, $0x2  }
0xf6: {  	v3 =	vand.u32 $0x7, v3;
	v4 =	vand.u32 $0xFFFFFFE0, v46  }
0xf7: {  	v3 =	vor.u32 v3, v4  }
0xf8: {  	v4 =	vperm.xlane v3, v0;
	_ =	sdelay $0x1  }
0xf9: {  	v4 =	vadd.s32 v1, v4;
	_ =	sdelay $0x1  }
0xfa: {  	v3 =	vperm.xlane v3, v2;
	_ =	sdelay $0x1  }
0xfb: {  	s21 =	simm.s32 $0xC400;
	v3 =	vadd.s32 v1, v3  }
0xfc: {  	[tilespmem:s21], [sflag:$0x1] =	stream.indirect_vreg.gather [hbm4b:s2+s3], $0x80, v4, vm0, $0xb8;
	[tilespmem:$0x10400] =	vst v63  }
0xfd: {  	s23 =	simm.s32 $0xCC00  }
0xfe: {  	[tilespmem:s23], [sflag:$0x1] =	stream.indirect_vreg.gather [hbm4b:s5+s3], $0x80, v4, vm0, $0xb8;
	[tilespmem:$0x10400] =	vst v63  }
0xff: {  	s25 =	simm.s32 $0xD400  }
0x100: {  	[tilespmem:s25], [sflag:$0x1] =	stream.indirect_vreg.gather [hbm4b:s2+s3], $0x80, v3, vm0, $0xb8;
	[tilespmem:$0x10400] =	vst v63  }
0x101: {  	s19 =	simm.s32 $0xDC00  }
0x102: {  	[tilespmem:s19], [sflag:$0x1] =	stream.indirect_vreg.gather [hbm4b:s5+s3], $0x80, v3, vm0, $0xb8;
	[tilespmem:$0x10400] =	vst v63  }
0x103: {  	v3 =	vld [tilespmem:$0x1B0];
	_ =	sdelay $0x4  }
0x104: {  	v47 =	vshll.u32 v3, $0x2  }
0x105: {  	v3 =	vand.u32 $0x7, v3;
	v4 =	vand.u32 $0xFFFFFFE0, v47  }
0x106: {  	v3 =	vor.u32 v3, v4  }
0x107: {  	v4 =	vperm.xlane v3, v0;
	_ =	sdelay $0x1  }
0x108: {  	v4 =	vadd.s32 v1, v4;
	_ =	sdelay $0x1  }
0x109: {  	v3 =	vperm.xlane v3, v2;
	_ =	sdelay $0x1  }
0x10a: {  	s29 =	simm.s32 $0xE400;
	v3 =	vadd.s32 v1, v3  }
0x10b: {  	[tilespmem:s29], [sflag:$0x1] =	stream.indirect_vreg.gather [hbm4b:s2+s3], $0x80, v4, vm0, $0xb8;
	[tilespmem:$0x10400] =	vst v63  }
0x10c: {  	s30 =	simm.s32 $0xEC00  }
0x10d: {  	[tilespmem:s30], [sflag:$0x1] =	stream.indirect_vreg.gather [hbm4b:s5+s3], $0x80, v4, vm0, $0xb8;
	[tilespmem:$0x10400] =	vst v63  }
0x10e: {  	s31 =	simm.s32 $0xF400  }
0x10f: {  	[tilespmem:s31], [sflag:$0x1] =	stream.indirect_vreg.gather [hbm4b:s2+s3], $0x80, v3, vm0, $0xb8;
	[tilespmem:$0x10400] =	vst v63  }
0x110: {  	s20 =	simm.s32 $0xFC00  }
0x111: {  	[tilespmem:s20], [sflag:$0x1] =	stream.indirect_vreg.gather [hbm4b:s5+s3], $0x80, v3, vm0, $0xb8;
	[tilespmem:$0x10400] =	vst v63  }
0x112: {  	_ =	swait.ge [sflag:s14], $0x8000  }
0x113: {  	[sflag:s14] =	ssyncset.done $0x0  }
0x114: {  	s29 =	rddreg [dreg:$0x6];
	[sflag:s14] =	ssyncadd.s32 $0xFFFF8000  }
0x115: {  	[hbm4b:s29+s3] =	stream.linear.scatter [tilespmem:s28], [sflag:$0x2], $0x8000, $0x38;
	[tilespmem:$0x10400] =	vst v63  }
0x116: {  	_ =	swait.ge [sflag:s15], $0x8000  }
0x117: {  	[sflag:s15] =	ssyncset.done $0x0  }
0x118: {  	[sflag:s15] =	ssyncadd.s32 $0xFFFF8000  }
0x119: {  	v3 =	vld [tilespmem:$0x200];
	_ =	sdelay $0x4  }
0x11a: {  	v48 =	vshll.u32 v3, $0x2  }
0x11b: {  	v3 =	vand.u32 $0x7, v3;
	v4 =	vand.u32 $0xFFFFFFE0, v48  }
0x11c: {  	v3 =	vor.u32 v3, v4  }
0x11d: {  	v4 =	vperm.xlane v3, v0;
	_ =	sdelay $0x1  }
0x11e: {  	v4 =	vadd.s32 v1, v4;
	_ =	sdelay $0x1  }
0x11f: {  	v3 =	vperm.xlane v3, v2;
	_ =	sdelay $0x1  }
0x120: {  	v3 =	vadd.s32 v1, v3  }
0x121: {  	[tilespmem:s28], [sflag:$0x1] =	stream.indirect_vreg.gather [hbm4b:s2+s3], $0x80, v4, vm0, $0xb8;
	[tilespmem:$0x10400] =	vst v63  }
0x122: {  	s31 =	simm.s32 $0xC00  }
0x123: {  	[tilespmem:s31], [sflag:$0x1] =	stream.indirect_vreg.gather [hbm4b:s5+s3], $0x80, v4, vm0, $0xb8;
	[tilespmem:$0x10400] =	vst v63  }
0x124: {  	s20 =	simm.s32 $0x1400  }
0x125: {  	[tilespmem:s20], [sflag:$0x1] =	stream.indirect_vreg.gather [hbm4b:s2+s3], $0x80, v3, vm0, $0xb8;
	[tilespmem:$0x10400] =	vst v63  }
0x126: {  	s29 =	simm.s32 $0x1C00  }
0x127: {  	[tilespmem:s29], [sflag:$0x1] =	stream.indirect_vreg.gather [hbm4b:s5+s3], $0x80, v3, vm0, $0xb8;
	[tilespmem:$0x10400] =	vst v63  }
0x128: {  	v3 =	vld [tilespmem:$0x210];
	_ =	sdelay $0x4  }
0x129: {  	v49 =	vshll.u32 v3, $0x2  }
0x12a: {  	v3 =	vand.u32 $0x7, v3;
	v4 =	vand.u32 $0xFFFFFFE0, v49  }
0x12b: {  	v3 =	vor.u32 v3, v4  }
0x12c: {  	v4 =	vperm.xlane v3, v0;
	_ =	sdelay $0x1  }
0x12d: {  	v4 =	vadd.s32 v1, v4;
	_ =	sdelay $0x1  }
0x12e: {  	v3 =	vperm.xlane v3, v2;
	_ =	sdelay $0x1  }
0x12f: {  	s31 =	simm.s32 $0x2400;
	v3 =	vadd.s32 v1, v3  }
0x130: {  	[tilespmem:s31], [sflag:$0x1] =	stream.indirect_vreg.gather [hbm4b:s2+s3], $0x80, v4, vm0, $0xb8;
	[tilespmem:$0x10400] =	vst v63  }
0x131: {  	_ = 	snop  }
0x132: {  	[tilespmem:s18], [sflag:$0x1] =	stream.indirect_vreg.gather [hbm4b:s5+s3], $0x80, v4, vm0, $0xb8;
	[tilespmem:$0x10400] =	vst v63  }
0x133: {  	s18 =	simm.s32 $0x3400  }
0x134: {  	[tilespmem:s18], [sflag:$0x1] =	stream.indirect_vreg.gather [hbm4b:s2+s3], $0x80, v3, vm0, $0xb8;
	[tilespmem:$0x10400] =	vst v63  }
0x135: {  	_ = 	snop  }
0x136: {  	[tilespmem:s22], [sflag:$0x1] =	stream.indirect_vreg.gather [hbm4b:s5+s3], $0x80, v3, vm0, $0xb8;
	[tilespmem:$0x10400] =	vst v63  }
0x137: {  	v3 =	vld [tilespmem:$0x220];
	_ =	sdelay $0x4  }
0x138: {  	v50 =	vshll.u32 v3, $0x2  }
0x139: {  	v3 =	vand.u32 $0x7, v3;
	v4 =	vand.u32 $0xFFFFFFE0, v50  }
0x13a: {  	v3 =	vor.u32 v3, v4  }
0x13b: {  	v4 =	vperm.xlane v3, v0;
	_ =	sdelay $0x1  }
0x13c: {  	v4 =	vadd.s32 v1, v4;
	_ =	sdelay $0x1  }
0x13d: {  	v3 =	vperm.xlane v3, v2;
	_ =	sdelay $0x1  }
0x13e: {  	s20 =	simm.s32 $0x4400;
	v3 =	vadd.s32 v1, v3  }
0x13f: {  	[tilespmem:s20], [sflag:$0x1] =	stream.indirect_vreg.gather [hbm4b:s2+s3], $0x80, v4, vm0, $0xb8;
	[tilespmem:$0x10400] =	vst v63  }
0x140: {  	_ = 	snop  }
0x141: {  	[tilespmem:s26], [sflag:$0x1] =	stream.indirect_vreg.gather [hbm4b:s5+s3], $0x80, v4, vm0, $0xb8;
	[tilespmem:$0x10400] =	vst v63  }
0x142: {  	_ = 	snop  }
0x143: {  	[tilespmem:s11], [sflag:$0x1] =	stream.indirect_vreg.gather [hbm4b:s2+s3], $0x80, v3, vm0, $0xb8;
	[tilespmem:$0x10400] =	vst v63  }
0x144: {  	_ = 	snop  }
0x145: {  	[tilespmem:s12], [sflag:$0x1] =	stream.indirect_vreg.gather [hbm4b:s5+s3], $0x80, v3, vm0, $0xb8;
	[tilespmem:$0x10400] =	vst v63  }
0x146: {  	v3 =	vld [tilespmem:$0x230];
	_ =	sdelay $0x4  }
0x147: {  	v51 =	vshll.u32 v3, $0x2  }
0x148: {  	v3 =	vand.u32 $0x7, v3;
	v4 =	vand.u32 $0xFFFFFFE0, v51  }
0x149: {  	v3 =	vor.u32 v3, v4  }
0x14a: {  	v4 =	vperm.xlane v3, v0;
	_ =	sdelay $0x1  }
0x14b: {  	v4 =	vadd.s32 v1, v4;
	_ =	sdelay $0x1  }
0x14c: {  	v3 =	vperm.xlane v3, v2;
	_ =	sdelay $0x1  }
0x14d: {  	v3 =	vadd.s32 v1, v3  }
0x14e: {  	[tilespmem:s13], [sflag:$0x1] =	stream.indirect_vreg.gather [hbm4b:s2+s3], $0x80, v4, vm0, $0xb8;
	[tilespmem:$0x10400] =	vst v63  }
0x14f: {  	_ = 	snop  }
0x150: {  	[tilespmem:s17], [sflag:$0x1] =	stream.indirect_vreg.gather [hbm4b:s5+s3], $0x80, v4, vm0, $0xb8;
	[tilespmem:$0x10400] =	vst v63  }
0x151: {  	_ = 	snop  }
0x152: {  	[tilespmem:s9], [sflag:$0x1] =	stream.indirect_vreg.gather [hbm4b:s2+s3], $0x80, v3, vm0, $0xb8;
	[tilespmem:$0x10400] =	vst v63  }
0x153: {  	_ = 	snop  }
0x154: {  	[tilespmem:s10], [sflag:$0x1] =	stream.indirect_vreg.gather [hbm4b:s5+s3], $0x80, v3, vm0, $0xb8;
	[tilespmem:$0x10400] =	vst v63  }
0x155: {  	_ =	swait.ge [sflag:s14], $0x8000  }
0x156: {  	[sflag:s14] =	ssyncset.done $0x0  }
0x157: {  	s26 =	rddreg [dreg:$0x7];
	[sflag:s14] =	ssyncadd.s32 $0xFFFF8000  }
0x158: {  	[hbm4b:s26+s3] =	stream.linear.scatter [tilespmem:s24], [sflag:$0x2], $0x8000, $0x38;
	[tilespmem:$0x10400] =	vst v63  }
0x159: {  	_ =	swait.ge [sflag:s15], $0x8000  }
0x15a: {  	[sflag:s15] =	ssyncset.done $0x0  }
0x15b: {  	[sflag:s15] =	ssyncadd.s32 $0xFFFF8000  }
0x15c: {  	v3 =	vld [tilespmem:$0x280];
	_ =	sdelay $0x4  }
0x15d: {  	v52 =	vshll.u32 v3, $0x2  }
0x15e: {  	v3 =	vand.u32 $0x7, v3;
	v4 =	vand.u32 $0xFFFFFFE0, v52  }
0x15f: {  	v3 =	vor.u32 v3, v4  }
0x160: {  	v4 =	vperm.xlane v3, v0;
	_ =	sdelay $0x1  }
0x161: {  	v4 =	vadd.s32 v1, v4;
	_ =	sdelay $0x1  }
0x162: {  	v3 =	vperm.xlane v3, v2;
	_ =	sdelay $0x1  }
0x163: {  	v3 =	vadd.s32 v1, v3  }
0x164: {  	[tilespmem:s24], [sflag:$0x1] =	stream.indirect_vreg.gather [hbm4b:s2+s3], $0x80, v4, vm0, $0xb8;
	[tilespmem:$0x10400] =	vst v63  }
0x165: {  	_ = 	snop  }
0x166: {  	[tilespmem:s0], [sflag:$0x1] =	stream.indirect_vreg.gather [hbm4b:s5+s3], $0x80, v4, vm0, $0xb8;
	[tilespmem:$0x10400] =	vst v63  }
0x167: {  	_ = 	snop  }
0x168: {  	[tilespmem:s1], [sflag:$0x1] =	stream.indirect_vreg.gather [hbm4b:s2+s3], $0x80, v3, vm0, $0xb8;
	[tilespmem:$0x10400] =	vst v63  }
0x169: {  	s31 =	simm.s32 $0x9C00  }
0x16a: {  	[tilespmem:s31], [sflag:$0x1] =	stream.indirect_vreg.gather [hbm4b:s5+s3], $0x80, v3, vm0, $0xb8;
	[tilespmem:$0x10400] =	vst v63  }
0x16b: {  	v3 =	vld [tilespmem:$0x290];
	_ =	sdelay $0x4  }
0x16c: {  	v53 =	vshll.u32 v3, $0x2  }
0x16d: {  	v3 =	vand.u32 $0x7, v3;
	v4 =	vand.u32 $0xFFFFFFE0, v53  }
0x16e: {  	v3 =	vor.u32 v3, v4  }
0x16f: {  	v4 =	vperm.xlane v3, v0;
	_ =	sdelay $0x1  }
0x170: {  	v4 =	vadd.s32 v1, v4;
	_ =	sdelay $0x1  }
0x171: {  	v3 =	vperm.xlane v3, v2;
	_ =	sdelay $0x1  }
0x172: {  	v3 =	vadd.s32 v1, v3  }
0x173: {  	[tilespmem:s4], [sflag:$0x1] =	stream.indirect_vreg.gather [hbm4b:s2+s3], $0x80, v4, vm0, $0xb8;
	[tilespmem:$0x10400] =	vst v63  }
0x174: {  	_ = 	snop  }
0x175: {  	[tilespmem:s7], [sflag:$0x1] =	stream.indirect_vreg.gather [hbm4b:s5+s3], $0x80, v4, vm0, $0xb8;
	[tilespmem:$0x10400] =	vst v63  }
0x176: {  	_ = 	snop  }
0x177: {  	[tilespmem:s8], [sflag:$0x1] =	stream.indirect_vreg.gather [hbm4b:s2+s3], $0x80, v3, vm0, $0xb8;
	[tilespmem:$0x10400] =	vst v63  }
0x178: {  	s20 =	simm.s32 $0xBC00  }
0x179: {  	[tilespmem:s20], [sflag:$0x1] =	stream.indirect_vreg.gather [hbm4b:s5+s3], $0x80, v3, vm0, $0xb8;
	[tilespmem:$0x10400] =	vst v63  }
0x17a: {  	v3 =	vld [tilespmem:$0x2A0];
	_ =	sdelay $0x4  }
0x17b: {  	v54 =	vshll.u32 v3, $0x2  }
0x17c: {  	v3 =	vand.u32 $0x7, v3;
	v4 =	vand.u32 $0xFFFFFFE0, v54  }
0x17d: {  	v3 =	vor.u32 v3, v4  }
0x17e: {  	v4 =	vperm.xlane v3, v0;
	_ =	sdelay $0x1  }
0x17f: {  	v4 =	vadd.s32 v1, v4;
	_ =	sdelay $0x1  }
0x180: {  	v3 =	vperm.xlane v3, v2;
	_ =	sdelay $0x1  }
0x181: {  	s21 =	simm.s32 $0xC400;
	v3 =	vadd.s32 v1, v3  }
0x182: {  	[tilespmem:s21], [sflag:$0x1] =	stream.indirect_vreg.gather [hbm4b:s2+s3], $0x80, v4, vm0, $0xb8;
	[tilespmem:$0x10400] =	vst v63  }
0x183: {  	s23 =	simm.s32 $0xCC00  }
0x184: {  	[tilespmem:s23], [sflag:$0x1] =	stream.indirect_vreg.gather [hbm4b:s5+s3], $0x80, v4, vm0, $0xb8;
	[tilespmem:$0x10400] =	vst v63  }
0x185: {  	s25 =	simm.s32 $0xD400  }
0x186: {  	[tilespmem:s25], [sflag:$0x1] =	stream.indirect_vreg.gather [hbm4b:s2+s3], $0x80, v3, vm0, $0xb8;
	[tilespmem:$0x10400] =	vst v63  }
0x187: {  	s25 =	simm.s32 $0xDC00  }
0x188: {  	[tilespmem:s25], [sflag:$0x1] =	stream.indirect_vreg.gather [hbm4b:s5+s3], $0x80, v3, vm0, $0xb8;
	[tilespmem:$0x10400] =	vst v63  }
0x189: {  	v3 =	vld [tilespmem:$0x2B0];
	_ =	sdelay $0x4  }
0x18a: {  	v55 =	vshll.u32 v3, $0x2  }
0x18b: {  	v3 =	vand.u32 $0x7, v3;
	v4 =	vand.u32 $0xFFFFFFE0, v55  }
0x18c: {  	v3 =	vor.u32 v3, v4  }
0x18d: {  	v4 =	vperm.xlane v3, v0;
	_ =	sdelay $0x1  }
0x18e: {  	v4 =	vadd.s32 v1, v4;
	_ =	sdelay $0x1  }
0x18f: {  	v3 =	vperm.xlane v3, v2;
	_ =	sdelay $0x1  }
0x190: {  	s19 =	simm.s32 $0xE400;
	v3 =	vadd.s32 v1, v3  }
0x191: {  	[tilespmem:s19], [sflag:$0x1] =	stream.indirect_vreg.gather [hbm4b:s2+s3], $0x80, v4, vm0, $0xb8;
	[tilespmem:$0x10400] =	vst v63  }
0x192: {  	s31 =	simm.s32 $0xEC00  }
0x193: {  	[tilespmem:s31], [sflag:$0x1] =	stream.indirect_vreg.gather [hbm4b:s5+s3], $0x80, v4, vm0, $0xb8;
	[tilespmem:$0x10400] =	vst v63  }
0x194: {  	s19 =	simm.s32 $0xF400  }
0x195: {  	[tilespmem:s19], [sflag:$0x1] =	stream.indirect_vreg.gather [hbm4b:s2+s3], $0x80, v3, vm0, $0xb8;
	[tilespmem:$0x10400] =	vst v63  }
0x196: {  	s30 =	simm.s32 $0xFC00  }
0x197: {  	[tilespmem:s30], [sflag:$0x1] =	stream.indirect_vreg.gather [hbm4b:s5+s3], $0x80, v3, vm0, $0xb8;
	[tilespmem:$0x10400] =	vst v63  }
0x198: {  	_ =	swait.ge [sflag:s14], $0x8000  }
0x199: {  	[sflag:s14] =	ssyncset.done $0x0  }
0x19a: {  	s30 =	rddreg [dreg:$0x8];
	[sflag:s14] =	ssyncadd.s32 $0xFFFF8000  }
0x19b: {  	[hbm4b:s30+s3] =	stream.linear.scatter [tilespmem:s28], [sflag:$0x2], $0x8000, $0x38;
	[tilespmem:$0x10400] =	vst v63  }
0x19c: {  	_ =	swait.ge [sflag:s15], $0x8000  }
0x19d: {  	[sflag:s15] =	ssyncset.done $0x0  }
0x19e: {  	[sflag:s15] =	ssyncadd.s32 $0xFFFF8000  }
0x19f: {  	v3 =	vld [tilespmem:$0x300];
	_ =	sdelay $0x4  }
0x1a0: {  	v56 =	vshll.u32 v3, $0x2  }
0x1a1: {  	v3 =	vand.u32 $0x7, v3;
	v4 =	vand.u32 $0xFFFFFFE0, v56  }
0x1a2: {  	v3 =	vor.u32 v3, v4  }
0x1a3: {  	v4 =	vperm.xlane v3, v0;
	_ =	sdelay $0x1  }
0x1a4: {  	v4 =	vadd.s32 v1, v4;
	_ =	sdelay $0x1  }
0x1a5: {  	v3 =	vperm.xlane v3, v2;
	_ =	sdelay $0x1  }
0x1a6: {  	v3 =	vadd.s32 v1, v3  }
0x1a7: {  	[tilespmem:s28], [sflag:$0x1] =	stream.indirect_vreg.gather [hbm4b:s2+s3], $0x80, v4, vm0, $0xb8;
	[tilespmem:$0x10400] =	vst v63  }
0x1a8: {  	s30 =	simm.s32 $0xC00  }
0x1a9: {  	[tilespmem:s30], [sflag:$0x1] =	stream.indirect_vreg.gather [hbm4b:s5+s3], $0x80, v4, vm0, $0xb8;
	[tilespmem:$0x10400] =	vst v63  }
0x1aa: {  	s30 =	simm.s32 $0x1400  }
0x1ab: {  	[tilespmem:s30], [sflag:$0x1] =	stream.indirect_vreg.gather [hbm4b:s2+s3], $0x80, v3, vm0, $0xb8;
	[tilespmem:$0x10400] =	vst v63  }
0x1ac: {  	s30 =	simm.s32 $0x1C00  }
0x1ad: {  	[tilespmem:s30], [sflag:$0x1] =	stream.indirect_vreg.gather [hbm4b:s5+s3], $0x80, v3, vm0, $0xb8;
	[tilespmem:$0x10400] =	vst v63  }
0x1ae: {  	v3 =	vld [tilespmem:$0x310];
	_ =	sdelay $0x4  }
0x1af: {  	v57 =	vshll.u32 v3, $0x2  }
0x1b0: {  	v3 =	vand.u32 $0x7, v3;
	v4 =	vand.u32 $0xFFFFFFE0, v57  }
0x1b1: {  	v3 =	vor.u32 v3, v4  }
0x1b2: {  	v4 =	vperm.xlane v3, v0;
	_ =	sdelay $0x1  }
0x1b3: {  	v4 =	vadd.s32 v1, v4;
	_ =	sdelay $0x1  }
0x1b4: {  	v3 =	vperm.xlane v3, v2;
	_ =	sdelay $0x1  }
0x1b5: {  	s30 =	simm.s32 $0x2400;
	v3 =	vadd.s32 v1, v3  }
0x1b6: {  	[tilespmem:s30], [sflag:$0x1] =	stream.indirect_vreg.gather [hbm4b:s2+s3], $0x80, v4, vm0, $0xb8;
	[tilespmem:$0x10400] =	vst v63  }
0x1b7: {  	s29 =	simm.s32 $0x2C00  }
0x1b8: {  	[tilespmem:s29], [sflag:$0x1] =	stream.indirect_vreg.gather [hbm4b:s5+s3], $0x80, v4, vm0, $0xb8;
	[tilespmem:$0x10400] =	vst v63  }
0x1b9: {  	s29 =	simm.s32 $0x3400  }
0x1ba: {  	[tilespmem:s29], [sflag:$0x1] =	stream.indirect_vreg.gather [hbm4b:s2+s3], $0x80, v3, vm0, $0xb8;
	[tilespmem:$0x10400] =	vst v63  }
0x1bb: {  	s22 =	simm.s32 $0x3C00  }
0x1bc: {  	[tilespmem:s22], [sflag:$0x1] =	stream.indirect_vreg.gather [hbm4b:s5+s3], $0x80, v3, vm0, $0xb8;
	[tilespmem:$0x10400] =	vst v63  }
0x1bd: {  	v3 =	vld [tilespmem:$0x320];
	_ =	sdelay $0x4  }
0x1be: {  	v58 =	vshll.u32 v3, $0x2  }
0x1bf: {  	v3 =	vand.u32 $0x7, v3;
	v4 =	vand.u32 $0xFFFFFFE0, v58  }
0x1c0: {  	v3 =	vor.u32 v3, v4  }
0x1c1: {  	v4 =	vperm.xlane v3, v0;
	_ =	sdelay $0x1  }
0x1c2: {  	v4 =	vadd.s32 v1, v4;
	_ =	sdelay $0x1  }
0x1c3: {  	v3 =	vperm.xlane v3, v2;
	_ =	sdelay $0x1  }
0x1c4: {  	s30 =	simm.s32 $0x4400;
	v3 =	vadd.s32 v1, v3  }
0x1c5: {  	[tilespmem:s30], [sflag:$0x1] =	stream.indirect_vreg.gather [hbm4b:s2+s3], $0x80, v4, vm0, $0xb8;
	[tilespmem:$0x10400] =	vst v63  }
0x1c6: {  	s18 =	simm.s32 $0x4C00  }
0x1c7: {  	[tilespmem:s18], [sflag:$0x1] =	stream.indirect_vreg.gather [hbm4b:s5+s3], $0x80, v4, vm0, $0xb8;
	[tilespmem:$0x10400] =	vst v63  }
0x1c8: {  	s11 =	simm.s32 $0x5400  }
0x1c9: {  	[tilespmem:s11], [sflag:$0x1] =	stream.indirect_vreg.gather [hbm4b:s2+s3], $0x80, v3, vm0, $0xb8;
	[tilespmem:$0x10400] =	vst v63  }
0x1ca: {  	s12 =	simm.s32 $0x5C00  }
0x1cb: {  	[tilespmem:s12], [sflag:$0x1] =	stream.indirect_vreg.gather [hbm4b:s5+s3], $0x80, v3, vm0, $0xb8;
	[tilespmem:$0x10400] =	vst v63  }
0x1cc: {  	v3 =	vld [tilespmem:$0x330];
	_ =	sdelay $0x4  }
0x1cd: {  	v59 =	vshll.u32 v3, $0x2  }
0x1ce: {  	v3 =	vand.u32 $0x7, v3;
	v4 =	vand.u32 $0xFFFFFFE0, v59  }
0x1cf: {  	v3 =	vor.u32 v3, v4  }
0x1d0: {  	v4 =	vperm.xlane v3, v0;
	_ =	sdelay $0x1  }
0x1d1: {  	v4 =	vadd.s32 v1, v4;
	_ =	sdelay $0x1  }
0x1d2: {  	v3 =	vperm.xlane v3, v2;
	_ =	sdelay $0x1  }
0x1d3: {  	s13 =	simm.s32 $0x6400;
	v3 =	vadd.s32 v1, v3  }
0x1d4: {  	[tilespmem:s13], [sflag:$0x1] =	stream.indirect_vreg.gather [hbm4b:s2+s3], $0x80, v4, vm0, $0xb8;
	[tilespmem:$0x10400] =	vst v63  }
0x1d5: {  	s17 =	simm.s32 $0x6C00  }
0x1d6: {  	[tilespmem:s17], [sflag:$0x1] =	stream.indirect_vreg.gather [hbm4b:s5+s3], $0x80, v4, vm0, $0xb8;
	[tilespmem:$0x10400] =	vst v63  }
0x1d7: {  	s9 =	simm.s32 $0x7400  }
0x1d8: {  	[tilespmem:s9], [sflag:$0x1] =	stream.indirect_vreg.gather [hbm4b:s2+s3], $0x80, v3, vm0, $0xb8;
	[tilespmem:$0x10400] =	vst v63  }
0x1d9: {  	s10 =	simm.s32 $0x7C00  }
0x1da: {  	[tilespmem:s10], [sflag:$0x1] =	stream.indirect_vreg.gather [hbm4b:s5+s3], $0x80, v3, vm0, $0xb8;
	[tilespmem:$0x10400] =	vst v63  }
0x1db: {  	_ =	swait.ge [sflag:s14], $0x8000  }
0x1dc: {  	[sflag:s14] =	ssyncset.done $0x0  }
0x1dd: {  	s17 =	rddreg [dreg:$0x9];
	[sflag:s14] =	ssyncadd.s32 $0xFFFF8000  }
0x1de: {  	[hbm4b:s17+s3] =	stream.linear.scatter [tilespmem:s24], [sflag:$0x2], $0x8000, $0x38;
	[tilespmem:$0x10400] =	vst v63  }
0x1df: {  	_ =	swait.ge [sflag:s15], $0x8000  }
0x1e0: {  	[sflag:s15] =	ssyncset.done $0x0  }
0x1e1: {  	[sflag:s15] =	ssyncadd.s32 $0xFFFF8000  }
0x1e2: {  	v3 =	vld [tilespmem:$0x380];
	_ =	sdelay $0x4  }
0x1e3: {  	v60 =	vshll.u32 v3, $0x2  }
0x1e4: {  	v3 =	vand.u32 $0x7, v3;
	v4 =	vand.u32 $0xFFFFFFE0, v60  }
0x1e5: {  	v3 =	vor.u32 v3, v4  }
0x1e6: {  	v4 =	vperm.xlane v3, v0;
	_ =	sdelay $0x1  }
0x1e7: {  	v4 =	vadd.s32 v1, v4;
	_ =	sdelay $0x1  }
0x1e8: {  	v3 =	vperm.xlane v3, v2;
	_ =	sdelay $0x1  }
0x1e9: {  	v3 =	vadd.s32 v1, v3  }
0x1ea: {  	[tilespmem:s24], [sflag:$0x1] =	stream.indirect_vreg.gather [hbm4b:s2+s3], $0x80, v4, vm0, $0xb8;
	[tilespmem:$0x10400] =	vst v63  }
0x1eb: {  	s0 =	simm.s32 $0x8C00  }
0x1ec: {  	[tilespmem:s0], [sflag:$0x1] =	stream.indirect_vreg.gather [hbm4b:s5+s3], $0x80, v4, vm0, $0xb8;
	[tilespmem:$0x10400] =	vst v63  }
0x1ed: {  	s1 =	simm.s32 $0x9400  }
0x1ee: {  	[tilespmem:s1], [sflag:$0x1] =	stream.indirect_vreg.gather [hbm4b:s2+s3], $0x80, v3, vm0, $0xb8;
	[tilespmem:$0x10400] =	vst v63  }
0x1ef: {  	s18 =	simm.s32 $0x9C00  }
0x1f0: {  	[tilespmem:s18], [sflag:$0x1] =	stream.indirect_vreg.gather [hbm4b:s5+s3], $0x80, v3, vm0, $0xb8;
	[tilespmem:$0x10400] =	vst v63  }
0x1f1: {  	v3 =	vld [tilespmem:$0x390];
	_ =	sdelay $0x4  }
0x1f2: {  	v61 =	vshll.u32 v3, $0x2  }
0x1f3: {  	v3 =	vand.u32 $0x7, v3;
	v4 =	vand.u32 $0xFFFFFFE0, v61  }
0x1f4: {  	v3 =	vor.u32 v3, v4  }
0x1f5: {  	v4 =	vperm.xlane v3, v0;
	_ =	sdelay $0x1  }
0x1f6: {  	v4 =	vadd.s32 v1, v4;
	_ =	sdelay $0x1  }
0x1f7: {  	v3 =	vperm.xlane v3, v2;
	_ =	sdelay $0x1  }
0x1f8: {  	s4 =	simm.s32 $0xA400;
	v3 =	vadd.s32 v1, v3  }
0x1f9: {  	[tilespmem:s4], [sflag:$0x1] =	stream.indirect_vreg.gather [hbm4b:s2+s3], $0x80, v4, vm0, $0xb8;
	[tilespmem:$0x10400] =	vst v63  }
0x1fa: {  	s7 =	simm.s32 $0xAC00  }
0x1fb: {  	[tilespmem:s7], [sflag:$0x1] =	stream.indirect_vreg.gather [hbm4b:s5+s3], $0x80, v4, vm0, $0xb8;
	[tilespmem:$0x10400] =	vst v63  }
0x1fc: {  	s8 =	simm.s32 $0xB400  }
0x1fd: {  	[tilespmem:s8], [sflag:$0x1] =	stream.indirect_vreg.gather [hbm4b:s2+s3], $0x80, v3, vm0, $0xb8;
	[tilespmem:$0x10400] =	vst v63  }
0x1fe: {  	s22 =	simm.s32 $0xBC00  }
0x1ff: {  	[tilespmem:s22], [sflag:$0x1] =	stream.indirect_vreg.gather [hbm4b:s5+s3], $0x80, v3, vm0, $0xb8;
	[tilespmem:$0x10400] =	vst v63  }
0x200: {  	v3 =	vld [tilespmem:$0x3A0];
	_ =	sdelay $0x4  }
0x201: {  	v62 =	vshll.u32 v3, $0x2  }
0x202: {  	v3 =	vand.u32 $0x7, v3;
	v4 =	vand.u32 $0xFFFFFFE0, v62  }
0x203: {  	v3 =	vor.u32 v3, v4  }
0x204: {  	v4 =	vperm.xlane v3, v0;
	_ =	sdelay $0x1  }
0x205: {  	v4 =	vadd.s32 v1, v4;
	_ =	sdelay $0x1  }
0x206: {  	v3 =	vperm.xlane v3, v2;
	_ =	sdelay $0x1  }
0x207: {  	s26 =	simm.s32 $0xC400;
	v3 =	vadd.s32 v1, v3  }
0x208: {  	[tilespmem:s26], [sflag:$0x1] =	stream.indirect_vreg.gather [hbm4b:s2+s3], $0x80, v4, vm0, $0xb8;
	[tilespmem:$0x10400] =	vst v63  }
0x209: {  	s21 =	simm.s32 $0xCC00  }
0x20a: {  	[tilespmem:s21], [sflag:$0x1] =	stream.indirect_vreg.gather [hbm4b:s5+s3], $0x80, v4, vm0, $0xb8;
	[tilespmem:$0x10400] =	vst v63  }
0x20b: {  	s23 =	simm.s32 $0xD400  }
0x20c: {  	[tilespmem:s23], [sflag:$0x1] =	stream.indirect_vreg.gather [hbm4b:s2+s3], $0x80, v3, vm0, $0xb8;
	[tilespmem:$0x10400] =	vst v63  }
0x20d: {  	s20 =	simm.s32 $0xDC00  }
0x20e: {  	[tilespmem:s20], [sflag:$0x1] =	stream.indirect_vreg.gather [hbm4b:s5+s3], $0x80, v3, vm0, $0xb8;
	[tilespmem:$0x10400] =	vst v63  }
0x20f: {  	v3 =	vld [tilespmem:$0x3B0];
	_ =	sdelay $0x4  }
0x210: {  	v63 =	vshll.u32 v3, $0x2  }
0x211: {  	v3 =	vand.u32 $0x7, v3;
	v4 =	vand.u32 $0xFFFFFFE0, v63  }
0x212: {  	v3 =	vor.u32 v3, v4  }
0x213: {  	v4 =	vperm.xlane v3, v0;
	_ =	sdelay $0x1  }
0x214: {  	v4 =	vadd.s32 v1, v4;
	_ =	sdelay $0x1  }
0x215: {  	v3 =	vperm.xlane v3, v2;
	_ =	sdelay $0x1  }
0x216: {  	s25 =	simm.s32 $0xE400;
	v3 =	vadd.s32 v1, v3  }
0x217: {  	[tilespmem:s25], [sflag:$0x1] =	stream.indirect_vreg.gather [hbm4b:s2+s3], $0x80, v4, vm0, $0xb8;
	[tilespmem:$0x10400] =	vst v63  }
0x218: {  	s31 =	simm.s32 $0xEC00  }
0x219: {  	[tilespmem:s31], [sflag:$0x1] =	stream.indirect_vreg.gather [hbm4b:s5+s3], $0x80, v4, vm0, $0xb8;
	[tilespmem:$0x10400] =	vst v63  }
0x21a: {  	s29 =	simm.s32 $0xF400  }
0x21b: {  	[tilespmem:s29], [sflag:$0x1] =	stream.indirect_vreg.gather [hbm4b:s2+s3], $0x80, v3, vm0, $0xb8;
	[tilespmem:$0x10400] =	vst v63  }
0x21c: {  	s19 =	simm.s32 $0xFC00  }
0x21d: {  	[tilespmem:s19], [sflag:$0x1] =	stream.indirect_vreg.gather [hbm4b:s5+s3], $0x80, v3, vm0, $0xb8;
	[tilespmem:$0x10400] =	vst v63  }
0x21e: {  	_ =	swait.ge [sflag:s14], $0x8000  }
0x21f: {  	[sflag:s14] =	ssyncset.done $0x0  }
0x220: {  	s30 =	rddreg [dreg:$0xa];
	[sflag:s14] =	ssyncadd.s32 $0xFFFF8000  }
0x221: {  	[hbm4b:s30+s3] =	stream.linear.scatter [tilespmem:s28], [sflag:$0x2], $0x8000, $0x38;
	[tilespmem:$0x10400] =	vst v63  }
0x222: {  	_ =	swait.ge [sflag:s14], $0x8000  }
0x223: {  	[sflag:s14] =	ssyncset.done $0x0  }
0x224: {  	s31 =	rddreg [dreg:$0xb];
	[sflag:s14] =	ssyncadd.s32 $0xFFFF8000  }
0x225: {  	[hbm4b:s31+s3] =	stream.linear.scatter [tilespmem:s24], [sflag:$0x2], $0x8000, $0x38;
	[tilespmem:$0x10400] =	vst v63  }
0x226: {  	p0 =	sne.s32 s6, $0x1;
	_ =	swait.ge [sflag:s15], $0x8000  }
.Ltmp0:
0x227: {  	[sflag:s15] =	ssyncset.done $0x0;
	(pc) =	sbr.rel @p0 .LBB2_1-.Ltmp0, $4  }
0x228: {  	[sflag:s15] =	ssyncadd.s32 $0xFFFF8000  }
0x229: {  	_ =	swait.ge [sflag:s15], $0x8000  }
0x22a: {  	[sflag:s15] =	ssyncset.done $0x0  }
0x22b: {  	s6 =	sadd.s32 $0xFFFFFFFF, s6;
	[sflag:s15] =	ssyncadd.s32 $0xFFFF8000  }
0x22c: {  	_ =	sfence.sel $0x180000  }
0x22d: {  	[bflag:$0x0] =	sbarrier.arrive $0xFFFF  }
0x22e: {  	_ =	strace $0x9000004A  }
0x22f: {  	s0 =	stileid.u32;
	[bflag:$0x2] =	sbarrier.arrive $0xFFFF  }
0x230: {  	p0 =	sne.s32 s0, $0x0;
	s0 =	rddreg [dreg:$0x3]  }
0x231: {  	s0 =	sadd.s32 @!p0 $0x100000, s0  }
0x232: {  	[sflag:s0] =	ssyncadd.tile.s32 @!p0 $0x1;
	_ =	shalt  }
.Lfunc_end2:
_tile_overlayer_lowered:
.L_overlay_start_2:
0x233: {  	(tag) =	ssettag $0x2  }
0x234: {  	s0 =	rddreg [dreg:$0x0];
	s2 =	stileid.u32  }
0x235: {  	s1 =	rddreg [dreg:$0x1];
	p0 =	sne.s32 s2, $0x0  }
0x236: {  	s3 =	rddreg [dreg:$0x2];
	[bflag:$0x3] =	sbarrier.arrive $0xFFFF;
	s2 =	simm.s32 @!p0 $0x1C03  }
0x237: {  	[timem:s3], [sflag:s2] =	dma.local @!p0 [hbm:s0], s1  }
0x238: {  	s0 =	simm.s32 @!p0 $0x3  }
0x239: {  	_ =	swait.ge @!p0 [sflag:s0], s1  }
0x23a: {  	s1 =	ssub.s32 @!p0 $0x0, s1;
	[sflag:s0] =	ssyncset.done @!p0 $0x0  }
0x23b: {  	[sflag:s0] =	ssyncadd.s32 @!p0 s1  }
0x23c: {  	[bflag:$0x3] =	sbarrier.arrive $0xFFFF  }
0x23d: {  	_ =	shalt  }

</sc_bundles>
